<compile_context>
chip_gen: v7x
topology: tpu7x:2x2x1
jax: 0.10.2.dev20260603
libtpu: 0.0.44.dev20260713+nightly
codegen_flags: <defaults>
</compile_context>

<pallas_src>
import functools

import numpy as np
import jax
import jax.numpy as jnp
from jax import lax
from jax.experimental import pallas as pl
from jax.experimental.pallas import tpu as pltpu
from jax.experimental.pallas import tpu_sc as plsc

N = 10000
E = 160000
D = 256
H = 8
DK = 32
SCALE = 1.0 / float(np.sqrt(DK))

E_PAD = 160256
N_PAD = 10112
DUMMY = N
EPT2 = E_PAD // 32
G2 = EPT2 // 16
EPT4 = E_PAD // 16
G4 = EPT4 // 16
STRIPE = N_PAD // 16

_F32 = jnp.float32
_I32 = jnp.int32



def _qkv_body(x_ref, wq_ref, wk_ref, wv_ref, bq_ref, bk_ref, bv_ref,
              q_ref, k_ref, vlo_ref, vhi_ref):
    xb = x_ref[...]
    q_ref[...] = jnp.dot(xb, wq_ref[...], preferred_element_type=_F32) + bq_ref[...]
    k_ref[...] = jnp.dot(xb, wk_ref[...], preferred_element_type=_F32) + bk_ref[...]
    v = jnp.dot(xb, wv_ref[...], preferred_element_type=_F32) + bv_ref[...]
    vlo_ref[...] = v[:, :128]
    vhi_ref[...] = v[:, 128:]


def _qkv(x, Wq, Wk, Wv, bq, bk, bv):
    rows = 1000
    grid = (N // rows,)
    wspec = pl.BlockSpec((D, D), lambda i: (0, 0))
    bspec = pl.BlockSpec((1, D), lambda i: (0, 0))
    return pl.pallas_call(
        _qkv_body,
        grid=grid,
        in_specs=[pl.BlockSpec((rows, D), lambda i: (i, 0)),
                  wspec, wspec, wspec, bspec, bspec, bspec],
        out_specs=[pl.BlockSpec((rows, D), lambda i: (i, 0)),
                   pl.BlockSpec((rows, D), lambda i: (i, 0)),
                   pl.BlockSpec((rows, 128), lambda i: (i, 0)),
                   pl.BlockSpec((rows, 128), lambda i: (i, 0))],
        out_shape=[jax.ShapeDtypeStruct((N, D), _F32),
                   jax.ShapeDtypeStruct((N, D), _F32),
                   jax.ShapeDtypeStruct((N, 128), _F32),
                   jax.ShapeDtypeStruct((N, 128), _F32)],
    )(x, Wq, Wk, Wv, bq, bk, bv)


def _proj_body(alo_ref, ahi_ref, wo_ref, bo_ref, o_ref):
    o_ref[...] = (jnp.dot(alo_ref[...], wo_ref[:128, :], preferred_element_type=_F32)
                  + jnp.dot(ahi_ref[...], wo_ref[128:, :], preferred_element_type=_F32)
                  + bo_ref[...])


def _outproj(alo, ahi, Wo, bo):
    rows = 1000
    grid = (N // rows,)
    return pl.pallas_call(
        _proj_body,
        grid=grid,
        in_specs=[pl.BlockSpec((rows, 128), lambda i: (i, 0)),
                  pl.BlockSpec((rows, 128), lambda i: (i, 0)),
                  pl.BlockSpec((D, D), lambda i: (0, 0)),
                  pl.BlockSpec((1, D), lambda i: (0, 0))],
        out_specs=pl.BlockSpec((rows, D), lambda i: (i, 0)),
        out_shape=jax.ShapeDtypeStruct((N, D), _F32),
    )(alo, ahi, Wo, bo)



_MESH = plsc.VectorSubcoreMesh(core_axis_name="c", subcore_axis_name="s")
_SC_PARAMS = pltpu.CompilerParams(use_tc_tiling_on_sc=False,
                                  needs_layout_passes=False)


@functools.partial(
    pl.kernel,
    mesh=_MESH,
    compiler_params=_SC_PARAMS,
    out_type=[jax.ShapeDtypeStruct((E_PAD, H), _F32),
              jax.ShapeDtypeStruct((E_PAD, H), _F32),
              jax.ShapeDtypeStruct((2, N_PAD, H), _F32)],
    scratch_types=[
        pltpu.VMEM((EPT2,), _I32),
        pltpu.VMEM((EPT2,), _I32),
        pltpu.VMEM((16, D), _F32),
        pltpu.VMEM((16, D), _F32),
        pltpu.VMEM((EPT2, H), _F32),
        pltpu.VMEM((EPT2, H), _F32),
        pltpu.VMEM_SHARED((N_PAD, H), _F32),
        pltpu.SemaphoreType.DMA,
        pltpu.SemaphoreType.DMA,
    ],
)
def _edge_logits(src_hbm, dst_hbm, q_hbm, k_hbm, zeros8_hbm,
                 logits_hbm, ex_hbm, dn_hbm,
                 src_v, dst_v, qbuf, kbuf, lg_v, exs_v, dn_acc, sem_q, sem_k):
    c = lax.axis_index("c")
    s = lax.axis_index("s")
    wid = c * 16 + s
    base = wid * EPT2

    pltpu.sync_copy(src_hbm.at[pl.ds(base, EPT2)], src_v)
    pltpu.sync_copy(dst_hbm.at[pl.ds(base, EPT2)], dst_v)
    pltpu.sync_copy(zeros8_hbm, dn_acc.at[pl.ds(s * STRIPE, STRIPE)])
    plsc.subcore_barrier()

    iota = lax.broadcasted_iota(_I32, (16,), 0)
    one = jnp.full((16,), 1, _I32)

    def group(g, carry):
        iv_src = src_v[pl.ds(g * 16, 16)]
        iv_dst = dst_v[pl.ds(g * 16, 16)]
        cq = pltpu.async_copy(q_hbm.at[iv_src], qbuf, sem_q)
        ck = pltpu.async_copy(k_hbm.at[iv_dst], kbuf, sem_k)
        cq.wait()
        ck.wait()
        colv = jnp.zeros((16,), _I32)
        row_idx = g * 16 + iota
        for h in range(H):
            acc = jnp.zeros((16,), _F32)
            for _ in range(DK):
                qv = plsc.load_gather(qbuf, [iota, colv])
                kv = plsc.load_gather(kbuf, [iota, colv])
                acc = acc + qv * kv
                colv = colv + one
            lg = acc * SCALE
            eh = jnp.exp(lg)
            hv = jnp.full((16,), h, _I32)
            plsc.store_scatter(lg_v, [row_idx, hv], lg)
            plsc.store_scatter(exs_v, [row_idx, hv], eh)
        pltpu.sync_copy(exs_v.at[pl.ds(g * 16, 16)], dn_acc.at[iv_src], add=True)
        return carry

    lax.fori_loop(0, G2, group, 0)

    pltpu.sync_copy(lg_v, logits_hbm.at[pl.ds(base, EPT2)])
    pltpu.sync_copy(exs_v, ex_hbm.at[pl.ds(base, EPT2)])
    plsc.subcore_barrier()
    pltpu.sync_copy(dn_acc.at[pl.ds(s * STRIPE, STRIPE)],
                    dn_hbm.at[c, pl.ds(s * STRIPE, STRIPE)])



@functools.partial(
    pl.kernel,
    mesh=_MESH,
    compiler_params=_SC_PARAMS,
    out_type=[jax.ShapeDtypeStruct((N_PAD, 128), _F32),
              jax.ShapeDtypeStruct((N_PAD, 128), _F32)],
    scratch_types=[
        pltpu.VMEM((EPT4,), _I32),
        pltpu.VMEM((EPT4,), _I32),
        pltpu.VMEM((16, 4), _F32),
        pltpu.VMEM((16, H), _F32),
        pltpu.VMEM((16, 128), _F32),
        pltpu.VMEM_SHARED((N_PAD, 128), _F32),
        pltpu.SemaphoreType.DMA,
        pltpu.SemaphoreType.DMA,
    ],
)
def _attn_accum(src_hbm, dst_hbm, vlo_hbm, vhi_hbm, dnlo_hbm, dnhi_hbm,
                ex_hbm, zeros128_hbm,
                outlo_hbm, outhi_hbm,
                src_v, dst_v, dng_v, exg_v, vbuf, acc, sem_v, sem_e):
    c = lax.axis_index("c")
    s = lax.axis_index("s")
    base = s * EPT4

    pltpu.sync_copy(src_hbm.at[pl.ds(base, EPT4)], src_v)
    pltpu.sync_copy(dst_hbm.at[pl.ds(base, EPT4)], dst_v)

    pltpu.sync_copy(zeros128_hbm, acc.at[pl.ds(s * STRIPE, STRIPE)])
    plsc.subcore_barrier()

    iota = lax.broadcasted_iota(_I32, (16,), 0)
    one = jnp.full((16,), 1, _I32)

    def group(g, carry):
        iv_src = src_v[pl.ds(g * 16, 16)]
        iv_dst = dst_v[pl.ds(g * 16, 16)]

        @pl.when(c == 0)
        def _():
            pltpu.async_copy(vlo_hbm.at[iv_dst], vbuf, sem_v).wait()
            pltpu.async_copy(dnlo_hbm.at[iv_src], dng_v, sem_v).wait()

        @pl.when(c != 0)
        def _():
            pltpu.async_copy(vhi_hbm.at[iv_dst], vbuf, sem_v).wait()
            pltpu.async_copy(dnhi_hbm.at[iv_src], dng_v, sem_v).wait()

        pltpu.async_copy(ex_hbm.at[pl.ds(base + g * 16, 16)], exg_v, sem_e).wait()

        colv = jnp.zeros((16,), _I32)
        for h in range(4):
            hv = jnp.zeros((16,), _I32) + (c * 4 + h)
            exv = plsc.load_gather(exg_v, [iota, hv])
            dnv = plsc.load_gather(dng_v, [iota, jnp.full((16,), h, _I32)])
            score = exv / dnv
            for _ in range(DK):
                vv = plsc.load_gather(vbuf, [iota, colv])
                plsc.store_scatter(vbuf, [iota, colv], vv * score)
                colv = colv + one
        pltpu.sync_copy(vbuf, acc.at[iv_src], add=True)
        return carry

    lax.fori_loop(0, G4, group, 0)

    plsc.subcore_barrier()

    @pl.when(c == 0)
    def _():
        pltpu.sync_copy(acc.at[pl.ds(s * STRIPE, STRIPE)],
                        outlo_hbm.at[pl.ds(s * STRIPE, STRIPE)])

    @pl.when(c != 0)
    def _():
        pltpu.sync_copy(acc.at[pl.ds(s * STRIPE, STRIPE)],
                        outhi_hbm.at[pl.ds(s * STRIPE, STRIPE)])



def kernel(x, edge_index, Wq, bq, Wk, bk, Wv, bv, Wo, bo):
    src = edge_index[0].astype(_I32)
    dst = edge_index[1].astype(_I32)
    npad = E_PAD - E
    src_p = jnp.concatenate([src, jnp.full((npad,), DUMMY, _I32)])
    dst_p = jnp.concatenate([dst, jnp.zeros((npad,), _I32)])

    q, k, vlo, vhi = _qkv(x, Wq, Wk, Wv,
                          bq.reshape(1, D), bk.reshape(1, D), bv.reshape(1, D))

    zeros8 = jnp.zeros((STRIPE, H), _F32)
    zeros128 = jnp.zeros((STRIPE, 128), _F32)

    logits_p, ex_p, dn_parts = _edge_logits(src_p, dst_p, q, k, zeros8)
    dn = dn_parts[0] + dn_parts[1]

    out_lo, out_hi = _attn_accum(src_p, dst_p, vlo, vhi,
                                 dn[:, :4], dn[:, 4:], ex_p, zeros128)

    attn = _outproj(out_lo[:N], out_hi[:N], Wo, bo.reshape(1, D))
    logits = logits_p[:E].reshape(E, H, 1)
    return attn, logits

# --- scband reference (transcript-rebuilt; emitter-appended) ---
"""Pipeline reference for scband-sparse-self-attention-82617990906534 (READ-ONLY COPY).

The authoritative reference and input builder live on the scoring server;
editing this copy changes nothing except your own understanding.
"""

import jax, jax.numpy as jnp
import numpy as np

N_NODES = 10000
N_EDGES = 160000
EMBED_DIM = 256
NUM_HEADS = 8
D_K = EMBED_DIM // NUM_HEADS


def setup_inputs(seed: int = 0) -> dict:
    key = jax.random.key(seed)
    ks = jax.random.split(key, 8)
    x = jax.random.normal(ks[0], (N_NODES, EMBED_DIM), dtype=jnp.float32)
    edge_index = jax.random.randint(ks[1], (2, N_EDGES), 0, N_NODES)
    # xavier_uniform for q/k/v projection weights (stored as [in, out])
    bound = float(np.sqrt(6.0 / (EMBED_DIM + EMBED_DIM)))
    Wq = jax.random.uniform(ks[2], (EMBED_DIM, EMBED_DIM), jnp.float32, -bound, bound)
    Wk = jax.random.uniform(ks[3], (EMBED_DIM, EMBED_DIM), jnp.float32, -bound, bound)
    Wv = jax.random.uniform(ks[4], (EMBED_DIM, EMBED_DIM), jnp.float32, -bound, bound)
    bq = jnp.zeros((EMBED_DIM,), jnp.float32)
    bk = jnp.zeros((EMBED_DIM,), jnp.float32)
    bv = jnp.zeros((EMBED_DIM,), jnp.float32)
    # output linear (torch default init ~ U(-1/sqrt(in), 1/sqrt(in)))
    lb = float(1.0 / np.sqrt(EMBED_DIM))
    Wo = jax.random.uniform(ks[5], (EMBED_DIM, EMBED_DIM), jnp.float32, -lb, lb)
    bo = jax.random.uniform(ks[6], (EMBED_DIM,), jnp.float32, -lb, lb)
    return {"x": x, "edge_index": edge_index, "Wq": Wq, "bq": bq, "Wk": Wk, "bk": bk, "Wv": Wv, "bv": bv, "Wo": Wo, "bo": bo}


def reference(x, edge_index, Wq, bq, Wk, bk, Wv, bv, Wo, bo):
    src = edge_index[0]  # query index
    dst = edge_index[1]  # key/value index
    scale = 1.0 / np.sqrt(D_K)

    q_all = x @ Wq + bq
    k_all = x @ Wk + bk
    v_all = x @ Wv + bv

    query = q_all[src].reshape(-1, NUM_HEADS, D_K)
    key = k_all[dst].reshape(-1, NUM_HEADS, D_K)
    value = v_all[dst].reshape(-1, NUM_HEADS, D_K)

    logits = scale * (query * key).sum(axis=2, keepdims=True)  # [E, H, 1]

    # scatter_softmax over edges grouped by src (dim=0)
    mx = jax.ops.segment_max(logits, src, num_segments=N_NODES)
    ex = jnp.exp(logits - mx[src])
    dn = jax.ops.segment_sum(ex, src, num_segments=N_NODES)
    scores = ex / dn[src]

    # dropout is identity (p=0.0)
    self_attn = jax.ops.segment_sum(scores * value, src, num_segments=N_NODES)  # [N, H, D_K]
    self_attn = self_attn.reshape(N_NODES, NUM_HEADS * D_K)
    self_attn = self_attn @ Wo + bo
    return self_attn, logits

if __name__ == "__main__":
    import jax
    _d = setup_inputs()
    print(jax.jit(kernel)(*tuple(_d.values())))

</pallas_src>

<mosaic_0001>
#map = affine_map<(d0, d1) -> (0)>
#map1 = affine_map<(d0, d1) -> (0, 0)>
#map2 = affine_map<(d0, d1) -> (0, 0, 0)>
module attributes {stable_mosaic.version = 14 : i64} {
  func.func @_edge_logits(%arg0: i32, %arg1: i32, %arg2: memref<160256xi32, #tpu.memory_space<hbm>>, %arg3: memref<160256xi32, #tpu.memory_space<hbm>>, %arg4: memref<10000x256xf32, #tpu.memory_space<hbm>>, %arg5: memref<10000x256xf32, #tpu.memory_space<hbm>>, %arg6: memref<632x8xf32, #tpu.memory_space<hbm>>, %arg7: memref<160256x8xf32, #tpu.memory_space<hbm>>, %arg8: memref<160256x8xf32, #tpu.memory_space<hbm>>, %arg9: memref<2x10112x8xf32, #tpu.memory_space<hbm>>, %arg10: memref<5008xi32, #tpu.memory_space<vmem>>, %arg11: memref<5008xi32, #tpu.memory_space<vmem>>, %arg12: memref<16x256xf32, #tpu.memory_space<vmem>>, %arg13: memref<16x256xf32, #tpu.memory_space<vmem>>, %arg14: memref<5008x8xf32, #tpu.memory_space<vmem>>, %arg15: memref<5008x8xf32, #tpu.memory_space<vmem>>, %arg16: memref<10112x8xf32, #tpu.memory_space<vmem_shared>>, %arg17: memref<!tpu.dma_semaphore, #tpu.memory_space<semaphore_mem>>, %arg18: memref<!tpu.dma_semaphore, #tpu.memory_space<semaphore_mem>>) attributes {dimension_semantics = [#tpu.dimension_semantics<core_parallel>, #tpu.dimension_semantics<subcore_parallel>], iteration_bounds = array<i64: 2, 16>, scalar_prefetch = 0 : i64, scratch_operands = 9 : i64, tpu.core_type = #tpu.core_type<sc_vector_subcore>, window_params = [{transform_indices = #map}, {transform_indices = #map}, {transform_indices = #map1}, {transform_indices = #map1}, {transform_indices = #map1}, {transform_indices = #map1}, {transform_indices = #map1}, {transform_indices = #map2}]} {
    %mul3A = arith.constant 16 : i32
    %mul3A_0 = arith.muli %arg0, %mul3A : i32
    %add3A = arith.addi %mul3A_0, %arg1 : i32
    %mul3A_1 = arith.constant 5008 : i32
    %mul3A_2 = arith.muli %add3A, %mul3A_1 : i32
    "tpu.region"() ({
      %run_scoped3A = tpu.sem_alloc : memref<!tpu.dma_semaphore, #tpu.memory_space<semaphore_mem>>
      %dma_start3A = tpu.memref_slice %arg2[%mul3A_2] : memref<160256xi32, #tpu.memory_space<hbm>> -> memref<5008xi32, #tpu.memory_space<hbm>>
      %dma_start3A_16 = tpu.memref_slice %arg2[%mul3A_2] : memref<160256xi32, #tpu.memory_space<hbm>> -> memref<5008xi32, #tpu.memory_space<hbm>>
      tpu.enqueue_dma source(%dma_start3A_16 : memref<5008xi32, #tpu.memory_space<hbm>>) target(%arg10 : memref<5008xi32, #tpu.memory_space<vmem>>) target_semaphore(%run_scoped3A : memref<!tpu.dma_semaphore, #tpu.memory_space<semaphore_mem>>)
      %dma_wait3A = tpu.memref_slice %arg2[%mul3A_2] : memref<160256xi32, #tpu.memory_space<hbm>> -> memref<5008xi32, #tpu.memory_space<hbm>>
      %dma_wait3A_17 = tpu.memref_slice %arg2[%mul3A_2] : memref<160256xi32, #tpu.memory_space<hbm>> -> memref<5008xi32, #tpu.memory_space<hbm>>
      tpu.wait_dma2 semaphore(%run_scoped3A : memref<!tpu.dma_semaphore, #tpu.memory_space<semaphore_mem>>) src(%dma_wait3A_17 : memref<5008xi32, #tpu.memory_space<hbm>>) dst(%arg10 : memref<5008xi32, #tpu.memory_space<vmem>>)
      tpu.yield
    }) : () -> ()
    "tpu.region"() ({
      %run_scoped3A = tpu.sem_alloc : memref<!tpu.dma_semaphore, #tpu.memory_space<semaphore_mem>>
      %dma_start3A = tpu.memref_slice %arg3[%mul3A_2] : memref<160256xi32, #tpu.memory_space<hbm>> -> memref<5008xi32, #tpu.memory_space<hbm>>
      %dma_start3A_16 = tpu.memref_slice %arg3[%mul3A_2] : memref<160256xi32, #tpu.memory_space<hbm>> -> memref<5008xi32, #tpu.memory_space<hbm>>
      tpu.enqueue_dma source(%dma_start3A_16 : memref<5008xi32, #tpu.memory_space<hbm>>) target(%arg11 : memref<5008xi32, #tpu.memory_space<vmem>>) target_semaphore(%run_scoped3A : memref<!tpu.dma_semaphore, #tpu.memory_space<semaphore_mem>>)
      %dma_wait3A = tpu.memref_slice %arg3[%mul3A_2] : memref<160256xi32, #tpu.memory_space<hbm>> -> memref<5008xi32, #tpu.memory_space<hbm>>
      %dma_wait3A_17 = tpu.memref_slice %arg3[%mul3A_2] : memref<160256xi32, #tpu.memory_space<hbm>> -> memref<5008xi32, #tpu.memory_space<hbm>>
      tpu.wait_dma2 semaphore(%run_scoped3A : memref<!tpu.dma_semaphore, #tpu.memory_space<semaphore_mem>>) src(%dma_wait3A_17 : memref<5008xi32, #tpu.memory_space<hbm>>) dst(%arg11 : memref<5008xi32, #tpu.memory_space<vmem>>)
      tpu.yield
    }) : () -> ()
    %mul3A_3 = arith.constant 632 : i32
    %mul3A_4 = arith.muli %arg1, %mul3A_3 : i32
    "tpu.region"() ({
      %run_scoped3A = tpu.sem_alloc : memref<!tpu.dma_semaphore, #tpu.memory_space<semaphore_mem>>
      %dma_start3A = arith.constant 0 : i32
      %dma_start3A_16 = tpu.memref_slice %arg16[%mul3A_4, %dma_start3A] : memref<10112x8xf32, #tpu.memory_space<vmem_shared>> -> memref<632x8xf32, #tpu.memory_space<vmem_shared>>
      tpu.enqueue_dma source(%arg6 : memref<632x8xf32, #tpu.memory_space<hbm>>) target(%dma_start3A_16 : memref<632x8xf32, #tpu.memory_space<vmem_shared>>) target_semaphore(%run_scoped3A : memref<!tpu.dma_semaphore, #tpu.memory_space<semaphore_mem>>)
      %dma_wait3A = arith.constant 0 : i32
      %dma_wait3A_17 = tpu.memref_slice %arg16[%mul3A_4, %dma_wait3A] : memref<10112x8xf32, #tpu.memory_space<vmem_shared>> -> memref<632x8xf32, #tpu.memory_space<vmem_shared>>
      tpu.wait_dma2 semaphore(%run_scoped3A : memref<!tpu.dma_semaphore, #tpu.memory_space<semaphore_mem>>) src(%arg6 : memref<632x8xf32, #tpu.memory_space<hbm>>) dst(%dma_wait3A_17 : memref<632x8xf32, #tpu.memory_space<vmem_shared>>)
      tpu.yield
    }) : () -> ()
    %barrier3A = arith.constant 0 : index
    tpu.barrier barrier_id(%barrier3A)
    %iota3A = tpu.iota {dimensions = array<i32: 0>} : vector<16xi32>
    %broadcast_in_dim3A = arith.constant 1 : i32
    %broadcast_in_dim3A_5 = vector.broadcast %broadcast_in_dim3A : i32 to vector<16xi32>
    %scan3A = arith.constant 0 : i32
    %scan3A_6 = arith.constant 0 : i32
    %scan3A_7 = arith.constant 313 : i32
    %scan3A_8 = arith.addi %scan3A_6, %scan3A_7 : i32
    %scan3A_9 = arith.constant 1 : i32
    scf.for %scan3A_16 = %scan3A_6 to %scan3A_8 step %scan3A_9  : i32 {
      %mul3A_17 = arith.constant 16 : i32
      %mul3A_18 = arith.muli %scan3A_16, %mul3A_17 : i32
      %get3A = arith.index_cast %mul3A_18 : i32 to index
      %get3A_19 = tpu.vector_load %arg10[%get3A] {strides = array<i32>} : memref<5008xi32, #tpu.memory_space<vmem>>, vector<16xi32>,
      %mul3A_20 = arith.constant 16 : i32
      %mul3A_21 = arith.muli %scan3A_16, %mul3A_20 : i32
      %get3A_22 = arith.index_cast %mul3A_21 : i32 to index
      %get3A_23 = tpu.vector_load %arg11[%get3A_22] {strides = array<i32>} : memref<5008xi32, #tpu.memory_space<vmem>>, vector<16xi32>,
      %dma_start3A = arith.constant 0 : i32
      %dma_start3A_24 = arith.constant 0 : i32
      %dma_start3A_25 = tpu.memref_slice %arg4[%dma_start3A, %dma_start3A_24] : memref<10000x256xf32, #tpu.memory_space<hbm>> -> memref<10000x256xf32, #tpu.memory_space<hbm>>
      tpu.enqueue_indirect_dma source(%dma_start3A_25 : memref<10000x256xf32, #tpu.memory_space<hbm>>) target(%arg12 : memref<16x256xf32, #tpu.memory_space<vmem>>) offsets(%get3A_19 : vector<16xi32>) semaphore(%arg17 : memref<!tpu.dma_semaphore, #tpu.memory_space<semaphore_mem>>)
      %dma_start3A_26 = arith.constant 0 : i32
      %dma_start3A_27 = arith.constant 0 : i32
      %dma_start3A_28 = tpu.memref_slice %arg5[%dma_start3A_26, %dma_start3A_27] : memref<10000x256xf32, #tpu.memory_space<hbm>> -> memref<10000x256xf32, #tpu.memory_space<hbm>>
      tpu.enqueue_indirect_dma source(%dma_start3A_28 : memref<10000x256xf32, #tpu.memory_space<hbm>>) target(%arg13 : memref<16x256xf32, #tpu.memory_space<vmem>>) offsets(%get3A_23 : vector<16xi32>) semaphore(%arg18 : memref<!tpu.dma_semaphore, #tpu.memory_space<semaphore_mem>>)
      %dma_wait3A = arith.constant 0 : i32
      %dma_wait3A_29 = arith.constant 0 : i32
      %dma_wait3A_30 = tpu.memref_slice %arg4[%dma_wait3A, %dma_wait3A_29] : memref<10000x256xf32, #tpu.memory_space<hbm>> -> memref<10000x256xf32, #tpu.memory_space<hbm>>
      tpu.wait_indirect_dma semaphore(%arg17 : memref<!tpu.dma_semaphore, #tpu.memory_space<semaphore_mem>>) src(%dma_wait3A_30 : memref<10000x256xf32, #tpu.memory_space<hbm>>) dst(%arg12 : memref<16x256xf32, #tpu.memory_space<vmem>>)
      %dma_wait3A_31 = arith.constant 0 : i32
      %dma_wait3A_32 = arith.constant 0 : i32
      %dma_wait3A_33 = tpu.memref_slice %arg5[%dma_wait3A_31, %dma_wait3A_32] : memref<10000x256xf32, #tpu.memory_space<hbm>> -> memref<10000x256xf32, #tpu.memory_space<hbm>>
      tpu.wait_indirect_dma semaphore(%arg18 : memref<!tpu.dma_semaphore, #tpu.memory_space<semaphore_mem>>) src(%dma_wait3A_33 : memref<10000x256xf32, #tpu.memory_space<hbm>>) dst(%arg13 : memref<16x256xf32, #tpu.memory_space<vmem>>)
      %broadcast_in_dim3A_34 = arith.constant 0 : i32
      %broadcast_in_dim3A_35 = vector.broadcast %broadcast_in_dim3A_34 : i32 to vector<16xi32>
      %mul3A_36 = arith.constant 16 : i32
      %mul3A_37 = arith.muli %scan3A_16, %mul3A_36 : i32
      %add3A_38 = vector.broadcast %mul3A_37 : i32 to vector<16xi32>
      %add3A_39 = arith.addi %add3A_38, %iota3A : vector<16xi32>
      %broadcast_in_dim3A_40 = arith.constant 0.000000e+00 : f32
      %broadcast_in_dim3A_41 = vector.broadcast %broadcast_in_dim3A_40 : f32 to vector<16xf32>
      %gather3A = tpu.vector_load_idx %arg12[%iota3A, %broadcast_in_dim3A_35] : memref<16x256xf32, #tpu.memory_space<vmem>>[vector<16xi32>, vector<16xi32>], vector<16xf32>,
      %gather3A_42 = tpu.vector_load_idx %arg13[%iota3A, %broadcast_in_dim3A_35] : memref<16x256xf32, #tpu.memory_space<vmem>>[vector<16xi32>, vector<16xi32>], vector<16xf32>,
      %mul3A_43 = arith.mulf %gather3A, %gather3A_42 : vector<16xf32>
      %add3A_44 = arith.addf %broadcast_in_dim3A_41, %mul3A_43 : vector<16xf32>
      %add3A_45 = arith.addi %broadcast_in_dim3A_35, %broadcast_in_dim3A_5 : vector<16xi32>
      %gather3A_46 = tpu.vector_load_idx %arg12[%iota3A, %add3A_45] : memref<16x256xf32, #tpu.memory_space<vmem>>[vector<16xi32>, vector<16xi32>], vector<16xf32>,
      %gather3A_47 = tpu.vector_load_idx %arg13[%iota3A, %add3A_45] : memref<16x256xf32, #tpu.memory_space<vmem>>[vector<16xi32>, vector<16xi32>], vector<16xf32>,
      %mul3A_48 = arith.mulf %gather3A_46, %gather3A_47 : vector<16xf32>
      %add3A_49 = arith.addf %add3A_44, %mul3A_48 : vector<16xf32>
      %add3A_50 = arith.addi %add3A_45, %broadcast_in_dim3A_5 : vector<16xi32>
      %gather3A_51 = tpu.vector_load_idx %arg12[%iota3A, %add3A_50] : memref<16x256xf32, #tpu.memory_space<vmem>>[vector<16xi32>, vector<16xi32>], vector<16xf32>,
      %gather3A_52 = tpu.vector_load_idx %arg13[%iota3A, %add3A_50] : memref<16x256xf32, #tpu.memory_space<vmem>>[vector<16xi32>, vector<16xi32>], vector<16xf32>,
      %mul3A_53 = arith.mulf %gather3A_51, %gather3A_52 : vector<16xf32>
      %add3A_54 = arith.addf %add3A_49, %mul3A_53 : vector<16xf32>
      %add3A_55 = arith.addi %add3A_50, %broadcast_in_dim3A_5 : vector<16xi32>
      %gather3A_56 = tpu.vector_load_idx %arg12[%iota3A, %add3A_55] : memref<16x256xf32, #tpu.memory_space<vmem>>[vector<16xi32>, vector<16xi32>], vector<16xf32>,
      %gather3A_57 = tpu.vector_load_idx %arg13[%iota3A, %add3A_55] : memref<16x256xf32, #tpu.memory_space<vmem>>[vector<16xi32>, vector<16xi32>], vector<16xf32>,
      %mul3A_58 = arith.mulf %gather3A_56, %gather3A_57 : vector<16xf32>
      %add3A_59 = arith.addf %add3A_54, %mul3A_58 : vector<16xf32>
      %add3A_60 = arith.addi %add3A_55, %broadcast_in_dim3A_5 : vector<16xi32>
      %gather3A_61 = tpu.vector_load_idx %arg12[%iota3A, %add3A_60] : memref<16x256xf32, #tpu.memory_space<vmem>>[vector<16xi32>, vector<16xi32>], vector<16xf32>,
      %gather3A_62 = tpu.vector_load_idx %arg13[%iota3A, %add3A_60] : memref<16x256xf32, #tpu.memory_space<vmem>>[vector<16xi32>, vector<16xi32>], vector<16xf32>,
      %mul3A_63 = arith.mulf %gather3A_61, %gather3A_62 : vector<16xf32>
      %add3A_64 = arith.addf %add3A_59, %mul3A_63 : vector<16xf32>
      %add3A_65 = arith.addi %add3A_60, %broadcast_in_dim3A_5 : vector<16xi32>
      %gather3A_66 = tpu.vector_load_idx %arg12[%iota3A, %add3A_65] : memref<16x256xf32, #tpu.memory_space<vmem>>[vector<16xi32>, vector<16xi32>], vector<16xf32>,
      %gather3A_67 = tpu.vector_load_idx %arg13[%iota3A, %add3A_65] : memref<16x256xf32, #tpu.memory_space<vmem>>[vector<16xi32>, vector<16xi32>], vector<16xf32>,
      %mul3A_68 = arith.mulf %gather3A_66, %gather3A_67 : vector<16xf32>
      %add3A_69 = arith.addf %add3A_64, %mul3A_68 : vector<16xf32>
      %add3A_70 = arith.addi %add3A_65, %broadcast_in_dim3A_5 : vector<16xi32>
      %gather3A_71 = tpu.vector_load_idx %arg12[%iota3A, %add3A_70] : memref<16x256xf32, #tpu.memory_space<vmem>>[vector<16xi32>, vector<16xi32>], vector<16xf32>,
      %gather3A_72 = tpu.vector_load_idx %arg13[%iota3A, %add3A_70] : memref<16x256xf32, #tpu.memory_space<vmem>>[vector<16xi32>, vector<16xi32>], vector<16xf32>,
      %mul3A_73 = arith.mulf %gather3A_71, %gather3A_72 : vector<16xf32>
      %add3A_74 = arith.addf %add3A_69, %mul3A_73 : vector<16xf32>
      %add3A_75 = arith.addi %add3A_70, %broadcast_in_dim3A_5 : vector<16xi32>
      %gather3A_76 = tpu.vector_load_idx %arg12[%iota3A, %add3A_75] : memref<16x256xf32, #tpu.memory_space<vmem>>[vector<16xi32>, vector<16xi32>], vector<16xf32>,
      %gather3A_77 = tpu.vector_load_idx %arg13[%iota3A, %add3A_75] : memref<16x256xf32, #tpu.memory_space<vmem>>[vector<16xi32>, vector<16xi32>], vector<16xf32>,
      %mul3A_78 = arith.mulf %gather3A_76, %gather3A_77 : vector<16xf32>
      %add3A_79 = arith.addf %add3A_74, %mul3A_78 : vector<16xf32>
      %add3A_80 = arith.addi %add3A_75, %broadcast_in_dim3A_5 : vector<16xi32>
      %gather3A_81 = tpu.vector_load_idx %arg12[%iota3A, %add3A_80] : memref<16x256xf32, #tpu.memory_space<vmem>>[vector<16xi32>, vector<16xi32>], vector<16xf32>,
      %gather3A_82 = tpu.vector_load_idx %arg13[%iota3A, %add3A_80] : memref<16x256xf32, #tpu.memory_space<vmem>>[vector<16xi32>, vector<16xi32>], vector<16xf32>,
      %mul3A_83 = arith.mulf %gather3A_81, %gather3A_82 : vector<16xf32>
      %add3A_84 = arith.addf %add3A_79, %mul3A_83 : vector<16xf32>
      %add3A_85 = arith.addi %add3A_80, %broadcast_in_dim3A_5 : vector<16xi32>
      %gather3A_86 = tpu.vector_load_idx %arg12[%iota3A, %add3A_85] : memref<16x256xf32, #tpu.memory_space<vmem>>[vector<16xi32>, vector<16xi32>], vector<16xf32>,
      %gather3A_87 = tpu.vector_load_idx %arg13[%iota3A, %add3A_85] : memref<16x256xf32, #tpu.memory_space<vmem>>[vector<16xi32>, vector<16xi32>], vector<16xf32>,
      %mul3A_88 = arith.mulf %gather3A_86, %gather3A_87 : vector<16xf32>
      %add3A_89 = arith.addf %add3A_84, %mul3A_88 : vector<16xf32>
      %add3A_90 = arith.addi %add3A_85, %broadcast_in_dim3A_5 : vector<16xi32>
      %gather3A_91 = tpu.vector_load_idx %arg12[%iota3A, %add3A_90] : memref<16x256xf32, #tpu.memory_space<vmem>>[vector<16xi32>, vector<16xi32>], vector<16xf32>,
      %gather3A_92 = tpu.vector_load_idx %arg13[%iota3A, %add3A_90] : memref<16x256xf32, #tpu.memory_space<vmem>>[vector<16xi32>, vector<16xi32>], vector<16xf32>,
      %mul3A_93 = arith.mulf %gather3A_91, %gather3A_92 : vector<16xf32>
      %add3A_94 = arith.addf %add3A_89, %mul3A_93 : vector<16xf32>
      %add3A_95 = arith.addi %add3A_90, %broadcast_in_dim3A_5 : vector<16xi32>
      %gather3A_96 = tpu.vector_load_idx %arg12[%iota3A, %add3A_95] : memref<16x256xf32, #tpu.memory_space<vmem>>[vector<16xi32>, vector<16xi32>], vector<16xf32>,
      %gather3A_97 = tpu.vector_load_idx %arg13[%iota3A, %add3A_95] : memref<16x256xf32, #tpu.memory_space<vmem>>[vector<16xi32>, vector<16xi32>], vector<16xf32>,
      %mul3A_98 = arith.mulf %gather3A_96, %gather3A_97 : vector<16xf32>
      %add3A_99 = arith.addf %add3A_94, %mul3A_98 : vector<16xf32>
      %add3A_100 = arith.addi %add3A_95, %broadcast_in_dim3A_5 : vector<16xi32>
      %gather3A_101 = tpu.vector_load_idx %arg12[%iota3A, %add3A_100] : memref<16x256xf32, #tpu.memory_space<vmem>>[vector<16xi32>, vector<16xi32>], vector<16xf32>,
      %gather3A_102 = tpu.vector_load_idx %arg13[%iota3A, %add3A_100] : memref<16x256xf32, #tpu.memory_space<vmem>>[vector<16xi32>, vector<16xi32>], vector<16xf32>,
      %mul3A_103 = arith.mulf %gather3A_101, %gather3A_102 : vector<16xf32>
      %add3A_104 = arith.addf %add3A_99, %mul3A_103 : vector<16xf32>
      %add3A_105 = arith.addi %add3A_100, %broadcast_in_dim3A_5 : vector<16xi32>
      %gather3A_106 = tpu.vector_load_idx %arg12[%iota3A, %add3A_105] : memref<16x256xf32, #tpu.memory_space<vmem>>[vector<16xi32>, vector<16xi32>], vector<16xf32>,
      %gather3A_107 = tpu.vector_load_idx %arg13[%iota3A, %add3A_105] : memref<16x256xf32, #tpu.memory_space<vmem>>[vector<16xi32>, vector<16xi32>], vector<16xf32>,
      %mul3A_108 = arith.mulf %gather3A_106, %gather3A_107 : vector<16xf32>
      %add3A_109 = arith.addf %add3A_104, %mul3A_108 : vector<16xf32>
      %add3A_110 = arith.addi %add3A_105, %broadcast_in_dim3A_5 : vector<16xi32>
      %gather3A_111 = tpu.vector_load_idx %arg12[%iota3A, %add3A_110] : memref<16x256xf32, #tpu.memory_space<vmem>>[vector<16xi32>, vector<16xi32>], vector<16xf32>,
      %gather3A_112 = tpu.vector_load_idx %arg13[%iota3A, %add3A_110] : memref<16x256xf32, #tpu.memory_space<vmem>>[vector<16xi32>, vector<16xi32>], vector<16xf32>,
      %mul3A_113 = arith.mulf %gather3A_111, %gather3A_112 : vector<16xf32>
      %add3A_114 = arith.addf %add3A_109, %mul3A_113 : vector<16xf32>
      %add3A_115 = arith.addi %add3A_110, %broadcast_in_dim3A_5 : vector<16xi32>
      %gather3A_116 = tpu.vector_load_idx %arg12[%iota3A, %add3A_115] : memref<16x256xf32, #tpu.memory_space<vmem>>[vector<16xi32>, vector<16xi32>], vector<16xf32>,
      %gather3A_117 = tpu.vector_load_idx %arg13[%iota3A, %add3A_115] : memref<16x256xf32, #tpu.memory_space<vmem>>[vector<16xi32>, vector<16xi32>], vector<16xf32>,
      %mul3A_118 = arith.mulf %gather3A_116, %gather3A_117 : vector<16xf32>
      %add3A_119 = arith.addf %add3A_114, %mul3A_118 : vector<16xf32>
      %add3A_120 = arith.addi %add3A_115, %broadcast_in_dim3A_5 : vector<16xi32>
      %gather3A_121 = tpu.vector_load_idx %arg12[%iota3A, %add3A_120] : memref<16x256xf32, #tpu.memory_space<vmem>>[vector<16xi32>, vector<16xi32>], vector<16xf32>,
      %gather3A_122 = tpu.vector_load_idx %arg13[%iota3A, %add3A_120] : memref<16x256xf32, #tpu.memory_space<vmem>>[vector<16xi32>, vector<16xi32>], vector<16xf32>,
      %mul3A_123 = arith.mulf %gather3A_121, %gather3A_122 : vector<16xf32>
      %add3A_124 = arith.addf %add3A_119, %mul3A_123 : vector<16xf32>
      %add3A_125 = arith.addi %add3A_120, %broadcast_in_dim3A_5 : vector<16xi32>
      %gather3A_126 = tpu.vector_load_idx %arg12[%iota3A, %add3A_125] : memref<16x256xf32, #tpu.memory_space<vmem>>[vector<16xi32>, vector<16xi32>], vector<16xf32>,
      %gather3A_127 = tpu.vector_load_idx %arg13[%iota3A, %add3A_125] : memref<16x256xf32, #tpu.memory_space<vmem>>[vector<16xi32>, vector<16xi32>], vector<16xf32>,
      %mul3A_128 = arith.mulf %gather3A_126, %gather3A_127 : vector<16xf32>
      %add3A_129 = arith.addf %add3A_124, %mul3A_128 : vector<16xf32>
      %add3A_130 = arith.addi %add3A_125, %broadcast_in_dim3A_5 : vector<16xi32>
      %gather3A_131 = tpu.vector_load_idx %arg12[%iota3A, %add3A_130] : memref<16x256xf32, #tpu.memory_space<vmem>>[vector<16xi32>, vector<16xi32>], vector<16xf32>,
      %gather3A_132 = tpu.vector_load_idx %arg13[%iota3A, %add3A_130] : memref<16x256xf32, #tpu.memory_space<vmem>>[vector<16xi32>, vector<16xi32>], vector<16xf32>,
      %mul3A_133 = arith.mulf %gather3A_131, %gather3A_132 : vector<16xf32>
      %add3A_134 = arith.addf %add3A_129, %mul3A_133 : vector<16xf32>
      %add3A_135 = arith.addi %add3A_130, %broadcast_in_dim3A_5 : vector<16xi32>
      %gather3A_136 = tpu.vector_load_idx %arg12[%iota3A, %add3A_135] : memref<16x256xf32, #tpu.memory_space<vmem>>[vector<16xi32>, vector<16xi32>], vector<16xf32>,
      %gather3A_137 = tpu.vector_load_idx %arg13[%iota3A, %add3A_135] : memref<16x256xf32, #tpu.memory_space<vmem>>[vector<16xi32>, vector<16xi32>], vector<16xf32>,
      %mul3A_138 = arith.mulf %gather3A_136, %gather3A_137 : vector<16xf32>
      %add3A_139 = arith.addf %add3A_134, %mul3A_138 : vector<16xf32>
      %add3A_140 = arith.addi %add3A_135, %broadcast_in_dim3A_5 : vector<16xi32>
      %gather3A_141 = tpu.vector_load_idx %arg12[%iota3A, %add3A_140] : memref<16x256xf32, #tpu.memory_space<vmem>>[vector<16xi32>, vector<16xi32>], vector<16xf32>,
      %gather3A_142 = tpu.vector_load_idx %arg13[%iota3A, %add3A_140] : memref<16x256xf32, #tpu.memory_space<vmem>>[vector<16xi32>, vector<16xi32>], vector<16xf32>,
      %mul3A_143 = arith.mulf %gather3A_141, %gather3A_142 : vector<16xf32>
      %add3A_144 = arith.addf %add3A_139, %mul3A_143 : vector<16xf32>
      %add3A_145 = arith.addi %add3A_140, %broadcast_in_dim3A_5 : vector<16xi32>
      %gather3A_146 = tpu.vector_load_idx %arg12[%iota3A, %add3A_145] : memref<16x256xf32, #tpu.memory_space<vmem>>[vector<16xi32>, vector<16xi32>], vector<16xf32>,
      %gather3A_147 = tpu.vector_load_idx %arg13[%iota3A, %add3A_145] : memref<16x256xf32, #tpu.memory_space<vmem>>[vector<16xi32>, vector<16xi32>], vector<16xf32>,
      %mul3A_148 = arith.mulf %gather3A_146, %gather3A_147 : vector<16xf32>
      %add3A_149 = arith.addf %add3A_144, %mul3A_148 : vector<16xf32>
      %add3A_150 = arith.addi %add3A_145, %broadcast_in_dim3A_5 : vector<16xi32>
      %gather3A_151 = tpu.vector_load_idx %arg12[%iota3A, %add3A_150] : memref<16x256xf32, #tpu.memory_space<vmem>>[vector<16xi32>, vector<16xi32>], vector<16xf32>,
      %gather3A_152 = tpu.vector_load_idx %arg13[%iota3A, %add3A_150] : memref<16x256xf32, #tpu.memory_space<vmem>>[vector<16xi32>, vector<16xi32>], vector<16xf32>,
      %mul3A_153 = arith.mulf %gather3A_151, %gather3A_152 : vector<16xf32>
      %add3A_154 = arith.addf %add3A_149, %mul3A_153 : vector<16xf32>
      %add3A_155 = arith.addi %add3A_150, %broadcast_in_dim3A_5 : vector<16xi32>
      %gather3A_156 = tpu.vector_load_idx %arg12[%iota3A, %add3A_155] : memref<16x256xf32, #tpu.memory_space<vmem>>[vector<16xi32>, vector<16xi32>], vector<16xf32>,
      %gather3A_157 = tpu.vector_load_idx %arg13[%iota3A, %add3A_155] : memref<16x256xf32, #tpu.memory_space<vmem>>[vector<16xi32>, vector<16xi32>], vector<16xf32>,
      %mul3A_158 = arith.mulf %gather3A_156, %gather3A_157 : vector<16xf32>
      %add3A_159 = arith.addf %add3A_154, %mul3A_158 : vector<16xf32>
      %add3A_160 = arith.addi %add3A_155, %broadcast_in_dim3A_5 : vector<16xi32>
      %gather3A_161 = tpu.vector_load_idx %arg12[%iota3A, %add3A_160] : memref<16x256xf32, #tpu.memory_space<vmem>>[vector<16xi32>, vector<16xi32>], vector<16xf32>,
      %gather3A_162 = tpu.vector_load_idx %arg13[%iota3A, %add3A_160] : memref<16x256xf32, #tpu.memory_space<vmem>>[vector<16xi32>, vector<16xi32>], vector<16xf32>,
      %mul3A_163 = arith.mulf %gather3A_161, %gather3A_162 : vector<16xf32>
      %add3A_164 = arith.addf %add3A_159, %mul3A_163 : vector<16xf32>
      %add3A_165 = arith.addi %add3A_160, %broadcast_in_dim3A_5 : vector<16xi32>
      %gather3A_166 = tpu.vector_load_idx %arg12[%iota3A, %add3A_165] : memref<16x256xf32, #tpu.memory_space<vmem>>[vector<16xi32>, vector<16xi32>], vector<16xf32>,
      %gather3A_167 = tpu.vector_load_idx %arg13[%iota3A, %add3A_165] : memref<16x256xf32, #tpu.memory_space<vmem>>[vector<16xi32>, vector<16xi32>], vector<16xf32>,
      %mul3A_168 = arith.mulf %gather3A_166, %gather3A_167 : vector<16xf32>
      %add3A_169 = arith.addf %add3A_164, %mul3A_168 : vector<16xf32>
      %add3A_170 = arith.addi %add3A_165, %broadcast_in_dim3A_5 : vector<16xi32>
      %gather3A_171 = tpu.vector_load_idx %arg12[%iota3A, %add3A_170] : memref<16x256xf32, #tpu.memory_space<vmem>>[vector<16xi32>, vector<16xi32>], vector<16xf32>,
      %gather3A_172 = tpu.vector_load_idx %arg13[%iota3A, %add3A_170] : memref<16x256xf32, #tpu.memory_space<vmem>>[vector<16xi32>, vector<16xi32>], vector<16xf32>,
      %mul3A_173 = arith.mulf %gather3A_171, %gather3A_172 : vector<16xf32>
      %add3A_174 = arith.addf %add3A_169, %mul3A_173 : vector<16xf32>
      %add3A_175 = arith.addi %add3A_170, %broadcast_in_dim3A_5 : vector<16xi32>
      %gather3A_176 = tpu.vector_load_idx %arg12[%iota3A, %add3A_175] : memref<16x256xf32, #tpu.memory_space<vmem>>[vector<16xi32>, vector<16xi32>], vector<16xf32>,
      %gather3A_177 = tpu.vector_load_idx %arg13[%iota3A, %add3A_175] : memref<16x256xf32, #tpu.memory_space<vmem>>[vector<16xi32>, vector<16xi32>], vector<16xf32>,
      %mul3A_178 = arith.mulf %gather3A_176, %gather3A_177 : vector<16xf32>
      %add3A_179 = arith.addf %add3A_174, %mul3A_178 : vector<16xf32>
      %add3A_180 = arith.addi %add3A_175, %broadcast_in_dim3A_5 : vector<16xi32>
      %gather3A_181 = tpu.vector_load_idx %arg12[%iota3A, %add3A_180] : memref<16x256xf32, #tpu.memory_space<vmem>>[vector<16xi32>, vector<16xi32>], vector<16xf32>,
      %gather3A_182 = tpu.vector_load_idx %arg13[%iota3A, %add3A_180] : memref<16x256xf32, #tpu.memory_space<vmem>>[vector<16xi32>, vector<16xi32>], vector<16xf32>,
      %mul3A_183 = arith.mulf %gather3A_181, %gather3A_182 : vector<16xf32>
      %add3A_184 = arith.addf %add3A_179, %mul3A_183 : vector<16xf32>
      %add3A_185 = arith.addi %add3A_180, %broadcast_in_dim3A_5 : vector<16xi32>
      %gather3A_186 = tpu.vector_load_idx %arg12[%iota3A, %add3A_185] : memref<16x256xf32, #tpu.memory_space<vmem>>[vector<16xi32>, vector<16xi32>], vector<16xf32>,
      %gather3A_187 = tpu.vector_load_idx %arg13[%iota3A, %add3A_185] : memref<16x256xf32, #tpu.memory_space<vmem>>[vector<16xi32>, vector<16xi32>], vector<16xf32>,
      %mul3A_188 = arith.mulf %gather3A_186, %gather3A_187 : vector<16xf32>
      %add3A_189 = arith.addf %add3A_184, %mul3A_188 : vector<16xf32>
      %add3A_190 = arith.addi %add3A_185, %broadcast_in_dim3A_5 : vector<16xi32>
      %gather3A_191 = tpu.vector_load_idx %arg12[%iota3A, %add3A_190] : memref<16x256xf32, #tpu.memory_space<vmem>>[vector<16xi32>, vector<16xi32>], vector<16xf32>,
      %gather3A_192 = tpu.vector_load_idx %arg13[%iota3A, %add3A_190] : memref<16x256xf32, #tpu.memory_space<vmem>>[vector<16xi32>, vector<16xi32>], vector<16xf32>,
      %mul3A_193 = arith.mulf %gather3A_191, %gather3A_192 : vector<16xf32>
      %add3A_194 = arith.addf %add3A_189, %mul3A_193 : vector<16xf32>
      %add3A_195 = arith.addi %add3A_190, %broadcast_in_dim3A_5 : vector<16xi32>
      %gather3A_196 = tpu.vector_load_idx %arg12[%iota3A, %add3A_195] : memref<16x256xf32, #tpu.memory_space<vmem>>[vector<16xi32>, vector<16xi32>], vector<16xf32>,
      %gather3A_197 = tpu.vector_load_idx %arg13[%iota3A, %add3A_195] : memref<16x256xf32, #tpu.memory_space<vmem>>[vector<16xi32>, vector<16xi32>], vector<16xf32>,
      %mul3A_198 = arith.mulf %gather3A_196, %gather3A_197 : vector<16xf32>
      %add3A_199 = arith.addf %add3A_194, %mul3A_198 : vector<16xf32>
      %add3A_200 = arith.addi %add3A_195, %broadcast_in_dim3A_5 : vector<16xi32>
      %mul3A_201 = arith.constant 0.176776692 : f32
      %mul3A_202 = vector.broadcast %mul3A_201 : f32 to vector<16xf32>
      %mul3A_203 = arith.mulf %add3A_199, %mul3A_202 : vector<16xf32>
      %exp3A = math.exp %mul3A_203 : vector<16xf32>
      %broadcast_in_dim3A_204 = arith.constant 0 : i32
      %broadcast_in_dim3A_205 = vector.broadcast %broadcast_in_dim3A_204 : i32 to vector<16xi32>
      tpu.vector_store_idx %arg14[%add3A_39, %broadcast_in_dim3A_205], %mul3A_203 : memref<5008x8xf32, #tpu.memory_space<vmem>>[vector<16xi32>, vector<16xi32>], vector<16xf32>,
      tpu.vector_store_idx %arg15[%add3A_39, %broadcast_in_dim3A_205], %exp3A : memref<5008x8xf32, #tpu.memory_space<vmem>>[vector<16xi32>, vector<16xi32>], vector<16xf32>,
      %broadcast_in_dim3A_206 = arith.constant 0.000000e+00 : f32
      %broadcast_in_dim3A_207 = vector.broadcast %broadcast_in_dim3A_206 : f32 to vector<16xf32>
      %gather3A_208 = tpu.vector_load_idx %arg12[%iota3A, %add3A_200] : memref<16x256xf32, #tpu.memory_space<vmem>>[vector<16xi32>, vector<16xi32>], vector<16xf32>,
      %gather3A_209 = tpu.vector_load_idx %arg13[%iota3A, %add3A_200] : memref<16x256xf32, #tpu.memory_space<vmem>>[vector<16xi32>, vector<16xi32>], vector<16xf32>,
      %mul3A_210 = arith.mulf %gather3A_208, %gather3A_209 : vector<16xf32>
      %add3A_211 = arith.addf %broadcast_in_dim3A_207, %mul3A_210 : vector<16xf32>
      %add3A_212 = arith.addi %add3A_200, %broadcast_in_dim3A_5 : vector<16xi32>
      %gather3A_213 = tpu.vector_load_idx %arg12[%iota3A, %add3A_212] : memref<16x256xf32, #tpu.memory_space<vmem>>[vector<16xi32>, vector<16xi32>], vector<16xf32>,
      %gather3A_214 = tpu.vector_load_idx %arg13[%iota3A, %add3A_212] : memref<16x256xf32, #tpu.memory_space<vmem>>[vector<16xi32>, vector<16xi32>], vector<16xf32>,
      %mul3A_215 = arith.mulf %gather3A_213, %gather3A_214 : vector<16xf32>
      %add3A_216 = arith.addf %add3A_211, %mul3A_215 : vector<16xf32>
      %add3A_217 = arith.addi %add3A_212, %broadcast_in_dim3A_5 : vector<16xi32>
      %gather3A_218 = tpu.vector_load_idx %arg12[%iota3A, %add3A_217] : memref<16x256xf32, #tpu.memory_space<vmem>>[vector<16xi32>, vector<16xi32>], vector<16xf32>,
      %gather3A_219 = tpu.vector_load_idx %arg13[%iota3A, %add3A_217] : memref<16x256xf32, #tpu.memory_space<vmem>>[vector<16xi32>, vector<16xi32>], vector<16xf32>,
      %mul3A_220 = arith.mulf %gather3A_218, %gather3A_219 : vector<16xf32>
      %add3A_221 = arith.addf %add3A_216, %mul3A_220 : vector<16xf32>
      %add3A_222 = arith.addi %add3A_217, %broadcast_in_dim3A_5 : vector<16xi32>
      %gather3A_223 = tpu.vector_load_idx %arg12[%iota3A, %add3A_222] : memref<16x256xf32, #tpu.memory_space<vmem>>[vector<16xi32>, vector<16xi32>], vector<16xf32>,
      %gather3A_224 = tpu.vector_load_idx %arg13[%iota3A, %add3A_222] : memref<16x256xf32, #tpu.memory_space<vmem>>[vector<16xi32>, vector<16xi32>], vector<16xf32>,
      %mul3A_225 = arith.mulf %gather3A_223, %gather3A_224 : vector<16xf32>
      %add3A_226 = arith.addf %add3A_221, %mul3A_225 : vector<16xf32>
      %add3A_227 = arith.addi %add3A_222, %broadcast_in_dim3A_5 : vector<16xi32>
      %gather3A_228 = tpu.vector_load_idx %arg12[%iota3A, %add3A_227] : memref<16x256xf32, #tpu.memory_space<vmem>>[vector<16xi32>, vector<16xi32>], vector<16xf32>,
      %gather3A_229 = tpu.vector_load_idx %arg13[%iota3A, %add3A_227] : memref<16x256xf32, #tpu.memory_space<vmem>>[vector<16xi32>, vector<16xi32>], vector<16xf32>,
      %mul3A_230 = arith.mulf %gather3A_228, %gather3A_229 : vector<16xf32>
      %add3A_231 = arith.addf %add3A_226, %mul3A_230 : vector<16xf32>
      %add3A_232 = arith.addi %add3A_227, %broadcast_in_dim3A_5 : vector<16xi32>
      %gather3A_233 = tpu.vector_load_idx %arg12[%iota3A, %add3A_232] : memref<16x256xf32, #tpu.memory_space<vmem>>[vector<16xi32>, vector<16xi32>], vector<16xf32>,
      %gather3A_234 = tpu.vector_load_idx %arg13[%iota3A, %add3A_232] : memref<16x256xf32, #tpu.memory_space<vmem>>[vector<16xi32>, vector<16xi32>], vector<16xf32>,
      %mul3A_235 = arith.mulf %gather3A_233, %gather3A_234 : vector<16xf32>
      %add3A_236 = arith.addf %add3A_231, %mul3A_235 : vector<16xf32>
      %add3A_237 = arith.addi %add3A_232, %broadcast_in_dim3A_5 : vector<16xi32>
      %gather3A_238 = tpu.vector_load_idx %arg12[%iota3A, %add3A_237] : memref<16x256xf32, #tpu.memory_space<vmem>>[vector<16xi32>, vector<16xi32>], vector<16xf32>,
      %gather3A_239 = tpu.vector_load_idx %arg13[%iota3A, %add3A_237] : memref<16x256xf32, #tpu.memory_space<vmem>>[vector<16xi32>, vector<16xi32>], vector<16xf32>,
      %mul3A_240 = arith.mulf %gather3A_238, %gather3A_239 : vector<16xf32>
      %add3A_241 = arith.addf %add3A_236, %mul3A_240 : vector<16xf32>
      %add3A_242 = arith.addi %add3A_237, %broadcast_in_dim3A_5 : vector<16xi32>
      %gather3A_243 = tpu.vector_load_idx %arg12[%iota3A, %add3A_242] : memref<16x256xf32, #tpu.memory_space<vmem>>[vector<16xi32>, vector<16xi32>], vector<16xf32>,
      %gather3A_244 = tpu.vector_load_idx %arg13[%iota3A, %add3A_242] : memref<16x256xf32, #tpu.memory_space<vmem>>[vector<16xi32>, vector<16xi32>], vector<16xf32>,
      %mul3A_245 = arith.mulf %gather3A_243, %gather3A_244 : vector<16xf32>
      %add3A_246 = arith.addf %add3A_241, %mul3A_245 : vector<16xf32>
      %add3A_247 = arith.addi %add3A_242, %broadcast_in_dim3A_5 : vector<16xi32>
      %gather3A_248 = tpu.vector_load_idx %arg12[%iota3A, %add3A_247] : memref<16x256xf32, #tpu.memory_space<vmem>>[vector<16xi32>, vector<16xi32>], vector<16xf32>,
      %gather3A_249 = tpu.vector_load_idx %arg13[%iota3A, %add3A_247] : memref<16x256xf32, #tpu.memory_space<vmem>>[vector<16xi32>, vector<16xi32>], vector<16xf32>,
      %mul3A_250 = arith.mulf %gather3A_248, %gather3A_249 : vector<16xf32>
      %add3A_251 = arith.addf %add3A_246, %mul3A_250 : vector<16xf32>
      %add3A_252 = arith.addi %add3A_247, %broadcast_in_dim3A_5 : vector<16xi32>
      %gather3A_253 = tpu.vector_load_idx %arg12[%iota3A, %add3A_252] : memref<16x256xf32, #tpu.memory_space<vmem>>[vector<16xi32>, vector<16xi32>], vector<16xf32>,
      %gather3A_254 = tpu.vector_load_idx %arg13[%iota3A, %add3A_252] : memref<16x256xf32, #tpu.memory_space<vmem>>[vector<16xi32>, vector<16xi32>], vector<16xf32>,
      %mul3A_255 = arith.mulf %gather3A_253, %gather3A_254 : vector<16xf32>
      %add3A_256 = arith.addf %add3A_251, %mul3A_255 : vector<16xf32>
      %add3A_257 = arith.addi %add3A_252, %broadcast_in_dim3A_5 : vector<16xi32>
      %gather3A_258 = tpu.vector_load_idx %arg12[%iota3A, %add3A_257] : memref<16x256xf32, #tpu.memory_space<vmem>>[vector<16xi32>, vector<16xi32>], vector<16xf32>,
      %gather3A_259 = tpu.vector_load_idx %arg13[%iota3A, %add3A_257] : memref<16x256xf32, #tpu.memory_space<vmem>>[vector<16xi32>, vector<16xi32>], vector<16xf32>,
      %mul3A_260 = arith.mulf %gather3A_258, %gather3A_259 : vector<16xf32>
      %add3A_261 = arith.addf %add3A_256, %mul3A_260 : vector<16xf32>
      %add3A_262 = arith.addi %add3A_257, %broadcast_in_dim3A_5 : vector<16xi32>
      %gather3A_263 = tpu.vector_load_idx %arg12[%iota3A, %add3A_262] : memref<16x256xf32, #tpu.memory_space<vmem>>[vector<16xi32>, vector<16xi32>], vector<16xf32>,
      %gather3A_264 = tpu.vector_load_idx %arg13[%iota3A, %add3A_262] : memref<16x256xf32, #tpu.memory_space<vmem>>[vector<16xi32>, vector<16xi32>], vector<16xf32>,
      %mul3A_265 = arith.mulf %gather3A_263, %gather3A_264 : vector<16xf32>
      %add3A_266 = arith.addf %add3A_261, %mul3A_265 : vector<16xf32>
      %add3A_267 = arith.addi %add3A_262, %broadcast_in_dim3A_5 : vector<16xi32>
      %gather3A_268 = tpu.vector_load_idx %arg12[%iota3A, %add3A_267] : memref<16x256xf32, #tpu.memory_space<vmem>>[vector<16xi32>, vector<16xi32>], vector<16xf32>,
      %gather3A_269 = tpu.vector_load_idx %arg13[%iota3A, %add3A_267] : memref<16x256xf32, #tpu.memory_space<vmem>>[vector<16xi32>, vector<16xi32>], vector<16xf32>,
      %mul3A_270 = arith.mulf %gather3A_268, %gather3A_269 : vector<16xf32>
      %add3A_271 = arith.addf %add3A_266, %mul3A_270 : vector<16xf32>
      %add3A_272 = arith.addi %add3A_267, %broadcast_in_dim3A_5 : vector<16xi32>
      %gather3A_273 = tpu.vector_load_idx %arg12[%iota3A, %add3A_272] : memref<16x256xf32, #tpu.memory_space<vmem>>[vector<16xi32>, vector<16xi32>], vector<16xf32>,
      %gather3A_274 = tpu.vector_load_idx %arg13[%iota3A, %add3A_272] : memref<16x256xf32, #tpu.memory_space<vmem>>[vector<16xi32>, vector<16xi32>], vector<16xf32>,
      %mul3A_275 = arith.mulf %gather3A_273, %gather3A_274 : vector<16xf32>
      %add3A_276 = arith.addf %add3A_271, %mul3A_275 : vector<16xf32>
      %add3A_277 = arith.addi %add3A_272, %broadcast_in_dim3A_5 : vector<16xi32>
      %gather3A_278 = tpu.vector_load_idx %arg12[%iota3A, %add3A_277] : memref<16x256xf32, #tpu.memory_space<vmem>>[vector<16xi32>, vector<16xi32>], vector<16xf32>,
      %gather3A_279 = tpu.vector_load_idx %arg13[%iota3A, %add3A_277] : memref<16x256xf32, #tpu.memory_space<vmem>>[vector<16xi32>, vector<16xi32>], vector<16xf32>,
      %mul3A_280 = arith.mulf %gather3A_278, %gather3A_279 : vector<16xf32>
      %add3A_281 = arith.addf %add3A_276, %mul3A_280 : vector<16xf32>
      %add3A_282 = arith.addi %add3A_277, %broadcast_in_dim3A_5 : vector<16xi32>
      %gather3A_283 = tpu.vector_load_idx %arg12[%iota3A, %add3A_282] : memref<16x256xf32, #tpu.memory_space<vmem>>[vector<16xi32>, vector<16xi32>], vector<16xf32>,
      %gather3A_284 = tpu.vector_load_idx %arg13[%iota3A, %add3A_282] : memref<16x256xf32, #tpu.memory_space<vmem>>[vector<16xi32>, vector<16xi32>], vector<16xf32>,
      %mul3A_285 = arith.mulf %gather3A_283, %gather3A_284 : vector<16xf32>
      %add3A_286 = arith.addf %add3A_281, %mul3A_285 : vector<16xf32>
      %add3A_287 = arith.addi %add3A_282, %broadcast_in_dim3A_5 : vector<16xi32>
      %gather3A_288 = tpu.vector_load_idx %arg12[%iota3A, %add3A_287] : memref<16x256xf32, #tpu.memory_space<vmem>>[vector<16xi32>, vector<16xi32>], vector<16xf32>,
      %gather3A_289 = tpu.vector_load_idx %arg13[%iota3A, %add3A_287] : memref<16x256xf32, #tpu.memory_space<vmem>>[vector<16xi32>, vector<16xi32>], vector<16xf32>,
      %mul3A_290 = arith.mulf %gather3A_288, %gather3A_289 : vector<16xf32>
      %add3A_291 = arith.addf %add3A_286, %mul3A_290 : vector<16xf32>
      %add3A_292 = arith.addi %add3A_287, %broadcast_in_dim3A_5 : vector<16xi32>
      %gather3A_293 = tpu.vector_load_idx %arg12[%iota3A, %add3A_292] : memref<16x256xf32, #tpu.memory_space<vmem>>[vector<16xi32>, vector<16xi32>], vector<16xf32>,
      %gather3A_294 = tpu.vector_load_idx %arg13[%iota3A, %add3A_292] : memref<16x256xf32, #tpu.memory_space<vmem>>[vector<16xi32>, vector<16xi32>], vector<16xf32>,
      %mul3A_295 = arith.mulf %gather3A_293, %gather3A_294 : vector<16xf32>
      %add3A_296 = arith.addf %add3A_291, %mul3A_295 : vector<16xf32>
      %add3A_297 = arith.addi %add3A_292, %broadcast_in_dim3A_5 : vector<16xi32>
      %gather3A_298 = tpu.vector_load_idx %arg12[%iota3A, %add3A_297] : memref<16x256xf32, #tpu.memory_space<vmem>>[vector<16xi32>, vector<16xi32>], vector<16xf32>,
      %gather3A_299 = tpu.vector_load_idx %arg13[%iota3A, %add3A_297] : memref<16x256xf32, #tpu.memory_space<vmem>>[vector<16xi32>, vector<16xi32>], vector<16xf32>,
      %mul3A_300 = arith.mulf %gather3A_298, %gather3A_299 : vector<16xf32>
      %add3A_301 = arith.addf %add3A_296, %mul3A_300 : vector<16xf32>
      %add3A_302 = arith.addi %add3A_297, %broadcast_in_dim3A_5 : vector<16xi32>
      %gather3A_303 = tpu.vector_load_idx %arg12[%iota3A, %add3A_302] : memref<16x256xf32, #tpu.memory_space<vmem>>[vector<16xi32>, vector<16xi32>], vector<16xf32>,
      %gather3A_304 = tpu.vector_load_idx %arg13[%iota3A, %add3A_302] : memref<16x256xf32, #tpu.memory_space<vmem>>[vector<16xi32>, vector<16xi32>], vector<16xf32>,
      %mul3A_305 = arith.mulf %gather3A_303, %gather3A_304 : vector<16xf32>
      %add3A_306 = arith.addf %add3A_301, %mul3A_305 : vector<16xf32>
      %add3A_307 = arith.addi %add3A_302, %broadcast_in_dim3A_5 : vector<16xi32>
      %gather3A_308 = tpu.vector_load_idx %arg12[%iota3A, %add3A_307] : memref<16x256xf32, #tpu.memory_space<vmem>>[vector<16xi32>, vector<16xi32>], vector<16xf32>,
      %gather3A_309 = tpu.vector_load_idx %arg13[%iota3A, %add3A_307] : memref<16x256xf32, #tpu.memory_space<vmem>>[vector<16xi32>, vector<16xi32>], vector<16xf32>,
      %mul3A_310 = arith.mulf %gather3A_308, %gather3A_309 : vector<16xf32>
      %add3A_311 = arith.addf %add3A_306, %mul3A_310 : vector<16xf32>
      %add3A_312 = arith.addi %add3A_307, %broadcast_in_dim3A_5 : vector<16xi32>
      %gather3A_313 = tpu.vector_load_idx %arg12[%iota3A, %add3A_312] : memref<16x256xf32, #tpu.memory_space<vmem>>[vector<16xi32>, vector<16xi32>], vector<16xf32>,
      %gather3A_314 = tpu.vector_load_idx %arg13[%iota3A, %add3A_312] : memref<16x256xf32, #tpu.memory_space<vmem>>[vector<16xi32>, vector<16xi32>], vector<16xf32>,
      %mul3A_315 = arith.mulf %gather3A_313, %gather3A_314 : vector<16xf32>
      %add3A_316 = arith.addf %add3A_311, %mul3A_315 : vector<16xf32>
      %add3A_317 = arith.addi %add3A_312, %broadcast_in_dim3A_5 : vector<16xi32>
      %gather3A_318 = tpu.vector_load_idx %arg12[%iota3A, %add3A_317] : memref<16x256xf32, #tpu.memory_space<vmem>>[vector<16xi32>, vector<16xi32>], vector<16xf32>,
      %gather3A_319 = tpu.vector_load_idx %arg13[%iota3A, %add3A_317] : memref<16x256xf32, #tpu.memory_space<vmem>>[vector<16xi32>, vector<16xi32>], vector<16xf32>,
      %mul3A_320 = arith.mulf %gather3A_318, %gather3A_319 : vector<16xf32>
      %add3A_321 = arith.addf %add3A_316, %mul3A_320 : vector<16xf32>
      %add3A_322 = arith.addi %add3A_317, %broadcast_in_dim3A_5 : vector<16xi32>
      %gather3A_323 = tpu.vector_load_idx %arg12[%iota3A, %add3A_322] : memref<16x256xf32, #tpu.memory_space<vmem>>[vector<16xi32>, vector<16xi32>], vector<16xf32>,
      %gather3A_324 = tpu.vector_load_idx %arg13[%iota3A, %add3A_322] : memref<16x256xf32, #tpu.memory_space<vmem>>[vector<16xi32>, vector<16xi32>], vector<16xf32>,
      %mul3A_325 = arith.mulf %gather3A_323, %gather3A_324 : vector<16xf32>
      %add3A_326 = arith.addf %add3A_321, %mul3A_325 : vector<16xf32>
      %add3A_327 = arith.addi %add3A_322, %broadcast_in_dim3A_5 : vector<16xi32>
      %gather3A_328 = tpu.vector_load_idx %arg12[%iota3A, %add3A_327] : memref<16x256xf32, #tpu.memory_space<vmem>>[vector<16xi32>, vector<16xi32>], vector<16xf32>,
      %gather3A_329 = tpu.vector_load_idx %arg13[%iota3A, %add3A_327] : memref<16x256xf32, #tpu.memory_space<vmem>>[vector<16xi32>, vector<16xi32>], vector<16xf32>,
      %mul3A_330 = arith.mulf %gather3A_328, %gather3A_329 : vector<16xf32>
      %add3A_331 = arith.addf %add3A_326, %mul3A_330 : vector<16xf32>
      %add3A_332 = arith.addi %add3A_327, %broadcast_in_dim3A_5 : vector<16xi32>
      %gather3A_333 = tpu.vector_load_idx %arg12[%iota3A, %add3A_332] : memref<16x256xf32, #tpu.memory_space<vmem>>[vector<16xi32>, vector<16xi32>], vector<16xf32>,
      %gather3A_334 = tpu.vector_load_idx %arg13[%iota3A, %add3A_332] : memref<16x256xf32, #tpu.memory_space<vmem>>[vector<16xi32>, vector<16xi32>], vector<16xf32>,
      %mul3A_335 = arith.mulf %gather3A_333, %gather3A_334 : vector<16xf32>
      %add3A_336 = arith.addf %add3A_331, %mul3A_335 : vector<16xf32>
      %add3A_337 = arith.addi %add3A_332, %broadcast_in_dim3A_5 : vector<16xi32>
      %gather3A_338 = tpu.vector_load_idx %arg12[%iota3A, %add3A_337] : memref<16x256xf32, #tpu.memory_space<vmem>>[vector<16xi32>, vector<16xi32>], vector<16xf32>,
      %gather3A_339 = tpu.vector_load_idx %arg13[%iota3A, %add3A_337] : memref<16x256xf32, #tpu.memory_space<vmem>>[vector<16xi32>, vector<16xi32>], vector<16xf32>,
      %mul3A_340 = arith.mulf %gather3A_338, %gather3A_339 : vector<16xf32>
      %add3A_341 = arith.addf %add3A_336, %mul3A_340 : vector<16xf32>
      %add3A_342 = arith.addi %add3A_337, %broadcast_in_dim3A_5 : vector<16xi32>
      %gather3A_343 = tpu.vector_load_idx %arg12[%iota3A, %add3A_342] : memref<16x256xf32, #tpu.memory_space<vmem>>[vector<16xi32>, vector<16xi32>], vector<16xf32>,
      %gather3A_344 = tpu.vector_load_idx %arg13[%iota3A, %add3A_342] : memref<16x256xf32, #tpu.memory_space<vmem>>[vector<16xi32>, vector<16xi32>], vector<16xf32>,
      %mul3A_345 = arith.mulf %gather3A_343, %gather3A_344 : vector<16xf32>
      %add3A_346 = arith.addf %add3A_341, %mul3A_345 : vector<16xf32>
      %add3A_347 = arith.addi %add3A_342, %broadcast_in_dim3A_5 : vector<16xi32>
      %gather3A_348 = tpu.vector_load_idx %arg12[%iota3A, %add3A_347] : memref<16x256xf32, #tpu.memory_space<vmem>>[vector<16xi32>, vector<16xi32>], vector<16xf32>,
      %gather3A_349 = tpu.vector_load_idx %arg13[%iota3A, %add3A_347] : memref<16x256xf32, #tpu.memory_space<vmem>>[vector<16xi32>, vector<16xi32>], vector<16xf32>,
      %mul3A_350 = arith.mulf %gather3A_348, %gather3A_349 : vector<16xf32>
      %add3A_351 = arith.addf %add3A_346, %mul3A_350 : vector<16xf32>
      %add3A_352 = arith.addi %add3A_347, %broadcast_in_dim3A_5 : vector<16xi32>
      %gather3A_353 = tpu.vector_load_idx %arg12[%iota3A, %add3A_352] : memref<16x256xf32, #tpu.memory_space<vmem>>[vector<16xi32>, vector<16xi32>], vector<16xf32>,
      %gather3A_354 = tpu.vector_load_idx %arg13[%iota3A, %add3A_352] : memref<16x256xf32, #tpu.memory_space<vmem>>[vector<16xi32>, vector<16xi32>], vector<16xf32>,
      %mul3A_355 = arith.mulf %gather3A_353, %gather3A_354 : vector<16xf32>
      %add3A_356 = arith.addf %add3A_351, %mul3A_355 : vector<16xf32>
      %add3A_357 = arith.addi %add3A_352, %broadcast_in_dim3A_5 : vector<16xi32>
      %gather3A_358 = tpu.vector_load_idx %arg12[%iota3A, %add3A_357] : memref<16x256xf32, #tpu.memory_space<vmem>>[vector<16xi32>, vector<16xi32>], vector<16xf32>,
      %gather3A_359 = tpu.vector_load_idx %arg13[%iota3A, %add3A_357] : memref<16x256xf32, #tpu.memory_space<vmem>>[vector<16xi32>, vector<16xi32>], vector<16xf32>,
      %mul3A_360 = arith.mulf %gather3A_358, %gather3A_359 : vector<16xf32>
      %add3A_361 = arith.addf %add3A_356, %mul3A_360 : vector<16xf32>
      %add3A_362 = arith.addi %add3A_357, %broadcast_in_dim3A_5 : vector<16xi32>
      %gather3A_363 = tpu.vector_load_idx %arg12[%iota3A, %add3A_362] : memref<16x256xf32, #tpu.memory_space<vmem>>[vector<16xi32>, vector<16xi32>], vector<16xf32>,
      %gather3A_364 = tpu.vector_load_idx %arg13[%iota3A, %add3A_362] : memref<16x256xf32, #tpu.memory_space<vmem>>[vector<16xi32>, vector<16xi32>], vector<16xf32>,
      %mul3A_365 = arith.mulf %gather3A_363, %gather3A_364 : vector<16xf32>
      %add3A_366 = arith.addf %add3A_361, %mul3A_365 : vector<16xf32>
      %add3A_367 = arith.addi %add3A_362, %broadcast_in_dim3A_5 : vector<16xi32>
      %mul3A_368 = arith.constant 0.176776692 : f32
      %mul3A_369 = vector.broadcast %mul3A_368 : f32 to vector<16xf32>
      %mul3A_370 = arith.mulf %add3A_366, %mul3A_369 : vector<16xf32>
      %exp3A_371 = math.exp %mul3A_370 : vector<16xf32>
      %broadcast_in_dim3A_372 = arith.constant 1 : i32
      %broadcast_in_dim3A_373 = vector.broadcast %broadcast_in_dim3A_372 : i32 to vector<16xi32>
      tpu.vector_store_idx %arg14[%add3A_39, %broadcast_in_dim3A_373], %mul3A_370 : memref<5008x8xf32, #tpu.memory_space<vmem>>[vector<16xi32>, vector<16xi32>], vector<16xf32>,
      tpu.vector_store_idx %arg15[%add3A_39, %broadcast_in_dim3A_373], %exp3A_371 : memref<5008x8xf32, #tpu.memory_space<vmem>>[vector<16xi32>, vector<16xi32>], vector<16xf32>,
      %broadcast_in_dim3A_374 = arith.constant 0.000000e+00 : f32
      %broadcast_in_dim3A_375 = vector.broadcast %broadcast_in_dim3A_374 : f32 to vector<16xf32>
      %gather3A_376 = tpu.vector_load_idx %arg12[%iota3A, %add3A_367] : memref<16x256xf32, #tpu.memory_space<vmem>>[vector<16xi32>, vector<16xi32>], vector<16xf32>,
      %gather3A_377 = tpu.vector_load_idx %arg13[%iota3A, %add3A_367] : memref<16x256xf32, #tpu.memory_space<vmem>>[vector<16xi32>, vector<16xi32>], vector<16xf32>,
      %mul3A_378 = arith.mulf %gather3A_376, %gather3A_377 : vector<16xf32>
      %add3A_379 = arith.addf %broadcast_in_dim3A_375, %mul3A_378 : vector<16xf32>
      %add3A_380 = arith.addi %add3A_367, %broadcast_in_dim3A_5 : vector<16xi32>
      %gather3A_381 = tpu.vector_load_idx %arg12[%iota3A, %add3A_380] : memref<16x256xf32, #tpu.memory_space<vmem>>[vector<16xi32>, vector<16xi32>], vector<16xf32>,
      %gather3A_382 = tpu.vector_load_idx %arg13[%iota3A, %add3A_380] : memref<16x256xf32, #tpu.memory_space<vmem>>[vector<16xi32>, vector<16xi32>], vector<16xf32>,
      %mul3A_383 = arith.mulf %gather3A_381, %gather3A_382 : vector<16xf32>
      %add3A_384 = arith.addf %add3A_379, %mul3A_383 : vector<16xf32>
      %add3A_385 = arith.addi %add3A_380, %broadcast_in_dim3A_5 : vector<16xi32>
      %gather3A_386 = tpu.vector_load_idx %arg12[%iota3A, %add3A_385] : memref<16x256xf32, #tpu.memory_space<vmem>>[vector<16xi32>, vector<16xi32>], vector<16xf32>,
      %gather3A_387 = tpu.vector_load_idx %arg13[%iota3A, %add3A_385] : memref<16x256xf32, #tpu.memory_space<vmem>>[vector<16xi32>, vector<16xi32>], vector<16xf32>,
      %mul3A_388 = arith.mulf %gather3A_386, %gather3A_387 : vector<16xf32>
      %add3A_389 = arith.addf %add3A_384, %mul3A_388 : vector<16xf32>
      %add3A_390 = arith.addi %add3A_385, %broadcast_in_dim3A_5 : vector<16xi32>
      %gather3A_391 = tpu.vector_load_idx %arg12[%iota3A, %add3A_390] : memref<16x256xf32, #tpu.memory_space<vmem>>[vector<16xi32>, vector<16xi32>], vector<16xf32>,
      %gather3A_392 = tpu.vector_load_idx %arg13[%iota3A, %add3A_390] : memref<16x256xf32, #tpu.memory_space<vmem>>[vector<16xi32>, vector<16xi32>], vector<16xf32>,
      %mul3A_393 = arith.mulf %gather3A_391, %gather3A_392 : vector<16xf32>
      %add3A_394 = arith.addf %add3A_389, %mul3A_393 : vector<16xf32>
      %add3A_395 = arith.addi %add3A_390, %broadcast_in_dim3A_5 : vector<16xi32>
      %gather3A_396 = tpu.vector_load_idx %arg12[%iota3A, %add3A_395] : memref<16x256xf32, #tpu.memory_space<vmem>>[vector<16xi32>, vector<16xi32>], vector<16xf32>,
      %gather3A_397 = tpu.vector_load_idx %arg13[%iota3A, %add3A_395] : memref<16x256xf32, #tpu.memory_space<vmem>>[vector<16xi32>, vector<16xi32>], vector<16xf32>,
      %mul3A_398 = arith.mulf %gather3A_396, %gather3A_397 : vector<16xf32>
      %add3A_399 = arith.addf %add3A_394, %mul3A_398 : vector<16xf32>
      %add3A_400 = arith.addi %add3A_395, %broadcast_in_dim3A_5 : vector<16xi32>
      %gather3A_401 = tpu.vector_load_idx %arg12[%iota3A, %add3A_400] : memref<16x256xf32, #tpu.memory_space<vmem>>[vector<16xi32>, vector<16xi32>], vector<16xf32>,
      %gather3A_402 = tpu.vector_load_idx %arg13[%iota3A, %add3A_400] : memref<16x256xf32, #tpu.memory_space<vmem>>[vector<16xi32>, vector<16xi32>], vector<16xf32>,
      %mul3A_403 = arith.mulf %gather3A_401, %gather3A_402 : vector<16xf32>
      %add3A_404 = arith.addf %add3A_399, %mul3A_403 : vector<16xf32>
      %add3A_405 = arith.addi %add3A_400, %broadcast_in_dim3A_5 : vector<16xi32>
      %gather3A_406 = tpu.vector_load_idx %arg12[%iota3A, %add3A_405] : memref<16x256xf32, #tpu.memory_space<vmem>>[vector<16xi32>, vector<16xi32>], vector<16xf32>,
      %gather3A_407 = tpu.vector_load_idx %arg13[%iota3A, %add3A_405] : memref<16x256xf32, #tpu.memory_space<vmem>>[vector<16xi32>, vector<16xi32>], vector<16xf32>,
      %mul3A_408 = arith.mulf %gather3A_406, %gather3A_407 : vector<16xf32>
      %add3A_409 = arith.addf %add3A_404, %mul3A_408 : vector<16xf32>
      %add3A_410 = arith.addi %add3A_405, %broadcast_in_dim3A_5 : vector<16xi32>
      %gather3A_411 = tpu.vector_load_idx %arg12[%iota3A, %add3A_410] : memref<16x256xf32, #tpu.memory_space<vmem>>[vector<16xi32>, vector<16xi32>], vector<16xf32>,
      %gather3A_412 = tpu.vector_load_idx %arg13[%iota3A, %add3A_410] : memref<16x256xf32, #tpu.memory_space<vmem>>[vector<16xi32>, vector<16xi32>], vector<16xf32>,
      %mul3A_413 = arith.mulf %gather3A_411, %gather3A_412 : vector<16xf32>
      %add3A_414 = arith.addf %add3A_409, %mul3A_413 : vector<16xf32>
      %add3A_415 = arith.addi %add3A_410, %broadcast_in_dim3A_5 : vector<16xi32>
      %gather3A_416 = tpu.vector_load_idx %arg12[%iota3A, %add3A_415] : memref<16x256xf32, #tpu.memory_space<vmem>>[vector<16xi32>, vector<16xi32>], vector<16xf32>,
      %gather3A_417 = tpu.vector_load_idx %arg13[%iota3A, %add3A_415] : memref<16x256xf32, #tpu.memory_space<vmem>>[vector<16xi32>, vector<16xi32>], vector<16xf32>,
      %mul3A_418 = arith.mulf %gather3A_416, %gather3A_417 : vector<16xf32>
      %add3A_419 = arith.addf %add3A_414, %mul3A_418 : vector<16xf32>
      %add3A_420 = arith.addi %add3A_415, %broadcast_in_dim3A_5 : vector<16xi32>
      %gather3A_421 = tpu.vector_load_idx %arg12[%iota3A, %add3A_420] : memref<16x256xf32, #tpu.memory_space<vmem>>[vector<16xi32>, vector<16xi32>], vector<16xf32>,
      %gather3A_422 = tpu.vector_load_idx %arg13[%iota3A, %add3A_420] : memref<16x256xf32, #tpu.memory_space<vmem>>[vector<16xi32>, vector<16xi32>], vector<16xf32>,
      %mul3A_423 = arith.mulf %gather3A_421, %gather3A_422 : vector<16xf32>
      %add3A_424 = arith.addf %add3A_419, %mul3A_423 : vector<16xf32>
      %add3A_425 = arith.addi %add3A_420, %broadcast_in_dim3A_5 : vector<16xi32>
      %gather3A_426 = tpu.vector_load_idx %arg12[%iota3A, %add3A_425] : memref<16x256xf32, #tpu.memory_space<vmem>>[vector<16xi32>, vector<16xi32>], vector<16xf32>,
      %gather3A_427 = tpu.vector_load_idx %arg13[%iota3A, %add3A_425] : memref<16x256xf32, #tpu.memory_space<vmem>>[vector<16xi32>, vector<16xi32>], vector<16xf32>,
      %mul3A_428 = arith.mulf %gather3A_426, %gather3A_427 : vector<16xf32>
      %add3A_429 = arith.addf %add3A_424, %mul3A_428 : vector<16xf32>
      %add3A_430 = arith.addi %add3A_425, %broadcast_in_dim3A_5 : vector<16xi32>
      %gather3A_431 = tpu.vector_load_idx %arg12[%iota3A, %add3A_430] : memref<16x256xf32, #tpu.memory_space<vmem>>[vector<16xi32>, vector<16xi32>], vector<16xf32>,
      %gather3A_432 = tpu.vector_load_idx %arg13[%iota3A, %add3A_430] : memref<16x256xf32, #tpu.memory_space<vmem>>[vector<16xi32>, vector<16xi32>], vector<16xf32>,
      %mul3A_433 = arith.mulf %gather3A_431, %gather3A_432 : vector<16xf32>
      %add3A_434 = arith.addf %add3A_429, %mul3A_433 : vector<16xf32>
      %add3A_435 = arith.addi %add3A_430, %broadcast_in_dim3A_5 : vector<16xi32>
      %gather3A_436 = tpu.vector_load_idx %arg12[%iota3A, %add3A_435] : memref<16x256xf32, #tpu.memory_space<vmem>>[vector<16xi32>, vector<16xi32>], vector<16xf32>,
      %gather3A_437 = tpu.vector_load_idx %arg13[%iota3A, %add3A_435] : memref<16x256xf32, #tpu.memory_space<vmem>>[vector<16xi32>, vector<16xi32>], vector<16xf32>,
      %mul3A_438 = arith.mulf %gather3A_436, %gather3A_437 : vector<16xf32>
      %add3A_439 = arith.addf %add3A_434, %mul3A_438 : vector<16xf32>
      %add3A_440 = arith.addi %add3A_435, %broadcast_in_dim3A_5 : vector<16xi32>
      %gather3A_441 = tpu.vector_load_idx %arg12[%iota3A, %add3A_440] : memref<16x256xf32, #tpu.memory_space<vmem>>[vector<16xi32>, vector<16xi32>], vector<16xf32>,
      %gather3A_442 = tpu.vector_load_idx %arg13[%iota3A, %add3A_440] : memref<16x256xf32, #tpu.memory_space<vmem>>[vector<16xi32>, vector<16xi32>], vector<16xf32>,
      %mul3A_443 = arith.mulf %gather3A_441, %gather3A_442 : vector<16xf32>
      %add3A_444 = arith.addf %add3A_439, %mul3A_443 : vector<16xf32>
      %add3A_445 = arith.addi %add3A_440, %broadcast_in_dim3A_5 : vector<16xi32>
      %gather3A_446 = tpu.vector_load_idx %arg12[%iota3A, %add3A_445] : memref<16x256xf32, #tpu.memory_space<vmem>>[vector<16xi32>, vector<16xi32>], vector<16xf32>,
      %gather3A_447 = tpu.vector_load_idx %arg13[%iota3A, %add3A_445] : memref<16x256xf32, #tpu.memory_space<vmem>>[vector<16xi32>, vector<16xi32>], vector<16xf32>,
      %mul3A_448 = arith.mulf %gather3A_446, %gather3A_447 : vector<16xf32>
      %add3A_449 = arith.addf %add3A_444, %mul3A_448 : vector<16xf32>
      %add3A_450 = arith.addi %add3A_445, %broadcast_in_dim3A_5 : vector<16xi32>
      %gather3A_451 = tpu.vector_load_idx %arg12[%iota3A, %add3A_450] : memref<16x256xf32, #tpu.memory_space<vmem>>[vector<16xi32>, vector<16xi32>], vector<16xf32>,
      %gather3A_452 = tpu.vector_load_idx %arg13[%iota3A, %add3A_450] : memref<16x256xf32, #tpu.memory_space<vmem>>[vector<16xi32>, vector<16xi32>], vector<16xf32>,
      %mul3A_453 = arith.mulf %gather3A_451, %gather3A_452 : vector<16xf32>
      %add3A_454 = arith.addf %add3A_449, %mul3A_453 : vector<16xf32>
      %add3A_455 = arith.addi %add3A_450, %broadcast_in_dim3A_5 : vector<16xi32>
      %gather3A_456 = tpu.vector_load_idx %arg12[%iota3A, %add3A_455] : memref<16x256xf32, #tpu.memory_space<vmem>>[vector<16xi32>, vector<16xi32>], vector<16xf32>,
      %gather3A_457 = tpu.vector_load_idx %arg13[%iota3A, %add3A_455] : memref<16x256xf32, #tpu.memory_space<vmem>>[vector<16xi32>, vector<16xi32>], vector<16xf32>,
      %mul3A_458 = arith.mulf %gather3A_456, %gather3A_457 : vector<16xf32>
      %add3A_459 = arith.addf %add3A_454, %mul3A_458 : vector<16xf32>
      %add3A_460 = arith.addi %add3A_455, %broadcast_in_dim3A_5 : vector<16xi32>
      %gather3A_461 = tpu.vector_load_idx %arg12[%iota3A, %add3A_460] : memref<16x256xf32, #tpu.memory_space<vmem>>[vector<16xi32>, vector<16xi32>], vector<16xf32>,
      %gather3A_462 = tpu.vector_load_idx %arg13[%iota3A, %add3A_460] : memref<16x256xf32, #tpu.memory_space<vmem>>[vector<16xi32>, vector<16xi32>], vector<16xf32>,
      %mul3A_463 = arith.mulf %gather3A_461, %gather3A_462 : vector<16xf32>
      %add3A_464 = arith.addf %add3A_459, %mul3A_463 : vector<16xf32>
      %add3A_465 = arith.addi %add3A_460, %broadcast_in_dim3A_5 : vector<16xi32>
      %gather3A_466 = tpu.vector_load_idx %arg12[%iota3A, %add3A_465] : memref<16x256xf32, #tpu.memory_space<vmem>>[vector<16xi32>, vector<16xi32>], vector<16xf32>,
      %gather3A_467 = tpu.vector_load_idx %arg13[%iota3A, %add3A_465] : memref<16x256xf32, #tpu.memory_space<vmem>>[vector<16xi32>, vector<16xi32>], vector<16xf32>,
      %mul3A_468 = arith.mulf %gather3A_466, %gather3A_467 : vector<16xf32>
      %add3A_469 = arith.addf %add3A_464, %mul3A_468 : vector<16xf32>
      %add3A_470 = arith.addi %add3A_465, %broadcast_in_dim3A_5 : vector<16xi32>
      %gather3A_471 = tpu.vector_load_idx %arg12[%iota3A, %add3A_470] : memref<16x256xf32, #tpu.memory_space<vmem>>[vector<16xi32>, vector<16xi32>], vector<16xf32>,
      %gather3A_472 = tpu.vector_load_idx %arg13[%iota3A, %add3A_470] : memref<16x256xf32, #tpu.memory_space<vmem>>[vector<16xi32>, vector<16xi32>], vector<16xf32>,
      %mul3A_473 = arith.mulf %gather3A_471, %gather3A_472 : vector<16xf32>
      %add3A_474 = arith.addf %add3A_469, %mul3A_473 : vector<16xf32>
      %add3A_475 = arith.addi %add3A_470, %broadcast_in_dim3A_5 : vector<16xi32>
      %gather3A_476 = tpu.vector_load_idx %arg12[%iota3A, %add3A_475] : memref<16x256xf32, #tpu.memory_space<vmem>>[vector<16xi32>, vector<16xi32>], vector<16xf32>,
      %gather3A_477 = tpu.vector_load_idx %arg13[%iota3A, %add3A_475] : memref<16x256xf32, #tpu.memory_space<vmem>>[vector<16xi32>, vector<16xi32>], vector<16xf32>,
      %mul3A_478 = arith.mulf %gather3A_476, %gather3A_477 : vector<16xf32>
      %add3A_479 = arith.addf %add3A_474, %mul3A_478 : vector<16xf32>
      %add3A_480 = arith.addi %add3A_475, %broadcast_in_dim3A_5 : vector<16xi32>
      %gather3A_481 = tpu.vector_load_idx %arg12[%iota3A, %add3A_480] : memref<16x256xf32, #tpu.memory_space<vmem>>[vector<16xi32>, vector<16xi32>], vector<16xf32>,
      %gather3A_482 = tpu.vector_load_idx %arg13[%iota3A, %add3A_480] : memref<16x256xf32, #tpu.memory_space<vmem>>[vector<16xi32>, vector<16xi32>], vector<16xf32>,
      %mul3A_483 = arith.mulf %gather3A_481, %gather3A_482 : vector<16xf32>
      %add3A_484 = arith.addf %add3A_479, %mul3A_483 : vector<16xf32>
      %add3A_485 = arith.addi %add3A_480, %broadcast_in_dim3A_5 : vector<16xi32>
      %gather3A_486 = tpu.vector_load_idx %arg12[%iota3A, %add3A_485] : memref<16x256xf32, #tpu.memory_space<vmem>>[vector<16xi32>, vector<16xi32>], vector<16xf32>,
      %gather3A_487 = tpu.vector_load_idx %arg13[%iota3A, %add3A_485] : memref<16x256xf32, #tpu.memory_space<vmem>>[vector<16xi32>, vector<16xi32>], vector<16xf32>,
      %mul3A_488 = arith.mulf %gather3A_486, %gather3A_487 : vector<16xf32>
      %add3A_489 = arith.addf %add3A_484, %mul3A_488 : vector<16xf32>
      %add3A_490 = arith.addi %add3A_485, %broadcast_in_dim3A_5 : vector<16xi32>
      %gather3A_491 = tpu.vector_load_idx %arg12[%iota3A, %add3A_490] : memref<16x256xf32, #tpu.memory_space<vmem>>[vector<16xi32>, vector<16xi32>], vector<16xf32>,
      %gather3A_492 = tpu.vector_load_idx %arg13[%iota3A, %add3A_490] : memref<16x256xf32, #tpu.memory_space<vmem>>[vector<16xi32>, vector<16xi32>], vector<16xf32>,
      %mul3A_493 = arith.mulf %gather3A_491, %gather3A_492 : vector<16xf32>
      %add3A_494 = arith.addf %add3A_489, %mul3A_493 : vector<16xf32>
      %add3A_495 = arith.addi %add3A_490, %broadcast_in_dim3A_5 : vector<16xi32>
      %gather3A_496 = tpu.vector_load_idx %arg12[%iota3A, %add3A_495] : memref<16x256xf32, #tpu.memory_space<vmem>>[vector<16xi32>, vector<16xi32>], vector<16xf32>,
      %gather3A_497 = tpu.vector_load_idx %arg13[%iota3A, %add3A_495] : memref<16x256xf32, #tpu.memory_space<vmem>>[vector<16xi32>, vector<16xi32>], vector<16xf32>,
      %mul3A_498 = arith.mulf %gather3A_496, %gather3A_497 : vector<16xf32>
      %add3A_499 = arith.addf %add3A_494, %mul3A_498 : vector<16xf32>
      %add3A_500 = arith.addi %add3A_495, %broadcast_in_dim3A_5 : vector<16xi32>
      %gather3A_501 = tpu.vector_load_idx %arg12[%iota3A, %add3A_500] : memref<16x256xf32, #tpu.memory_space<vmem>>[vector<16xi32>, vector<16xi32>], vector<16xf32>,
      %gather3A_502 = tpu.vector_load_idx %arg13[%iota3A, %add3A_500] : memref<16x256xf32, #tpu.memory_space<vmem>>[vector<16xi32>, vector<16xi32>], vector<16xf32>,
      %mul3A_503 = arith.mulf %gather3A_501, %gather3A_502 : vector<16xf32>
      %add3A_504 = arith.addf %add3A_499, %mul3A_503 : vector<16xf32>
      %add3A_505 = arith.addi %add3A_500, %broadcast_in_dim3A_5 : vector<16xi32>
      %gather3A_506 = tpu.vector_load_idx %arg12[%iota3A, %add3A_505] : memref<16x256xf32, #tpu.memory_space<vmem>>[vector<16xi32>, vector<16xi32>], vector<16xf32>,
      %gather3A_507 = tpu.vector_load_idx %arg13[%iota3A, %add3A_505] : memref<16x256xf32, #tpu.memory_space<vmem>>[vector<16xi32>, vector<16xi32>], vector<16xf32>,
      %mul3A_508 = arith.mulf %gather3A_506, %gather3A_507 : vector<16xf32>
      %add3A_509 = arith.addf %add3A_504, %mul3A_508 : vector<16xf32>
      %add3A_510 = arith.addi %add3A_505, %broadcast_in_dim3A_5 : vector<16xi32>
      %gather3A_511 = tpu.vector_load_idx %arg12[%iota3A, %add3A_510] : memref<16x256xf32, #tpu.memory_space<vmem>>[vector<16xi32>, vector<16xi32>], vector<16xf32>,
      %gather3A_512 = tpu.vector_load_idx %arg13[%iota3A, %add3A_510] : memref<16x256xf32, #tpu.memory_space<vmem>>[vector<16xi32>, vector<16xi32>], vector<16xf32>,
      %mul3A_513 = arith.mulf %gather3A_511, %gather3A_512 : vector<16xf32>
      %add3A_514 = arith.addf %add3A_509, %mul3A_513 : vector<16xf32>
      %add3A_515 = arith.addi %add3A_510, %broadcast_in_dim3A_5 : vector<16xi32>
      %gather3A_516 = tpu.vector_load_idx %arg12[%iota3A, %add3A_515] : memref<16x256xf32, #tpu.memory_space<vmem>>[vector<16xi32>, vector<16xi32>], vector<16xf32>,
      %gather3A_517 = tpu.vector_load_idx %arg13[%iota3A, %add3A_515] : memref<16x256xf32, #tpu.memory_space<vmem>>[vector<16xi32>, vector<16xi32>], vector<16xf32>,
      %mul3A_518 = arith.mulf %gather3A_516, %gather3A_517 : vector<16xf32>
      %add3A_519 = arith.addf %add3A_514, %mul3A_518 : vector<16xf32>
      %add3A_520 = arith.addi %add3A_515, %broadcast_in_dim3A_5 : vector<16xi32>
      %gather3A_521 = tpu.vector_load_idx %arg12[%iota3A, %add3A_520] : memref<16x256xf32, #tpu.memory_space<vmem>>[vector<16xi32>, vector<16xi32>], vector<16xf32>,
      %gather3A_522 = tpu.vector_load_idx %arg13[%iota3A, %add3A_520] : memref<16x256xf32, #tpu.memory_space<vmem>>[vector<16xi32>, vector<16xi32>], vector<16xf32>,
      %mul3A_523 = arith.mulf %gather3A_521, %gather3A_522 : vector<16xf32>
      %add3A_524 = arith.addf %add3A_519, %mul3A_523 : vector<16xf32>
      %add3A_525 = arith.addi %add3A_520, %broadcast_in_dim3A_5 : vector<16xi32>
      %gather3A_526 = tpu.vector_load_idx %arg12[%iota3A, %add3A_525] : memref<16x256xf32, #tpu.memory_space<vmem>>[vector<16xi32>, vector<16xi32>], vector<16xf32>,
      %gather3A_527 = tpu.vector_load_idx %arg13[%iota3A, %add3A_525] : memref<16x256xf32, #tpu.memory_space<vmem>>[vector<16xi32>, vector<16xi32>], vector<16xf32>,
      %mul3A_528 = arith.mulf %gather3A_526, %gather3A_527 : vector<16xf32>
      %add3A_529 = arith.addf %add3A_524, %mul3A_528 : vector<16xf32>
      %add3A_530 = arith.addi %add3A_525, %broadcast_in_dim3A_5 : vector<16xi32>
      %gather3A_531 = tpu.vector_load_idx %arg12[%iota3A, %add3A_530] : memref<16x256xf32, #tpu.memory_space<vmem>>[vector<16xi32>, vector<16xi32>], vector<16xf32>,
      %gather3A_532 = tpu.vector_load_idx %arg13[%iota3A, %add3A_530] : memref<16x256xf32, #tpu.memory_space<vmem>>[vector<16xi32>, vector<16xi32>], vector<16xf32>,
      %mul3A_533 = arith.mulf %gather3A_531, %gather3A_532 : vector<16xf32>
      %add3A_534 = arith.addf %add3A_529, %mul3A_533 : vector<16xf32>
      %add3A_535 = arith.addi %add3A_530, %broadcast_in_dim3A_5 : vector<16xi32>
      %mul3A_536 = arith.constant 0.176776692 : f32
      %mul3A_537 = vector.broadcast %mul3A_536 : f32 to vector<16xf32>
      %mul3A_538 = arith.mulf %add3A_534, %mul3A_537 : vector<16xf32>
      %exp3A_539 = math.exp %mul3A_538 : vector<16xf32>
      %broadcast_in_dim3A_540 = arith.constant 2 : i32
      %broadcast_in_dim3A_541 = vector.broadcast %broadcast_in_dim3A_540 : i32 to vector<16xi32>
      tpu.vector_store_idx %arg14[%add3A_39, %broadcast_in_dim3A_541], %mul3A_538 : memref<5008x8xf32, #tpu.memory_space<vmem>>[vector<16xi32>, vector<16xi32>], vector<16xf32>,
      tpu.vector_store_idx %arg15[%add3A_39, %broadcast_in_dim3A_541], %exp3A_539 : memref<5008x8xf32, #tpu.memory_space<vmem>>[vector<16xi32>, vector<16xi32>], vector<16xf32>,
      %broadcast_in_dim3A_542 = arith.constant 0.000000e+00 : f32
      %broadcast_in_dim3A_543 = vector.broadcast %broadcast_in_dim3A_542 : f32 to vector<16xf32>
      %gather3A_544 = tpu.vector_load_idx %arg12[%iota3A, %add3A_535] : memref<16x256xf32, #tpu.memory_space<vmem>>[vector<16xi32>, vector<16xi32>], vector<16xf32>,
      %gather3A_545 = tpu.vector_load_idx %arg13[%iota3A, %add3A_535] : memref<16x256xf32, #tpu.memory_space<vmem>>[vector<16xi32>, vector<16xi32>], vector<16xf32>,
      %mul3A_546 = arith.mulf %gather3A_544, %gather3A_545 : vector<16xf32>
      %add3A_547 = arith.addf %broadcast_in_dim3A_543, %mul3A_546 : vector<16xf32>
      %add3A_548 = arith.addi %add3A_535, %broadcast_in_dim3A_5 : vector<16xi32>
      %gather3A_549 = tpu.vector_load_idx %arg12[%iota3A, %add3A_548] : memref<16x256xf32, #tpu.memory_space<vmem>>[vector<16xi32>, vector<16xi32>], vector<16xf32>,
      %gather3A_550 = tpu.vector_load_idx %arg13[%iota3A, %add3A_548] : memref<16x256xf32, #tpu.memory_space<vmem>>[vector<16xi32>, vector<16xi32>], vector<16xf32>,
      %mul3A_551 = arith.mulf %gather3A_549, %gather3A_550 : vector<16xf32>
      %add3A_552 = arith.addf %add3A_547, %mul3A_551 : vector<16xf32>
      %add3A_553 = arith.addi %add3A_548, %broadcast_in_dim3A_5 : vector<16xi32>
      %gather3A_554 = tpu.vector_load_idx %arg12[%iota3A, %add3A_553] : memref<16x256xf32, #tpu.memory_space<vmem>>[vector<16xi32>, vector<16xi32>], vector<16xf32>,
      %gather3A_555 = tpu.vector_load_idx %arg13[%iota3A, %add3A_553] : memref<16x256xf32, #tpu.memory_space<vmem>>[vector<16xi32>, vector<16xi32>], vector<16xf32>,
      %mul3A_556 = arith.mulf %gather3A_554, %gather3A_555 : vector<16xf32>
      %add3A_557 = arith.addf %add3A_552, %mul3A_556 : vector<16xf32>
      %add3A_558 = arith.addi %add3A_553, %broadcast_in_dim3A_5 : vector<16xi32>
      %gather3A_559 = tpu.vector_load_idx %arg12[%iota3A, %add3A_558] : memref<16x256xf32, #tpu.memory_space<vmem>>[vector<16xi32>, vector<16xi32>], vector<16xf32>,
      %gather3A_560 = tpu.vector_load_idx %arg13[%iota3A, %add3A_558] : memref<16x256xf32, #tpu.memory_space<vmem>>[vector<16xi32>, vector<16xi32>], vector<16xf32>,
      %mul3A_561 = arith.mulf %gather3A_559, %gather3A_560 : vector<16xf32>
      %add3A_562 = arith.addf %add3A_557, %mul3A_561 : vector<16xf32>
      %add3A_563 = arith.addi %add3A_558, %broadcast_in_dim3A_5 : vector<16xi32>
      %gather3A_564 = tpu.vector_load_idx %arg12[%iota3A, %add3A_563] : memref<16x256xf32, #tpu.memory_space<vmem>>[vector<16xi32>, vector<16xi32>], vector<16xf32>,
      %gather3A_565 = tpu.vector_load_idx %arg13[%iota3A, %add3A_563] : memref<16x256xf32, #tpu.memory_space<vmem>>[vector<16xi32>, vector<16xi32>], vector<16xf32>,
      %mul3A_566 = arith.mulf %gather3A_564, %gather3A_565 : vector<16xf32>
      %add3A_567 = arith.addf %add3A_562, %mul3A_566 : vector<16xf32>
      %add3A_568 = arith.addi %add3A_563, %broadcast_in_dim3A_5 : vector<16xi32>
      %gather3A_569 = tpu.vector_load_idx %arg12[%iota3A, %add3A_568] : memref<16x256xf32, #tpu.memory_space<vmem>>[vector<16xi32>, vector<16xi32>], vector<16xf32>,
      %gather3A_570 = tpu.vector_load_idx %arg13[%iota3A, %add3A_568] : memref<16x256xf32, #tpu.memory_space<vmem>>[vector<16xi32>, vector<16xi32>], vector<16xf32>,
      %mul3A_571 = arith.mulf %gather3A_569, %gather3A_570 : vector<16xf32>
      %add3A_572 = arith.addf %add3A_567, %mul3A_571 : vector<16xf32>
      %add3A_573 = arith.addi %add3A_568, %broadcast_in_dim3A_5 : vector<16xi32>
      %gather3A_574 = tpu.vector_load_idx %arg12[%iota3A, %add3A_573] : memref<16x256xf32, #tpu.memory_space<vmem>>[vector<16xi32>, vector<16xi32>], vector<16xf32>,
      %gather3A_575 = tpu.vector_load_idx %arg13[%iota3A, %add3A_573] : memref<16x256xf32, #tpu.memory_space<vmem>>[vector<16xi32>, vector<16xi32>], vector<16xf32>,
      %mul3A_576 = arith.mulf %gather3A_574, %gather3A_575 : vector<16xf32>
      %add3A_577 = arith.addf %add3A_572, %mul3A_576 : vector<16xf32>
      %add3A_578 = arith.addi %add3A_573, %broadcast_in_dim3A_5 : vector<16xi32>
      %gather3A_579 = tpu.vector_load_idx %arg12[%iota3A, %add3A_578] : memref<16x256xf32, #tpu.memory_space<vmem>>[vector<16xi32>, vector<16xi32>], vector<16xf32>,
      %gather3A_580 = tpu.vector_load_idx %arg13[%iota3A, %add3A_578] : memref<16x256xf32, #tpu.memory_space<vmem>>[vector<16xi32>, vector<16xi32>], vector<16xf32>,
      %mul3A_581 = arith.mulf %gather3A_579, %gather3A_580 : vector<16xf32>
      %add3A_582 = arith.addf %add3A_577, %mul3A_581 : vector<16xf32>
      %add3A_583 = arith.addi %add3A_578, %broadcast_in_dim3A_5 : vector<16xi32>
      %gather3A_584 = tpu.vector_load_idx %arg12[%iota3A, %add3A_583] : memref<16x256xf32, #tpu.memory_space<vmem>>[vector<16xi32>, vector<16xi32>], vector<16xf32>,
      %gather3A_585 = tpu.vector_load_idx %arg13[%iota3A, %add3A_583] : memref<16x256xf32, #tpu.memory_space<vmem>>[vector<16xi32>, vector<16xi32>], vector<16xf32>,
      %mul3A_586 = arith.mulf %gather3A_584, %gather3A_585 : vector<16xf32>
      %add3A_587 = arith.addf %add3A_582, %mul3A_586 : vector<16xf32>
      %add3A_588 = arith.addi %add3A_583, %broadcast_in_dim3A_5 : vector<16xi32>
      %gather3A_589 = tpu.vector_load_idx %arg12[%iota3A, %add3A_588] : memref<16x256xf32, #tpu.memory_space<vmem>>[vector<16xi32>, vector<16xi32>], vector<16xf32>,
      %gather3A_590 = tpu.vector_load_idx %arg13[%iota3A, %add3A_588] : memref<16x256xf32, #tpu.memory_space<vmem>>[vector<16xi32>, vector<16xi32>], vector<16xf32>,
      %mul3A_591 = arith.mulf %gather3A_589, %gather3A_590 : vector<16xf32>
      %add3A_592 = arith.addf %add3A_587, %mul3A_591 : vector<16xf32>
      %add3A_593 = arith.addi %add3A_588, %broadcast_in_dim3A_5 : vector<16xi32>
      %gather3A_594 = tpu.vector_load_idx %arg12[%iota3A, %add3A_593] : memref<16x256xf32, #tpu.memory_space<vmem>>[vector<16xi32>, vector<16xi32>], vector<16xf32>,
      %gather3A_595 = tpu.vector_load_idx %arg13[%iota3A, %add3A_593] : memref<16x256xf32, #tpu.memory_space<vmem>>[vector<16xi32>, vector<16xi32>], vector<16xf32>,
      %mul3A_596 = arith.mulf %gather3A_594, %gather3A_595 : vector<16xf32>
      %add3A_597 = arith.addf %add3A_592, %mul3A_596 : vector<16xf32>
      %add3A_598 = arith.addi %add3A_593, %broadcast_in_dim3A_5 : vector<16xi32>
      %gather3A_599 = tpu.vector_load_idx %arg12[%iota3A, %add3A_598] : memref<16x256xf32, #tpu.memory_space<vmem>>[vector<16xi32>, vector<16xi32>], vector<16xf32>,
      %gather3A_600 = tpu.vector_load_idx %arg13[%iota3A, %add3A_598] : memref<16x256xf32, #tpu.memory_space<vmem>>[vector<16xi32>, vector<16xi32>], vector<16xf32>,
      %mul3A_601 = arith.mulf %gather3A_599, %gather3A_600 : vector<16xf32>
      %add3A_602 = arith.addf %add3A_597, %mul3A_601 : vector<16xf32>
      %add3A_603 = arith.addi %add3A_598, %broadcast_in_dim3A_5 : vector<16xi32>
      %gather3A_604 = tpu.vector_load_idx %arg12[%iota3A, %add3A_603] : memref<16x256xf32, #tpu.memory_space<vmem>>[vector<16xi32>, vector<16xi32>], vector<16xf32>,
      %gather3A_605 = tpu.vector_load_idx %arg13[%iota3A, %add3A_603] : memref<16x256xf32, #tpu.memory_space<vmem>>[vector<16xi32>, vector<16xi32>], vector<16xf32>,
      %mul3A_606 = arith.mulf %gather3A_604, %gather3A_605 : vector<16xf32>
      %add3A_607 = arith.addf %add3A_602, %mul3A_606 : vector<16xf32>
      %add3A_608 = arith.addi %add3A_603, %broadcast_in_dim3A_5 : vector<16xi32>
      %gather3A_609 = tpu.vector_load_idx %arg12[%iota3A, %add3A_608] : memref<16x256xf32, #tpu.memory_space<vmem>>[vector<16xi32>, vector<16xi32>], vector<16xf32>,
      %gather3A_610 = tpu.vector_load_idx %arg13[%iota3A, %add3A_608] : memref<16x256xf32, #tpu.memory_space<vmem>>[vector<16xi32>, vector<16xi32>], vector<16xf32>,
      %mul3A_611 = arith.mulf %gather3A_609, %gather3A_610 : vector<16xf32>
      %add3A_612 = arith.addf %add3A_607, %mul3A_611 : vector<16xf32>
      %add3A_613 = arith.addi %add3A_608, %broadcast_in_dim3A_5 : vector<16xi32>
      %gather3A_614 = tpu.vector_load_idx %arg12[%iota3A, %add3A_613] : memref<16x256xf32, #tpu.memory_space<vmem>>[vector<16xi32>, vector<16xi32>], vector<16xf32>,
      %gather3A_615 = tpu.vector_load_idx %arg13[%iota3A, %add3A_613] : memref<16x256xf32, #tpu.memory_space<vmem>>[vector<16xi32>, vector<16xi32>], vector<16xf32>,
      %mul3A_616 = arith.mulf %gather3A_614, %gather3A_615 : vector<16xf32>
      %add3A_617 = arith.addf %add3A_612, %mul3A_616 : vector<16xf32>
      %add3A_618 = arith.addi %add3A_613, %broadcast_in_dim3A_5 : vector<16xi32>
      %gather3A_619 = tpu.vector_load_idx %arg12[%iota3A, %add3A_618] : memref<16x256xf32, #tpu.memory_space<vmem>>[vector<16xi32>, vector<16xi32>], vector<16xf32>,
      %gather3A_620 = tpu.vector_load_idx %arg13[%iota3A, %add3A_618] : memref<16x256xf32, #tpu.memory_space<vmem>>[vector<16xi32>, vector<16xi32>], vector<16xf32>,
      %mul3A_621 = arith.mulf %gather3A_619, %gather3A_620 : vector<16xf32>
      %add3A_622 = arith.addf %add3A_617, %mul3A_621 : vector<16xf32>
      %add3A_623 = arith.addi %add3A_618, %broadcast_in_dim3A_5 : vector<16xi32>
      %gather3A_624 = tpu.vector_load_idx %arg12[%iota3A, %add3A_623] : memref<16x256xf32, #tpu.memory_space<vmem>>[vector<16xi32>, vector<16xi32>], vector<16xf32>,
      %gather3A_625 = tpu.vector_load_idx %arg13[%iota3A, %add3A_623] : memref<16x256xf32, #tpu.memory_space<vmem>>[vector<16xi32>, vector<16xi32>], vector<16xf32>,
      %mul3A_626 = arith.mulf %gather3A_624, %gather3A_625 : vector<16xf32>
      %add3A_627 = arith.addf %add3A_622, %mul3A_626 : vector<16xf32>
      %add3A_628 = arith.addi %add3A_623, %broadcast_in_dim3A_5 : vector<16xi32>
      %gather3A_629 = tpu.vector_load_idx %arg12[%iota3A, %add3A_628] : memref<16x256xf32, #tpu.memory_space<vmem>>[vector<16xi32>, vector<16xi32>], vector<16xf32>,
      %gather3A_630 = tpu.vector_load_idx %arg13[%iota3A, %add3A_628] : memref<16x256xf32, #tpu.memory_space<vmem>>[vector<16xi32>, vector<16xi32>], vector<16xf32>,
      %mul3A_631 = arith.mulf %gather3A_629, %gather3A_630 : vector<16xf32>
      %add3A_632 = arith.addf %add3A_627, %mul3A_631 : vector<16xf32>
      %add3A_633 = arith.addi %add3A_628, %broadcast_in_dim3A_5 : vector<16xi32>
      %gather3A_634 = tpu.vector_load_idx %arg12[%iota3A, %add3A_633] : memref<16x256xf32, #tpu.memory_space<vmem>>[vector<16xi32>, vector<16xi32>], vector<16xf32>,
      %gather3A_635 = tpu.vector_load_idx %arg13[%iota3A, %add3A_633] : memref<16x256xf32, #tpu.memory_space<vmem>>[vector<16xi32>, vector<16xi32>], vector<16xf32>,
      %mul3A_636 = arith.mulf %gather3A_634, %gather3A_635 : vector<16xf32>
      %add3A_637 = arith.addf %add3A_632, %mul3A_636 : vector<16xf32>
      %add3A_638 = arith.addi %add3A_633, %broadcast_in_dim3A_5 : vector<16xi32>
      %gather3A_639 = tpu.vector_load_idx %arg12[%iota3A, %add3A_638] : memref<16x256xf32, #tpu.memory_space<vmem>>[vector<16xi32>, vector<16xi32>], vector<16xf32>,
      %gather3A_640 = tpu.vector_load_idx %arg13[%iota3A, %add3A_638] : memref<16x256xf32, #tpu.memory_space<vmem>>[vector<16xi32>, vector<16xi32>], vector<16xf32>,
      %mul3A_641 = arith.mulf %gather3A_639, %gather3A_640 : vector<16xf32>
      %add3A_642 = arith.addf %add3A_637, %mul3A_641 : vector<16xf32>
      %add3A_643 = arith.addi %add3A_638, %broadcast_in_dim3A_5 : vector<16xi32>
      %gather3A_644 = tpu.vector_load_idx %arg12[%iota3A, %add3A_643] : memref<16x256xf32, #tpu.memory_space<vmem>>[vector<16xi32>, vector<16xi32>], vector<16xf32>,
      %gather3A_645 = tpu.vector_load_idx %arg13[%iota3A, %add3A_643] : memref<16x256xf32, #tpu.memory_space<vmem>>[vector<16xi32>, vector<16xi32>], vector<16xf32>,
      %mul3A_646 = arith.mulf %gather3A_644, %gather3A_645 : vector<16xf32>
      %add3A_647 = arith.addf %add3A_642, %mul3A_646 : vector<16xf32>
      %add3A_648 = arith.addi %add3A_643, %broadcast_in_dim3A_5 : vector<16xi32>
      %gather3A_649 = tpu.vector_load_idx %arg12[%iota3A, %add3A_648] : memref<16x256xf32, #tpu.memory_space<vmem>>[vector<16xi32>, vector<16xi32>], vector<16xf32>,
      %gather3A_650 = tpu.vector_load_idx %arg13[%iota3A, %add3A_648] : memref<16x256xf32, #tpu.memory_space<vmem>>[vector<16xi32>, vector<16xi32>], vector<16xf32>,
      %mul3A_651 = arith.mulf %gather3A_649, %gather3A_650 : vector<16xf32>
      %add3A_652 = arith.addf %add3A_647, %mul3A_651 : vector<16xf32>
      %add3A_653 = arith.addi %add3A_648, %broadcast_in_dim3A_5 : vector<16xi32>
      %gather3A_654 = tpu.vector_load_idx %arg12[%iota3A, %add3A_653] : memref<16x256xf32, #tpu.memory_space<vmem>>[vector<16xi32>, vector<16xi32>], vector<16xf32>,
      %gather3A_655 = tpu.vector_load_idx %arg13[%iota3A, %add3A_653] : memref<16x256xf32, #tpu.memory_space<vmem>>[vector<16xi32>, vector<16xi32>], vector<16xf32>,
      %mul3A_656 = arith.mulf %gather3A_654, %gather3A_655 : vector<16xf32>
      %add3A_657 = arith.addf %add3A_652, %mul3A_656 : vector<16xf32>
      %add3A_658 = arith.addi %add3A_653, %broadcast_in_dim3A_5 : vector<16xi32>
      %gather3A_659 = tpu.vector_load_idx %arg12[%iota3A, %add3A_658] : memref<16x256xf32, #tpu.memory_space<vmem>>[vector<16xi32>, vector<16xi32>], vector<16xf32>,
      %gather3A_660 = tpu.vector_load_idx %arg13[%iota3A, %add3A_658] : memref<16x256xf32, #tpu.memory_space<vmem>>[vector<16xi32>, vector<16xi32>], vector<16xf32>,
      %mul3A_661 = arith.mulf %gather3A_659, %gather3A_660 : vector<16xf32>
      %add3A_662 = arith.addf %add3A_657, %mul3A_661 : vector<16xf32>
      %add3A_663 = arith.addi %add3A_658, %broadcast_in_dim3A_5 : vector<16xi32>
      %gather3A_664 = tpu.vector_load_idx %arg12[%iota3A, %add3A_663] : memref<16x256xf32, #tpu.memory_space<vmem>>[vector<16xi32>, vector<16xi32>], vector<16xf32>,
      %gather3A_665 = tpu.vector_load_idx %arg13[%iota3A, %add3A_663] : memref<16x256xf32, #tpu.memory_space<vmem>>[vector<16xi32>, vector<16xi32>], vector<16xf32>,
      %mul3A_666 = arith.mulf %gather3A_664, %gather3A_665 : vector<16xf32>
      %add3A_667 = arith.addf %add3A_662, %mul3A_666 : vector<16xf32>
      %add3A_668 = arith.addi %add3A_663, %broadcast_in_dim3A_5 : vector<16xi32>
      %gather3A_669 = tpu.vector_load_idx %arg12[%iota3A, %add3A_668] : memref<16x256xf32, #tpu.memory_space<vmem>>[vector<16xi32>, vector<16xi32>], vector<16xf32>,
      %gather3A_670 = tpu.vector_load_idx %arg13[%iota3A, %add3A_668] : memref<16x256xf32, #tpu.memory_space<vmem>>[vector<16xi32>, vector<16xi32>], vector<16xf32>,
      %mul3A_671 = arith.mulf %gather3A_669, %gather3A_670 : vector<16xf32>
      %add3A_672 = arith.addf %add3A_667, %mul3A_671 : vector<16xf32>
      %add3A_673 = arith.addi %add3A_668, %broadcast_in_dim3A_5 : vector<16xi32>
      %gather3A_674 = tpu.vector_load_idx %arg12[%iota3A, %add3A_673] : memref<16x256xf32, #tpu.memory_space<vmem>>[vector<16xi32>, vector<16xi32>], vector<16xf32>,
      %gather3A_675 = tpu.vector_load_idx %arg13[%iota3A, %add3A_673] : memref<16x256xf32, #tpu.memory_space<vmem>>[vector<16xi32>, vector<16xi32>], vector<16xf32>,
      %mul3A_676 = arith.mulf %gather3A_674, %gather3A_675 : vector<16xf32>
      %add3A_677 = arith.addf %add3A_672, %mul3A_676 : vector<16xf32>
      %add3A_678 = arith.addi %add3A_673, %broadcast_in_dim3A_5 : vector<16xi32>
      %gather3A_679 = tpu.vector_load_idx %arg12[%iota3A, %add3A_678] : memref<16x256xf32, #tpu.memory_space<vmem>>[vector<16xi32>, vector<16xi32>], vector<16xf32>,
      %gather3A_680 = tpu.vector_load_idx %arg13[%iota3A, %add3A_678] : memref<16x256xf32, #tpu.memory_space<vmem>>[vector<16xi32>, vector<16xi32>], vector<16xf32>,
      %mul3A_681 = arith.mulf %gather3A_679, %gather3A_680 : vector<16xf32>
      %add3A_682 = arith.addf %add3A_677, %mul3A_681 : vector<16xf32>
      %add3A_683 = arith.addi %add3A_678, %broadcast_in_dim3A_5 : vector<16xi32>
      %gather3A_684 = tpu.vector_load_idx %arg12[%iota3A, %add3A_683] : memref<16x256xf32, #tpu.memory_space<vmem>>[vector<16xi32>, vector<16xi32>], vector<16xf32>,
      %gather3A_685 = tpu.vector_load_idx %arg13[%iota3A, %add3A_683] : memref<16x256xf32, #tpu.memory_space<vmem>>[vector<16xi32>, vector<16xi32>], vector<16xf32>,
      %mul3A_686 = arith.mulf %gather3A_684, %gather3A_685 : vector<16xf32>
      %add3A_687 = arith.addf %add3A_682, %mul3A_686 : vector<16xf32>
      %add3A_688 = arith.addi %add3A_683, %broadcast_in_dim3A_5 : vector<16xi32>
      %gather3A_689 = tpu.vector_load_idx %arg12[%iota3A, %add3A_688] : memref<16x256xf32, #tpu.memory_space<vmem>>[vector<16xi32>, vector<16xi32>], vector<16xf32>,
      %gather3A_690 = tpu.vector_load_idx %arg13[%iota3A, %add3A_688] : memref<16x256xf32, #tpu.memory_space<vmem>>[vector<16xi32>, vector<16xi32>], vector<16xf32>,
      %mul3A_691 = arith.mulf %gather3A_689, %gather3A_690 : vector<16xf32>
      %add3A_692 = arith.addf %add3A_687, %mul3A_691 : vector<16xf32>
      %add3A_693 = arith.addi %add3A_688, %broadcast_in_dim3A_5 : vector<16xi32>
      %gather3A_694 = tpu.vector_load_idx %arg12[%iota3A, %add3A_693] : memref<16x256xf32, #tpu.memory_space<vmem>>[vector<16xi32>, vector<16xi32>], vector<16xf32>,
      %gather3A_695 = tpu.vector_load_idx %arg13[%iota3A, %add3A_693] : memref<16x256xf32, #tpu.memory_space<vmem>>[vector<16xi32>, vector<16xi32>], vector<16xf32>,
      %mul3A_696 = arith.mulf %gather3A_694, %gather3A_695 : vector<16xf32>
      %add3A_697 = arith.addf %add3A_692, %mul3A_696 : vector<16xf32>
      %add3A_698 = arith.addi %add3A_693, %broadcast_in_dim3A_5 : vector<16xi32>
      %gather3A_699 = tpu.vector_load_idx %arg12[%iota3A, %add3A_698] : memref<16x256xf32, #tpu.memory_space<vmem>>[vector<16xi32>, vector<16xi32>], vector<16xf32>,
      %gather3A_700 = tpu.vector_load_idx %arg13[%iota3A, %add3A_698] : memref<16x256xf32, #tpu.memory_space<vmem>>[vector<16xi32>, vector<16xi32>], vector<16xf32>,
      %mul3A_701 = arith.mulf %gather3A_699, %gather3A_700 : vector<16xf32>
      %add3A_702 = arith.addf %add3A_697, %mul3A_701 : vector<16xf32>
      %add3A_703 = arith.addi %add3A_698, %broadcast_in_dim3A_5 : vector<16xi32>
      %mul3A_704 = arith.constant 0.176776692 : f32
      %mul3A_705 = vector.broadcast %mul3A_704 : f32 to vector<16xf32>
      %mul3A_706 = arith.mulf %add3A_702, %mul3A_705 : vector<16xf32>
      %exp3A_707 = math.exp %mul3A_706 : vector<16xf32>
      %broadcast_in_dim3A_708 = arith.constant 3 : i32
      %broadcast_in_dim3A_709 = vector.broadcast %broadcast_in_dim3A_708 : i32 to vector<16xi32>
      tpu.vector_store_idx %arg14[%add3A_39, %broadcast_in_dim3A_709], %mul3A_706 : memref<5008x8xf32, #tpu.memory_space<vmem>>[vector<16xi32>, vector<16xi32>], vector<16xf32>,
      tpu.vector_store_idx %arg15[%add3A_39, %broadcast_in_dim3A_709], %exp3A_707 : memref<5008x8xf32, #tpu.memory_space<vmem>>[vector<16xi32>, vector<16xi32>], vector<16xf32>,
      %broadcast_in_dim3A_710 = arith.constant 0.000000e+00 : f32
      %broadcast_in_dim3A_711 = vector.broadcast %broadcast_in_dim3A_710 : f32 to vector<16xf32>
      %gather3A_712 = tpu.vector_load_idx %arg12[%iota3A, %add3A_703] : memref<16x256xf32, #tpu.memory_space<vmem>>[vector<16xi32>, vector<16xi32>], vector<16xf32>,
      %gather3A_713 = tpu.vector_load_idx %arg13[%iota3A, %add3A_703] : memref<16x256xf32, #tpu.memory_space<vmem>>[vector<16xi32>, vector<16xi32>], vector<16xf32>,
      %mul3A_714 = arith.mulf %gather3A_712, %gather3A_713 : vector<16xf32>
      %add3A_715 = arith.addf %broadcast_in_dim3A_711, %mul3A_714 : vector<16xf32>
      %add3A_716 = arith.addi %add3A_703, %broadcast_in_dim3A_5 : vector<16xi32>
      %gather3A_717 = tpu.vector_load_idx %arg12[%iota3A, %add3A_716] : memref<16x256xf32, #tpu.memory_space<vmem>>[vector<16xi32>, vector<16xi32>], vector<16xf32>,
      %gather3A_718 = tpu.vector_load_idx %arg13[%iota3A, %add3A_716] : memref<16x256xf32, #tpu.memory_space<vmem>>[vector<16xi32>, vector<16xi32>], vector<16xf32>,
      %mul3A_719 = arith.mulf %gather3A_717, %gather3A_718 : vector<16xf32>
      %add3A_720 = arith.addf %add3A_715, %mul3A_719 : vector<16xf32>
      %add3A_721 = arith.addi %add3A_716, %broadcast_in_dim3A_5 : vector<16xi32>
      %gather3A_722 = tpu.vector_load_idx %arg12[%iota3A, %add3A_721] : memref<16x256xf32, #tpu.memory_space<vmem>>[vector<16xi32>, vector<16xi32>], vector<16xf32>,
      %gather3A_723 = tpu.vector_load_idx %arg13[%iota3A, %add3A_721] : memref<16x256xf32, #tpu.memory_space<vmem>>[vector<16xi32>, vector<16xi32>], vector<16xf32>,
      %mul3A_724 = arith.mulf %gather3A_722, %gather3A_723 : vector<16xf32>
      %add3A_725 = arith.addf %add3A_720, %mul3A_724 : vector<16xf32>
      %add3A_726 = arith.addi %add3A_721, %broadcast_in_dim3A_5 : vector<16xi32>
      %gather3A_727 = tpu.vector_load_idx %arg12[%iota3A, %add3A_726] : memref<16x256xf32, #tpu.memory_space<vmem>>[vector<16xi32>, vector<16xi32>], vector<16xf32>,
      %gather3A_728 = tpu.vector_load_idx %arg13[%iota3A, %add3A_726] : memref<16x256xf32, #tpu.memory_space<vmem>>[vector<16xi32>, vector<16xi32>], vector<16xf32>,
      %mul3A_729 = arith.mulf %gather3A_727, %gather3A_728 : vector<16xf32>
      %add3A_730 = arith.addf %add3A_725, %mul3A_729 : vector<16xf32>
      %add3A_731 = arith.addi %add3A_726, %broadcast_in_dim3A_5 : vector<16xi32>
      %gather3A_732 = tpu.vector_load_idx %arg12[%iota3A, %add3A_731] : memref<16x256xf32, #tpu.memory_space<vmem>>[vector<16xi32>, vector<16xi32>], vector<16xf32>,
      %gather3A_733 = tpu.vector_load_idx %arg13[%iota3A, %add3A_731] : memref<16x256xf32, #tpu.memory_space<vmem>>[vector<16xi32>, vector<16xi32>], vector<16xf32>,
      %mul3A_734 = arith.mulf %gather3A_732, %gather3A_733 : vector<16xf32>
      %add3A_735 = arith.addf %add3A_730, %mul3A_734 : vector<16xf32>
      %add3A_736 = arith.addi %add3A_731, %broadcast_in_dim3A_5 : vector<16xi32>
      %gather3A_737 = tpu.vector_load_idx %arg12[%iota3A, %add3A_736] : memref<16x256xf32, #tpu.memory_space<vmem>>[vector<16xi32>, vector<16xi32>], vector<16xf32>,
      %gather3A_738 = tpu.vector_load_idx %arg13[%iota3A, %add3A_736] : memref<16x256xf32, #tpu.memory_space<vmem>>[vector<16xi32>, vector<16xi32>], vector<16xf32>,
      %mul3A_739 = arith.mulf %gather3A_737, %gather3A_738 : vector<16xf32>
      %add3A_740 = arith.addf %add3A_735, %mul3A_739 : vector<16xf32>
      %add3A_741 = arith.addi %add3A_736, %broadcast_in_dim3A_5 : vector<16xi32>
      %gather3A_742 = tpu.vector_load_idx %arg12[%iota3A, %add3A_741] : memref<16x256xf32, #tpu.memory_space<vmem>>[vector<16xi32>, vector<16xi32>], vector<16xf32>,
      %gather3A_743 = tpu.vector_load_idx %arg13[%iota3A, %add3A_741] : memref<16x256xf32, #tpu.memory_space<vmem>>[vector<16xi32>, vector<16xi32>], vector<16xf32>,
      %mul3A_744 = arith.mulf %gather3A_742, %gather3A_743 : vector<16xf32>
      %add3A_745 = arith.addf %add3A_740, %mul3A_744 : vector<16xf32>
      %add3A_746 = arith.addi %add3A_741, %broadcast_in_dim3A_5 : vector<16xi32>
      %gather3A_747 = tpu.vector_load_idx %arg12[%iota3A, %add3A_746] : memref<16x256xf32, #tpu.memory_space<vmem>>[vector<16xi32>, vector<16xi32>], vector<16xf32>,
      %gather3A_748 = tpu.vector_load_idx %arg13[%iota3A, %add3A_746] : memref<16x256xf32, #tpu.memory_space<vmem>>[vector<16xi32>, vector<16xi32>], vector<16xf32>,
      %mul3A_749 = arith.mulf %gather3A_747, %gather3A_748 : vector<16xf32>
      %add3A_750 = arith.addf %add3A_745, %mul3A_749 : vector<16xf32>
      %add3A_751 = arith.addi %add3A_746, %broadcast_in_dim3A_5 : vector<16xi32>
      %gather3A_752 = tpu.vector_load_idx %arg12[%iota3A, %add3A_751] : memref<16x256xf32, #tpu.memory_space<vmem>>[vector<16xi32>, vector<16xi32>], vector<16xf32>,
      %gather3A_753 = tpu.vector_load_idx %arg13[%iota3A, %add3A_751] : memref<16x256xf32, #tpu.memory_space<vmem>>[vector<16xi32>, vector<16xi32>], vector<16xf32>,
      %mul3A_754 = arith.mulf %gather3A_752, %gather3A_753 : vector<16xf32>
      %add3A_755 = arith.addf %add3A_750, %mul3A_754 : vector<16xf32>
      %add3A_756 = arith.addi %add3A_751, %broadcast_in_dim3A_5 : vector<16xi32>
      %gather3A_757 = tpu.vector_load_idx %arg12[%iota3A, %add3A_756] : memref<16x256xf32, #tpu.memory_space<vmem>>[vector<16xi32>, vector<16xi32>], vector<16xf32>,
      %gather3A_758 = tpu.vector_load_idx %arg13[%iota3A, %add3A_756] : memref<16x256xf32, #tpu.memory_space<vmem>>[vector<16xi32>, vector<16xi32>], vector<16xf32>,
      %mul3A_759 = arith.mulf %gather3A_757, %gather3A_758 : vector<16xf32>
      %add3A_760 = arith.addf %add3A_755, %mul3A_759 : vector<16xf32>
      %add3A_761 = arith.addi %add3A_756, %broadcast_in_dim3A_5 : vector<16xi32>
      %gather3A_762 = tpu.vector_load_idx %arg12[%iota3A, %add3A_761] : memref<16x256xf32, #tpu.memory_space<vmem>>[vector<16xi32>, vector<16xi32>], vector<16xf32>,
      %gather3A_763 = tpu.vector_load_idx %arg13[%iota3A, %add3A_761] : memref<16x256xf32, #tpu.memory_space<vmem>>[vector<16xi32>, vector<16xi32>], vector<16xf32>,
      %mul3A_764 = arith.mulf %gather3A_762, %gather3A_763 : vector<16xf32>
      %add3A_765 = arith.addf %add3A_760, %mul3A_764 : vector<16xf32>
      %add3A_766 = arith.addi %add3A_761, %broadcast_in_dim3A_5 : vector<16xi32>
      %gather3A_767 = tpu.vector_load_idx %arg12[%iota3A, %add3A_766] : memref<16x256xf32, #tpu.memory_space<vmem>>[vector<16xi32>, vector<16xi32>], vector<16xf32>,
      %gather3A_768 = tpu.vector_load_idx %arg13[%iota3A, %add3A_766] : memref<16x256xf32, #tpu.memory_space<vmem>>[vector<16xi32>, vector<16xi32>], vector<16xf32>,
      %mul3A_769 = arith.mulf %gather3A_767, %gather3A_768 : vector<16xf32>
      %add3A_770 = arith.addf %add3A_765, %mul3A_769 : vector<16xf32>
      %add3A_771 = arith.addi %add3A_766, %broadcast_in_dim3A_5 : vector<16xi32>
      %gather3A_772 = tpu.vector_load_idx %arg12[%iota3A, %add3A_771] : memref<16x256xf32, #tpu.memory_space<vmem>>[vector<16xi32>, vector<16xi32>], vector<16xf32>,
      %gather3A_773 = tpu.vector_load_idx %arg13[%iota3A, %add3A_771] : memref<16x256xf32, #tpu.memory_space<vmem>>[vector<16xi32>, vector<16xi32>], vector<16xf32>,
      %mul3A_774 = arith.mulf %gather3A_772, %gather3A_773 : vector<16xf32>
      %add3A_775 = arith.addf %add3A_770, %mul3A_774 : vector<16xf32>
      %add3A_776 = arith.addi %add3A_771, %broadcast_in_dim3A_5 : vector<16xi32>
      %gather3A_777 = tpu.vector_load_idx %arg12[%iota3A, %add3A_776] : memref<16x256xf32, #tpu.memory_space<vmem>>[vector<16xi32>, vector<16xi32>], vector<16xf32>,
      %gather3A_778 = tpu.vector_load_idx %arg13[%iota3A, %add3A_776] : memref<16x256xf32, #tpu.memory_space<vmem>>[vector<16xi32>, vector<16xi32>], vector<16xf32>,
      %mul3A_779 = arith.mulf %gather3A_777, %gather3A_778 : vector<16xf32>
      %add3A_780 = arith.addf %add3A_775, %mul3A_779 : vector<16xf32>
      %add3A_781 = arith.addi %add3A_776, %broadcast_in_dim3A_5 : vector<16xi32>
      %gather3A_782 = tpu.vector_load_idx %arg12[%iota3A, %add3A_781] : memref<16x256xf32, #tpu.memory_space<vmem>>[vector<16xi32>, vector<16xi32>], vector<16xf32>,
      %gather3A_783 = tpu.vector_load_idx %arg13[%iota3A, %add3A_781] : memref<16x256xf32, #tpu.memory_space<vmem>>[vector<16xi32>, vector<16xi32>], vector<16xf32>,
      %mul3A_784 = arith.mulf %gather3A_782, %gather3A_783 : vector<16xf32>
      %add3A_785 = arith.addf %add3A_780, %mul3A_784 : vector<16xf32>
      %add3A_786 = arith.addi %add3A_781, %broadcast_in_dim3A_5 : vector<16xi32>
      %gather3A_787 = tpu.vector_load_idx %arg12[%iota3A, %add3A_786] : memref<16x256xf32, #tpu.memory_space<vmem>>[vector<16xi32>, vector<16xi32>], vector<16xf32>,
      %gather3A_788 = tpu.vector_load_idx %arg13[%iota3A, %add3A_786] : memref<16x256xf32, #tpu.memory_space<vmem>>[vector<16xi32>, vector<16xi32>], vector<16xf32>,
      %mul3A_789 = arith.mulf %gather3A_787, %gather3A_788 : vector<16xf32>
      %add3A_790 = arith.addf %add3A_785, %mul3A_789 : vector<16xf32>
      %add3A_791 = arith.addi %add3A_786, %broadcast_in_dim3A_5 : vector<16xi32>
      %gather3A_792 = tpu.vector_load_idx %arg12[%iota3A, %add3A_791] : memref<16x256xf32, #tpu.memory_space<vmem>>[vector<16xi32>, vector<16xi32>], vector<16xf32>,
      %gather3A_793 = tpu.vector_load_idx %arg13[%iota3A, %add3A_791] : memref<16x256xf32, #tpu.memory_space<vmem>>[vector<16xi32>, vector<16xi32>], vector<16xf32>,
      %mul3A_794 = arith.mulf %gather3A_792, %gather3A_793 : vector<16xf32>
      %add3A_795 = arith.addf %add3A_790, %mul3A_794 : vector<16xf32>
      %add3A_796 = arith.addi %add3A_791, %broadcast_in_dim3A_5 : vector<16xi32>
      %gather3A_797 = tpu.vector_load_idx %arg12[%iota3A, %add3A_796] : memref<16x256xf32, #tpu.memory_space<vmem>>[vector<16xi32>, vector<16xi32>], vector<16xf32>,
      %gather3A_798 = tpu.vector_load_idx %arg13[%iota3A, %add3A_796] : memref<16x256xf32, #tpu.memory_space<vmem>>[vector<16xi32>, vector<16xi32>], vector<16xf32>,
      %mul3A_799 = arith.mulf %gather3A_797, %gather3A_798 : vector<16xf32>
      %add3A_800 = arith.addf %add3A_795, %mul3A_799 : vector<16xf32>
      %add3A_801 = arith.addi %add3A_796, %broadcast_in_dim3A_5 : vector<16xi32>
      %gather3A_802 = tpu.vector_load_idx %arg12[%iota3A, %add3A_801] : memref<16x256xf32, #tpu.memory_space<vmem>>[vector<16xi32>, vector<16xi32>], vector<16xf32>,
      %gather3A_803 = tpu.vector_load_idx %arg13[%iota3A, %add3A_801] : memref<16x256xf32, #tpu.memory_space<vmem>>[vector<16xi32>, vector<16xi32>], vector<16xf32>,
      %mul3A_804 = arith.mulf %gather3A_802, %gather3A_803 : vector<16xf32>
      %add3A_805 = arith.addf %add3A_800, %mul3A_804 : vector<16xf32>
      %add3A_806 = arith.addi %add3A_801, %broadcast_in_dim3A_5 : vector<16xi32>
      %gather3A_807 = tpu.vector_load_idx %arg12[%iota3A, %add3A_806] : memref<16x256xf32, #tpu.memory_space<vmem>>[vector<16xi32>, vector<16xi32>], vector<16xf32>,
      %gather3A_808 = tpu.vector_load_idx %arg13[%iota3A, %add3A_806] : memref<16x256xf32, #tpu.memory_space<vmem>>[vector<16xi32>, vector<16xi32>], vector<16xf32>,
      %mul3A_809 = arith.mulf %gather3A_807, %gather3A_808 : vector<16xf32>
      %add3A_810 = arith.addf %add3A_805, %mul3A_809 : vector<16xf32>
      %add3A_811 = arith.addi %add3A_806, %broadcast_in_dim3A_5 : vector<16xi32>
      %gather3A_812 = tpu.vector_load_idx %arg12[%iota3A, %add3A_811] : memref<16x256xf32, #tpu.memory_space<vmem>>[vector<16xi32>, vector<16xi32>], vector<16xf32>,
      %gather3A_813 = tpu.vector_load_idx %arg13[%iota3A, %add3A_811] : memref<16x256xf32, #tpu.memory_space<vmem>>[vector<16xi32>, vector<16xi32>], vector<16xf32>,
      %mul3A_814 = arith.mulf %gather3A_812, %gather3A_813 : vector<16xf32>
      %add3A_815 = arith.addf %add3A_810, %mul3A_814 : vector<16xf32>
      %add3A_816 = arith.addi %add3A_811, %broadcast_in_dim3A_5 : vector<16xi32>
      %gather3A_817 = tpu.vector_load_idx %arg12[%iota3A, %add3A_816] : memref<16x256xf32, #tpu.memory_space<vmem>>[vector<16xi32>, vector<16xi32>], vector<16xf32>,
      %gather3A_818 = tpu.vector_load_idx %arg13[%iota3A, %add3A_816] : memref<16x256xf32, #tpu.memory_space<vmem>>[vector<16xi32>, vector<16xi32>], vector<16xf32>,
      %mul3A_819 = arith.mulf %gather3A_817, %gather3A_818 : vector<16xf32>
      %add3A_820 = arith.addf %add3A_815, %mul3A_819 : vector<16xf32>
      %add3A_821 = arith.addi %add3A_816, %broadcast_in_dim3A_5 : vector<16xi32>
      %gather3A_822 = tpu.vector_load_idx %arg12[%iota3A, %add3A_821] : memref<16x256xf32, #tpu.memory_space<vmem>>[vector<16xi32>, vector<16xi32>], vector<16xf32>,
      %gather3A_823 = tpu.vector_load_idx %arg13[%iota3A, %add3A_821] : memref<16x256xf32, #tpu.memory_space<vmem>>[vector<16xi32>, vector<16xi32>], vector<16xf32>,
      %mul3A_824 = arith.mulf %gather3A_822, %gather3A_823 : vector<16xf32>
      %add3A_825 = arith.addf %add3A_820, %mul3A_824 : vector<16xf32>
      %add3A_826 = arith.addi %add3A_821, %broadcast_in_dim3A_5 : vector<16xi32>
      %gather3A_827 = tpu.vector_load_idx %arg12[%iota3A, %add3A_826] : memref<16x256xf32, #tpu.memory_space<vmem>>[vector<16xi32>, vector<16xi32>], vector<16xf32>,
      %gather3A_828 = tpu.vector_load_idx %arg13[%iota3A, %add3A_826] : memref<16x256xf32, #tpu.memory_space<vmem>>[vector<16xi32>, vector<16xi32>], vector<16xf32>,
      %mul3A_829 = arith.mulf %gather3A_827, %gather3A_828 : vector<16xf32>
      %add3A_830 = arith.addf %add3A_825, %mul3A_829 : vector<16xf32>
      %add3A_831 = arith.addi %add3A_826, %broadcast_in_dim3A_5 : vector<16xi32>
      %gather3A_832 = tpu.vector_load_idx %arg12[%iota3A, %add3A_831] : memref<16x256xf32, #tpu.memory_space<vmem>>[vector<16xi32>, vector<16xi32>], vector<16xf32>,
      %gather3A_833 = tpu.vector_load_idx %arg13[%iota3A, %add3A_831] : memref<16x256xf32, #tpu.memory_space<vmem>>[vector<16xi32>, vector<16xi32>], vector<16xf32>,
      %mul3A_834 = arith.mulf %gather3A_832, %gather3A_833 : vector<16xf32>
      %add3A_835 = arith.addf %add3A_830, %mul3A_834 : vector<16xf32>
      %add3A_836 = arith.addi %add3A_831, %broadcast_in_dim3A_5 : vector<16xi32>
      %gather3A_837 = tpu.vector_load_idx %arg12[%iota3A, %add3A_836] : memref<16x256xf32, #tpu.memory_space<vmem>>[vector<16xi32>, vector<16xi32>], vector<16xf32>,
      %gather3A_838 = tpu.vector_load_idx %arg13[%iota3A, %add3A_836] : memref<16x256xf32, #tpu.memory_space<vmem>>[vector<16xi32>, vector<16xi32>], vector<16xf32>,
      %mul3A_839 = arith.mulf %gather3A_837, %gather3A_838 : vector<16xf32>
      %add3A_840 = arith.addf %add3A_835, %mul3A_839 : vector<16xf32>
      %add3A_841 = arith.addi %add3A_836, %broadcast_in_dim3A_5 : vector<16xi32>
      %gather3A_842 = tpu.vector_load_idx %arg12[%iota3A, %add3A_841] : memref<16x256xf32, #tpu.memory_space<vmem>>[vector<16xi32>, vector<16xi32>], vector<16xf32>,
      %gather3A_843 = tpu.vector_load_idx %arg13[%iota3A, %add3A_841] : memref<16x256xf32, #tpu.memory_space<vmem>>[vector<16xi32>, vector<16xi32>], vector<16xf32>,
      %mul3A_844 = arith.mulf %gather3A_842, %gather3A_843 : vector<16xf32>
      %add3A_845 = arith.addf %add3A_840, %mul3A_844 : vector<16xf32>
      %add3A_846 = arith.addi %add3A_841, %broadcast_in_dim3A_5 : vector<16xi32>
      %gather3A_847 = tpu.vector_load_idx %arg12[%iota3A, %add3A_846] : memref<16x256xf32, #tpu.memory_space<vmem>>[vector<16xi32>, vector<16xi32>], vector<16xf32>,
      %gather3A_848 = tpu.vector_load_idx %arg13[%iota3A, %add3A_846] : memref<16x256xf32, #tpu.memory_space<vmem>>[vector<16xi32>, vector<16xi32>], vector<16xf32>,
      %mul3A_849 = arith.mulf %gather3A_847, %gather3A_848 : vector<16xf32>
      %add3A_850 = arith.addf %add3A_845, %mul3A_849 : vector<16xf32>
      %add3A_851 = arith.addi %add3A_846, %broadcast_in_dim3A_5 : vector<16xi32>
      %gather3A_852 = tpu.vector_load_idx %arg12[%iota3A, %add3A_851] : memref<16x256xf32, #tpu.memory_space<vmem>>[vector<16xi32>, vector<16xi32>], vector<16xf32>,
      %gather3A_853 = tpu.vector_load_idx %arg13[%iota3A, %add3A_851] : memref<16x256xf32, #tpu.memory_space<vmem>>[vector<16xi32>, vector<16xi32>], vector<16xf32>,
      %mul3A_854 = arith.mulf %gather3A_852, %gather3A_853 : vector<16xf32>
      %add3A_855 = arith.addf %add3A_850, %mul3A_854 : vector<16xf32>
      %add3A_856 = arith.addi %add3A_851, %broadcast_in_dim3A_5 : vector<16xi32>
      %gather3A_857 = tpu.vector_load_idx %arg12[%iota3A, %add3A_856] : memref<16x256xf32, #tpu.memory_space<vmem>>[vector<16xi32>, vector<16xi32>], vector<16xf32>,
      %gather3A_858 = tpu.vector_load_idx %arg13[%iota3A, %add3A_856] : memref<16x256xf32, #tpu.memory_space<vmem>>[vector<16xi32>, vector<16xi32>], vector<16xf32>,
      %mul3A_859 = arith.mulf %gather3A_857, %gather3A_858 : vector<16xf32>
      %add3A_860 = arith.addf %add3A_855, %mul3A_859 : vector<16xf32>
      %add3A_861 = arith.addi %add3A_856, %broadcast_in_dim3A_5 : vector<16xi32>
      %gather3A_862 = tpu.vector_load_idx %arg12[%iota3A, %add3A_861] : memref<16x256xf32, #tpu.memory_space<vmem>>[vector<16xi32>, vector<16xi32>], vector<16xf32>,
      %gather3A_863 = tpu.vector_load_idx %arg13[%iota3A, %add3A_861] : memref<16x256xf32, #tpu.memory_space<vmem>>[vector<16xi32>, vector<16xi32>], vector<16xf32>,
      %mul3A_864 = arith.mulf %gather3A_862, %gather3A_863 : vector<16xf32>
      %add3A_865 = arith.addf %add3A_860, %mul3A_864 : vector<16xf32>
      %add3A_866 = arith.addi %add3A_861, %broadcast_in_dim3A_5 : vector<16xi32>
      %gather3A_867 = tpu.vector_load_idx %arg12[%iota3A, %add3A_866] : memref<16x256xf32, #tpu.memory_space<vmem>>[vector<16xi32>, vector<16xi32>], vector<16xf32>,
      %gather3A_868 = tpu.vector_load_idx %arg13[%iota3A, %add3A_866] : memref<16x256xf32, #tpu.memory_space<vmem>>[vector<16xi32>, vector<16xi32>], vector<16xf32>,
      %mul3A_869 = arith.mulf %gather3A_867, %gather3A_868 : vector<16xf32>
      %add3A_870 = arith.addf %add3A_865, %mul3A_869 : vector<16xf32>
      %add3A_871 = arith.addi %add3A_866, %broadcast_in_dim3A_5 : vector<16xi32>
      %mul3A_872 = arith.constant 0.176776692 : f32
      %mul3A_873 = vector.broadcast %mul3A_872 : f32 to vector<16xf32>
      %mul3A_874 = arith.mulf %add3A_870, %mul3A_873 : vector<16xf32>
      %exp3A_875 = math.exp %mul3A_874 : vector<16xf32>
      %broadcast_in_dim3A_876 = arith.constant 4 : i32
      %broadcast_in_dim3A_877 = vector.broadcast %broadcast_in_dim3A_876 : i32 to vector<16xi32>
      tpu.vector_store_idx %arg14[%add3A_39, %broadcast_in_dim3A_877], %mul3A_874 : memref<5008x8xf32, #tpu.memory_space<vmem>>[vector<16xi32>, vector<16xi32>], vector<16xf32>,
      tpu.vector_store_idx %arg15[%add3A_39, %broadcast_in_dim3A_877], %exp3A_875 : memref<5008x8xf32, #tpu.memory_space<vmem>>[vector<16xi32>, vector<16xi32>], vector<16xf32>,
      %broadcast_in_dim3A_878 = arith.constant 0.000000e+00 : f32
      %broadcast_in_dim3A_879 = vector.broadcast %broadcast_in_dim3A_878 : f32 to vector<16xf32>
      %gather3A_880 = tpu.vector_load_idx %arg12[%iota3A, %add3A_871] : memref<16x256xf32, #tpu.memory_space<vmem>>[vector<16xi32>, vector<16xi32>], vector<16xf32>,
      %gather3A_881 = tpu.vector_load_idx %arg13[%iota3A, %add3A_871] : memref<16x256xf32, #tpu.memory_space<vmem>>[vector<16xi32>, vector<16xi32>], vector<16xf32>,
      %mul3A_882 = arith.mulf %gather3A_880, %gather3A_881 : vector<16xf32>
      %add3A_883 = arith.addf %broadcast_in_dim3A_879, %mul3A_882 : vector<16xf32>
      %add3A_884 = arith.addi %add3A_871, %broadcast_in_dim3A_5 : vector<16xi32>
      %gather3A_885 = tpu.vector_load_idx %arg12[%iota3A, %add3A_884] : memref<16x256xf32, #tpu.memory_space<vmem>>[vector<16xi32>, vector<16xi32>], vector<16xf32>,
      %gather3A_886 = tpu.vector_load_idx %arg13[%iota3A, %add3A_884] : memref<16x256xf32, #tpu.memory_space<vmem>>[vector<16xi32>, vector<16xi32>], vector<16xf32>,
      %mul3A_887 = arith.mulf %gather3A_885, %gather3A_886 : vector<16xf32>
      %add3A_888 = arith.addf %add3A_883, %mul3A_887 : vector<16xf32>
      %add3A_889 = arith.addi %add3A_884, %broadcast_in_dim3A_5 : vector<16xi32>
      %gather3A_890 = tpu.vector_load_idx %arg12[%iota3A, %add3A_889] : memref<16x256xf32, #tpu.memory_space<vmem>>[vector<16xi32>, vector<16xi32>], vector<16xf32>,
      %gather3A_891 = tpu.vector_load_idx %arg13[%iota3A, %add3A_889] : memref<16x256xf32, #tpu.memory_space<vmem>>[vector<16xi32>, vector<16xi32>], vector<16xf32>,
      %mul3A_892 = arith.mulf %gather3A_890, %gather3A_891 : vector<16xf32>
      %add3A_893 = arith.addf %add3A_888, %mul3A_892 : vector<16xf32>
      %add3A_894 = arith.addi %add3A_889, %broadcast_in_dim3A_5 : vector<16xi32>
      %gather3A_895 = tpu.vector_load_idx %arg12[%iota3A, %add3A_894] : memref<16x256xf32, #tpu.memory_space<vmem>>[vector<16xi32>, vector<16xi32>], vector<16xf32>,
      %gather3A_896 = tpu.vector_load_idx %arg13[%iota3A, %add3A_894] : memref<16x256xf32, #tpu.memory_space<vmem>>[vector<16xi32>, vector<16xi32>], vector<16xf32>,
      %mul3A_897 = arith.mulf %gather3A_895, %gather3A_896 : vector<16xf32>
      %add3A_898 = arith.addf %add3A_893, %mul3A_897 : vector<16xf32>
      %add3A_899 = arith.addi %add3A_894, %broadcast_in_dim3A_5 : vector<16xi32>
      %gather3A_900 = tpu.vector_load_idx %arg12[%iota3A, %add3A_899] : memref<16x256xf32, #tpu.memory_space<vmem>>[vector<16xi32>, vector<16xi32>], vector<16xf32>,
      %gather3A_901 = tpu.vector_load_idx %arg13[%iota3A, %add3A_899] : memref<16x256xf32, #tpu.memory_space<vmem>>[vector<16xi32>, vector<16xi32>], vector<16xf32>,
      %mul3A_902 = arith.mulf %gather3A_900, %gather3A_901 : vector<16xf32>
      %add3A_903 = arith.addf %add3A_898, %mul3A_902 : vector<16xf32>
      %add3A_904 = arith.addi %add3A_899, %broadcast_in_dim3A_5 : vector<16xi32>
      %gather3A_905 = tpu.vector_load_idx %arg12[%iota3A, %add3A_904] : memref<16x256xf32, #tpu.memory_space<vmem>>[vector<16xi32>, vector<16xi32>], vector<16xf32>,
      %gather3A_906 = tpu.vector_load_idx %arg13[%iota3A, %add3A_904] : memref<16x256xf32, #tpu.memory_space<vmem>>[vector<16xi32>, vector<16xi32>], vector<16xf32>,
      %mul3A_907 = arith.mulf %gather3A_905, %gather3A_906 : vector<16xf32>
      %add3A_908 = arith.addf %add3A_903, %mul3A_907 : vector<16xf32>
      %add3A_909 = arith.addi %add3A_904, %broadcast_in_dim3A_5 : vector<16xi32>
      %gather3A_910 = tpu.vector_load_idx %arg12[%iota3A, %add3A_909] : memref<16x256xf32, #tpu.memory_space<vmem>>[vector<16xi32>, vector<16xi32>], vector<16xf32>,
      %gather3A_911 = tpu.vector_load_idx %arg13[%iota3A, %add3A_909] : memref<16x256xf32, #tpu.memory_space<vmem>>[vector<16xi32>, vector<16xi32>], vector<16xf32>,
      %mul3A_912 = arith.mulf %gather3A_910, %gather3A_911 : vector<16xf32>
      %add3A_913 = arith.addf %add3A_908, %mul3A_912 : vector<16xf32>
      %add3A_914 = arith.addi %add3A_909, %broadcast_in_dim3A_5 : vector<16xi32>
      %gather3A_915 = tpu.vector_load_idx %arg12[%iota3A, %add3A_914] : memref<16x256xf32, #tpu.memory_space<vmem>>[vector<16xi32>, vector<16xi32>], vector<16xf32>,
      %gather3A_916 = tpu.vector_load_idx %arg13[%iota3A, %add3A_914] : memref<16x256xf32, #tpu.memory_space<vmem>>[vector<16xi32>, vector<16xi32>], vector<16xf32>,
      %mul3A_917 = arith.mulf %gather3A_915, %gather3A_916 : vector<16xf32>
      %add3A_918 = arith.addf %add3A_913, %mul3A_917 : vector<16xf32>
      %add3A_919 = arith.addi %add3A_914, %broadcast_in_dim3A_5 : vector<16xi32>
      %gather3A_920 = tpu.vector_load_idx %arg12[%iota3A, %add3A_919] : memref<16x256xf32, #tpu.memory_space<vmem>>[vector<16xi32>, vector<16xi32>], vector<16xf32>,
      %gather3A_921 = tpu.vector_load_idx %arg13[%iota3A, %add3A_919] : memref<16x256xf32, #tpu.memory_space<vmem>>[vector<16xi32>, vector<16xi32>], vector<16xf32>,
      %mul3A_922 = arith.mulf %gather3A_920, %gather3A_921 : vector<16xf32>
      %add3A_923 = arith.addf %add3A_918, %mul3A_922 : vector<16xf32>
      %add3A_924 = arith.addi %add3A_919, %broadcast_in_dim3A_5 : vector<16xi32>
      %gather3A_925 = tpu.vector_load_idx %arg12[%iota3A, %add3A_924] : memref<16x256xf32, #tpu.memory_space<vmem>>[vector<16xi32>, vector<16xi32>], vector<16xf32>,
      %gather3A_926 = tpu.vector_load_idx %arg13[%iota3A, %add3A_924] : memref<16x256xf32, #tpu.memory_space<vmem>>[vector<16xi32>, vector<16xi32>], vector<16xf32>,
      %mul3A_927 = arith.mulf %gather3A_925, %gather3A_926 : vector<16xf32>
      %add3A_928 = arith.addf %add3A_923, %mul3A_927 : vector<16xf32>
      %add3A_929 = arith.addi %add3A_924, %broadcast_in_dim3A_5 : vector<16xi32>
      %gather3A_930 = tpu.vector_load_idx %arg12[%iota3A, %add3A_929] : memref<16x256xf32, #tpu.memory_space<vmem>>[vector<16xi32>, vector<16xi32>], vector<16xf32>,
      %gather3A_931 = tpu.vector_load_idx %arg13[%iota3A, %add3A_929] : memref<16x256xf32, #tpu.memory_space<vmem>>[vector<16xi32>, vector<16xi32>], vector<16xf32>,
      %mul3A_932 = arith.mulf %gather3A_930, %gather3A_931 : vector<16xf32>
      %add3A_933 = arith.addf %add3A_928, %mul3A_932 : vector<16xf32>
      %add3A_934 = arith.addi %add3A_929, %broadcast_in_dim3A_5 : vector<16xi32>
      %gather3A_935 = tpu.vector_load_idx %arg12[%iota3A, %add3A_934] : memref<16x256xf32, #tpu.memory_space<vmem>>[vector<16xi32>, vector<16xi32>], vector<16xf32>,
      %gather3A_936 = tpu.vector_load_idx %arg13[%iota3A, %add3A_934] : memref<16x256xf32, #tpu.memory_space<vmem>>[vector<16xi32>, vector<16xi32>], vector<16xf32>,
      %mul3A_937 = arith.mulf %gather3A_935, %gather3A_936 : vector<16xf32>
      %add3A_938 = arith.addf %add3A_933, %mul3A_937 : vector<16xf32>
      %add3A_939 = arith.addi %add3A_934, %broadcast_in_dim3A_5 : vector<16xi32>
      %gather3A_940 = tpu.vector_load_idx %arg12[%iota3A, %add3A_939] : memref<16x256xf32, #tpu.memory_space<vmem>>[vector<16xi32>, vector<16xi32>], vector<16xf32>,
      %gather3A_941 = tpu.vector_load_idx %arg13[%iota3A, %add3A_939] : memref<16x256xf32, #tpu.memory_space<vmem>>[vector<16xi32>, vector<16xi32>], vector<16xf32>,
      %mul3A_942 = arith.mulf %gather3A_940, %gather3A_941 : vector<16xf32>
      %add3A_943 = arith.addf %add3A_938, %mul3A_942 : vector<16xf32>
      %add3A_944 = arith.addi %add3A_939, %broadcast_in_dim3A_5 : vector<16xi32>
      %gather3A_945 = tpu.vector_load_idx %arg12[%iota3A, %add3A_944] : memref<16x256xf32, #tpu.memory_space<vmem>>[vector<16xi32>, vector<16xi32>], vector<16xf32>,
      %gather3A_946 = tpu.vector_load_idx %arg13[%iota3A, %add3A_944] : memref<16x256xf32, #tpu.memory_space<vmem>>[vector<16xi32>, vector<16xi32>], vector<16xf32>,
      %mul3A_947 = arith.mulf %gather3A_945, %gather3A_946 : vector<16xf32>
      %add3A_948 = arith.addf %add3A_943, %mul3A_947 : vector<16xf32>
      %add3A_949 = arith.addi %add3A_944, %broadcast_in_dim3A_5 : vector<16xi32>
      %gather3A_950 = tpu.vector_load_idx %arg12[%iota3A, %add3A_949] : memref<16x256xf32, #tpu.memory_space<vmem>>[vector<16xi32>, vector<16xi32>], vector<16xf32>,
      %gather3A_951 = tpu.vector_load_idx %arg13[%iota3A, %add3A_949] : memref<16x256xf32, #tpu.memory_space<vmem>>[vector<16xi32>, vector<16xi32>], vector<16xf32>,
      %mul3A_952 = arith.mulf %gather3A_950, %gather3A_951 : vector<16xf32>
      %add3A_953 = arith.addf %add3A_948, %mul3A_952 : vector<16xf32>
      %add3A_954 = arith.addi %add3A_949, %broadcast_in_dim3A_5 : vector<16xi32>
      %gather3A_955 = tpu.vector_load_idx %arg12[%iota3A, %add3A_954] : memref<16x256xf32, #tpu.memory_space<vmem>>[vector<16xi32>, vector<16xi32>], vector<16xf32>,
      %gather3A_956 = tpu.vector_load_idx %arg13[%iota3A, %add3A_954] : memref<16x256xf32, #tpu.memory_space<vmem>>[vector<16xi32>, vector<16xi32>], vector<16xf32>,
      %mul3A_957 = arith.mulf %gather3A_955, %gather3A_956 : vector<16xf32>
      %add3A_958 = arith.addf %add3A_953, %mul3A_957 : vector<16xf32>
      %add3A_959 = arith.addi %add3A_954, %broadcast_in_dim3A_5 : vector<16xi32>
      %gather3A_960 = tpu.vector_load_idx %arg12[%iota3A, %add3A_959] : memref<16x256xf32, #tpu.memory_space<vmem>>[vector<16xi32>, vector<16xi32>], vector<16xf32>,
      %gather3A_961 = tpu.vector_load_idx %arg13[%iota3A, %add3A_959] : memref<16x256xf32, #tpu.memory_space<vmem>>[vector<16xi32>, vector<16xi32>], vector<16xf32>,
      %mul3A_962 = arith.mulf %gather3A_960, %gather3A_961 : vector<16xf32>
      %add3A_963 = arith.addf %add3A_958, %mul3A_962 : vector<16xf32>
      %add3A_964 = arith.addi %add3A_959, %broadcast_in_dim3A_5 : vector<16xi32>
      %gather3A_965 = tpu.vector_load_idx %arg12[%iota3A, %add3A_964] : memref<16x256xf32, #tpu.memory_space<vmem>>[vector<16xi32>, vector<16xi32>], vector<16xf32>,
      %gather3A_966 = tpu.vector_load_idx %arg13[%iota3A, %add3A_964] : memref<16x256xf32, #tpu.memory_space<vmem>>[vector<16xi32>, vector<16xi32>], vector<16xf32>,
      %mul3A_967 = arith.mulf %gather3A_965, %gather3A_966 : vector<16xf32>
      %add3A_968 = arith.addf %add3A_963, %mul3A_967 : vector<16xf32>
      %add3A_969 = arith.addi %add3A_964, %broadcast_in_dim3A_5 : vector<16xi32>
      %gather3A_970 = tpu.vector_load_idx %arg12[%iota3A, %add3A_969] : memref<16x256xf32, #tpu.memory_space<vmem>>[vector<16xi32>, vector<16xi32>], vector<16xf32>,
      %gather3A_971 = tpu.vector_load_idx %arg13[%iota3A, %add3A_969] : memref<16x256xf32, #tpu.memory_space<vmem>>[vector<16xi32>, vector<16xi32>], vector<16xf32>,
      %mul3A_972 = arith.mulf %gather3A_970, %gather3A_971 : vector<16xf32>
      %add3A_973 = arith.addf %add3A_968, %mul3A_972 : vector<16xf32>
      %add3A_974 = arith.addi %add3A_969, %broadcast_in_dim3A_5 : vector<16xi32>
      %gather3A_975 = tpu.vector_load_idx %arg12[%iota3A, %add3A_974] : memref<16x256xf32, #tpu.memory_space<vmem>>[vector<16xi32>, vector<16xi32>], vector<16xf32>,
      %gather3A_976 = tpu.vector_load_idx %arg13[%iota3A, %add3A_974] : memref<16x256xf32, #tpu.memory_space<vmem>>[vector<16xi32>, vector<16xi32>], vector<16xf32>,
      %mul3A_977 = arith.mulf %gather3A_975, %gather3A_976 : vector<16xf32>
      %add3A_978 = arith.addf %add3A_973, %mul3A_977 : vector<16xf32>
      %add3A_979 = arith.addi %add3A_974, %broadcast_in_dim3A_5 : vector<16xi32>
      %gather3A_980 = tpu.vector_load_idx %arg12[%iota3A, %add3A_979] : memref<16x256xf32, #tpu.memory_space<vmem>>[vector<16xi32>, vector<16xi32>], vector<16xf32>,
      %gather3A_981 = tpu.vector_load_idx %arg13[%iota3A, %add3A_979] : memref<16x256xf32, #tpu.memory_space<vmem>>[vector<16xi32>, vector<16xi32>], vector<16xf32>,
      %mul3A_982 = arith.mulf %gather3A_980, %gather3A_981 : vector<16xf32>
      %add3A_983 = arith.addf %add3A_978, %mul3A_982 : vector<16xf32>
      %add3A_984 = arith.addi %add3A_979, %broadcast_in_dim3A_5 : vector<16xi32>
      %gather3A_985 = tpu.vector_load_idx %arg12[%iota3A, %add3A_984] : memref<16x256xf32, #tpu.memory_space<vmem>>[vector<16xi32>, vector<16xi32>], vector<16xf32>,
      %gather3A_986 = tpu.vector_load_idx %arg13[%iota3A, %add3A_984] : memref<16x256xf32, #tpu.memory_space<vmem>>[vector<16xi32>, vector<16xi32>], vector<16xf32>,
      %mul3A_987 = arith.mulf %gather3A_985, %gather3A_986 : vector<16xf32>
      %add3A_988 = arith.addf %add3A_983, %mul3A_987 : vector<16xf32>
      %add3A_989 = arith.addi %add3A_984, %broadcast_in_dim3A_5 : vector<16xi32>
      %gather3A_990 = tpu.vector_load_idx %arg12[%iota3A, %add3A_989] : memref<16x256xf32, #tpu.memory_space<vmem>>[vector<16xi32>, vector<16xi32>], vector<16xf32>,
      %gather3A_991 = tpu.vector_load_idx %arg13[%iota3A, %add3A_989] : memref<16x256xf32, #tpu.memory_space<vmem>>[vector<16xi32>, vector<16xi32>], vector<16xf32>,
      %mul3A_992 = arith.mulf %gather3A_990, %gather3A_991 : vector<16xf32>
      %add3A_993 = arith.addf %add3A_988, %mul3A_992 : vector<16xf32>
      %add3A_994 = arith.addi %add3A_989, %broadcast_in_dim3A_5 : vector<16xi32>
      %gather3A_995 = tpu.vector_load_idx %arg12[%iota3A, %add3A_994] : memref<16x256xf32, #tpu.memory_space<vmem>>[vector<16xi32>, vector<16xi32>], vector<16xf32>,
      %gather3A_996 = tpu.vector_load_idx %arg13[%iota3A, %add3A_994] : memref<16x256xf32, #tpu.memory_space<vmem>>[vector<16xi32>, vector<16xi32>], vector<16xf32>,
      %mul3A_997 = arith.mulf %gather3A_995, %gather3A_996 : vector<16xf32>
      %add3A_998 = arith.addf %add3A_993, %mul3A_997 : vector<16xf32>
      %add3A_999 = arith.addi %add3A_994, %broadcast_in_dim3A_5 : vector<16xi32>
      %gather3A_1000 = tpu.vector_load_idx %arg12[%iota3A, %add3A_999] : memref<16x256xf32, #tpu.memory_space<vmem>>[vector<16xi32>, vector<16xi32>], vector<16xf32>,
      %gather3A_1001 = tpu.vector_load_idx %arg13[%iota3A, %add3A_999] : memref<16x256xf32, #tpu.memory_space<vmem>>[vector<16xi32>, vector<16xi32>], vector<16xf32>,
      %mul3A_1002 = arith.mulf %gather3A_1000, %gather3A_1001 : vector<16xf32>
      %add3A_1003 = arith.addf %add3A_998, %mul3A_1002 : vector<16xf32>
      %add3A_1004 = arith.addi %add3A_999, %broadcast_in_dim3A_5 : vector<16xi32>
      %gather3A_1005 = tpu.vector_load_idx %arg12[%iota3A, %add3A_1004] : memref<16x256xf32, #tpu.memory_space<vmem>>[vector<16xi32>, vector<16xi32>], vector<16xf32>,
      %gather3A_1006 = tpu.vector_load_idx %arg13[%iota3A, %add3A_1004] : memref<16x256xf32, #tpu.memory_space<vmem>>[vector<16xi32>, vector<16xi32>], vector<16xf32>,
      %mul3A_1007 = arith.mulf %gather3A_1005, %gather3A_1006 : vector<16xf32>
      %add3A_1008 = arith.addf %add3A_1003, %mul3A_1007 : vector<16xf32>
      %add3A_1009 = arith.addi %add3A_1004, %broadcast_in_dim3A_5 : vector<16xi32>
      %gather3A_1010 = tpu.vector_load_idx %arg12[%iota3A, %add3A_1009] : memref<16x256xf32, #tpu.memory_space<vmem>>[vector<16xi32>, vector<16xi32>], vector<16xf32>,
      %gather3A_1011 = tpu.vector_load_idx %arg13[%iota3A, %add3A_1009] : memref<16x256xf32, #tpu.memory_space<vmem>>[vector<16xi32>, vector<16xi32>], vector<16xf32>,
      %mul3A_1012 = arith.mulf %gather3A_1010, %gather3A_1011 : vector<16xf32>
      %add3A_1013 = arith.addf %add3A_1008, %mul3A_1012 : vector<16xf32>
      %add3A_1014 = arith.addi %add3A_1009, %broadcast_in_dim3A_5 : vector<16xi32>
      %gather3A_1015 = tpu.vector_load_idx %arg12[%iota3A, %add3A_1014] : memref<16x256xf32, #tpu.memory_space<vmem>>[vector<16xi32>, vector<16xi32>], vector<16xf32>,
      %gather3A_1016 = tpu.vector_load_idx %arg13[%iota3A, %add3A_1014] : memref<16x256xf32, #tpu.memory_space<vmem>>[vector<16xi32>, vector<16xi32>], vector<16xf32>,
      %mul3A_1017 = arith.mulf %gather3A_1015, %gather3A_1016 : vector<16xf32>
      %add3A_1018 = arith.addf %add3A_1013, %mul3A_1017 : vector<16xf32>
      %add3A_1019 = arith.addi %add3A_1014, %broadcast_in_dim3A_5 : vector<16xi32>
      %gather3A_1020 = tpu.vector_load_idx %arg12[%iota3A, %add3A_1019] : memref<16x256xf32, #tpu.memory_space<vmem>>[vector<16xi32>, vector<16xi32>], vector<16xf32>,
      %gather3A_1021 = tpu.vector_load_idx %arg13[%iota3A, %add3A_1019] : memref<16x256xf32, #tpu.memory_space<vmem>>[vector<16xi32>, vector<16xi32>], vector<16xf32>,
      %mul3A_1022 = arith.mulf %gather3A_1020, %gather3A_1021 : vector<16xf32>
      %add3A_1023 = arith.addf %add3A_1018, %mul3A_1022 : vector<16xf32>
      %add3A_1024 = arith.addi %add3A_1019, %broadcast_in_dim3A_5 : vector<16xi32>
      %gather3A_1025 = tpu.vector_load_idx %arg12[%iota3A, %add3A_1024] : memref<16x256xf32, #tpu.memory_space<vmem>>[vector<16xi32>, vector<16xi32>], vector<16xf32>,
      %gather3A_1026 = tpu.vector_load_idx %arg13[%iota3A, %add3A_1024] : memref<16x256xf32, #tpu.memory_space<vmem>>[vector<16xi32>, vector<16xi32>], vector<16xf32>,
      %mul3A_1027 = arith.mulf %gather3A_1025, %gather3A_1026 : vector<16xf32>
      %add3A_1028 = arith.addf %add3A_1023, %mul3A_1027 : vector<16xf32>
      %add3A_1029 = arith.addi %add3A_1024, %broadcast_in_dim3A_5 : vector<16xi32>
      %gather3A_1030 = tpu.vector_load_idx %arg12[%iota3A, %add3A_1029] : memref<16x256xf32, #tpu.memory_space<vmem>>[vector<16xi32>, vector<16xi32>], vector<16xf32>,
      %gather3A_1031 = tpu.vector_load_idx %arg13[%iota3A, %add3A_1029] : memref<16x256xf32, #tpu.memory_space<vmem>>[vector<16xi32>, vector<16xi32>], vector<16xf32>,
      %mul3A_1032 = arith.mulf %gather3A_1030, %gather3A_1031 : vector<16xf32>
      %add3A_1033 = arith.addf %add3A_1028, %mul3A_1032 : vector<16xf32>
      %add3A_1034 = arith.addi %add3A_1029, %broadcast_in_dim3A_5 : vector<16xi32>
      %gather3A_1035 = tpu.vector_load_idx %arg12[%iota3A, %add3A_1034] : memref<16x256xf32, #tpu.memory_space<vmem>>[vector<16xi32>, vector<16xi32>], vector<16xf32>,
      %gather3A_1036 = tpu.vector_load_idx %arg13[%iota3A, %add3A_1034] : memref<16x256xf32, #tpu.memory_space<vmem>>[vector<16xi32>, vector<16xi32>], vector<16xf32>,
      %mul3A_1037 = arith.mulf %gather3A_1035, %gather3A_1036 : vector<16xf32>
      %add3A_1038 = arith.addf %add3A_1033, %mul3A_1037 : vector<16xf32>
      %add3A_1039 = arith.addi %add3A_1034, %broadcast_in_dim3A_5 : vector<16xi32>
      %mul3A_1040 = arith.constant 0.176776692 : f32
      %mul3A_1041 = vector.broadcast %mul3A_1040 : f32 to vector<16xf32>
      %mul3A_1042 = arith.mulf %add3A_1038, %mul3A_1041 : vector<16xf32>
      %exp3A_1043 = math.exp %mul3A_1042 : vector<16xf32>
      %broadcast_in_dim3A_1044 = arith.constant 5 : i32
      %broadcast_in_dim3A_1045 = vector.broadcast %broadcast_in_dim3A_1044 : i32 to vector<16xi32>
      tpu.vector_store_idx %arg14[%add3A_39, %broadcast_in_dim3A_1045], %mul3A_1042 : memref<5008x8xf32, #tpu.memory_space<vmem>>[vector<16xi32>, vector<16xi32>], vector<16xf32>,
      tpu.vector_store_idx %arg15[%add3A_39, %broadcast_in_dim3A_1045], %exp3A_1043 : memref<5008x8xf32, #tpu.memory_space<vmem>>[vector<16xi32>, vector<16xi32>], vector<16xf32>,
      %broadcast_in_dim3A_1046 = arith.constant 0.000000e+00 : f32
      %broadcast_in_dim3A_1047 = vector.broadcast %broadcast_in_dim3A_1046 : f32 to vector<16xf32>
      %gather3A_1048 = tpu.vector_load_idx %arg12[%iota3A, %add3A_1039] : memref<16x256xf32, #tpu.memory_space<vmem>>[vector<16xi32>, vector<16xi32>], vector<16xf32>,
      %gather3A_1049 = tpu.vector_load_idx %arg13[%iota3A, %add3A_1039] : memref<16x256xf32, #tpu.memory_space<vmem>>[vector<16xi32>, vector<16xi32>], vector<16xf32>,
      %mul3A_1050 = arith.mulf %gather3A_1048, %gather3A_1049 : vector<16xf32>
      %add3A_1051 = arith.addf %broadcast_in_dim3A_1047, %mul3A_1050 : vector<16xf32>
      %add3A_1052 = arith.addi %add3A_1039, %broadcast_in_dim3A_5 : vector<16xi32>
      %gather3A_1053 = tpu.vector_load_idx %arg12[%iota3A, %add3A_1052] : memref<16x256xf32, #tpu.memory_space<vmem>>[vector<16xi32>, vector<16xi32>], vector<16xf32>,
      %gather3A_1054 = tpu.vector_load_idx %arg13[%iota3A, %add3A_1052] : memref<16x256xf32, #tpu.memory_space<vmem>>[vector<16xi32>, vector<16xi32>], vector<16xf32>,
      %mul3A_1055 = arith.mulf %gather3A_1053, %gather3A_1054 : vector<16xf32>
      %add3A_1056 = arith.addf %add3A_1051, %mul3A_1055 : vector<16xf32>
      %add3A_1057 = arith.addi %add3A_1052, %broadcast_in_dim3A_5 : vector<16xi32>
      %gather3A_1058 = tpu.vector_load_idx %arg12[%iota3A, %add3A_1057] : memref<16x256xf32, #tpu.memory_space<vmem>>[vector<16xi32>, vector<16xi32>], vector<16xf32>,
      %gather3A_1059 = tpu.vector_load_idx %arg13[%iota3A, %add3A_1057] : memref<16x256xf32, #tpu.memory_space<vmem>>[vector<16xi32>, vector<16xi32>], vector<16xf32>,
      %mul3A_1060 = arith.mulf %gather3A_1058, %gather3A_1059 : vector<16xf32>
      %add3A_1061 = arith.addf %add3A_1056, %mul3A_1060 : vector<16xf32>
      %add3A_1062 = arith.addi %add3A_1057, %broadcast_in_dim3A_5 : vector<16xi32>
      %gather3A_1063 = tpu.vector_load_idx %arg12[%iota3A, %add3A_1062] : memref<16x256xf32, #tpu.memory_space<vmem>>[vector<16xi32>, vector<16xi32>], vector<16xf32>,
      %gather3A_1064 = tpu.vector_load_idx %arg13[%iota3A, %add3A_1062] : memref<16x256xf32, #tpu.memory_space<vmem>>[vector<16xi32>, vector<16xi32>], vector<16xf32>,
      %mul3A_1065 = arith.mulf %gather3A_1063, %gather3A_1064 : vector<16xf32>
      %add3A_1066 = arith.addf %add3A_1061, %mul3A_1065 : vector<16xf32>
      %add3A_1067 = arith.addi %add3A_1062, %broadcast_in_dim3A_5 : vector<16xi32>
      %gather3A_1068 = tpu.vector_load_idx %arg12[%iota3A, %add3A_1067] : memref<16x256xf32, #tpu.memory_space<vmem>>[vector<16xi32>, vector<16xi32>], vector<16xf32>,
      %gather3A_1069 = tpu.vector_load_idx %arg13[%iota3A, %add3A_1067] : memref<16x256xf32, #tpu.memory_space<vmem>>[vector<16xi32>, vector<16xi32>], vector<16xf32>,
      %mul3A_1070 = arith.mulf %gather3A_1068, %gather3A_1069 : vector<16xf32>
      %add3A_1071 = arith.addf %add3A_1066, %mul3A_1070 : vector<16xf32>
      %add3A_1072 = arith.addi %add3A_1067, %broadcast_in_dim3A_5 : vector<16xi32>
      %gather3A_1073 = tpu.vector_load_idx %arg12[%iota3A, %add3A_1072] : memref<16x256xf32, #tpu.memory_space<vmem>>[vector<16xi32>, vector<16xi32>], vector<16xf32>,
      %gather3A_1074 = tpu.vector_load_idx %arg13[%iota3A, %add3A_1072] : memref<16x256xf32, #tpu.memory_space<vmem>>[vector<16xi32>, vector<16xi32>], vector<16xf32>,
      %mul3A_1075 = arith.mulf %gather3A_1073, %gather3A_1074 : vector<16xf32>
      %add3A_1076 = arith.addf %add3A_1071, %mul3A_1075 : vector<16xf32>
      %add3A_1077 = arith.addi %add3A_1072, %broadcast_in_dim3A_5 : vector<16xi32>
      %gather3A_1078 = tpu.vector_load_idx %arg12[%iota3A, %add3A_1077] : memref<16x256xf32, #tpu.memory_space<vmem>>[vector<16xi32>, vector<16xi32>], vector<16xf32>,
      %gather3A_1079 = tpu.vector_load_idx %arg13[%iota3A, %add3A_1077] : memref<16x256xf32, #tpu.memory_space<vmem>>[vector<16xi32>, vector<16xi32>], vector<16xf32>,
      %mul3A_1080 = arith.mulf %gather3A_1078, %gather3A_1079 : vector<16xf32>
      %add3A_1081 = arith.addf %add3A_1076, %mul3A_1080 : vector<16xf32>
      %add3A_1082 = arith.addi %add3A_1077, %broadcast_in_dim3A_5 : vector<16xi32>
      %gather3A_1083 = tpu.vector_load_idx %arg12[%iota3A, %add3A_1082] : memref<16x256xf32, #tpu.memory_space<vmem>>[vector<16xi32>, vector<16xi32>], vector<16xf32>,
      %gather3A_1084 = tpu.vector_load_idx %arg13[%iota3A, %add3A_1082] : memref<16x256xf32, #tpu.memory_space<vmem>>[vector<16xi32>, vector<16xi32>], vector<16xf32>,
      %mul3A_1085 = arith.mulf %gather3A_1083, %gather3A_1084 : vector<16xf32>
      %add3A_1086 = arith.addf %add3A_1081, %mul3A_1085 : vector<16xf32>
      %add3A_1087 = arith.addi %add3A_1082, %broadcast_in_dim3A_5 : vector<16xi32>
      %gather3A_1088 = tpu.vector_load_idx %arg12[%iota3A, %add3A_1087] : memref<16x256xf32, #tpu.memory_space<vmem>>[vector<16xi32>, vector<16xi32>], vector<16xf32>,
      %gather3A_1089 = tpu.vector_load_idx %arg13[%iota3A, %add3A_1087] : memref<16x256xf32, #tpu.memory_space<vmem>>[vector<16xi32>, vector<16xi32>], vector<16xf32>,
      %mul3A_1090 = arith.mulf %gather3A_1088, %gather3A_1089 : vector<16xf32>
      %add3A_1091 = arith.addf %add3A_1086, %mul3A_1090 : vector<16xf32>
      %add3A_1092 = arith.addi %add3A_1087, %broadcast_in_dim3A_5 : vector<16xi32>
      %gather3A_1093 = tpu.vector_load_idx %arg12[%iota3A, %add3A_1092] : memref<16x256xf32, #tpu.memory_space<vmem>>[vector<16xi32>, vector<16xi32>], vector<16xf32>,
      %gather3A_1094 = tpu.vector_load_idx %arg13[%iota3A, %add3A_1092] : memref<16x256xf32, #tpu.memory_space<vmem>>[vector<16xi32>, vector<16xi32>], vector<16xf32>,
      %mul3A_1095 = arith.mulf %gather3A_1093, %gather3A_1094 : vector<16xf32>
      %add3A_1096 = arith.addf %add3A_1091, %mul3A_1095 : vector<16xf32>
      %add3A_1097 = arith.addi %add3A_1092, %broadcast_in_dim3A_5 : vector<16xi32>
      %gather3A_1098 = tpu.vector_load_idx %arg12[%iota3A, %add3A_1097] : memref<16x256xf32, #tpu.memory_space<vmem>>[vector<16xi32>, vector<16xi32>], vector<16xf32>,
      %gather3A_1099 = tpu.vector_load_idx %arg13[%iota3A, %add3A_1097] : memref<16x256xf32, #tpu.memory_space<vmem>>[vector<16xi32>, vector<16xi32>], vector<16xf32>,
      %mul3A_1100 = arith.mulf %gather3A_1098, %gather3A_1099 : vector<16xf32>
      %add3A_1101 = arith.addf %add3A_1096, %mul3A_1100 : vector<16xf32>
      %add3A_1102 = arith.addi %add3A_1097, %broadcast_in_dim3A_5 : vector<16xi32>
      %gather3A_1103 = tpu.vector_load_idx %arg12[%iota3A, %add3A_1102] : memref<16x256xf32, #tpu.memory_space<vmem>>[vector<16xi32>, vector<16xi32>], vector<16xf32>,
      %gather3A_1104 = tpu.vector_load_idx %arg13[%iota3A, %add3A_1102] : memref<16x256xf32, #tpu.memory_space<vmem>>[vector<16xi32>, vector<16xi32>], vector<16xf32>,
      %mul3A_1105 = arith.mulf %gather3A_1103, %gather3A_1104 : vector<16xf32>
      %add3A_1106 = arith.addf %add3A_1101, %mul3A_1105 : vector<16xf32>
      %add3A_1107 = arith.addi %add3A_1102, %broadcast_in_dim3A_5 : vector<16xi32>
      %gather3A_1108 = tpu.vector_load_idx %arg12[%iota3A, %add3A_1107] : memref<16x256xf32, #tpu.memory_space<vmem>>[vector<16xi32>, vector<16xi32>], vector<16xf32>,
      %gather3A_1109 = tpu.vector_load_idx %arg13[%iota3A, %add3A_1107] : memref<16x256xf32, #tpu.memory_space<vmem>>[vector<16xi32>, vector<16xi32>], vector<16xf32>,
      %mul3A_1110 = arith.mulf %gather3A_1108, %gather3A_1109 : vector<16xf32>
      %add3A_1111 = arith.addf %add3A_1106, %mul3A_1110 : vector<16xf32>
      %add3A_1112 = arith.addi %add3A_1107, %broadcast_in_dim3A_5 : vector<16xi32>
      %gather3A_1113 = tpu.vector_load_idx %arg12[%iota3A, %add3A_1112] : memref<16x256xf32, #tpu.memory_space<vmem>>[vector<16xi32>, vector<16xi32>], vector<16xf32>,
      %gather3A_1114 = tpu.vector_load_idx %arg13[%iota3A, %add3A_1112] : memref<16x256xf32, #tpu.memory_space<vmem>>[vector<16xi32>, vector<16xi32>], vector<16xf32>,
      %mul3A_1115 = arith.mulf %gather3A_1113, %gather3A_1114 : vector<16xf32>
      %add3A_1116 = arith.addf %add3A_1111, %mul3A_1115 : vector<16xf32>
      %add3A_1117 = arith.addi %add3A_1112, %broadcast_in_dim3A_5 : vector<16xi32>
      %gather3A_1118 = tpu.vector_load_idx %arg12[%iota3A, %add3A_1117] : memref<16x256xf32, #tpu.memory_space<vmem>>[vector<16xi32>, vector<16xi32>], vector<16xf32>,
      %gather3A_1119 = tpu.vector_load_idx %arg13[%iota3A, %add3A_1117] : memref<16x256xf32, #tpu.memory_space<vmem>>[vector<16xi32>, vector<16xi32>], vector<16xf32>,
      %mul3A_1120 = arith.mulf %gather3A_1118, %gather3A_1119 : vector<16xf32>
      %add3A_1121 = arith.addf %add3A_1116, %mul3A_1120 : vector<16xf32>
      %add3A_1122 = arith.addi %add3A_1117, %broadcast_in_dim3A_5 : vector<16xi32>
      %gather3A_1123 = tpu.vector_load_idx %arg12[%iota3A, %add3A_1122] : memref<16x256xf32, #tpu.memory_space<vmem>>[vector<16xi32>, vector<16xi32>], vector<16xf32>,
      %gather3A_1124 = tpu.vector_load_idx %arg13[%iota3A, %add3A_1122] : memref<16x256xf32, #tpu.memory_space<vmem>>[vector<16xi32>, vector<16xi32>], vector<16xf32>,
      %mul3A_1125 = arith.mulf %gather3A_1123, %gather3A_1124 : vector<16xf32>
      %add3A_1126 = arith.addf %add3A_1121, %mul3A_1125 : vector<16xf32>
      %add3A_1127 = arith.addi %add3A_1122, %broadcast_in_dim3A_5 : vector<16xi32>
      %gather3A_1128 = tpu.vector_load_idx %arg12[%iota3A, %add3A_1127] : memref<16x256xf32, #tpu.memory_space<vmem>>[vector<16xi32>, vector<16xi32>], vector<16xf32>,
      %gather3A_1129 = tpu.vector_load_idx %arg13[%iota3A, %add3A_1127] : memref<16x256xf32, #tpu.memory_space<vmem>>[vector<16xi32>, vector<16xi32>], vector<16xf32>,
      %mul3A_1130 = arith.mulf %gather3A_1128, %gather3A_1129 : vector<16xf32>
      %add3A_1131 = arith.addf %add3A_1126, %mul3A_1130 : vector<16xf32>
      %add3A_1132 = arith.addi %add3A_1127, %broadcast_in_dim3A_5 : vector<16xi32>
      %gather3A_1133 = tpu.vector_load_idx %arg12[%iota3A, %add3A_1132] : memref<16x256xf32, #tpu.memory_space<vmem>>[vector<16xi32>, vector<16xi32>], vector<16xf32>,
      %gather3A_1134 = tpu.vector_load_idx %arg13[%iota3A, %add3A_1132] : memref<16x256xf32, #tpu.memory_space<vmem>>[vector<16xi32>, vector<16xi32>], vector<16xf32>,
      %mul3A_1135 = arith.mulf %gather3A_1133, %gather3A_1134 : vector<16xf32>
      %add3A_1136 = arith.addf %add3A_1131, %mul3A_1135 : vector<16xf32>
      %add3A_1137 = arith.addi %add3A_1132, %broadcast_in_dim3A_5 : vector<16xi32>
      %gather3A_1138 = tpu.vector_load_idx %arg12[%iota3A, %add3A_1137] : memref<16x256xf32, #tpu.memory_space<vmem>>[vector<16xi32>, vector<16xi32>], vector<16xf32>,
      %gather3A_1139 = tpu.vector_load_idx %arg13[%iota3A, %add3A_1137] : memref<16x256xf32, #tpu.memory_space<vmem>>[vector<16xi32>, vector<16xi32>], vector<16xf32>,
      %mul3A_1140 = arith.mulf %gather3A_1138, %gather3A_1139 : vector<16xf32>
      %add3A_1141 = arith.addf %add3A_1136, %mul3A_1140 : vector<16xf32>
      %add3A_1142 = arith.addi %add3A_1137, %broadcast_in_dim3A_5 : vector<16xi32>
      %gather3A_1143 = tpu.vector_load_idx %arg12[%iota3A, %add3A_1142] : memref<16x256xf32, #tpu.memory_space<vmem>>[vector<16xi32>, vector<16xi32>], vector<16xf32>,
      %gather3A_1144 = tpu.vector_load_idx %arg13[%iota3A, %add3A_1142] : memref<16x256xf32, #tpu.memory_space<vmem>>[vector<16xi32>, vector<16xi32>], vector<16xf32>,
      %mul3A_1145 = arith.mulf %gather3A_1143, %gather3A_1144 : vector<16xf32>
      %add3A_1146 = arith.addf %add3A_1141, %mul3A_1145 : vector<16xf32>
      %add3A_1147 = arith.addi %add3A_1142, %broadcast_in_dim3A_5 : vector<16xi32>
      %gather3A_1148 = tpu.vector_load_idx %arg12[%iota3A, %add3A_1147] : memref<16x256xf32, #tpu.memory_space<vmem>>[vector<16xi32>, vector<16xi32>], vector<16xf32>,
      %gather3A_1149 = tpu.vector_load_idx %arg13[%iota3A, %add3A_1147] : memref<16x256xf32, #tpu.memory_space<vmem>>[vector<16xi32>, vector<16xi32>], vector<16xf32>,
      %mul3A_1150 = arith.mulf %gather3A_1148, %gather3A_1149 : vector<16xf32>
      %add3A_1151 = arith.addf %add3A_1146, %mul3A_1150 : vector<16xf32>
      %add3A_1152 = arith.addi %add3A_1147, %broadcast_in_dim3A_5 : vector<16xi32>
      %gather3A_1153 = tpu.vector_load_idx %arg12[%iota3A, %add3A_1152] : memref<16x256xf32, #tpu.memory_space<vmem>>[vector<16xi32>, vector<16xi32>], vector<16xf32>,
      %gather3A_1154 = tpu.vector_load_idx %arg13[%iota3A, %add3A_1152] : memref<16x256xf32, #tpu.memory_space<vmem>>[vector<16xi32>, vector<16xi32>], vector<16xf32>,
      %mul3A_1155 = arith.mulf %gather3A_1153, %gather3A_1154 : vector<16xf32>
      %add3A_1156 = arith.addf %add3A_1151, %mul3A_1155 : vector<16xf32>
      %add3A_1157 = arith.addi %add3A_1152, %broadcast_in_dim3A_5 : vector<16xi32>
      %gather3A_1158 = tpu.vector_load_idx %arg12[%iota3A, %add3A_1157] : memref<16x256xf32, #tpu.memory_space<vmem>>[vector<16xi32>, vector<16xi32>], vector<16xf32>,
      %gather3A_1159 = tpu.vector_load_idx %arg13[%iota3A, %add3A_1157] : memref<16x256xf32, #tpu.memory_space<vmem>>[vector<16xi32>, vector<16xi32>], vector<16xf32>,
      %mul3A_1160 = arith.mulf %gather3A_1158, %gather3A_1159 : vector<16xf32>
      %add3A_1161 = arith.addf %add3A_1156, %mul3A_1160 : vector<16xf32>
      %add3A_1162 = arith.addi %add3A_1157, %broadcast_in_dim3A_5 : vector<16xi32>
      %gather3A_1163 = tpu.vector_load_idx %arg12[%iota3A, %add3A_1162] : memref<16x256xf32, #tpu.memory_space<vmem>>[vector<16xi32>, vector<16xi32>], vector<16xf32>,
      %gather3A_1164 = tpu.vector_load_idx %arg13[%iota3A, %add3A_1162] : memref<16x256xf32, #tpu.memory_space<vmem>>[vector<16xi32>, vector<16xi32>], vector<16xf32>,
      %mul3A_1165 = arith.mulf %gather3A_1163, %gather3A_1164 : vector<16xf32>
      %add3A_1166 = arith.addf %add3A_1161, %mul3A_1165 : vector<16xf32>
      %add3A_1167 = arith.addi %add3A_1162, %broadcast_in_dim3A_5 : vector<16xi32>
      %gather3A_1168 = tpu.vector_load_idx %arg12[%iota3A, %add3A_1167] : memref<16x256xf32, #tpu.memory_space<vmem>>[vector<16xi32>, vector<16xi32>], vector<16xf32>,
      %gather3A_1169 = tpu.vector_load_idx %arg13[%iota3A, %add3A_1167] : memref<16x256xf32, #tpu.memory_space<vmem>>[vector<16xi32>, vector<16xi32>], vector<16xf32>,
      %mul3A_1170 = arith.mulf %gather3A_1168, %gather3A_1169 : vector<16xf32>
      %add3A_1171 = arith.addf %add3A_1166, %mul3A_1170 : vector<16xf32>
      %add3A_1172 = arith.addi %add3A_1167, %broadcast_in_dim3A_5 : vector<16xi32>
      %gather3A_1173 = tpu.vector_load_idx %arg12[%iota3A, %add3A_1172] : memref<16x256xf32, #tpu.memory_space<vmem>>[vector<16xi32>, vector<16xi32>], vector<16xf32>,
      %gather3A_1174 = tpu.vector_load_idx %arg13[%iota3A, %add3A_1172] : memref<16x256xf32, #tpu.memory_space<vmem>>[vector<16xi32>, vector<16xi32>], vector<16xf32>,
      %mul3A_1175 = arith.mulf %gather3A_1173, %gather3A_1174 : vector<16xf32>
      %add3A_1176 = arith.addf %add3A_1171, %mul3A_1175 : vector<16xf32>
      %add3A_1177 = arith.addi %add3A_1172, %broadcast_in_dim3A_5 : vector<16xi32>
      %gather3A_1178 = tpu.vector_load_idx %arg12[%iota3A, %add3A_1177] : memref<16x256xf32, #tpu.memory_space<vmem>>[vector<16xi32>, vector<16xi32>], vector<16xf32>,
      %gather3A_1179 = tpu.vector_load_idx %arg13[%iota3A, %add3A_1177] : memref<16x256xf32, #tpu.memory_space<vmem>>[vector<16xi32>, vector<16xi32>], vector<16xf32>,
      %mul3A_1180 = arith.mulf %gather3A_1178, %gather3A_1179 : vector<16xf32>
      %add3A_1181 = arith.addf %add3A_1176, %mul3A_1180 : vector<16xf32>
      %add3A_1182 = arith.addi %add3A_1177, %broadcast_in_dim3A_5 : vector<16xi32>
      %gather3A_1183 = tpu.vector_load_idx %arg12[%iota3A, %add3A_1182] : memref<16x256xf32, #tpu.memory_space<vmem>>[vector<16xi32>, vector<16xi32>], vector<16xf32>,
      %gather3A_1184 = tpu.vector_load_idx %arg13[%iota3A, %add3A_1182] : memref<16x256xf32, #tpu.memory_space<vmem>>[vector<16xi32>, vector<16xi32>], vector<16xf32>,
      %mul3A_1185 = arith.mulf %gather3A_1183, %gather3A_1184 : vector<16xf32>
      %add3A_1186 = arith.addf %add3A_1181, %mul3A_1185 : vector<16xf32>
      %add3A_1187 = arith.addi %add3A_1182, %broadcast_in_dim3A_5 : vector<16xi32>
      %gather3A_1188 = tpu.vector_load_idx %arg12[%iota3A, %add3A_1187] : memref<16x256xf32, #tpu.memory_space<vmem>>[vector<16xi32>, vector<16xi32>], vector<16xf32>,
      %gather3A_1189 = tpu.vector_load_idx %arg13[%iota3A, %add3A_1187] : memref<16x256xf32, #tpu.memory_space<vmem>>[vector<16xi32>, vector<16xi32>], vector<16xf32>,
      %mul3A_1190 = arith.mulf %gather3A_1188, %gather3A_1189 : vector<16xf32>
      %add3A_1191 = arith.addf %add3A_1186, %mul3A_1190 : vector<16xf32>
      %add3A_1192 = arith.addi %add3A_1187, %broadcast_in_dim3A_5 : vector<16xi32>
      %gather3A_1193 = tpu.vector_load_idx %arg12[%iota3A, %add3A_1192] : memref<16x256xf32, #tpu.memory_space<vmem>>[vector<16xi32>, vector<16xi32>], vector<16xf32>,
      %gather3A_1194 = tpu.vector_load_idx %arg13[%iota3A, %add3A_1192] : memref<16x256xf32, #tpu.memory_space<vmem>>[vector<16xi32>, vector<16xi32>], vector<16xf32>,
      %mul3A_1195 = arith.mulf %gather3A_1193, %gather3A_1194 : vector<16xf32>
      %add3A_1196 = arith.addf %add3A_1191, %mul3A_1195 : vector<16xf32>
      %add3A_1197 = arith.addi %add3A_1192, %broadcast_in_dim3A_5 : vector<16xi32>
      %gather3A_1198 = tpu.vector_load_idx %arg12[%iota3A, %add3A_1197] : memref<16x256xf32, #tpu.memory_space<vmem>>[vector<16xi32>, vector<16xi32>], vector<16xf32>,
      %gather3A_1199 = tpu.vector_load_idx %arg13[%iota3A, %add3A_1197] : memref<16x256xf32, #tpu.memory_space<vmem>>[vector<16xi32>, vector<16xi32>], vector<16xf32>,
      %mul3A_1200 = arith.mulf %gather3A_1198, %gather3A_1199 : vector<16xf32>
      %add3A_1201 = arith.addf %add3A_1196, %mul3A_1200 : vector<16xf32>
      %add3A_1202 = arith.addi %add3A_1197, %broadcast_in_dim3A_5 : vector<16xi32>
      %gather3A_1203 = tpu.vector_load_idx %arg12[%iota3A, %add3A_1202] : memref<16x256xf32, #tpu.memory_space<vmem>>[vector<16xi32>, vector<16xi32>], vector<16xf32>,
      %gather3A_1204 = tpu.vector_load_idx %arg13[%iota3A, %add3A_1202] : memref<16x256xf32, #tpu.memory_space<vmem>>[vector<16xi32>, vector<16xi32>], vector<16xf32>,
      %mul3A_1205 = arith.mulf %gather3A_1203, %gather3A_1204 : vector<16xf32>
      %add3A_1206 = arith.addf %add3A_1201, %mul3A_1205 : vector<16xf32>
      %add3A_1207 = arith.addi %add3A_1202, %broadcast_in_dim3A_5 : vector<16xi32>
      %mul3A_1208 = arith.constant 0.176776692 : f32
      %mul3A_1209 = vector.broadcast %mul3A_1208 : f32 to vector<16xf32>
      %mul3A_1210 = arith.mulf %add3A_1206, %mul3A_1209 : vector<16xf32>
      %exp3A_1211 = math.exp %mul3A_1210 : vector<16xf32>
      %broadcast_in_dim3A_1212 = arith.constant 6 : i32
      %broadcast_in_dim3A_1213 = vector.broadcast %broadcast_in_dim3A_1212 : i32 to vector<16xi32>
      tpu.vector_store_idx %arg14[%add3A_39, %broadcast_in_dim3A_1213], %mul3A_1210 : memref<5008x8xf32, #tpu.memory_space<vmem>>[vector<16xi32>, vector<16xi32>], vector<16xf32>,
      tpu.vector_store_idx %arg15[%add3A_39, %broadcast_in_dim3A_1213], %exp3A_1211 : memref<5008x8xf32, #tpu.memory_space<vmem>>[vector<16xi32>, vector<16xi32>], vector<16xf32>,
      %broadcast_in_dim3A_1214 = arith.constant 0.000000e+00 : f32
      %broadcast_in_dim3A_1215 = vector.broadcast %broadcast_in_dim3A_1214 : f32 to vector<16xf32>
      %gather3A_1216 = tpu.vector_load_idx %arg12[%iota3A, %add3A_1207] : memref<16x256xf32, #tpu.memory_space<vmem>>[vector<16xi32>, vector<16xi32>], vector<16xf32>,
      %gather3A_1217 = tpu.vector_load_idx %arg13[%iota3A, %add3A_1207] : memref<16x256xf32, #tpu.memory_space<vmem>>[vector<16xi32>, vector<16xi32>], vector<16xf32>,
      %mul3A_1218 = arith.mulf %gather3A_1216, %gather3A_1217 : vector<16xf32>
      %add3A_1219 = arith.addf %broadcast_in_dim3A_1215, %mul3A_1218 : vector<16xf32>
      %add3A_1220 = arith.addi %add3A_1207, %broadcast_in_dim3A_5 : vector<16xi32>
      %gather3A_1221 = tpu.vector_load_idx %arg12[%iota3A, %add3A_1220] : memref<16x256xf32, #tpu.memory_space<vmem>>[vector<16xi32>, vector<16xi32>], vector<16xf32>,
      %gather3A_1222 = tpu.vector_load_idx %arg13[%iota3A, %add3A_1220] : memref<16x256xf32, #tpu.memory_space<vmem>>[vector<16xi32>, vector<16xi32>], vector<16xf32>,
      %mul3A_1223 = arith.mulf %gather3A_1221, %gather3A_1222 : vector<16xf32>
      %add3A_1224 = arith.addf %add3A_1219, %mul3A_1223 : vector<16xf32>
      %add3A_1225 = arith.addi %add3A_1220, %broadcast_in_dim3A_5 : vector<16xi32>
      %gather3A_1226 = tpu.vector_load_idx %arg12[%iota3A, %add3A_1225] : memref<16x256xf32, #tpu.memory_space<vmem>>[vector<16xi32>, vector<16xi32>], vector<16xf32>,
      %gather3A_1227 = tpu.vector_load_idx %arg13[%iota3A, %add3A_1225] : memref<16x256xf32, #tpu.memory_space<vmem>>[vector<16xi32>, vector<16xi32>], vector<16xf32>,
      %mul3A_1228 = arith.mulf %gather3A_1226, %gather3A_1227 : vector<16xf32>
      %add3A_1229 = arith.addf %add3A_1224, %mul3A_1228 : vector<16xf32>
      %add3A_1230 = arith.addi %add3A_1225, %broadcast_in_dim3A_5 : vector<16xi32>
      %gather3A_1231 = tpu.vector_load_idx %arg12[%iota3A, %add3A_1230] : memref<16x256xf32, #tpu.memory_space<vmem>>[vector<16xi32>, vector<16xi32>], vector<16xf32>,
      %gather3A_1232 = tpu.vector_load_idx %arg13[%iota3A, %add3A_1230] : memref<16x256xf32, #tpu.memory_space<vmem>>[vector<16xi32>, vector<16xi32>], vector<16xf32>,
      %mul3A_1233 = arith.mulf %gather3A_1231, %gather3A_1232 : vector<16xf32>
      %add3A_1234 = arith.addf %add3A_1229, %mul3A_1233 : vector<16xf32>
      %add3A_1235 = arith.addi %add3A_1230, %broadcast_in_dim3A_5 : vector<16xi32>
      %gather3A_1236 = tpu.vector_load_idx %arg12[%iota3A, %add3A_1235] : memref<16x256xf32, #tpu.memory_space<vmem>>[vector<16xi32>, vector<16xi32>], vector<16xf32>,
      %gather3A_1237 = tpu.vector_load_idx %arg13[%iota3A, %add3A_1235] : memref<16x256xf32, #tpu.memory_space<vmem>>[vector<16xi32>, vector<16xi32>], vector<16xf32>,
      %mul3A_1238 = arith.mulf %gather3A_1236, %gather3A_1237 : vector<16xf32>
      %add3A_1239 = arith.addf %add3A_1234, %mul3A_1238 : vector<16xf32>
      %add3A_1240 = arith.addi %add3A_1235, %broadcast_in_dim3A_5 : vector<16xi32>
      %gather3A_1241 = tpu.vector_load_idx %arg12[%iota3A, %add3A_1240] : memref<16x256xf32, #tpu.memory_space<vmem>>[vector<16xi32>, vector<16xi32>], vector<16xf32>,
      %gather3A_1242 = tpu.vector_load_idx %arg13[%iota3A, %add3A_1240] : memref<16x256xf32, #tpu.memory_space<vmem>>[vector<16xi32>, vector<16xi32>], vector<16xf32>,
      %mul3A_1243 = arith.mulf %gather3A_1241, %gather3A_1242 : vector<16xf32>
      %add3A_1244 = arith.addf %add3A_1239, %mul3A_1243 : vector<16xf32>
      %add3A_1245 = arith.addi %add3A_1240, %broadcast_in_dim3A_5 : vector<16xi32>
      %gather3A_1246 = tpu.vector_load_idx %arg12[%iota3A, %add3A_1245] : memref<16x256xf32, #tpu.memory_space<vmem>>[vector<16xi32>, vector<16xi32>], vector<16xf32>,
      %gather3A_1247 = tpu.vector_load_idx %arg13[%iota3A, %add3A_1245] : memref<16x256xf32, #tpu.memory_space<vmem>>[vector<16xi32>, vector<16xi32>], vector<16xf32>,
      %mul3A_1248 = arith.mulf %gather3A_1246, %gather3A_1247 : vector<16xf32>
      %add3A_1249 = arith.addf %add3A_1244, %mul3A_1248 : vector<16xf32>
      %add3A_1250 = arith.addi %add3A_1245, %broadcast_in_dim3A_5 : vector<16xi32>
      %gather3A_1251 = tpu.vector_load_idx %arg12[%iota3A, %add3A_1250] : memref<16x256xf32, #tpu.memory_space<vmem>>[vector<16xi32>, vector<16xi32>], vector<16xf32>,
      %gather3A_1252 = tpu.vector_load_idx %arg13[%iota3A, %add3A_1250] : memref<16x256xf32, #tpu.memory_space<vmem>>[vector<16xi32>, vector<16xi32>], vector<16xf32>,
      %mul3A_1253 = arith.mulf %gather3A_1251, %gather3A_1252 : vector<16xf32>
      %add3A_1254 = arith.addf %add3A_1249, %mul3A_1253 : vector<16xf32>
      %add3A_1255 = arith.addi %add3A_1250, %broadcast_in_dim3A_5 : vector<16xi32>
      %gather3A_1256 = tpu.vector_load_idx %arg12[%iota3A, %add3A_1255] : memref<16x256xf32, #tpu.memory_space<vmem>>[vector<16xi32>, vector<16xi32>], vector<16xf32>,
      %gather3A_1257 = tpu.vector_load_idx %arg13[%iota3A, %add3A_1255] : memref<16x256xf32, #tpu.memory_space<vmem>>[vector<16xi32>, vector<16xi32>], vector<16xf32>,
      %mul3A_1258 = arith.mulf %gather3A_1256, %gather3A_1257 : vector<16xf32>
      %add3A_1259 = arith.addf %add3A_1254, %mul3A_1258 : vector<16xf32>
      %add3A_1260 = arith.addi %add3A_1255, %broadcast_in_dim3A_5 : vector<16xi32>
      %gather3A_1261 = tpu.vector_load_idx %arg12[%iota3A, %add3A_1260] : memref<16x256xf32, #tpu.memory_space<vmem>>[vector<16xi32>, vector<16xi32>], vector<16xf32>,
      %gather3A_1262 = tpu.vector_load_idx %arg13[%iota3A, %add3A_1260] : memref<16x256xf32, #tpu.memory_space<vmem>>[vector<16xi32>, vector<16xi32>], vector<16xf32>,
      %mul3A_1263 = arith.mulf %gather3A_1261, %gather3A_1262 : vector<16xf32>
      %add3A_1264 = arith.addf %add3A_1259, %mul3A_1263 : vector<16xf32>
      %add3A_1265 = arith.addi %add3A_1260, %broadcast_in_dim3A_5 : vector<16xi32>
      %gather3A_1266 = tpu.vector_load_idx %arg12[%iota3A, %add3A_1265] : memref<16x256xf32, #tpu.memory_space<vmem>>[vector<16xi32>, vector<16xi32>], vector<16xf32>,
      %gather3A_1267 = tpu.vector_load_idx %arg13[%iota3A, %add3A_1265] : memref<16x256xf32, #tpu.memory_space<vmem>>[vector<16xi32>, vector<16xi32>], vector<16xf32>,
      %mul3A_1268 = arith.mulf %gather3A_1266, %gather3A_1267 : vector<16xf32>
      %add3A_1269 = arith.addf %add3A_1264, %mul3A_1268 : vector<16xf32>
      %add3A_1270 = arith.addi %add3A_1265, %broadcast_in_dim3A_5 : vector<16xi32>
      %gather3A_1271 = tpu.vector_load_idx %arg12[%iota3A, %add3A_1270] : memref<16x256xf32, #tpu.memory_space<vmem>>[vector<16xi32>, vector<16xi32>], vector<16xf32>,
      %gather3A_1272 = tpu.vector_load_idx %arg13[%iota3A, %add3A_1270] : memref<16x256xf32, #tpu.memory_space<vmem>>[vector<16xi32>, vector<16xi32>], vector<16xf32>,
      %mul3A_1273 = arith.mulf %gather3A_1271, %gather3A_1272 : vector<16xf32>
      %add3A_1274 = arith.addf %add3A_1269, %mul3A_1273 : vector<16xf32>
      %add3A_1275 = arith.addi %add3A_1270, %broadcast_in_dim3A_5 : vector<16xi32>
      %gather3A_1276 = tpu.vector_load_idx %arg12[%iota3A, %add3A_1275] : memref<16x256xf32, #tpu.memory_space<vmem>>[vector<16xi32>, vector<16xi32>], vector<16xf32>,
      %gather3A_1277 = tpu.vector_load_idx %arg13[%iota3A, %add3A_1275] : memref<16x256xf32, #tpu.memory_space<vmem>>[vector<16xi32>, vector<16xi32>], vector<16xf32>,
      %mul3A_1278 = arith.mulf %gather3A_1276, %gather3A_1277 : vector<16xf32>
      %add3A_1279 = arith.addf %add3A_1274, %mul3A_1278 : vector<16xf32>
      %add3A_1280 = arith.addi %add3A_1275, %broadcast_in_dim3A_5 : vector<16xi32>
      %gather3A_1281 = tpu.vector_load_idx %arg12[%iota3A, %add3A_1280] : memref<16x256xf32, #tpu.memory_space<vmem>>[vector<16xi32>, vector<16xi32>], vector<16xf32>,
      %gather3A_1282 = tpu.vector_load_idx %arg13[%iota3A, %add3A_1280] : memref<16x256xf32, #tpu.memory_space<vmem>>[vector<16xi32>, vector<16xi32>], vector<16xf32>,
      %mul3A_1283 = arith.mulf %gather3A_1281, %gather3A_1282 : vector<16xf32>
      %add3A_1284 = arith.addf %add3A_1279, %mul3A_1283 : vector<16xf32>
      %add3A_1285 = arith.addi %add3A_1280, %broadcast_in_dim3A_5 : vector<16xi32>
      %gather3A_1286 = tpu.vector_load_idx %arg12[%iota3A, %add3A_1285] : memref<16x256xf32, #tpu.memory_space<vmem>>[vector<16xi32>, vector<16xi32>], vector<16xf32>,
      %gather3A_1287 = tpu.vector_load_idx %arg13[%iota3A, %add3A_1285] : memref<16x256xf32, #tpu.memory_space<vmem>>[vector<16xi32>, vector<16xi32>], vector<16xf32>,
      %mul3A_1288 = arith.mulf %gather3A_1286, %gather3A_1287 : vector<16xf32>
      %add3A_1289 = arith.addf %add3A_1284, %mul3A_1288 : vector<16xf32>
      %add3A_1290 = arith.addi %add3A_1285, %broadcast_in_dim3A_5 : vector<16xi32>
      %gather3A_1291 = tpu.vector_load_idx %arg12[%iota3A, %add3A_1290] : memref<16x256xf32, #tpu.memory_space<vmem>>[vector<16xi32>, vector<16xi32>], vector<16xf32>,
      %gather3A_1292 = tpu.vector_load_idx %arg13[%iota3A, %add3A_1290] : memref<16x256xf32, #tpu.memory_space<vmem>>[vector<16xi32>, vector<16xi32>], vector<16xf32>,
      %mul3A_1293 = arith.mulf %gather3A_1291, %gather3A_1292 : vector<16xf32>
      %add3A_1294 = arith.addf %add3A_1289, %mul3A_1293 : vector<16xf32>
      %add3A_1295 = arith.addi %add3A_1290, %broadcast_in_dim3A_5 : vector<16xi32>
      %gather3A_1296 = tpu.vector_load_idx %arg12[%iota3A, %add3A_1295] : memref<16x256xf32, #tpu.memory_space<vmem>>[vector<16xi32>, vector<16xi32>], vector<16xf32>,
      %gather3A_1297 = tpu.vector_load_idx %arg13[%iota3A, %add3A_1295] : memref<16x256xf32, #tpu.memory_space<vmem>>[vector<16xi32>, vector<16xi32>], vector<16xf32>,
      %mul3A_1298 = arith.mulf %gather3A_1296, %gather3A_1297 : vector<16xf32>
      %add3A_1299 = arith.addf %add3A_1294, %mul3A_1298 : vector<16xf32>
      %add3A_1300 = arith.addi %add3A_1295, %broadcast_in_dim3A_5 : vector<16xi32>
      %gather3A_1301 = tpu.vector_load_idx %arg12[%iota3A, %add3A_1300] : memref<16x256xf32, #tpu.memory_space<vmem>>[vector<16xi32>, vector<16xi32>], vector<16xf32>,
      %gather3A_1302 = tpu.vector_load_idx %arg13[%iota3A, %add3A_1300] : memref<16x256xf32, #tpu.memory_space<vmem>>[vector<16xi32>, vector<16xi32>], vector<16xf32>,
      %mul3A_1303 = arith.mulf %gather3A_1301, %gather3A_1302 : vector<16xf32>
      %add3A_1304 = arith.addf %add3A_1299, %mul3A_1303 : vector<16xf32>
      %add3A_1305 = arith.addi %add3A_1300, %broadcast_in_dim3A_5 : vector<16xi32>
      %gather3A_1306 = tpu.vector_load_idx %arg12[%iota3A, %add3A_1305] : memref<16x256xf32, #tpu.memory_space<vmem>>[vector<16xi32>, vector<16xi32>], vector<16xf32>,
      %gather3A_1307 = tpu.vector_load_idx %arg13[%iota3A, %add3A_1305] : memref<16x256xf32, #tpu.memory_space<vmem>>[vector<16xi32>, vector<16xi32>], vector<16xf32>,
      %mul3A_1308 = arith.mulf %gather3A_1306, %gather3A_1307 : vector<16xf32>
      %add3A_1309 = arith.addf %add3A_1304, %mul3A_1308 : vector<16xf32>
      %add3A_1310 = arith.addi %add3A_1305, %broadcast_in_dim3A_5 : vector<16xi32>
      %gather3A_1311 = tpu.vector_load_idx %arg12[%iota3A, %add3A_1310] : memref<16x256xf32, #tpu.memory_space<vmem>>[vector<16xi32>, vector<16xi32>], vector<16xf32>,
      %gather3A_1312 = tpu.vector_load_idx %arg13[%iota3A, %add3A_1310] : memref<16x256xf32, #tpu.memory_space<vmem>>[vector<16xi32>, vector<16xi32>], vector<16xf32>,
      %mul3A_1313 = arith.mulf %gather3A_1311, %gather3A_1312 : vector<16xf32>
      %add3A_1314 = arith.addf %add3A_1309, %mul3A_1313 : vector<16xf32>
      %add3A_1315 = arith.addi %add3A_1310, %broadcast_in_dim3A_5 : vector<16xi32>
      %gather3A_1316 = tpu.vector_load_idx %arg12[%iota3A, %add3A_1315] : memref<16x256xf32, #tpu.memory_space<vmem>>[vector<16xi32>, vector<16xi32>], vector<16xf32>,
      %gather3A_1317 = tpu.vector_load_idx %arg13[%iota3A, %add3A_1315] : memref<16x256xf32, #tpu.memory_space<vmem>>[vector<16xi32>, vector<16xi32>], vector<16xf32>,
      %mul3A_1318 = arith.mulf %gather3A_1316, %gather3A_1317 : vector<16xf32>
      %add3A_1319 = arith.addf %add3A_1314, %mul3A_1318 : vector<16xf32>
      %add3A_1320 = arith.addi %add3A_1315, %broadcast_in_dim3A_5 : vector<16xi32>
      %gather3A_1321 = tpu.vector_load_idx %arg12[%iota3A, %add3A_1320] : memref<16x256xf32, #tpu.memory_space<vmem>>[vector<16xi32>, vector<16xi32>], vector<16xf32>,
      %gather3A_1322 = tpu.vector_load_idx %arg13[%iota3A, %add3A_1320] : memref<16x256xf32, #tpu.memory_space<vmem>>[vector<16xi32>, vector<16xi32>], vector<16xf32>,
      %mul3A_1323 = arith.mulf %gather3A_1321, %gather3A_1322 : vector<16xf32>
      %add3A_1324 = arith.addf %add3A_1319, %mul3A_1323 : vector<16xf32>
      %add3A_1325 = arith.addi %add3A_1320, %broadcast_in_dim3A_5 : vector<16xi32>
      %gather3A_1326 = tpu.vector_load_idx %arg12[%iota3A, %add3A_1325] : memref<16x256xf32, #tpu.memory_space<vmem>>[vector<16xi32>, vector<16xi32>], vector<16xf32>,
      %gather3A_1327 = tpu.vector_load_idx %arg13[%iota3A, %add3A_1325] : memref<16x256xf32, #tpu.memory_space<vmem>>[vector<16xi32>, vector<16xi32>], vector<16xf32>,
      %mul3A_1328 = arith.mulf %gather3A_1326, %gather3A_1327 : vector<16xf32>
      %add3A_1329 = arith.addf %add3A_1324, %mul3A_1328 : vector<16xf32>
      %add3A_1330 = arith.addi %add3A_1325, %broadcast_in_dim3A_5 : vector<16xi32>
      %gather3A_1331 = tpu.vector_load_idx %arg12[%iota3A, %add3A_1330] : memref<16x256xf32, #tpu.memory_space<vmem>>[vector<16xi32>, vector<16xi32>], vector<16xf32>,
      %gather3A_1332 = tpu.vector_load_idx %arg13[%iota3A, %add3A_1330] : memref<16x256xf32, #tpu.memory_space<vmem>>[vector<16xi32>, vector<16xi32>], vector<16xf32>,
      %mul3A_1333 = arith.mulf %gather3A_1331, %gather3A_1332 : vector<16xf32>
      %add3A_1334 = arith.addf %add3A_1329, %mul3A_1333 : vector<16xf32>
      %add3A_1335 = arith.addi %add3A_1330, %broadcast_in_dim3A_5 : vector<16xi32>
      %gather3A_1336 = tpu.vector_load_idx %arg12[%iota3A, %add3A_1335] : memref<16x256xf32, #tpu.memory_space<vmem>>[vector<16xi32>, vector<16xi32>], vector<16xf32>,
      %gather3A_1337 = tpu.vector_load_idx %arg13[%iota3A, %add3A_1335] : memref<16x256xf32, #tpu.memory_space<vmem>>[vector<16xi32>, vector<16xi32>], vector<16xf32>,
      %mul3A_1338 = arith.mulf %gather3A_1336, %gather3A_1337 : vector<16xf32>
      %add3A_1339 = arith.addf %add3A_1334, %mul3A_1338 : vector<16xf32>
      %add3A_1340 = arith.addi %add3A_1335, %broadcast_in_dim3A_5 : vector<16xi32>
      %gather3A_1341 = tpu.vector_load_idx %arg12[%iota3A, %add3A_1340] : memref<16x256xf32, #tpu.memory_space<vmem>>[vector<16xi32>, vector<16xi32>], vector<16xf32>,
      %gather3A_1342 = tpu.vector_load_idx %arg13[%iota3A, %add3A_1340] : memref<16x256xf32, #tpu.memory_space<vmem>>[vector<16xi32>, vector<16xi32>], vector<16xf32>,
      %mul3A_1343 = arith.mulf %gather3A_1341, %gather3A_1342 : vector<16xf32>
      %add3A_1344 = arith.addf %add3A_1339, %mul3A_1343 : vector<16xf32>
      %add3A_1345 = arith.addi %add3A_1340, %broadcast_in_dim3A_5 : vector<16xi32>
      %gather3A_1346 = tpu.vector_load_idx %arg12[%iota3A, %add3A_1345] : memref<16x256xf32, #tpu.memory_space<vmem>>[vector<16xi32>, vector<16xi32>], vector<16xf32>,
      %gather3A_1347 = tpu.vector_load_idx %arg13[%iota3A, %add3A_1345] : memref<16x256xf32, #tpu.memory_space<vmem>>[vector<16xi32>, vector<16xi32>], vector<16xf32>,
      %mul3A_1348 = arith.mulf %gather3A_1346, %gather3A_1347 : vector<16xf32>
      %add3A_1349 = arith.addf %add3A_1344, %mul3A_1348 : vector<16xf32>
      %add3A_1350 = arith.addi %add3A_1345, %broadcast_in_dim3A_5 : vector<16xi32>
      %gather3A_1351 = tpu.vector_load_idx %arg12[%iota3A, %add3A_1350] : memref<16x256xf32, #tpu.memory_space<vmem>>[vector<16xi32>, vector<16xi32>], vector<16xf32>,
      %gather3A_1352 = tpu.vector_load_idx %arg13[%iota3A, %add3A_1350] : memref<16x256xf32, #tpu.memory_space<vmem>>[vector<16xi32>, vector<16xi32>], vector<16xf32>,
      %mul3A_1353 = arith.mulf %gather3A_1351, %gather3A_1352 : vector<16xf32>
      %add3A_1354 = arith.addf %add3A_1349, %mul3A_1353 : vector<16xf32>
      %add3A_1355 = arith.addi %add3A_1350, %broadcast_in_dim3A_5 : vector<16xi32>
      %gather3A_1356 = tpu.vector_load_idx %arg12[%iota3A, %add3A_1355] : memref<16x256xf32, #tpu.memory_space<vmem>>[vector<16xi32>, vector<16xi32>], vector<16xf32>,
      %gather3A_1357 = tpu.vector_load_idx %arg13[%iota3A, %add3A_1355] : memref<16x256xf32, #tpu.memory_space<vmem>>[vector<16xi32>, vector<16xi32>], vector<16xf32>,
      %mul3A_1358 = arith.mulf %gather3A_1356, %gather3A_1357 : vector<16xf32>
      %add3A_1359 = arith.addf %add3A_1354, %mul3A_1358 : vector<16xf32>
      %add3A_1360 = arith.addi %add3A_1355, %broadcast_in_dim3A_5 : vector<16xi32>
      %gather3A_1361 = tpu.vector_load_idx %arg12[%iota3A, %add3A_1360] : memref<16x256xf32, #tpu.memory_space<vmem>>[vector<16xi32>, vector<16xi32>], vector<16xf32>,
      %gather3A_1362 = tpu.vector_load_idx %arg13[%iota3A, %add3A_1360] : memref<16x256xf32, #tpu.memory_space<vmem>>[vector<16xi32>, vector<16xi32>], vector<16xf32>,
      %mul3A_1363 = arith.mulf %gather3A_1361, %gather3A_1362 : vector<16xf32>
      %add3A_1364 = arith.addf %add3A_1359, %mul3A_1363 : vector<16xf32>
      %add3A_1365 = arith.addi %add3A_1360, %broadcast_in_dim3A_5 : vector<16xi32>
      %gather3A_1366 = tpu.vector_load_idx %arg12[%iota3A, %add3A_1365] : memref<16x256xf32, #tpu.memory_space<vmem>>[vector<16xi32>, vector<16xi32>], vector<16xf32>,
      %gather3A_1367 = tpu.vector_load_idx %arg13[%iota3A, %add3A_1365] : memref<16x256xf32, #tpu.memory_space<vmem>>[vector<16xi32>, vector<16xi32>], vector<16xf32>,
      %mul3A_1368 = arith.mulf %gather3A_1366, %gather3A_1367 : vector<16xf32>
      %add3A_1369 = arith.addf %add3A_1364, %mul3A_1368 : vector<16xf32>
      %add3A_1370 = arith.addi %add3A_1365, %broadcast_in_dim3A_5 : vector<16xi32>
      %gather3A_1371 = tpu.vector_load_idx %arg12[%iota3A, %add3A_1370] : memref<16x256xf32, #tpu.memory_space<vmem>>[vector<16xi32>, vector<16xi32>], vector<16xf32>,
      %gather3A_1372 = tpu.vector_load_idx %arg13[%iota3A, %add3A_1370] : memref<16x256xf32, #tpu.memory_space<vmem>>[vector<16xi32>, vector<16xi32>], vector<16xf32>,
      %mul3A_1373 = arith.mulf %gather3A_1371, %gather3A_1372 : vector<16xf32>
      %add3A_1374 = arith.addf %add3A_1369, %mul3A_1373 : vector<16xf32>
      %add3A_1375 = arith.addi %add3A_1370, %broadcast_in_dim3A_5 : vector<16xi32>
      %mul3A_1376 = arith.constant 0.176776692 : f32
      %mul3A_1377 = vector.broadcast %mul3A_1376 : f32 to vector<16xf32>
      %mul3A_1378 = arith.mulf %add3A_1374, %mul3A_1377 : vector<16xf32>
      %exp3A_1379 = math.exp %mul3A_1378 : vector<16xf32>
      %broadcast_in_dim3A_1380 = arith.constant 7 : i32
      %broadcast_in_dim3A_1381 = vector.broadcast %broadcast_in_dim3A_1380 : i32 to vector<16xi32>
      tpu.vector_store_idx %arg14[%add3A_39, %broadcast_in_dim3A_1381], %mul3A_1378 : memref<5008x8xf32, #tpu.memory_space<vmem>>[vector<16xi32>, vector<16xi32>], vector<16xf32>,
      tpu.vector_store_idx %arg15[%add3A_39, %broadcast_in_dim3A_1381], %exp3A_1379 : memref<5008x8xf32, #tpu.memory_space<vmem>>[vector<16xi32>, vector<16xi32>], vector<16xf32>,
      %mul3A_1382 = arith.constant 16 : i32
      %mul3A_1383 = arith.muli %scan3A_16, %mul3A_1382 : i32
      "tpu.region"() ({
        %run_scoped3A = tpu.sem_alloc : memref<!tpu.dma_semaphore, #tpu.memory_space<semaphore_mem>>
        %dma_start3A_1384 = arith.constant 0 : i32
        %dma_start3A_1385 = tpu.memref_slice %arg15[%mul3A_1383, %dma_start3A_1384] : memref<5008x8xf32, #tpu.memory_space<vmem>> -> memref<16x8xf32, #tpu.memory_space<vmem>>
        %dma_start3A_1386 = arith.constant 0 : i32
        %dma_start3A_1387 = arith.constant 0 : i32
        %dma_start3A_1388 = tpu.memref_slice %arg16[%dma_start3A_1386, %dma_start3A_1387] : memref<10112x8xf32, #tpu.memory_space<vmem_shared>> -> memref<10112x8xf32, #tpu.memory_space<vmem_shared>>
        tpu.enqueue_indirect_dma source(%dma_start3A_1385 : memref<16x8xf32, #tpu.memory_space<vmem>>) target(%dma_start3A_1388 : memref<10112x8xf32, #tpu.memory_space<vmem_shared>>) offsets(%get3A_19 : vector<16xi32>) semaphore(%run_scoped3A : memref<!tpu.dma_semaphore, #tpu.memory_space<semaphore_mem>>) {add = true}
        %dma_wait3A_1389 = arith.constant 0 : i32
        %dma_wait3A_1390 = tpu.memref_slice %arg15[%mul3A_1383, %dma_wait3A_1389] : memref<5008x8xf32, #tpu.memory_space<vmem>> -> memref<16x8xf32, #tpu.memory_space<vmem>>
        %dma_wait3A_1391 = arith.constant 0 : i32
        %dma_wait3A_1392 = arith.constant 0 : i32
        %dma_wait3A_1393 = tpu.memref_slice %arg16[%dma_wait3A_1391, %dma_wait3A_1392] : memref<10112x8xf32, #tpu.memory_space<vmem_shared>> -> memref<10112x8xf32, #tpu.memory_space<vmem_shared>>
        tpu.wait_indirect_dma semaphore(%run_scoped3A : memref<!tpu.dma_semaphore, #tpu.memory_space<semaphore_mem>>) src(%dma_wait3A_1390 : memref<16x8xf32, #tpu.memory_space<vmem>>) dst(%dma_wait3A_1393 : memref<10112x8xf32, #tpu.memory_space<vmem_shared>>)
        tpu.yield
      }) : () -> ()
    }
    %scan3A_10 = arith.constant 313 : i32
    "tpu.region"() ({
      %run_scoped3A = tpu.sem_alloc : memref<!tpu.dma_semaphore, #tpu.memory_space<semaphore_mem>>
      %dma_start3A = arith.constant 0 : i32
      %dma_start3A_16 = tpu.memref_slice %arg7[%mul3A_2, %dma_start3A] : memref<160256x8xf32, #tpu.memory_space<hbm>> -> memref<5008x8xf32, #tpu.memory_space<hbm>>
      %dma_start3A_17 = arith.constant 0 : i32
      %dma_start3A_18 = tpu.memref_slice %arg7[%mul3A_2, %dma_start3A_17] : memref<160256x8xf32, #tpu.memory_space<hbm>> -> memref<5008x8xf32, #tpu.memory_space<hbm>>
      tpu.enqueue_dma source(%arg14 : memref<5008x8xf32, #tpu.memory_space<vmem>>) target(%dma_start3A_18 : memref<5008x8xf32, #tpu.memory_space<hbm>>) target_semaphore(%run_scoped3A : memref<!tpu.dma_semaphore, #tpu.memory_space<semaphore_mem>>)
      %dma_wait3A = arith.constant 0 : i32
      %dma_wait3A_19 = tpu.memref_slice %arg7[%mul3A_2, %dma_wait3A] : memref<160256x8xf32, #tpu.memory_space<hbm>> -> memref<5008x8xf32, #tpu.memory_space<hbm>>
      %dma_wait3A_20 = arith.constant 0 : i32
      %dma_wait3A_21 = tpu.memref_slice %arg7[%mul3A_2, %dma_wait3A_20] : memref<160256x8xf32, #tpu.memory_space<hbm>> -> memref<5008x8xf32, #tpu.memory_space<hbm>>
      tpu.wait_dma2 semaphore(%run_scoped3A : memref<!tpu.dma_semaphore, #tpu.memory_space<semaphore_mem>>) src(%arg14 : memref<5008x8xf32, #tpu.memory_space<vmem>>) dst(%dma_wait3A_21 : memref<5008x8xf32, #tpu.memory_space<hbm>>)
      tpu.yield
    }) : () -> ()
    "tpu.region"() ({
      %run_scoped3A = tpu.sem_alloc : memref<!tpu.dma_semaphore, #tpu.memory_space<semaphore_mem>>
      %dma_start3A = arith.constant 0 : i32
      %dma_start3A_16 = tpu.memref_slice %arg8[%mul3A_2, %dma_start3A] : memref<160256x8xf32, #tpu.memory_space<hbm>> -> memref<5008x8xf32, #tpu.memory_space<hbm>>
      %dma_start3A_17 = arith.constant 0 : i32
      %dma_start3A_18 = tpu.memref_slice %arg8[%mul3A_2, %dma_start3A_17] : memref<160256x8xf32, #tpu.memory_space<hbm>> -> memref<5008x8xf32, #tpu.memory_space<hbm>>
      tpu.enqueue_dma source(%arg15 : memref<5008x8xf32, #tpu.memory_space<vmem>>) target(%dma_start3A_18 : memref<5008x8xf32, #tpu.memory_space<hbm>>) target_semaphore(%run_scoped3A : memref<!tpu.dma_semaphore, #tpu.memory_space<semaphore_mem>>)
      %dma_wait3A = arith.constant 0 : i32
      %dma_wait3A_19 = tpu.memref_slice %arg8[%mul3A_2, %dma_wait3A] : memref<160256x8xf32, #tpu.memory_space<hbm>> -> memref<5008x8xf32, #tpu.memory_space<hbm>>
      %dma_wait3A_20 = arith.constant 0 : i32
      %dma_wait3A_21 = tpu.memref_slice %arg8[%mul3A_2, %dma_wait3A_20] : memref<160256x8xf32, #tpu.memory_space<hbm>> -> memref<5008x8xf32, #tpu.memory_space<hbm>>
      tpu.wait_dma2 semaphore(%run_scoped3A : memref<!tpu.dma_semaphore, #tpu.memory_space<semaphore_mem>>) src(%arg15 : memref<5008x8xf32, #tpu.memory_space<vmem>>) dst(%dma_wait3A_21 : memref<5008x8xf32, #tpu.memory_space<hbm>>)
      tpu.yield
    }) : () -> ()
    %barrier3A_11 = arith.constant 0 : index
    tpu.barrier barrier_id(%barrier3A_11)
    %mul3A_12 = arith.constant 632 : i32
    %mul3A_13 = arith.muli %arg1, %mul3A_12 : i32
    %mul3A_14 = arith.constant 632 : i32
    %mul3A_15 = arith.muli %arg1, %mul3A_14 : i32
    "tpu.region"() ({
      %run_scoped3A = tpu.sem_alloc : memref<!tpu.dma_semaphore, #tpu.memory_space<semaphore_mem>>
      %dma_start3A = arith.constant 0 : i32
      %dma_start3A_16 = tpu.memref_slice %arg9[%arg0, %mul3A_15, %dma_start3A] : memref<2x10112x8xf32, #tpu.memory_space<hbm>> -> memref<1x632x8xf32, #tpu.memory_space<hbm>>
      %dma_start3A_17 = tpu.memref_squeeze %dma_start3A_16 : memref<1x632x8xf32, #tpu.memory_space<hbm>> -> memref<632x8xf32, #tpu.memory_space<hbm>>
      %dma_start3A_18 = arith.constant 0 : i32
      %dma_start3A_19 = tpu.memref_slice %arg16[%mul3A_13, %dma_start3A_18] : memref<10112x8xf32, #tpu.memory_space<vmem_shared>> -> memref<632x8xf32, #tpu.memory_space<vmem_shared>>
      tpu.enqueue_dma source(%dma_start3A_19 : memref<632x8xf32, #tpu.memory_space<vmem_shared>>) target(%dma_start3A_17 : memref<632x8xf32, #tpu.memory_space<hbm>>) target_semaphore(%run_scoped3A : memref<!tpu.dma_semaphore, #tpu.memory_space<semaphore_mem>>)
      %dma_wait3A = arith.constant 0 : i32
      %dma_wait3A_20 = tpu.memref_slice %arg9[%arg0, %mul3A_15, %dma_wait3A] : memref<2x10112x8xf32, #tpu.memory_space<hbm>> -> memref<1x632x8xf32, #tpu.memory_space<hbm>>
      %dma_wait3A_21 = tpu.memref_squeeze %dma_wait3A_20 : memref<1x632x8xf32, #tpu.memory_space<hbm>> -> memref<632x8xf32, #tpu.memory_space<hbm>>
      %dma_wait3A_22 = arith.constant 0 : i32
      %dma_wait3A_23 = tpu.memref_slice %arg16[%mul3A_13, %dma_wait3A_22] : memref<10112x8xf32, #tpu.memory_space<vmem_shared>> -> memref<632x8xf32, #tpu.memory_space<vmem_shared>>
      tpu.wait_dma2 semaphore(%run_scoped3A : memref<!tpu.dma_semaphore, #tpu.memory_space<semaphore_mem>>) src(%dma_wait3A_23 : memref<632x8xf32, #tpu.memory_space<vmem_shared>>) dst(%dma_wait3A_21 : memref<632x8xf32, #tpu.memory_space<hbm>>)
      tpu.yield
    }) : () -> ()
    return
  }
}

#map = affine_map<(d0, d1) -> (0)>
#map1 = affine_map<(d0, d1) -> (0, 0)>
module attributes {stable_mosaic.version = 14 : i64} {
  func.func @_attn_accum(%arg0: i32, %arg1: i32, %arg2: memref<160256xi32, #tpu.memory_space<hbm>>, %arg3: memref<160256xi32, #tpu.memory_space<hbm>>, %arg4: memref<10000x128xf32, #tpu.memory_space<hbm>>, %arg5: memref<10000x128xf32, #tpu.memory_space<hbm>>, %arg6: memref<10112x4xf32, #tpu.memory_space<hbm>>, %arg7: memref<10112x4xf32, #tpu.memory_space<hbm>>, %arg8: memref<160256x8xf32, #tpu.memory_space<hbm>>, %arg9: memref<632x128xf32, #tpu.memory_space<hbm>>, %arg10: memref<10112x128xf32, #tpu.memory_space<hbm>>, %arg11: memref<10112x128xf32, #tpu.memory_space<hbm>>, %arg12: memref<10016xi32, #tpu.memory_space<vmem>>, %arg13: memref<10016xi32, #tpu.memory_space<vmem>>, %arg14: memref<16x4xf32, #tpu.memory_space<vmem>>, %arg15: memref<16x8xf32, #tpu.memory_space<vmem>>, %arg16: memref<16x128xf32, #tpu.memory_space<vmem>>, %arg17: memref<10112x128xf32, #tpu.memory_space<vmem_shared>>, %arg18: memref<!tpu.dma_semaphore, #tpu.memory_space<semaphore_mem>>, %arg19: memref<!tpu.dma_semaphore, #tpu.memory_space<semaphore_mem>>) attributes {dimension_semantics = [#tpu.dimension_semantics<core_parallel>, #tpu.dimension_semantics<subcore_parallel>], iteration_bounds = array<i64: 2, 16>, scalar_prefetch = 0 : i64, scratch_operands = 8 : i64, tpu.core_type = #tpu.core_type<sc_vector_subcore>, window_params = [{transform_indices = #map}, {transform_indices = #map}, {transform_indices = #map1}, {transform_indices = #map1}, {transform_indices = #map1}, {transform_indices = #map1}, {transform_indices = #map1}, {transform_indices = #map1}, {transform_indices = #map1}, {transform_indices = #map1}]} {
    %mul3A = arith.constant 10016 : i32
    %mul3A_0 = arith.muli %arg1, %mul3A : i32
    "tpu.region"() ({
      %run_scoped3A = tpu.sem_alloc : memref<!tpu.dma_semaphore, #tpu.memory_space<semaphore_mem>>
      %dma_start3A = tpu.memref_slice %arg2[%mul3A_0] : memref<160256xi32, #tpu.memory_space<hbm>> -> memref<10016xi32, #tpu.memory_space<hbm>>
      %dma_start3A_16 = tpu.memref_slice %arg2[%mul3A_0] : memref<160256xi32, #tpu.memory_space<hbm>> -> memref<10016xi32, #tpu.memory_space<hbm>>
      tpu.enqueue_dma source(%dma_start3A_16 : memref<10016xi32, #tpu.memory_space<hbm>>) target(%arg12 : memref<10016xi32, #tpu.memory_space<vmem>>) target_semaphore(%run_scoped3A : memref<!tpu.dma_semaphore, #tpu.memory_space<semaphore_mem>>)
      %dma_wait3A = tpu.memref_slice %arg2[%mul3A_0] : memref<160256xi32, #tpu.memory_space<hbm>> -> memref<10016xi32, #tpu.memory_space<hbm>>
      %dma_wait3A_17 = tpu.memref_slice %arg2[%mul3A_0] : memref<160256xi32, #tpu.memory_space<hbm>> -> memref<10016xi32, #tpu.memory_space<hbm>>
      tpu.wait_dma2 semaphore(%run_scoped3A : memref<!tpu.dma_semaphore, #tpu.memory_space<semaphore_mem>>) src(%dma_wait3A_17 : memref<10016xi32, #tpu.memory_space<hbm>>) dst(%arg12 : memref<10016xi32, #tpu.memory_space<vmem>>)
      tpu.yield
    }) : () -> ()
    "tpu.region"() ({
      %run_scoped3A = tpu.sem_alloc : memref<!tpu.dma_semaphore, #tpu.memory_space<semaphore_mem>>
      %dma_start3A = tpu.memref_slice %arg3[%mul3A_0] : memref<160256xi32, #tpu.memory_space<hbm>> -> memref<10016xi32, #tpu.memory_space<hbm>>
      %dma_start3A_16 = tpu.memref_slice %arg3[%mul3A_0] : memref<160256xi32, #tpu.memory_space<hbm>> -> memref<10016xi32, #tpu.memory_space<hbm>>
      tpu.enqueue_dma source(%dma_start3A_16 : memref<10016xi32, #tpu.memory_space<hbm>>) target(%arg13 : memref<10016xi32, #tpu.memory_space<vmem>>) target_semaphore(%run_scoped3A : memref<!tpu.dma_semaphore, #tpu.memory_space<semaphore_mem>>)
      %dma_wait3A = tpu.memref_slice %arg3[%mul3A_0] : memref<160256xi32, #tpu.memory_space<hbm>> -> memref<10016xi32, #tpu.memory_space<hbm>>
      %dma_wait3A_17 = tpu.memref_slice %arg3[%mul3A_0] : memref<160256xi32, #tpu.memory_space<hbm>> -> memref<10016xi32, #tpu.memory_space<hbm>>
      tpu.wait_dma2 semaphore(%run_scoped3A : memref<!tpu.dma_semaphore, #tpu.memory_space<semaphore_mem>>) src(%dma_wait3A_17 : memref<10016xi32, #tpu.memory_space<hbm>>) dst(%arg13 : memref<10016xi32, #tpu.memory_space<vmem>>)
      tpu.yield
    }) : () -> ()
    %mul3A_1 = arith.constant 632 : i32
    %mul3A_2 = arith.muli %arg1, %mul3A_1 : i32
    "tpu.region"() ({
      %run_scoped3A = tpu.sem_alloc : memref<!tpu.dma_semaphore, #tpu.memory_space<semaphore_mem>>
      %dma_start3A = arith.constant 0 : i32
      %dma_start3A_16 = tpu.memref_slice %arg17[%mul3A_2, %dma_start3A] : memref<10112x128xf32, #tpu.memory_space<vmem_shared>> -> memref<632x128xf32, #tpu.memory_space<vmem_shared>>
      tpu.enqueue_dma source(%arg9 : memref<632x128xf32, #tpu.memory_space<hbm>>) target(%dma_start3A_16 : memref<632x128xf32, #tpu.memory_space<vmem_shared>>) target_semaphore(%run_scoped3A : memref<!tpu.dma_semaphore, #tpu.memory_space<semaphore_mem>>)
      %dma_wait3A = arith.constant 0 : i32
      %dma_wait3A_17 = tpu.memref_slice %arg17[%mul3A_2, %dma_wait3A] : memref<10112x128xf32, #tpu.memory_space<vmem_shared>> -> memref<632x128xf32, #tpu.memory_space<vmem_shared>>
      tpu.wait_dma2 semaphore(%run_scoped3A : memref<!tpu.dma_semaphore, #tpu.memory_space<semaphore_mem>>) src(%arg9 : memref<632x128xf32, #tpu.memory_space<hbm>>) dst(%dma_wait3A_17 : memref<632x128xf32, #tpu.memory_space<vmem_shared>>)
      tpu.yield
    }) : () -> ()
    %barrier3A = arith.constant 0 : index
    tpu.barrier barrier_id(%barrier3A)
    %iota3A = tpu.iota {dimensions = array<i32: 0>} : vector<16xi32>
    %broadcast_in_dim3A = arith.constant 1 : i32
    %broadcast_in_dim3A_3 = vector.broadcast %broadcast_in_dim3A : i32 to vector<16xi32>
    %scan3A = arith.constant 0 : i32
    %scan3A_4 = arith.constant 0 : i32
    %scan3A_5 = arith.constant 626 : i32
    %scan3A_6 = arith.addi %scan3A_4, %scan3A_5 : i32
    %scan3A_7 = arith.constant 1 : i32
    scf.for %scan3A_16 = %scan3A_4 to %scan3A_6 step %scan3A_7  : i32 {
      %mul3A_17 = arith.constant 16 : i32
      %mul3A_18 = arith.muli %scan3A_16, %mul3A_17 : i32
      %get3A = arith.index_cast %mul3A_18 : i32 to index
      %get3A_19 = tpu.vector_load %arg12[%get3A] {strides = array<i32>} : memref<10016xi32, #tpu.memory_space<vmem>>, vector<16xi32>,
      %mul3A_20 = arith.constant 16 : i32
      %mul3A_21 = arith.muli %scan3A_16, %mul3A_20 : i32
      %get3A_22 = arith.index_cast %mul3A_21 : i32 to index
      %get3A_23 = tpu.vector_load %arg13[%get3A_22] {strides = array<i32>} : memref<10016xi32, #tpu.memory_space<vmem>>, vector<16xi32>,
      %eq3A_24 = arith.constant 0 : i32
      %eq3A_25 = arith.cmpi eq, %arg0, %eq3A_24 : i32
      %convert_element_type3A_26 = arith.extui %eq3A_25 : i1 to i32
      %cond3A_27 = arith.constant 0 : i32
      %cond3A_28 = arith.cmpi ne, %convert_element_type3A_26, %cond3A_27 : i32
      scf.if %cond3A_28 {
        %dma_start3A_478 = arith.constant 0 : i32
        %dma_start3A_479 = arith.constant 0 : i32
        %dma_start3A_480 = tpu.memref_slice %arg4[%dma_start3A_478, %dma_start3A_479] : memref<10000x128xf32, #tpu.memory_space<hbm>> -> memref<10000x128xf32, #tpu.memory_space<hbm>>
        tpu.enqueue_indirect_dma source(%dma_start3A_480 : memref<10000x128xf32, #tpu.memory_space<hbm>>) target(%arg16 : memref<16x128xf32, #tpu.memory_space<vmem>>) offsets(%get3A_23 : vector<16xi32>) semaphore(%arg18 : memref<!tpu.dma_semaphore, #tpu.memory_space<semaphore_mem>>)
        %dma_wait3A_481 = arith.constant 0 : i32
        %dma_wait3A_482 = arith.constant 0 : i32
        %dma_wait3A_483 = tpu.memref_slice %arg4[%dma_wait3A_481, %dma_wait3A_482] : memref<10000x128xf32, #tpu.memory_space<hbm>> -> memref<10000x128xf32, #tpu.memory_space<hbm>>
        tpu.wait_indirect_dma semaphore(%arg18 : memref<!tpu.dma_semaphore, #tpu.memory_space<semaphore_mem>>) src(%dma_wait3A_483 : memref<10000x128xf32, #tpu.memory_space<hbm>>) dst(%arg16 : memref<16x128xf32, #tpu.memory_space<vmem>>)
        %dma_start3A_484 = arith.constant 0 : i32
        %dma_start3A_485 = arith.constant 0 : i32
        %dma_start3A_486 = tpu.memref_slice %arg6[%dma_start3A_484, %dma_start3A_485] : memref<10112x4xf32, #tpu.memory_space<hbm>> -> memref<10112x4xf32, #tpu.memory_space<hbm>>
        tpu.enqueue_indirect_dma source(%dma_start3A_486 : memref<10112x4xf32, #tpu.memory_space<hbm>>) target(%arg14 : memref<16x4xf32, #tpu.memory_space<vmem>>) offsets(%get3A_19 : vector<16xi32>) semaphore(%arg18 : memref<!tpu.dma_semaphore, #tpu.memory_space<semaphore_mem>>)
        %dma_wait3A_487 = arith.constant 0 : i32
        %dma_wait3A_488 = arith.constant 0 : i32
        %dma_wait3A_489 = tpu.memref_slice %arg6[%dma_wait3A_487, %dma_wait3A_488] : memref<10112x4xf32, #tpu.memory_space<hbm>> -> memref<10112x4xf32, #tpu.memory_space<hbm>>
        tpu.wait_indirect_dma semaphore(%arg18 : memref<!tpu.dma_semaphore, #tpu.memory_space<semaphore_mem>>) src(%dma_wait3A_489 : memref<10112x4xf32, #tpu.memory_space<hbm>>) dst(%arg14 : memref<16x4xf32, #tpu.memory_space<vmem>>)
      } else {
      }
      %ne3A_29 = arith.constant 0 : i32
      %ne3A_30 = arith.cmpi ne, %arg0, %ne3A_29 : i32
      %convert_element_type3A_31 = arith.extui %ne3A_30 : i1 to i32
      %cond3A_32 = arith.constant 0 : i32
      %cond3A_33 = arith.cmpi ne, %convert_element_type3A_31, %cond3A_32 : i32
      scf.if %cond3A_33 {
        %dma_start3A_478 = arith.constant 0 : i32
        %dma_start3A_479 = arith.constant 0 : i32
        %dma_start3A_480 = tpu.memref_slice %arg5[%dma_start3A_478, %dma_start3A_479] : memref<10000x128xf32, #tpu.memory_space<hbm>> -> memref<10000x128xf32, #tpu.memory_space<hbm>>
        tpu.enqueue_indirect_dma source(%dma_start3A_480 : memref<10000x128xf32, #tpu.memory_space<hbm>>) target(%arg16 : memref<16x128xf32, #tpu.memory_space<vmem>>) offsets(%get3A_23 : vector<16xi32>) semaphore(%arg18 : memref<!tpu.dma_semaphore, #tpu.memory_space<semaphore_mem>>)
        %dma_wait3A_481 = arith.constant 0 : i32
        %dma_wait3A_482 = arith.constant 0 : i32
        %dma_wait3A_483 = tpu.memref_slice %arg5[%dma_wait3A_481, %dma_wait3A_482] : memref<10000x128xf32, #tpu.memory_space<hbm>> -> memref<10000x128xf32, #tpu.memory_space<hbm>>
        tpu.wait_indirect_dma semaphore(%arg18 : memref<!tpu.dma_semaphore, #tpu.memory_space<semaphore_mem>>) src(%dma_wait3A_483 : memref<10000x128xf32, #tpu.memory_space<hbm>>) dst(%arg16 : memref<16x128xf32, #tpu.memory_space<vmem>>)
        %dma_start3A_484 = arith.constant 0 : i32
        %dma_start3A_485 = arith.constant 0 : i32
        %dma_start3A_486 = tpu.memref_slice %arg7[%dma_start3A_484, %dma_start3A_485] : memref<10112x4xf32, #tpu.memory_space<hbm>> -> memref<10112x4xf32, #tpu.memory_space<hbm>>
        tpu.enqueue_indirect_dma source(%dma_start3A_486 : memref<10112x4xf32, #tpu.memory_space<hbm>>) target(%arg14 : memref<16x4xf32, #tpu.memory_space<vmem>>) offsets(%get3A_19 : vector<16xi32>) semaphore(%arg18 : memref<!tpu.dma_semaphore, #tpu.memory_space<semaphore_mem>>)
        %dma_wait3A_487 = arith.constant 0 : i32
        %dma_wait3A_488 = arith.constant 0 : i32
        %dma_wait3A_489 = tpu.memref_slice %arg7[%dma_wait3A_487, %dma_wait3A_488] : memref<10112x4xf32, #tpu.memory_space<hbm>> -> memref<10112x4xf32, #tpu.memory_space<hbm>>
        tpu.wait_indirect_dma semaphore(%arg18 : memref<!tpu.dma_semaphore, #tpu.memory_space<semaphore_mem>>) src(%dma_wait3A_489 : memref<10112x4xf32, #tpu.memory_space<hbm>>) dst(%arg14 : memref<16x4xf32, #tpu.memory_space<vmem>>)
      } else {
      }
      %mul3A_34 = arith.constant 16 : i32
      %mul3A_35 = arith.muli %scan3A_16, %mul3A_34 : i32
      %add3A = arith.addi %mul3A_0, %mul3A_35 : i32
      %dma_start3A = arith.constant 0 : i32
      %dma_start3A_36 = tpu.memref_slice %arg8[%add3A, %dma_start3A] : memref<160256x8xf32, #tpu.memory_space<hbm>> -> memref<16x8xf32, #tpu.memory_space<hbm>>
      %dma_start3A_37 = arith.constant 0 : i32
      %dma_start3A_38 = tpu.memref_slice %arg8[%add3A, %dma_start3A_37] : memref<160256x8xf32, #tpu.memory_space<hbm>> -> memref<16x8xf32, #tpu.memory_space<hbm>>
      tpu.enqueue_dma source(%dma_start3A_38 : memref<16x8xf32, #tpu.memory_space<hbm>>) target(%arg15 : memref<16x8xf32, #tpu.memory_space<vmem>>) target_semaphore(%arg19 : memref<!tpu.dma_semaphore, #tpu.memory_space<semaphore_mem>>)
      %dma_wait3A = arith.constant 0 : i32
      %dma_wait3A_39 = tpu.memref_slice %arg8[%add3A, %dma_wait3A] : memref<160256x8xf32, #tpu.memory_space<hbm>> -> memref<16x8xf32, #tpu.memory_space<hbm>>
      %dma_wait3A_40 = arith.constant 0 : i32
      %dma_wait3A_41 = tpu.memref_slice %arg8[%add3A, %dma_wait3A_40] : memref<160256x8xf32, #tpu.memory_space<hbm>> -> memref<16x8xf32, #tpu.memory_space<hbm>>
      tpu.wait_dma2 semaphore(%arg19 : memref<!tpu.dma_semaphore, #tpu.memory_space<semaphore_mem>>) src(%dma_wait3A_41 : memref<16x8xf32, #tpu.memory_space<hbm>>) dst(%arg15 : memref<16x8xf32, #tpu.memory_space<vmem>>)
      %broadcast_in_dim3A_42 = arith.constant 0 : i32
      %broadcast_in_dim3A_43 = vector.broadcast %broadcast_in_dim3A_42 : i32 to vector<16xi32>
      %broadcast_in_dim3A_44 = arith.constant 0 : i32
      %broadcast_in_dim3A_45 = vector.broadcast %broadcast_in_dim3A_44 : i32 to vector<16xi32>
      %mul3A_46 = arith.constant 4 : i32
      %mul3A_47 = arith.muli %arg0, %mul3A_46 : i32
      %add3A_48 = arith.constant 0 : i32
      %add3A_49 = arith.addi %mul3A_47, %add3A_48 : i32
      %add3A_50 = vector.broadcast %add3A_49 : i32 to vector<16xi32>
      %add3A_51 = arith.addi %broadcast_in_dim3A_45, %add3A_50 : vector<16xi32>
      %gather3A = tpu.vector_load_idx %arg15[%iota3A, %add3A_51] : memref<16x8xf32, #tpu.memory_space<vmem>>[vector<16xi32>, vector<16xi32>], vector<16xf32>,
      %broadcast_in_dim3A_52 = arith.constant 0 : i32
      %broadcast_in_dim3A_53 = vector.broadcast %broadcast_in_dim3A_52 : i32 to vector<16xi32>
      %gather3A_54 = tpu.vector_load_idx %arg14[%iota3A, %broadcast_in_dim3A_53] : memref<16x4xf32, #tpu.memory_space<vmem>>[vector<16xi32>, vector<16xi32>], vector<16xf32>,
      %div3A = arith.divf %gather3A, %gather3A_54 : vector<16xf32>
      %gather3A_55 = tpu.vector_load_idx %arg16[%iota3A, %broadcast_in_dim3A_43] : memref<16x128xf32, #tpu.memory_space<vmem>>[vector<16xi32>, vector<16xi32>], vector<16xf32>,
      %mul3A_56 = arith.mulf %gather3A_55, %div3A : vector<16xf32>
      tpu.vector_store_idx %arg16[%iota3A, %broadcast_in_dim3A_43], %mul3A_56 : memref<16x128xf32, #tpu.memory_space<vmem>>[vector<16xi32>, vector<16xi32>], vector<16xf32>,
      %add3A_57 = arith.addi %broadcast_in_dim3A_43, %broadcast_in_dim3A_3 : vector<16xi32>
      %gather3A_58 = tpu.vector_load_idx %arg16[%iota3A, %add3A_57] : memref<16x128xf32, #tpu.memory_space<vmem>>[vector<16xi32>, vector<16xi32>], vector<16xf32>,
      %mul3A_59 = arith.mulf %gather3A_58, %div3A : vector<16xf32>
      tpu.vector_store_idx %arg16[%iota3A, %add3A_57], %mul3A_59 : memref<16x128xf32, #tpu.memory_space<vmem>>[vector<16xi32>, vector<16xi32>], vector<16xf32>,
      %add3A_60 = arith.addi %add3A_57, %broadcast_in_dim3A_3 : vector<16xi32>
      %gather3A_61 = tpu.vector_load_idx %arg16[%iota3A, %add3A_60] : memref<16x128xf32, #tpu.memory_space<vmem>>[vector<16xi32>, vector<16xi32>], vector<16xf32>,
      %mul3A_62 = arith.mulf %gather3A_61, %div3A : vector<16xf32>
      tpu.vector_store_idx %arg16[%iota3A, %add3A_60], %mul3A_62 : memref<16x128xf32, #tpu.memory_space<vmem>>[vector<16xi32>, vector<16xi32>], vector<16xf32>,
      %add3A_63 = arith.addi %add3A_60, %broadcast_in_dim3A_3 : vector<16xi32>
      %gather3A_64 = tpu.vector_load_idx %arg16[%iota3A, %add3A_63] : memref<16x128xf32, #tpu.memory_space<vmem>>[vector<16xi32>, vector<16xi32>], vector<16xf32>,
      %mul3A_65 = arith.mulf %gather3A_64, %div3A : vector<16xf32>
      tpu.vector_store_idx %arg16[%iota3A, %add3A_63], %mul3A_65 : memref<16x128xf32, #tpu.memory_space<vmem>>[vector<16xi32>, vector<16xi32>], vector<16xf32>,
      %add3A_66 = arith.addi %add3A_63, %broadcast_in_dim3A_3 : vector<16xi32>
      %gather3A_67 = tpu.vector_load_idx %arg16[%iota3A, %add3A_66] : memref<16x128xf32, #tpu.memory_space<vmem>>[vector<16xi32>, vector<16xi32>], vector<16xf32>,
      %mul3A_68 = arith.mulf %gather3A_67, %div3A : vector<16xf32>
      tpu.vector_store_idx %arg16[%iota3A, %add3A_66], %mul3A_68 : memref<16x128xf32, #tpu.memory_space<vmem>>[vector<16xi32>, vector<16xi32>], vector<16xf32>,
      %add3A_69 = arith.addi %add3A_66, %broadcast_in_dim3A_3 : vector<16xi32>
      %gather3A_70 = tpu.vector_load_idx %arg16[%iota3A, %add3A_69] : memref<16x128xf32, #tpu.memory_space<vmem>>[vector<16xi32>, vector<16xi32>], vector<16xf32>,
      %mul3A_71 = arith.mulf %gather3A_70, %div3A : vector<16xf32>
      tpu.vector_store_idx %arg16[%iota3A, %add3A_69], %mul3A_71 : memref<16x128xf32, #tpu.memory_space<vmem>>[vector<16xi32>, vector<16xi32>], vector<16xf32>,
      %add3A_72 = arith.addi %add3A_69, %broadcast_in_dim3A_3 : vector<16xi32>
      %gather3A_73 = tpu.vector_load_idx %arg16[%iota3A, %add3A_72] : memref<16x128xf32, #tpu.memory_space<vmem>>[vector<16xi32>, vector<16xi32>], vector<16xf32>,
      %mul3A_74 = arith.mulf %gather3A_73, %div3A : vector<16xf32>
      tpu.vector_store_idx %arg16[%iota3A, %add3A_72], %mul3A_74 : memref<16x128xf32, #tpu.memory_space<vmem>>[vector<16xi32>, vector<16xi32>], vector<16xf32>,
      %add3A_75 = arith.addi %add3A_72, %broadcast_in_dim3A_3 : vector<16xi32>
      %gather3A_76 = tpu.vector_load_idx %arg16[%iota3A, %add3A_75] : memref<16x128xf32, #tpu.memory_space<vmem>>[vector<16xi32>, vector<16xi32>], vector<16xf32>,
      %mul3A_77 = arith.mulf %gather3A_76, %div3A : vector<16xf32>
      tpu.vector_store_idx %arg16[%iota3A, %add3A_75], %mul3A_77 : memref<16x128xf32, #tpu.memory_space<vmem>>[vector<16xi32>, vector<16xi32>], vector<16xf32>,
      %add3A_78 = arith.addi %add3A_75, %broadcast_in_dim3A_3 : vector<16xi32>
      %gather3A_79 = tpu.vector_load_idx %arg16[%iota3A, %add3A_78] : memref<16x128xf32, #tpu.memory_space<vmem>>[vector<16xi32>, vector<16xi32>], vector<16xf32>,
      %mul3A_80 = arith.mulf %gather3A_79, %div3A : vector<16xf32>
      tpu.vector_store_idx %arg16[%iota3A, %add3A_78], %mul3A_80 : memref<16x128xf32, #tpu.memory_space<vmem>>[vector<16xi32>, vector<16xi32>], vector<16xf32>,
      %add3A_81 = arith.addi %add3A_78, %broadcast_in_dim3A_3 : vector<16xi32>
      %gather3A_82 = tpu.vector_load_idx %arg16[%iota3A, %add3A_81] : memref<16x128xf32, #tpu.memory_space<vmem>>[vector<16xi32>, vector<16xi32>], vector<16xf32>,
      %mul3A_83 = arith.mulf %gather3A_82, %div3A : vector<16xf32>
      tpu.vector_store_idx %arg16[%iota3A, %add3A_81], %mul3A_83 : memref<16x128xf32, #tpu.memory_space<vmem>>[vector<16xi32>, vector<16xi32>], vector<16xf32>,
      %add3A_84 = arith.addi %add3A_81, %broadcast_in_dim3A_3 : vector<16xi32>
      %gather3A_85 = tpu.vector_load_idx %arg16[%iota3A, %add3A_84] : memref<16x128xf32, #tpu.memory_space<vmem>>[vector<16xi32>, vector<16xi32>], vector<16xf32>,
      %mul3A_86 = arith.mulf %gather3A_85, %div3A : vector<16xf32>
      tpu.vector_store_idx %arg16[%iota3A, %add3A_84], %mul3A_86 : memref<16x128xf32, #tpu.memory_space<vmem>>[vector<16xi32>, vector<16xi32>], vector<16xf32>,
      %add3A_87 = arith.addi %add3A_84, %broadcast_in_dim3A_3 : vector<16xi32>
      %gather3A_88 = tpu.vector_load_idx %arg16[%iota3A, %add3A_87] : memref<16x128xf32, #tpu.memory_space<vmem>>[vector<16xi32>, vector<16xi32>], vector<16xf32>,
      %mul3A_89 = arith.mulf %gather3A_88, %div3A : vector<16xf32>
      tpu.vector_store_idx %arg16[%iota3A, %add3A_87], %mul3A_89 : memref<16x128xf32, #tpu.memory_space<vmem>>[vector<16xi32>, vector<16xi32>], vector<16xf32>,
      %add3A_90 = arith.addi %add3A_87, %broadcast_in_dim3A_3 : vector<16xi32>
      %gather3A_91 = tpu.vector_load_idx %arg16[%iota3A, %add3A_90] : memref<16x128xf32, #tpu.memory_space<vmem>>[vector<16xi32>, vector<16xi32>], vector<16xf32>,
      %mul3A_92 = arith.mulf %gather3A_91, %div3A : vector<16xf32>
      tpu.vector_store_idx %arg16[%iota3A, %add3A_90], %mul3A_92 : memref<16x128xf32, #tpu.memory_space<vmem>>[vector<16xi32>, vector<16xi32>], vector<16xf32>,
      %add3A_93 = arith.addi %add3A_90, %broadcast_in_dim3A_3 : vector<16xi32>
      %gather3A_94 = tpu.vector_load_idx %arg16[%iota3A, %add3A_93] : memref<16x128xf32, #tpu.memory_space<vmem>>[vector<16xi32>, vector<16xi32>], vector<16xf32>,
      %mul3A_95 = arith.mulf %gather3A_94, %div3A : vector<16xf32>
      tpu.vector_store_idx %arg16[%iota3A, %add3A_93], %mul3A_95 : memref<16x128xf32, #tpu.memory_space<vmem>>[vector<16xi32>, vector<16xi32>], vector<16xf32>,
      %add3A_96 = arith.addi %add3A_93, %broadcast_in_dim3A_3 : vector<16xi32>
      %gather3A_97 = tpu.vector_load_idx %arg16[%iota3A, %add3A_96] : memref<16x128xf32, #tpu.memory_space<vmem>>[vector<16xi32>, vector<16xi32>], vector<16xf32>,
      %mul3A_98 = arith.mulf %gather3A_97, %div3A : vector<16xf32>
      tpu.vector_store_idx %arg16[%iota3A, %add3A_96], %mul3A_98 : memref<16x128xf32, #tpu.memory_space<vmem>>[vector<16xi32>, vector<16xi32>], vector<16xf32>,
      %add3A_99 = arith.addi %add3A_96, %broadcast_in_dim3A_3 : vector<16xi32>
      %gather3A_100 = tpu.vector_load_idx %arg16[%iota3A, %add3A_99] : memref<16x128xf32, #tpu.memory_space<vmem>>[vector<16xi32>, vector<16xi32>], vector<16xf32>,
      %mul3A_101 = arith.mulf %gather3A_100, %div3A : vector<16xf32>
      tpu.vector_store_idx %arg16[%iota3A, %add3A_99], %mul3A_101 : memref<16x128xf32, #tpu.memory_space<vmem>>[vector<16xi32>, vector<16xi32>], vector<16xf32>,
      %add3A_102 = arith.addi %add3A_99, %broadcast_in_dim3A_3 : vector<16xi32>
      %gather3A_103 = tpu.vector_load_idx %arg16[%iota3A, %add3A_102] : memref<16x128xf32, #tpu.memory_space<vmem>>[vector<16xi32>, vector<16xi32>], vector<16xf32>,
      %mul3A_104 = arith.mulf %gather3A_103, %div3A : vector<16xf32>
      tpu.vector_store_idx %arg16[%iota3A, %add3A_102], %mul3A_104 : memref<16x128xf32, #tpu.memory_space<vmem>>[vector<16xi32>, vector<16xi32>], vector<16xf32>,
      %add3A_105 = arith.addi %add3A_102, %broadcast_in_dim3A_3 : vector<16xi32>
      %gather3A_106 = tpu.vector_load_idx %arg16[%iota3A, %add3A_105] : memref<16x128xf32, #tpu.memory_space<vmem>>[vector<16xi32>, vector<16xi32>], vector<16xf32>,
      %mul3A_107 = arith.mulf %gather3A_106, %div3A : vector<16xf32>
      tpu.vector_store_idx %arg16[%iota3A, %add3A_105], %mul3A_107 : memref<16x128xf32, #tpu.memory_space<vmem>>[vector<16xi32>, vector<16xi32>], vector<16xf32>,
      %add3A_108 = arith.addi %add3A_105, %broadcast_in_dim3A_3 : vector<16xi32>
      %gather3A_109 = tpu.vector_load_idx %arg16[%iota3A, %add3A_108] : memref<16x128xf32, #tpu.memory_space<vmem>>[vector<16xi32>, vector<16xi32>], vector<16xf32>,
      %mul3A_110 = arith.mulf %gather3A_109, %div3A : vector<16xf32>
      tpu.vector_store_idx %arg16[%iota3A, %add3A_108], %mul3A_110 : memref<16x128xf32, #tpu.memory_space<vmem>>[vector<16xi32>, vector<16xi32>], vector<16xf32>,
      %add3A_111 = arith.addi %add3A_108, %broadcast_in_dim3A_3 : vector<16xi32>
      %gather3A_112 = tpu.vector_load_idx %arg16[%iota3A, %add3A_111] : memref<16x128xf32, #tpu.memory_space<vmem>>[vector<16xi32>, vector<16xi32>], vector<16xf32>,
      %mul3A_113 = arith.mulf %gather3A_112, %div3A : vector<16xf32>
      tpu.vector_store_idx %arg16[%iota3A, %add3A_111], %mul3A_113 : memref<16x128xf32, #tpu.memory_space<vmem>>[vector<16xi32>, vector<16xi32>], vector<16xf32>,
      %add3A_114 = arith.addi %add3A_111, %broadcast_in_dim3A_3 : vector<16xi32>
      %gather3A_115 = tpu.vector_load_idx %arg16[%iota3A, %add3A_114] : memref<16x128xf32, #tpu.memory_space<vmem>>[vector<16xi32>, vector<16xi32>], vector<16xf32>,
      %mul3A_116 = arith.mulf %gather3A_115, %div3A : vector<16xf32>
      tpu.vector_store_idx %arg16[%iota3A, %add3A_114], %mul3A_116 : memref<16x128xf32, #tpu.memory_space<vmem>>[vector<16xi32>, vector<16xi32>], vector<16xf32>,
      %add3A_117 = arith.addi %add3A_114, %broadcast_in_dim3A_3 : vector<16xi32>
      %gather3A_118 = tpu.vector_load_idx %arg16[%iota3A, %add3A_117] : memref<16x128xf32, #tpu.memory_space<vmem>>[vector<16xi32>, vector<16xi32>], vector<16xf32>,
      %mul3A_119 = arith.mulf %gather3A_118, %div3A : vector<16xf32>
      tpu.vector_store_idx %arg16[%iota3A, %add3A_117], %mul3A_119 : memref<16x128xf32, #tpu.memory_space<vmem>>[vector<16xi32>, vector<16xi32>], vector<16xf32>,
      %add3A_120 = arith.addi %add3A_117, %broadcast_in_dim3A_3 : vector<16xi32>
      %gather3A_121 = tpu.vector_load_idx %arg16[%iota3A, %add3A_120] : memref<16x128xf32, #tpu.memory_space<vmem>>[vector<16xi32>, vector<16xi32>], vector<16xf32>,
      %mul3A_122 = arith.mulf %gather3A_121, %div3A : vector<16xf32>
      tpu.vector_store_idx %arg16[%iota3A, %add3A_120], %mul3A_122 : memref<16x128xf32, #tpu.memory_space<vmem>>[vector<16xi32>, vector<16xi32>], vector<16xf32>,
      %add3A_123 = arith.addi %add3A_120, %broadcast_in_dim3A_3 : vector<16xi32>
      %gather3A_124 = tpu.vector_load_idx %arg16[%iota3A, %add3A_123] : memref<16x128xf32, #tpu.memory_space<vmem>>[vector<16xi32>, vector<16xi32>], vector<16xf32>,
      %mul3A_125 = arith.mulf %gather3A_124, %div3A : vector<16xf32>
      tpu.vector_store_idx %arg16[%iota3A, %add3A_123], %mul3A_125 : memref<16x128xf32, #tpu.memory_space<vmem>>[vector<16xi32>, vector<16xi32>], vector<16xf32>,
      %add3A_126 = arith.addi %add3A_123, %broadcast_in_dim3A_3 : vector<16xi32>
      %gather3A_127 = tpu.vector_load_idx %arg16[%iota3A, %add3A_126] : memref<16x128xf32, #tpu.memory_space<vmem>>[vector<16xi32>, vector<16xi32>], vector<16xf32>,
      %mul3A_128 = arith.mulf %gather3A_127, %div3A : vector<16xf32>
      tpu.vector_store_idx %arg16[%iota3A, %add3A_126], %mul3A_128 : memref<16x128xf32, #tpu.memory_space<vmem>>[vector<16xi32>, vector<16xi32>], vector<16xf32>,
      %add3A_129 = arith.addi %add3A_126, %broadcast_in_dim3A_3 : vector<16xi32>
      %gather3A_130 = tpu.vector_load_idx %arg16[%iota3A, %add3A_129] : memref<16x128xf32, #tpu.memory_space<vmem>>[vector<16xi32>, vector<16xi32>], vector<16xf32>,
      %mul3A_131 = arith.mulf %gather3A_130, %div3A : vector<16xf32>
      tpu.vector_store_idx %arg16[%iota3A, %add3A_129], %mul3A_131 : memref<16x128xf32, #tpu.memory_space<vmem>>[vector<16xi32>, vector<16xi32>], vector<16xf32>,
      %add3A_132 = arith.addi %add3A_129, %broadcast_in_dim3A_3 : vector<16xi32>
      %gather3A_133 = tpu.vector_load_idx %arg16[%iota3A, %add3A_132] : memref<16x128xf32, #tpu.memory_space<vmem>>[vector<16xi32>, vector<16xi32>], vector<16xf32>,
      %mul3A_134 = arith.mulf %gather3A_133, %div3A : vector<16xf32>
      tpu.vector_store_idx %arg16[%iota3A, %add3A_132], %mul3A_134 : memref<16x128xf32, #tpu.memory_space<vmem>>[vector<16xi32>, vector<16xi32>], vector<16xf32>,
      %add3A_135 = arith.addi %add3A_132, %broadcast_in_dim3A_3 : vector<16xi32>
      %gather3A_136 = tpu.vector_load_idx %arg16[%iota3A, %add3A_135] : memref<16x128xf32, #tpu.memory_space<vmem>>[vector<16xi32>, vector<16xi32>], vector<16xf32>,
      %mul3A_137 = arith.mulf %gather3A_136, %div3A : vector<16xf32>
      tpu.vector_store_idx %arg16[%iota3A, %add3A_135], %mul3A_137 : memref<16x128xf32, #tpu.memory_space<vmem>>[vector<16xi32>, vector<16xi32>], vector<16xf32>,
      %add3A_138 = arith.addi %add3A_135, %broadcast_in_dim3A_3 : vector<16xi32>
      %gather3A_139 = tpu.vector_load_idx %arg16[%iota3A, %add3A_138] : memref<16x128xf32, #tpu.memory_space<vmem>>[vector<16xi32>, vector<16xi32>], vector<16xf32>,
      %mul3A_140 = arith.mulf %gather3A_139, %div3A : vector<16xf32>
      tpu.vector_store_idx %arg16[%iota3A, %add3A_138], %mul3A_140 : memref<16x128xf32, #tpu.memory_space<vmem>>[vector<16xi32>, vector<16xi32>], vector<16xf32>,
      %add3A_141 = arith.addi %add3A_138, %broadcast_in_dim3A_3 : vector<16xi32>
      %gather3A_142 = tpu.vector_load_idx %arg16[%iota3A, %add3A_141] : memref<16x128xf32, #tpu.memory_space<vmem>>[vector<16xi32>, vector<16xi32>], vector<16xf32>,
      %mul3A_143 = arith.mulf %gather3A_142, %div3A : vector<16xf32>
      tpu.vector_store_idx %arg16[%iota3A, %add3A_141], %mul3A_143 : memref<16x128xf32, #tpu.memory_space<vmem>>[vector<16xi32>, vector<16xi32>], vector<16xf32>,
      %add3A_144 = arith.addi %add3A_141, %broadcast_in_dim3A_3 : vector<16xi32>
      %gather3A_145 = tpu.vector_load_idx %arg16[%iota3A, %add3A_144] : memref<16x128xf32, #tpu.memory_space<vmem>>[vector<16xi32>, vector<16xi32>], vector<16xf32>,
      %mul3A_146 = arith.mulf %gather3A_145, %div3A : vector<16xf32>
      tpu.vector_store_idx %arg16[%iota3A, %add3A_144], %mul3A_146 : memref<16x128xf32, #tpu.memory_space<vmem>>[vector<16xi32>, vector<16xi32>], vector<16xf32>,
      %add3A_147 = arith.addi %add3A_144, %broadcast_in_dim3A_3 : vector<16xi32>
      %gather3A_148 = tpu.vector_load_idx %arg16[%iota3A, %add3A_147] : memref<16x128xf32, #tpu.memory_space<vmem>>[vector<16xi32>, vector<16xi32>], vector<16xf32>,
      %mul3A_149 = arith.mulf %gather3A_148, %div3A : vector<16xf32>
      tpu.vector_store_idx %arg16[%iota3A, %add3A_147], %mul3A_149 : memref<16x128xf32, #tpu.memory_space<vmem>>[vector<16xi32>, vector<16xi32>], vector<16xf32>,
      %add3A_150 = arith.addi %add3A_147, %broadcast_in_dim3A_3 : vector<16xi32>
      %broadcast_in_dim3A_151 = arith.constant 0 : i32
      %broadcast_in_dim3A_152 = vector.broadcast %broadcast_in_dim3A_151 : i32 to vector<16xi32>
      %mul3A_153 = arith.constant 4 : i32
      %mul3A_154 = arith.muli %arg0, %mul3A_153 : i32
      %add3A_155 = arith.constant 1 : i32
      %add3A_156 = arith.addi %mul3A_154, %add3A_155 : i32
      %add3A_157 = vector.broadcast %add3A_156 : i32 to vector<16xi32>
      %add3A_158 = arith.addi %broadcast_in_dim3A_152, %add3A_157 : vector<16xi32>
      %gather3A_159 = tpu.vector_load_idx %arg15[%iota3A, %add3A_158] : memref<16x8xf32, #tpu.memory_space<vmem>>[vector<16xi32>, vector<16xi32>], vector<16xf32>,
      %broadcast_in_dim3A_160 = arith.constant 1 : i32
      %broadcast_in_dim3A_161 = vector.broadcast %broadcast_in_dim3A_160 : i32 to vector<16xi32>
      %gather3A_162 = tpu.vector_load_idx %arg14[%iota3A, %broadcast_in_dim3A_161] : memref<16x4xf32, #tpu.memory_space<vmem>>[vector<16xi32>, vector<16xi32>], vector<16xf32>,
      %div3A_163 = arith.divf %gather3A_159, %gather3A_162 : vector<16xf32>
      %gather3A_164 = tpu.vector_load_idx %arg16[%iota3A, %add3A_150] : memref<16x128xf32, #tpu.memory_space<vmem>>[vector<16xi32>, vector<16xi32>], vector<16xf32>,
      %mul3A_165 = arith.mulf %gather3A_164, %div3A_163 : vector<16xf32>
      tpu.vector_store_idx %arg16[%iota3A, %add3A_150], %mul3A_165 : memref<16x128xf32, #tpu.memory_space<vmem>>[vector<16xi32>, vector<16xi32>], vector<16xf32>,
      %add3A_166 = arith.addi %add3A_150, %broadcast_in_dim3A_3 : vector<16xi32>
      %gather3A_167 = tpu.vector_load_idx %arg16[%iota3A, %add3A_166] : memref<16x128xf32, #tpu.memory_space<vmem>>[vector<16xi32>, vector<16xi32>], vector<16xf32>,
      %mul3A_168 = arith.mulf %gather3A_167, %div3A_163 : vector<16xf32>
      tpu.vector_store_idx %arg16[%iota3A, %add3A_166], %mul3A_168 : memref<16x128xf32, #tpu.memory_space<vmem>>[vector<16xi32>, vector<16xi32>], vector<16xf32>,
      %add3A_169 = arith.addi %add3A_166, %broadcast_in_dim3A_3 : vector<16xi32>
      %gather3A_170 = tpu.vector_load_idx %arg16[%iota3A, %add3A_169] : memref<16x128xf32, #tpu.memory_space<vmem>>[vector<16xi32>, vector<16xi32>], vector<16xf32>,
      %mul3A_171 = arith.mulf %gather3A_170, %div3A_163 : vector<16xf32>
      tpu.vector_store_idx %arg16[%iota3A, %add3A_169], %mul3A_171 : memref<16x128xf32, #tpu.memory_space<vmem>>[vector<16xi32>, vector<16xi32>], vector<16xf32>,
      %add3A_172 = arith.addi %add3A_169, %broadcast_in_dim3A_3 : vector<16xi32>
      %gather3A_173 = tpu.vector_load_idx %arg16[%iota3A, %add3A_172] : memref<16x128xf32, #tpu.memory_space<vmem>>[vector<16xi32>, vector<16xi32>], vector<16xf32>,
      %mul3A_174 = arith.mulf %gather3A_173, %div3A_163 : vector<16xf32>
      tpu.vector_store_idx %arg16[%iota3A, %add3A_172], %mul3A_174 : memref<16x128xf32, #tpu.memory_space<vmem>>[vector<16xi32>, vector<16xi32>], vector<16xf32>,
      %add3A_175 = arith.addi %add3A_172, %broadcast_in_dim3A_3 : vector<16xi32>
      %gather3A_176 = tpu.vector_load_idx %arg16[%iota3A, %add3A_175] : memref<16x128xf32, #tpu.memory_space<vmem>>[vector<16xi32>, vector<16xi32>], vector<16xf32>,
      %mul3A_177 = arith.mulf %gather3A_176, %div3A_163 : vector<16xf32>
      tpu.vector_store_idx %arg16[%iota3A, %add3A_175], %mul3A_177 : memref<16x128xf32, #tpu.memory_space<vmem>>[vector<16xi32>, vector<16xi32>], vector<16xf32>,
      %add3A_178 = arith.addi %add3A_175, %broadcast_in_dim3A_3 : vector<16xi32>
      %gather3A_179 = tpu.vector_load_idx %arg16[%iota3A, %add3A_178] : memref<16x128xf32, #tpu.memory_space<vmem>>[vector<16xi32>, vector<16xi32>], vector<16xf32>,
      %mul3A_180 = arith.mulf %gather3A_179, %div3A_163 : vector<16xf32>
      tpu.vector_store_idx %arg16[%iota3A, %add3A_178], %mul3A_180 : memref<16x128xf32, #tpu.memory_space<vmem>>[vector<16xi32>, vector<16xi32>], vector<16xf32>,
      %add3A_181 = arith.addi %add3A_178, %broadcast_in_dim3A_3 : vector<16xi32>
      %gather3A_182 = tpu.vector_load_idx %arg16[%iota3A, %add3A_181] : memref<16x128xf32, #tpu.memory_space<vmem>>[vector<16xi32>, vector<16xi32>], vector<16xf32>,
      %mul3A_183 = arith.mulf %gather3A_182, %div3A_163 : vector<16xf32>
      tpu.vector_store_idx %arg16[%iota3A, %add3A_181], %mul3A_183 : memref<16x128xf32, #tpu.memory_space<vmem>>[vector<16xi32>, vector<16xi32>], vector<16xf32>,
      %add3A_184 = arith.addi %add3A_181, %broadcast_in_dim3A_3 : vector<16xi32>
      %gather3A_185 = tpu.vector_load_idx %arg16[%iota3A, %add3A_184] : memref<16x128xf32, #tpu.memory_space<vmem>>[vector<16xi32>, vector<16xi32>], vector<16xf32>,
      %mul3A_186 = arith.mulf %gather3A_185, %div3A_163 : vector<16xf32>
      tpu.vector_store_idx %arg16[%iota3A, %add3A_184], %mul3A_186 : memref<16x128xf32, #tpu.memory_space<vmem>>[vector<16xi32>, vector<16xi32>], vector<16xf32>,
      %add3A_187 = arith.addi %add3A_184, %broadcast_in_dim3A_3 : vector<16xi32>
      %gather3A_188 = tpu.vector_load_idx %arg16[%iota3A, %add3A_187] : memref<16x128xf32, #tpu.memory_space<vmem>>[vector<16xi32>, vector<16xi32>], vector<16xf32>,
      %mul3A_189 = arith.mulf %gather3A_188, %div3A_163 : vector<16xf32>
      tpu.vector_store_idx %arg16[%iota3A, %add3A_187], %mul3A_189 : memref<16x128xf32, #tpu.memory_space<vmem>>[vector<16xi32>, vector<16xi32>], vector<16xf32>,
      %add3A_190 = arith.addi %add3A_187, %broadcast_in_dim3A_3 : vector<16xi32>
      %gather3A_191 = tpu.vector_load_idx %arg16[%iota3A, %add3A_190] : memref<16x128xf32, #tpu.memory_space<vmem>>[vector<16xi32>, vector<16xi32>], vector<16xf32>,
      %mul3A_192 = arith.mulf %gather3A_191, %div3A_163 : vector<16xf32>
      tpu.vector_store_idx %arg16[%iota3A, %add3A_190], %mul3A_192 : memref<16x128xf32, #tpu.memory_space<vmem>>[vector<16xi32>, vector<16xi32>], vector<16xf32>,
      %add3A_193 = arith.addi %add3A_190, %broadcast_in_dim3A_3 : vector<16xi32>
      %gather3A_194 = tpu.vector_load_idx %arg16[%iota3A, %add3A_193] : memref<16x128xf32, #tpu.memory_space<vmem>>[vector<16xi32>, vector<16xi32>], vector<16xf32>,
      %mul3A_195 = arith.mulf %gather3A_194, %div3A_163 : vector<16xf32>
      tpu.vector_store_idx %arg16[%iota3A, %add3A_193], %mul3A_195 : memref<16x128xf32, #tpu.memory_space<vmem>>[vector<16xi32>, vector<16xi32>], vector<16xf32>,
      %add3A_196 = arith.addi %add3A_193, %broadcast_in_dim3A_3 : vector<16xi32>
      %gather3A_197 = tpu.vector_load_idx %arg16[%iota3A, %add3A_196] : memref<16x128xf32, #tpu.memory_space<vmem>>[vector<16xi32>, vector<16xi32>], vector<16xf32>,
      %mul3A_198 = arith.mulf %gather3A_197, %div3A_163 : vector<16xf32>
      tpu.vector_store_idx %arg16[%iota3A, %add3A_196], %mul3A_198 : memref<16x128xf32, #tpu.memory_space<vmem>>[vector<16xi32>, vector<16xi32>], vector<16xf32>,
      %add3A_199 = arith.addi %add3A_196, %broadcast_in_dim3A_3 : vector<16xi32>
      %gather3A_200 = tpu.vector_load_idx %arg16[%iota3A, %add3A_199] : memref<16x128xf32, #tpu.memory_space<vmem>>[vector<16xi32>, vector<16xi32>], vector<16xf32>,
      %mul3A_201 = arith.mulf %gather3A_200, %div3A_163 : vector<16xf32>
      tpu.vector_store_idx %arg16[%iota3A, %add3A_199], %mul3A_201 : memref<16x128xf32, #tpu.memory_space<vmem>>[vector<16xi32>, vector<16xi32>], vector<16xf32>,
      %add3A_202 = arith.addi %add3A_199, %broadcast_in_dim3A_3 : vector<16xi32>
      %gather3A_203 = tpu.vector_load_idx %arg16[%iota3A, %add3A_202] : memref<16x128xf32, #tpu.memory_space<vmem>>[vector<16xi32>, vector<16xi32>], vector<16xf32>,
      %mul3A_204 = arith.mulf %gather3A_203, %div3A_163 : vector<16xf32>
      tpu.vector_store_idx %arg16[%iota3A, %add3A_202], %mul3A_204 : memref<16x128xf32, #tpu.memory_space<vmem>>[vector<16xi32>, vector<16xi32>], vector<16xf32>,
      %add3A_205 = arith.addi %add3A_202, %broadcast_in_dim3A_3 : vector<16xi32>
      %gather3A_206 = tpu.vector_load_idx %arg16[%iota3A, %add3A_205] : memref<16x128xf32, #tpu.memory_space<vmem>>[vector<16xi32>, vector<16xi32>], vector<16xf32>,
      %mul3A_207 = arith.mulf %gather3A_206, %div3A_163 : vector<16xf32>
      tpu.vector_store_idx %arg16[%iota3A, %add3A_205], %mul3A_207 : memref<16x128xf32, #tpu.memory_space<vmem>>[vector<16xi32>, vector<16xi32>], vector<16xf32>,
      %add3A_208 = arith.addi %add3A_205, %broadcast_in_dim3A_3 : vector<16xi32>
      %gather3A_209 = tpu.vector_load_idx %arg16[%iota3A, %add3A_208] : memref<16x128xf32, #tpu.memory_space<vmem>>[vector<16xi32>, vector<16xi32>], vector<16xf32>,
      %mul3A_210 = arith.mulf %gather3A_209, %div3A_163 : vector<16xf32>
      tpu.vector_store_idx %arg16[%iota3A, %add3A_208], %mul3A_210 : memref<16x128xf32, #tpu.memory_space<vmem>>[vector<16xi32>, vector<16xi32>], vector<16xf32>,
      %add3A_211 = arith.addi %add3A_208, %broadcast_in_dim3A_3 : vector<16xi32>
      %gather3A_212 = tpu.vector_load_idx %arg16[%iota3A, %add3A_211] : memref<16x128xf32, #tpu.memory_space<vmem>>[vector<16xi32>, vector<16xi32>], vector<16xf32>,
      %mul3A_213 = arith.mulf %gather3A_212, %div3A_163 : vector<16xf32>
      tpu.vector_store_idx %arg16[%iota3A, %add3A_211], %mul3A_213 : memref<16x128xf32, #tpu.memory_space<vmem>>[vector<16xi32>, vector<16xi32>], vector<16xf32>,
      %add3A_214 = arith.addi %add3A_211, %broadcast_in_dim3A_3 : vector<16xi32>
      %gather3A_215 = tpu.vector_load_idx %arg16[%iota3A, %add3A_214] : memref<16x128xf32, #tpu.memory_space<vmem>>[vector<16xi32>, vector<16xi32>], vector<16xf32>,
      %mul3A_216 = arith.mulf %gather3A_215, %div3A_163 : vector<16xf32>
      tpu.vector_store_idx %arg16[%iota3A, %add3A_214], %mul3A_216 : memref<16x128xf32, #tpu.memory_space<vmem>>[vector<16xi32>, vector<16xi32>], vector<16xf32>,
      %add3A_217 = arith.addi %add3A_214, %broadcast_in_dim3A_3 : vector<16xi32>
      %gather3A_218 = tpu.vector_load_idx %arg16[%iota3A, %add3A_217] : memref<16x128xf32, #tpu.memory_space<vmem>>[vector<16xi32>, vector<16xi32>], vector<16xf32>,
      %mul3A_219 = arith.mulf %gather3A_218, %div3A_163 : vector<16xf32>
      tpu.vector_store_idx %arg16[%iota3A, %add3A_217], %mul3A_219 : memref<16x128xf32, #tpu.memory_space<vmem>>[vector<16xi32>, vector<16xi32>], vector<16xf32>,
      %add3A_220 = arith.addi %add3A_217, %broadcast_in_dim3A_3 : vector<16xi32>
      %gather3A_221 = tpu.vector_load_idx %arg16[%iota3A, %add3A_220] : memref<16x128xf32, #tpu.memory_space<vmem>>[vector<16xi32>, vector<16xi32>], vector<16xf32>,
      %mul3A_222 = arith.mulf %gather3A_221, %div3A_163 : vector<16xf32>
      tpu.vector_store_idx %arg16[%iota3A, %add3A_220], %mul3A_222 : memref<16x128xf32, #tpu.memory_space<vmem>>[vector<16xi32>, vector<16xi32>], vector<16xf32>,
      %add3A_223 = arith.addi %add3A_220, %broadcast_in_dim3A_3 : vector<16xi32>
      %gather3A_224 = tpu.vector_load_idx %arg16[%iota3A, %add3A_223] : memref<16x128xf32, #tpu.memory_space<vmem>>[vector<16xi32>, vector<16xi32>], vector<16xf32>,
      %mul3A_225 = arith.mulf %gather3A_224, %div3A_163 : vector<16xf32>
      tpu.vector_store_idx %arg16[%iota3A, %add3A_223], %mul3A_225 : memref<16x128xf32, #tpu.memory_space<vmem>>[vector<16xi32>, vector<16xi32>], vector<16xf32>,
      %add3A_226 = arith.addi %add3A_223, %broadcast_in_dim3A_3 : vector<16xi32>
      %gather3A_227 = tpu.vector_load_idx %arg16[%iota3A, %add3A_226] : memref<16x128xf32, #tpu.memory_space<vmem>>[vector<16xi32>, vector<16xi32>], vector<16xf32>,
      %mul3A_228 = arith.mulf %gather3A_227, %div3A_163 : vector<16xf32>
      tpu.vector_store_idx %arg16[%iota3A, %add3A_226], %mul3A_228 : memref<16x128xf32, #tpu.memory_space<vmem>>[vector<16xi32>, vector<16xi32>], vector<16xf32>,
      %add3A_229 = arith.addi %add3A_226, %broadcast_in_dim3A_3 : vector<16xi32>
      %gather3A_230 = tpu.vector_load_idx %arg16[%iota3A, %add3A_229] : memref<16x128xf32, #tpu.memory_space<vmem>>[vector<16xi32>, vector<16xi32>], vector<16xf32>,
      %mul3A_231 = arith.mulf %gather3A_230, %div3A_163 : vector<16xf32>
      tpu.vector_store_idx %arg16[%iota3A, %add3A_229], %mul3A_231 : memref<16x128xf32, #tpu.memory_space<vmem>>[vector<16xi32>, vector<16xi32>], vector<16xf32>,
      %add3A_232 = arith.addi %add3A_229, %broadcast_in_dim3A_3 : vector<16xi32>
      %gather3A_233 = tpu.vector_load_idx %arg16[%iota3A, %add3A_232] : memref<16x128xf32, #tpu.memory_space<vmem>>[vector<16xi32>, vector<16xi32>], vector<16xf32>,
      %mul3A_234 = arith.mulf %gather3A_233, %div3A_163 : vector<16xf32>
      tpu.vector_store_idx %arg16[%iota3A, %add3A_232], %mul3A_234 : memref<16x128xf32, #tpu.memory_space<vmem>>[vector<16xi32>, vector<16xi32>], vector<16xf32>,
      %add3A_235 = arith.addi %add3A_232, %broadcast_in_dim3A_3 : vector<16xi32>
      %gather3A_236 = tpu.vector_load_idx %arg16[%iota3A, %add3A_235] : memref<16x128xf32, #tpu.memory_space<vmem>>[vector<16xi32>, vector<16xi32>], vector<16xf32>,
      %mul3A_237 = arith.mulf %gather3A_236, %div3A_163 : vector<16xf32>
      tpu.vector_store_idx %arg16[%iota3A, %add3A_235], %mul3A_237 : memref<16x128xf32, #tpu.memory_space<vmem>>[vector<16xi32>, vector<16xi32>], vector<16xf32>,
      %add3A_238 = arith.addi %add3A_235, %broadcast_in_dim3A_3 : vector<16xi32>
      %gather3A_239 = tpu.vector_load_idx %arg16[%iota3A, %add3A_238] : memref<16x128xf32, #tpu.memory_space<vmem>>[vector<16xi32>, vector<16xi32>], vector<16xf32>,
      %mul3A_240 = arith.mulf %gather3A_239, %div3A_163 : vector<16xf32>
      tpu.vector_store_idx %arg16[%iota3A, %add3A_238], %mul3A_240 : memref<16x128xf32, #tpu.memory_space<vmem>>[vector<16xi32>, vector<16xi32>], vector<16xf32>,
      %add3A_241 = arith.addi %add3A_238, %broadcast_in_dim3A_3 : vector<16xi32>
      %gather3A_242 = tpu.vector_load_idx %arg16[%iota3A, %add3A_241] : memref<16x128xf32, #tpu.memory_space<vmem>>[vector<16xi32>, vector<16xi32>], vector<16xf32>,
      %mul3A_243 = arith.mulf %gather3A_242, %div3A_163 : vector<16xf32>
      tpu.vector_store_idx %arg16[%iota3A, %add3A_241], %mul3A_243 : memref<16x128xf32, #tpu.memory_space<vmem>>[vector<16xi32>, vector<16xi32>], vector<16xf32>,
      %add3A_244 = arith.addi %add3A_241, %broadcast_in_dim3A_3 : vector<16xi32>
      %gather3A_245 = tpu.vector_load_idx %arg16[%iota3A, %add3A_244] : memref<16x128xf32, #tpu.memory_space<vmem>>[vector<16xi32>, vector<16xi32>], vector<16xf32>,
      %mul3A_246 = arith.mulf %gather3A_245, %div3A_163 : vector<16xf32>
      tpu.vector_store_idx %arg16[%iota3A, %add3A_244], %mul3A_246 : memref<16x128xf32, #tpu.memory_space<vmem>>[vector<16xi32>, vector<16xi32>], vector<16xf32>,
      %add3A_247 = arith.addi %add3A_244, %broadcast_in_dim3A_3 : vector<16xi32>
      %gather3A_248 = tpu.vector_load_idx %arg16[%iota3A, %add3A_247] : memref<16x128xf32, #tpu.memory_space<vmem>>[vector<16xi32>, vector<16xi32>], vector<16xf32>,
      %mul3A_249 = arith.mulf %gather3A_248, %div3A_163 : vector<16xf32>
      tpu.vector_store_idx %arg16[%iota3A, %add3A_247], %mul3A_249 : memref<16x128xf32, #tpu.memory_space<vmem>>[vector<16xi32>, vector<16xi32>], vector<16xf32>,
      %add3A_250 = arith.addi %add3A_247, %broadcast_in_dim3A_3 : vector<16xi32>
      %gather3A_251 = tpu.vector_load_idx %arg16[%iota3A, %add3A_250] : memref<16x128xf32, #tpu.memory_space<vmem>>[vector<16xi32>, vector<16xi32>], vector<16xf32>,
      %mul3A_252 = arith.mulf %gather3A_251, %div3A_163 : vector<16xf32>
      tpu.vector_store_idx %arg16[%iota3A, %add3A_250], %mul3A_252 : memref<16x128xf32, #tpu.memory_space<vmem>>[vector<16xi32>, vector<16xi32>], vector<16xf32>,
      %add3A_253 = arith.addi %add3A_250, %broadcast_in_dim3A_3 : vector<16xi32>
      %gather3A_254 = tpu.vector_load_idx %arg16[%iota3A, %add3A_253] : memref<16x128xf32, #tpu.memory_space<vmem>>[vector<16xi32>, vector<16xi32>], vector<16xf32>,
      %mul3A_255 = arith.mulf %gather3A_254, %div3A_163 : vector<16xf32>
      tpu.vector_store_idx %arg16[%iota3A, %add3A_253], %mul3A_255 : memref<16x128xf32, #tpu.memory_space<vmem>>[vector<16xi32>, vector<16xi32>], vector<16xf32>,
      %add3A_256 = arith.addi %add3A_253, %broadcast_in_dim3A_3 : vector<16xi32>
      %gather3A_257 = tpu.vector_load_idx %arg16[%iota3A, %add3A_256] : memref<16x128xf32, #tpu.memory_space<vmem>>[vector<16xi32>, vector<16xi32>], vector<16xf32>,
      %mul3A_258 = arith.mulf %gather3A_257, %div3A_163 : vector<16xf32>
      tpu.vector_store_idx %arg16[%iota3A, %add3A_256], %mul3A_258 : memref<16x128xf32, #tpu.memory_space<vmem>>[vector<16xi32>, vector<16xi32>], vector<16xf32>,
      %add3A_259 = arith.addi %add3A_256, %broadcast_in_dim3A_3 : vector<16xi32>
      %broadcast_in_dim3A_260 = arith.constant 0 : i32
      %broadcast_in_dim3A_261 = vector.broadcast %broadcast_in_dim3A_260 : i32 to vector<16xi32>
      %mul3A_262 = arith.constant 4 : i32
      %mul3A_263 = arith.muli %arg0, %mul3A_262 : i32
      %add3A_264 = arith.constant 2 : i32
      %add3A_265 = arith.addi %mul3A_263, %add3A_264 : i32
      %add3A_266 = vector.broadcast %add3A_265 : i32 to vector<16xi32>
      %add3A_267 = arith.addi %broadcast_in_dim3A_261, %add3A_266 : vector<16xi32>
      %gather3A_268 = tpu.vector_load_idx %arg15[%iota3A, %add3A_267] : memref<16x8xf32, #tpu.memory_space<vmem>>[vector<16xi32>, vector<16xi32>], vector<16xf32>,
      %broadcast_in_dim3A_269 = arith.constant 2 : i32
      %broadcast_in_dim3A_270 = vector.broadcast %broadcast_in_dim3A_269 : i32 to vector<16xi32>
      %gather3A_271 = tpu.vector_load_idx %arg14[%iota3A, %broadcast_in_dim3A_270] : memref<16x4xf32, #tpu.memory_space<vmem>>[vector<16xi32>, vector<16xi32>], vector<16xf32>,
      %div3A_272 = arith.divf %gather3A_268, %gather3A_271 : vector<16xf32>
      %gather3A_273 = tpu.vector_load_idx %arg16[%iota3A, %add3A_259] : memref<16x128xf32, #tpu.memory_space<vmem>>[vector<16xi32>, vector<16xi32>], vector<16xf32>,
      %mul3A_274 = arith.mulf %gather3A_273, %div3A_272 : vector<16xf32>
      tpu.vector_store_idx %arg16[%iota3A, %add3A_259], %mul3A_274 : memref<16x128xf32, #tpu.memory_space<vmem>>[vector<16xi32>, vector<16xi32>], vector<16xf32>,
      %add3A_275 = arith.addi %add3A_259, %broadcast_in_dim3A_3 : vector<16xi32>
      %gather3A_276 = tpu.vector_load_idx %arg16[%iota3A, %add3A_275] : memref<16x128xf32, #tpu.memory_space<vmem>>[vector<16xi32>, vector<16xi32>], vector<16xf32>,
      %mul3A_277 = arith.mulf %gather3A_276, %div3A_272 : vector<16xf32>
      tpu.vector_store_idx %arg16[%iota3A, %add3A_275], %mul3A_277 : memref<16x128xf32, #tpu.memory_space<vmem>>[vector<16xi32>, vector<16xi32>], vector<16xf32>,
      %add3A_278 = arith.addi %add3A_275, %broadcast_in_dim3A_3 : vector<16xi32>
      %gather3A_279 = tpu.vector_load_idx %arg16[%iota3A, %add3A_278] : memref<16x128xf32, #tpu.memory_space<vmem>>[vector<16xi32>, vector<16xi32>], vector<16xf32>,
      %mul3A_280 = arith.mulf %gather3A_279, %div3A_272 : vector<16xf32>
      tpu.vector_store_idx %arg16[%iota3A, %add3A_278], %mul3A_280 : memref<16x128xf32, #tpu.memory_space<vmem>>[vector<16xi32>, vector<16xi32>], vector<16xf32>,
      %add3A_281 = arith.addi %add3A_278, %broadcast_in_dim3A_3 : vector<16xi32>
      %gather3A_282 = tpu.vector_load_idx %arg16[%iota3A, %add3A_281] : memref<16x128xf32, #tpu.memory_space<vmem>>[vector<16xi32>, vector<16xi32>], vector<16xf32>,
      %mul3A_283 = arith.mulf %gather3A_282, %div3A_272 : vector<16xf32>
      tpu.vector_store_idx %arg16[%iota3A, %add3A_281], %mul3A_283 : memref<16x128xf32, #tpu.memory_space<vmem>>[vector<16xi32>, vector<16xi32>], vector<16xf32>,
      %add3A_284 = arith.addi %add3A_281, %broadcast_in_dim3A_3 : vector<16xi32>
      %gather3A_285 = tpu.vector_load_idx %arg16[%iota3A, %add3A_284] : memref<16x128xf32, #tpu.memory_space<vmem>>[vector<16xi32>, vector<16xi32>], vector<16xf32>,
      %mul3A_286 = arith.mulf %gather3A_285, %div3A_272 : vector<16xf32>
      tpu.vector_store_idx %arg16[%iota3A, %add3A_284], %mul3A_286 : memref<16x128xf32, #tpu.memory_space<vmem>>[vector<16xi32>, vector<16xi32>], vector<16xf32>,
      %add3A_287 = arith.addi %add3A_284, %broadcast_in_dim3A_3 : vector<16xi32>
      %gather3A_288 = tpu.vector_load_idx %arg16[%iota3A, %add3A_287] : memref<16x128xf32, #tpu.memory_space<vmem>>[vector<16xi32>, vector<16xi32>], vector<16xf32>,
      %mul3A_289 = arith.mulf %gather3A_288, %div3A_272 : vector<16xf32>
      tpu.vector_store_idx %arg16[%iota3A, %add3A_287], %mul3A_289 : memref<16x128xf32, #tpu.memory_space<vmem>>[vector<16xi32>, vector<16xi32>], vector<16xf32>,
      %add3A_290 = arith.addi %add3A_287, %broadcast_in_dim3A_3 : vector<16xi32>
      %gather3A_291 = tpu.vector_load_idx %arg16[%iota3A, %add3A_290] : memref<16x128xf32, #tpu.memory_space<vmem>>[vector<16xi32>, vector<16xi32>], vector<16xf32>,
      %mul3A_292 = arith.mulf %gather3A_291, %div3A_272 : vector<16xf32>
      tpu.vector_store_idx %arg16[%iota3A, %add3A_290], %mul3A_292 : memref<16x128xf32, #tpu.memory_space<vmem>>[vector<16xi32>, vector<16xi32>], vector<16xf32>,
      %add3A_293 = arith.addi %add3A_290, %broadcast_in_dim3A_3 : vector<16xi32>
      %gather3A_294 = tpu.vector_load_idx %arg16[%iota3A, %add3A_293] : memref<16x128xf32, #tpu.memory_space<vmem>>[vector<16xi32>, vector<16xi32>], vector<16xf32>,
      %mul3A_295 = arith.mulf %gather3A_294, %div3A_272 : vector<16xf32>
      tpu.vector_store_idx %arg16[%iota3A, %add3A_293], %mul3A_295 : memref<16x128xf32, #tpu.memory_space<vmem>>[vector<16xi32>, vector<16xi32>], vector<16xf32>,
      %add3A_296 = arith.addi %add3A_293, %broadcast_in_dim3A_3 : vector<16xi32>
      %gather3A_297 = tpu.vector_load_idx %arg16[%iota3A, %add3A_296] : memref<16x128xf32, #tpu.memory_space<vmem>>[vector<16xi32>, vector<16xi32>], vector<16xf32>,
      %mul3A_298 = arith.mulf %gather3A_297, %div3A_272 : vector<16xf32>
      tpu.vector_store_idx %arg16[%iota3A, %add3A_296], %mul3A_298 : memref<16x128xf32, #tpu.memory_space<vmem>>[vector<16xi32>, vector<16xi32>], vector<16xf32>,
      %add3A_299 = arith.addi %add3A_296, %broadcast_in_dim3A_3 : vector<16xi32>
      %gather3A_300 = tpu.vector_load_idx %arg16[%iota3A, %add3A_299] : memref<16x128xf32, #tpu.memory_space<vmem>>[vector<16xi32>, vector<16xi32>], vector<16xf32>,
      %mul3A_301 = arith.mulf %gather3A_300, %div3A_272 : vector<16xf32>
      tpu.vector_store_idx %arg16[%iota3A, %add3A_299], %mul3A_301 : memref<16x128xf32, #tpu.memory_space<vmem>>[vector<16xi32>, vector<16xi32>], vector<16xf32>,
      %add3A_302 = arith.addi %add3A_299, %broadcast_in_dim3A_3 : vector<16xi32>
      %gather3A_303 = tpu.vector_load_idx %arg16[%iota3A, %add3A_302] : memref<16x128xf32, #tpu.memory_space<vmem>>[vector<16xi32>, vector<16xi32>], vector<16xf32>,
      %mul3A_304 = arith.mulf %gather3A_303, %div3A_272 : vector<16xf32>
      tpu.vector_store_idx %arg16[%iota3A, %add3A_302], %mul3A_304 : memref<16x128xf32, #tpu.memory_space<vmem>>[vector<16xi32>, vector<16xi32>], vector<16xf32>,
      %add3A_305 = arith.addi %add3A_302, %broadcast_in_dim3A_3 : vector<16xi32>
      %gather3A_306 = tpu.vector_load_idx %arg16[%iota3A, %add3A_305] : memref<16x128xf32, #tpu.memory_space<vmem>>[vector<16xi32>, vector<16xi32>], vector<16xf32>,
      %mul3A_307 = arith.mulf %gather3A_306, %div3A_272 : vector<16xf32>
      tpu.vector_store_idx %arg16[%iota3A, %add3A_305], %mul3A_307 : memref<16x128xf32, #tpu.memory_space<vmem>>[vector<16xi32>, vector<16xi32>], vector<16xf32>,
      %add3A_308 = arith.addi %add3A_305, %broadcast_in_dim3A_3 : vector<16xi32>
      %gather3A_309 = tpu.vector_load_idx %arg16[%iota3A, %add3A_308] : memref<16x128xf32, #tpu.memory_space<vmem>>[vector<16xi32>, vector<16xi32>], vector<16xf32>,
      %mul3A_310 = arith.mulf %gather3A_309, %div3A_272 : vector<16xf32>
      tpu.vector_store_idx %arg16[%iota3A, %add3A_308], %mul3A_310 : memref<16x128xf32, #tpu.memory_space<vmem>>[vector<16xi32>, vector<16xi32>], vector<16xf32>,
      %add3A_311 = arith.addi %add3A_308, %broadcast_in_dim3A_3 : vector<16xi32>
      %gather3A_312 = tpu.vector_load_idx %arg16[%iota3A, %add3A_311] : memref<16x128xf32, #tpu.memory_space<vmem>>[vector<16xi32>, vector<16xi32>], vector<16xf32>,
      %mul3A_313 = arith.mulf %gather3A_312, %div3A_272 : vector<16xf32>
      tpu.vector_store_idx %arg16[%iota3A, %add3A_311], %mul3A_313 : memref<16x128xf32, #tpu.memory_space<vmem>>[vector<16xi32>, vector<16xi32>], vector<16xf32>,
      %add3A_314 = arith.addi %add3A_311, %broadcast_in_dim3A_3 : vector<16xi32>
      %gather3A_315 = tpu.vector_load_idx %arg16[%iota3A, %add3A_314] : memref<16x128xf32, #tpu.memory_space<vmem>>[vector<16xi32>, vector<16xi32>], vector<16xf32>,
      %mul3A_316 = arith.mulf %gather3A_315, %div3A_272 : vector<16xf32>
      tpu.vector_store_idx %arg16[%iota3A, %add3A_314], %mul3A_316 : memref<16x128xf32, #tpu.memory_space<vmem>>[vector<16xi32>, vector<16xi32>], vector<16xf32>,
      %add3A_317 = arith.addi %add3A_314, %broadcast_in_dim3A_3 : vector<16xi32>
      %gather3A_318 = tpu.vector_load_idx %arg16[%iota3A, %add3A_317] : memref<16x128xf32, #tpu.memory_space<vmem>>[vector<16xi32>, vector<16xi32>], vector<16xf32>,
      %mul3A_319 = arith.mulf %gather3A_318, %div3A_272 : vector<16xf32>
      tpu.vector_store_idx %arg16[%iota3A, %add3A_317], %mul3A_319 : memref<16x128xf32, #tpu.memory_space<vmem>>[vector<16xi32>, vector<16xi32>], vector<16xf32>,
      %add3A_320 = arith.addi %add3A_317, %broadcast_in_dim3A_3 : vector<16xi32>
      %gather3A_321 = tpu.vector_load_idx %arg16[%iota3A, %add3A_320] : memref<16x128xf32, #tpu.memory_space<vmem>>[vector<16xi32>, vector<16xi32>], vector<16xf32>,
      %mul3A_322 = arith.mulf %gather3A_321, %div3A_272 : vector<16xf32>
      tpu.vector_store_idx %arg16[%iota3A, %add3A_320], %mul3A_322 : memref<16x128xf32, #tpu.memory_space<vmem>>[vector<16xi32>, vector<16xi32>], vector<16xf32>,
      %add3A_323 = arith.addi %add3A_320, %broadcast_in_dim3A_3 : vector<16xi32>
      %gather3A_324 = tpu.vector_load_idx %arg16[%iota3A, %add3A_323] : memref<16x128xf32, #tpu.memory_space<vmem>>[vector<16xi32>, vector<16xi32>], vector<16xf32>,
      %mul3A_325 = arith.mulf %gather3A_324, %div3A_272 : vector<16xf32>
      tpu.vector_store_idx %arg16[%iota3A, %add3A_323], %mul3A_325 : memref<16x128xf32, #tpu.memory_space<vmem>>[vector<16xi32>, vector<16xi32>], vector<16xf32>,
      %add3A_326 = arith.addi %add3A_323, %broadcast_in_dim3A_3 : vector<16xi32>
      %gather3A_327 = tpu.vector_load_idx %arg16[%iota3A, %add3A_326] : memref<16x128xf32, #tpu.memory_space<vmem>>[vector<16xi32>, vector<16xi32>], vector<16xf32>,
      %mul3A_328 = arith.mulf %gather3A_327, %div3A_272 : vector<16xf32>
      tpu.vector_store_idx %arg16[%iota3A, %add3A_326], %mul3A_328 : memref<16x128xf32, #tpu.memory_space<vmem>>[vector<16xi32>, vector<16xi32>], vector<16xf32>,
      %add3A_329 = arith.addi %add3A_326, %broadcast_in_dim3A_3 : vector<16xi32>
      %gather3A_330 = tpu.vector_load_idx %arg16[%iota3A, %add3A_329] : memref<16x128xf32, #tpu.memory_space<vmem>>[vector<16xi32>, vector<16xi32>], vector<16xf32>,
      %mul3A_331 = arith.mulf %gather3A_330, %div3A_272 : vector<16xf32>
      tpu.vector_store_idx %arg16[%iota3A, %add3A_329], %mul3A_331 : memref<16x128xf32, #tpu.memory_space<vmem>>[vector<16xi32>, vector<16xi32>], vector<16xf32>,
      %add3A_332 = arith.addi %add3A_329, %broadcast_in_dim3A_3 : vector<16xi32>
      %gather3A_333 = tpu.vector_load_idx %arg16[%iota3A, %add3A_332] : memref<16x128xf32, #tpu.memory_space<vmem>>[vector<16xi32>, vector<16xi32>], vector<16xf32>,
      %mul3A_334 = arith.mulf %gather3A_333, %div3A_272 : vector<16xf32>
      tpu.vector_store_idx %arg16[%iota3A, %add3A_332], %mul3A_334 : memref<16x128xf32, #tpu.memory_space<vmem>>[vector<16xi32>, vector<16xi32>], vector<16xf32>,
      %add3A_335 = arith.addi %add3A_332, %broadcast_in_dim3A_3 : vector<16xi32>
      %gather3A_336 = tpu.vector_load_idx %arg16[%iota3A, %add3A_335] : memref<16x128xf32, #tpu.memory_space<vmem>>[vector<16xi32>, vector<16xi32>], vector<16xf32>,
      %mul3A_337 = arith.mulf %gather3A_336, %div3A_272 : vector<16xf32>
      tpu.vector_store_idx %arg16[%iota3A, %add3A_335], %mul3A_337 : memref<16x128xf32, #tpu.memory_space<vmem>>[vector<16xi32>, vector<16xi32>], vector<16xf32>,
      %add3A_338 = arith.addi %add3A_335, %broadcast_in_dim3A_3 : vector<16xi32>
      %gather3A_339 = tpu.vector_load_idx %arg16[%iota3A, %add3A_338] : memref<16x128xf32, #tpu.memory_space<vmem>>[vector<16xi32>, vector<16xi32>], vector<16xf32>,
      %mul3A_340 = arith.mulf %gather3A_339, %div3A_272 : vector<16xf32>
      tpu.vector_store_idx %arg16[%iota3A, %add3A_338], %mul3A_340 : memref<16x128xf32, #tpu.memory_space<vmem>>[vector<16xi32>, vector<16xi32>], vector<16xf32>,
      %add3A_341 = arith.addi %add3A_338, %broadcast_in_dim3A_3 : vector<16xi32>
      %gather3A_342 = tpu.vector_load_idx %arg16[%iota3A, %add3A_341] : memref<16x128xf32, #tpu.memory_space<vmem>>[vector<16xi32>, vector<16xi32>], vector<16xf32>,
      %mul3A_343 = arith.mulf %gather3A_342, %div3A_272 : vector<16xf32>
      tpu.vector_store_idx %arg16[%iota3A, %add3A_341], %mul3A_343 : memref<16x128xf32, #tpu.memory_space<vmem>>[vector<16xi32>, vector<16xi32>], vector<16xf32>,
      %add3A_344 = arith.addi %add3A_341, %broadcast_in_dim3A_3 : vector<16xi32>
      %gather3A_345 = tpu.vector_load_idx %arg16[%iota3A, %add3A_344] : memref<16x128xf32, #tpu.memory_space<vmem>>[vector<16xi32>, vector<16xi32>], vector<16xf32>,
      %mul3A_346 = arith.mulf %gather3A_345, %div3A_272 : vector<16xf32>
      tpu.vector_store_idx %arg16[%iota3A, %add3A_344], %mul3A_346 : memref<16x128xf32, #tpu.memory_space<vmem>>[vector<16xi32>, vector<16xi32>], vector<16xf32>,
      %add3A_347 = arith.addi %add3A_344, %broadcast_in_dim3A_3 : vector<16xi32>
      %gather3A_348 = tpu.vector_load_idx %arg16[%iota3A, %add3A_347] : memref<16x128xf32, #tpu.memory_space<vmem>>[vector<16xi32>, vector<16xi32>], vector<16xf32>,
      %mul3A_349 = arith.mulf %gather3A_348, %div3A_272 : vector<16xf32>
      tpu.vector_store_idx %arg16[%iota3A, %add3A_347], %mul3A_349 : memref<16x128xf32, #tpu.memory_space<vmem>>[vector<16xi32>, vector<16xi32>], vector<16xf32>,
      %add3A_350 = arith.addi %add3A_347, %broadcast_in_dim3A_3 : vector<16xi32>
      %gather3A_351 = tpu.vector_load_idx %arg16[%iota3A, %add3A_350] : memref<16x128xf32, #tpu.memory_space<vmem>>[vector<16xi32>, vector<16xi32>], vector<16xf32>,
      %mul3A_352 = arith.mulf %gather3A_351, %div3A_272 : vector<16xf32>
      tpu.vector_store_idx %arg16[%iota3A, %add3A_350], %mul3A_352 : memref<16x128xf32, #tpu.memory_space<vmem>>[vector<16xi32>, vector<16xi32>], vector<16xf32>,
      %add3A_353 = arith.addi %add3A_350, %broadcast_in_dim3A_3 : vector<16xi32>
      %gather3A_354 = tpu.vector_load_idx %arg16[%iota3A, %add3A_353] : memref<16x128xf32, #tpu.memory_space<vmem>>[vector<16xi32>, vector<16xi32>], vector<16xf32>,
      %mul3A_355 = arith.mulf %gather3A_354, %div3A_272 : vector<16xf32>
      tpu.vector_store_idx %arg16[%iota3A, %add3A_353], %mul3A_355 : memref<16x128xf32, #tpu.memory_space<vmem>>[vector<16xi32>, vector<16xi32>], vector<16xf32>,
      %add3A_356 = arith.addi %add3A_353, %broadcast_in_dim3A_3 : vector<16xi32>
      %gather3A_357 = tpu.vector_load_idx %arg16[%iota3A, %add3A_356] : memref<16x128xf32, #tpu.memory_space<vmem>>[vector<16xi32>, vector<16xi32>], vector<16xf32>,
      %mul3A_358 = arith.mulf %gather3A_357, %div3A_272 : vector<16xf32>
      tpu.vector_store_idx %arg16[%iota3A, %add3A_356], %mul3A_358 : memref<16x128xf32, #tpu.memory_space<vmem>>[vector<16xi32>, vector<16xi32>], vector<16xf32>,
      %add3A_359 = arith.addi %add3A_356, %broadcast_in_dim3A_3 : vector<16xi32>
      %gather3A_360 = tpu.vector_load_idx %arg16[%iota3A, %add3A_359] : memref<16x128xf32, #tpu.memory_space<vmem>>[vector<16xi32>, vector<16xi32>], vector<16xf32>,
      %mul3A_361 = arith.mulf %gather3A_360, %div3A_272 : vector<16xf32>
      tpu.vector_store_idx %arg16[%iota3A, %add3A_359], %mul3A_361 : memref<16x128xf32, #tpu.memory_space<vmem>>[vector<16xi32>, vector<16xi32>], vector<16xf32>,
      %add3A_362 = arith.addi %add3A_359, %broadcast_in_dim3A_3 : vector<16xi32>
      %gather3A_363 = tpu.vector_load_idx %arg16[%iota3A, %add3A_362] : memref<16x128xf32, #tpu.memory_space<vmem>>[vector<16xi32>, vector<16xi32>], vector<16xf32>,
      %mul3A_364 = arith.mulf %gather3A_363, %div3A_272 : vector<16xf32>
      tpu.vector_store_idx %arg16[%iota3A, %add3A_362], %mul3A_364 : memref<16x128xf32, #tpu.memory_space<vmem>>[vector<16xi32>, vector<16xi32>], vector<16xf32>,
      %add3A_365 = arith.addi %add3A_362, %broadcast_in_dim3A_3 : vector<16xi32>
      %gather3A_366 = tpu.vector_load_idx %arg16[%iota3A, %add3A_365] : memref<16x128xf32, #tpu.memory_space<vmem>>[vector<16xi32>, vector<16xi32>], vector<16xf32>,
      %mul3A_367 = arith.mulf %gather3A_366, %div3A_272 : vector<16xf32>
      tpu.vector_store_idx %arg16[%iota3A, %add3A_365], %mul3A_367 : memref<16x128xf32, #tpu.memory_space<vmem>>[vector<16xi32>, vector<16xi32>], vector<16xf32>,
      %add3A_368 = arith.addi %add3A_365, %broadcast_in_dim3A_3 : vector<16xi32>
      %broadcast_in_dim3A_369 = arith.constant 0 : i32
      %broadcast_in_dim3A_370 = vector.broadcast %broadcast_in_dim3A_369 : i32 to vector<16xi32>
      %mul3A_371 = arith.constant 4 : i32
      %mul3A_372 = arith.muli %arg0, %mul3A_371 : i32
      %add3A_373 = arith.constant 3 : i32
      %add3A_374 = arith.addi %mul3A_372, %add3A_373 : i32
      %add3A_375 = vector.broadcast %add3A_374 : i32 to vector<16xi32>
      %add3A_376 = arith.addi %broadcast_in_dim3A_370, %add3A_375 : vector<16xi32>
      %gather3A_377 = tpu.vector_load_idx %arg15[%iota3A, %add3A_376] : memref<16x8xf32, #tpu.memory_space<vmem>>[vector<16xi32>, vector<16xi32>], vector<16xf32>,
      %broadcast_in_dim3A_378 = arith.constant 3 : i32
      %broadcast_in_dim3A_379 = vector.broadcast %broadcast_in_dim3A_378 : i32 to vector<16xi32>
      %gather3A_380 = tpu.vector_load_idx %arg14[%iota3A, %broadcast_in_dim3A_379] : memref<16x4xf32, #tpu.memory_space<vmem>>[vector<16xi32>, vector<16xi32>], vector<16xf32>,
      %div3A_381 = arith.divf %gather3A_377, %gather3A_380 : vector<16xf32>
      %gather3A_382 = tpu.vector_load_idx %arg16[%iota3A, %add3A_368] : memref<16x128xf32, #tpu.memory_space<vmem>>[vector<16xi32>, vector<16xi32>], vector<16xf32>,
      %mul3A_383 = arith.mulf %gather3A_382, %div3A_381 : vector<16xf32>
      tpu.vector_store_idx %arg16[%iota3A, %add3A_368], %mul3A_383 : memref<16x128xf32, #tpu.memory_space<vmem>>[vector<16xi32>, vector<16xi32>], vector<16xf32>,
      %add3A_384 = arith.addi %add3A_368, %broadcast_in_dim3A_3 : vector<16xi32>
      %gather3A_385 = tpu.vector_load_idx %arg16[%iota3A, %add3A_384] : memref<16x128xf32, #tpu.memory_space<vmem>>[vector<16xi32>, vector<16xi32>], vector<16xf32>,
      %mul3A_386 = arith.mulf %gather3A_385, %div3A_381 : vector<16xf32>
      tpu.vector_store_idx %arg16[%iota3A, %add3A_384], %mul3A_386 : memref<16x128xf32, #tpu.memory_space<vmem>>[vector<16xi32>, vector<16xi32>], vector<16xf32>,
      %add3A_387 = arith.addi %add3A_384, %broadcast_in_dim3A_3 : vector<16xi32>
      %gather3A_388 = tpu.vector_load_idx %arg16[%iota3A, %add3A_387] : memref<16x128xf32, #tpu.memory_space<vmem>>[vector<16xi32>, vector<16xi32>], vector<16xf32>,
      %mul3A_389 = arith.mulf %gather3A_388, %div3A_381 : vector<16xf32>
      tpu.vector_store_idx %arg16[%iota3A, %add3A_387], %mul3A_389 : memref<16x128xf32, #tpu.memory_space<vmem>>[vector<16xi32>, vector<16xi32>], vector<16xf32>,
      %add3A_390 = arith.addi %add3A_387, %broadcast_in_dim3A_3 : vector<16xi32>
      %gather3A_391 = tpu.vector_load_idx %arg16[%iota3A, %add3A_390] : memref<16x128xf32, #tpu.memory_space<vmem>>[vector<16xi32>, vector<16xi32>], vector<16xf32>,
      %mul3A_392 = arith.mulf %gather3A_391, %div3A_381 : vector<16xf32>
      tpu.vector_store_idx %arg16[%iota3A, %add3A_390], %mul3A_392 : memref<16x128xf32, #tpu.memory_space<vmem>>[vector<16xi32>, vector<16xi32>], vector<16xf32>,
      %add3A_393 = arith.addi %add3A_390, %broadcast_in_dim3A_3 : vector<16xi32>
      %gather3A_394 = tpu.vector_load_idx %arg16[%iota3A, %add3A_393] : memref<16x128xf32, #tpu.memory_space<vmem>>[vector<16xi32>, vector<16xi32>], vector<16xf32>,
      %mul3A_395 = arith.mulf %gather3A_394, %div3A_381 : vector<16xf32>
      tpu.vector_store_idx %arg16[%iota3A, %add3A_393], %mul3A_395 : memref<16x128xf32, #tpu.memory_space<vmem>>[vector<16xi32>, vector<16xi32>], vector<16xf32>,
      %add3A_396 = arith.addi %add3A_393, %broadcast_in_dim3A_3 : vector<16xi32>
      %gather3A_397 = tpu.vector_load_idx %arg16[%iota3A, %add3A_396] : memref<16x128xf32, #tpu.memory_space<vmem>>[vector<16xi32>, vector<16xi32>], vector<16xf32>,
      %mul3A_398 = arith.mulf %gather3A_397, %div3A_381 : vector<16xf32>
      tpu.vector_store_idx %arg16[%iota3A, %add3A_396], %mul3A_398 : memref<16x128xf32, #tpu.memory_space<vmem>>[vector<16xi32>, vector<16xi32>], vector<16xf32>,
      %add3A_399 = arith.addi %add3A_396, %broadcast_in_dim3A_3 : vector<16xi32>
      %gather3A_400 = tpu.vector_load_idx %arg16[%iota3A, %add3A_399] : memref<16x128xf32, #tpu.memory_space<vmem>>[vector<16xi32>, vector<16xi32>], vector<16xf32>,
      %mul3A_401 = arith.mulf %gather3A_400, %div3A_381 : vector<16xf32>
      tpu.vector_store_idx %arg16[%iota3A, %add3A_399], %mul3A_401 : memref<16x128xf32, #tpu.memory_space<vmem>>[vector<16xi32>, vector<16xi32>], vector<16xf32>,
      %add3A_402 = arith.addi %add3A_399, %broadcast_in_dim3A_3 : vector<16xi32>
      %gather3A_403 = tpu.vector_load_idx %arg16[%iota3A, %add3A_402] : memref<16x128xf32, #tpu.memory_space<vmem>>[vector<16xi32>, vector<16xi32>], vector<16xf32>,
      %mul3A_404 = arith.mulf %gather3A_403, %div3A_381 : vector<16xf32>
      tpu.vector_store_idx %arg16[%iota3A, %add3A_402], %mul3A_404 : memref<16x128xf32, #tpu.memory_space<vmem>>[vector<16xi32>, vector<16xi32>], vector<16xf32>,
      %add3A_405 = arith.addi %add3A_402, %broadcast_in_dim3A_3 : vector<16xi32>
      %gather3A_406 = tpu.vector_load_idx %arg16[%iota3A, %add3A_405] : memref<16x128xf32, #tpu.memory_space<vmem>>[vector<16xi32>, vector<16xi32>], vector<16xf32>,
      %mul3A_407 = arith.mulf %gather3A_406, %div3A_381 : vector<16xf32>
      tpu.vector_store_idx %arg16[%iota3A, %add3A_405], %mul3A_407 : memref<16x128xf32, #tpu.memory_space<vmem>>[vector<16xi32>, vector<16xi32>], vector<16xf32>,
      %add3A_408 = arith.addi %add3A_405, %broadcast_in_dim3A_3 : vector<16xi32>
      %gather3A_409 = tpu.vector_load_idx %arg16[%iota3A, %add3A_408] : memref<16x128xf32, #tpu.memory_space<vmem>>[vector<16xi32>, vector<16xi32>], vector<16xf32>,
      %mul3A_410 = arith.mulf %gather3A_409, %div3A_381 : vector<16xf32>
      tpu.vector_store_idx %arg16[%iota3A, %add3A_408], %mul3A_410 : memref<16x128xf32, #tpu.memory_space<vmem>>[vector<16xi32>, vector<16xi32>], vector<16xf32>,
      %add3A_411 = arith.addi %add3A_408, %broadcast_in_dim3A_3 : vector<16xi32>
      %gather3A_412 = tpu.vector_load_idx %arg16[%iota3A, %add3A_411] : memref<16x128xf32, #tpu.memory_space<vmem>>[vector<16xi32>, vector<16xi32>], vector<16xf32>,
      %mul3A_413 = arith.mulf %gather3A_412, %div3A_381 : vector<16xf32>
      tpu.vector_store_idx %arg16[%iota3A, %add3A_411], %mul3A_413 : memref<16x128xf32, #tpu.memory_space<vmem>>[vector<16xi32>, vector<16xi32>], vector<16xf32>,
      %add3A_414 = arith.addi %add3A_411, %broadcast_in_dim3A_3 : vector<16xi32>
      %gather3A_415 = tpu.vector_load_idx %arg16[%iota3A, %add3A_414] : memref<16x128xf32, #tpu.memory_space<vmem>>[vector<16xi32>, vector<16xi32>], vector<16xf32>,
      %mul3A_416 = arith.mulf %gather3A_415, %div3A_381 : vector<16xf32>
      tpu.vector_store_idx %arg16[%iota3A, %add3A_414], %mul3A_416 : memref<16x128xf32, #tpu.memory_space<vmem>>[vector<16xi32>, vector<16xi32>], vector<16xf32>,
      %add3A_417 = arith.addi %add3A_414, %broadcast_in_dim3A_3 : vector<16xi32>
      %gather3A_418 = tpu.vector_load_idx %arg16[%iota3A, %add3A_417] : memref<16x128xf32, #tpu.memory_space<vmem>>[vector<16xi32>, vector<16xi32>], vector<16xf32>,
      %mul3A_419 = arith.mulf %gather3A_418, %div3A_381 : vector<16xf32>
      tpu.vector_store_idx %arg16[%iota3A, %add3A_417], %mul3A_419 : memref<16x128xf32, #tpu.memory_space<vmem>>[vector<16xi32>, vector<16xi32>], vector<16xf32>,
      %add3A_420 = arith.addi %add3A_417, %broadcast_in_dim3A_3 : vector<16xi32>
      %gather3A_421 = tpu.vector_load_idx %arg16[%iota3A, %add3A_420] : memref<16x128xf32, #tpu.memory_space<vmem>>[vector<16xi32>, vector<16xi32>], vector<16xf32>,
      %mul3A_422 = arith.mulf %gather3A_421, %div3A_381 : vector<16xf32>
      tpu.vector_store_idx %arg16[%iota3A, %add3A_420], %mul3A_422 : memref<16x128xf32, #tpu.memory_space<vmem>>[vector<16xi32>, vector<16xi32>], vector<16xf32>,
      %add3A_423 = arith.addi %add3A_420, %broadcast_in_dim3A_3 : vector<16xi32>
      %gather3A_424 = tpu.vector_load_idx %arg16[%iota3A, %add3A_423] : memref<16x128xf32, #tpu.memory_space<vmem>>[vector<16xi32>, vector<16xi32>], vector<16xf32>,
      %mul3A_425 = arith.mulf %gather3A_424, %div3A_381 : vector<16xf32>
      tpu.vector_store_idx %arg16[%iota3A, %add3A_423], %mul3A_425 : memref<16x128xf32, #tpu.memory_space<vmem>>[vector<16xi32>, vector<16xi32>], vector<16xf32>,
      %add3A_426 = arith.addi %add3A_423, %broadcast_in_dim3A_3 : vector<16xi32>
      %gather3A_427 = tpu.vector_load_idx %arg16[%iota3A, %add3A_426] : memref<16x128xf32, #tpu.memory_space<vmem>>[vector<16xi32>, vector<16xi32>], vector<16xf32>,
      %mul3A_428 = arith.mulf %gather3A_427, %div3A_381 : vector<16xf32>
      tpu.vector_store_idx %arg16[%iota3A, %add3A_426], %mul3A_428 : memref<16x128xf32, #tpu.memory_space<vmem>>[vector<16xi32>, vector<16xi32>], vector<16xf32>,
      %add3A_429 = arith.addi %add3A_426, %broadcast_in_dim3A_3 : vector<16xi32>
      %gather3A_430 = tpu.vector_load_idx %arg16[%iota3A, %add3A_429] : memref<16x128xf32, #tpu.memory_space<vmem>>[vector<16xi32>, vector<16xi32>], vector<16xf32>,
      %mul3A_431 = arith.mulf %gather3A_430, %div3A_381 : vector<16xf32>
      tpu.vector_store_idx %arg16[%iota3A, %add3A_429], %mul3A_431 : memref<16x128xf32, #tpu.memory_space<vmem>>[vector<16xi32>, vector<16xi32>], vector<16xf32>,
      %add3A_432 = arith.addi %add3A_429, %broadcast_in_dim3A_3 : vector<16xi32>
      %gather3A_433 = tpu.vector_load_idx %arg16[%iota3A, %add3A_432] : memref<16x128xf32, #tpu.memory_space<vmem>>[vector<16xi32>, vector<16xi32>], vector<16xf32>,
      %mul3A_434 = arith.mulf %gather3A_433, %div3A_381 : vector<16xf32>
      tpu.vector_store_idx %arg16[%iota3A, %add3A_432], %mul3A_434 : memref<16x128xf32, #tpu.memory_space<vmem>>[vector<16xi32>, vector<16xi32>], vector<16xf32>,
      %add3A_435 = arith.addi %add3A_432, %broadcast_in_dim3A_3 : vector<16xi32>
      %gather3A_436 = tpu.vector_load_idx %arg16[%iota3A, %add3A_435] : memref<16x128xf32, #tpu.memory_space<vmem>>[vector<16xi32>, vector<16xi32>], vector<16xf32>,
      %mul3A_437 = arith.mulf %gather3A_436, %div3A_381 : vector<16xf32>
      tpu.vector_store_idx %arg16[%iota3A, %add3A_435], %mul3A_437 : memref<16x128xf32, #tpu.memory_space<vmem>>[vector<16xi32>, vector<16xi32>], vector<16xf32>,
      %add3A_438 = arith.addi %add3A_435, %broadcast_in_dim3A_3 : vector<16xi32>
      %gather3A_439 = tpu.vector_load_idx %arg16[%iota3A, %add3A_438] : memref<16x128xf32, #tpu.memory_space<vmem>>[vector<16xi32>, vector<16xi32>], vector<16xf32>,
      %mul3A_440 = arith.mulf %gather3A_439, %div3A_381 : vector<16xf32>
      tpu.vector_store_idx %arg16[%iota3A, %add3A_438], %mul3A_440 : memref<16x128xf32, #tpu.memory_space<vmem>>[vector<16xi32>, vector<16xi32>], vector<16xf32>,
      %add3A_441 = arith.addi %add3A_438, %broadcast_in_dim3A_3 : vector<16xi32>
      %gather3A_442 = tpu.vector_load_idx %arg16[%iota3A, %add3A_441] : memref<16x128xf32, #tpu.memory_space<vmem>>[vector<16xi32>, vector<16xi32>], vector<16xf32>,
      %mul3A_443 = arith.mulf %gather3A_442, %div3A_381 : vector<16xf32>
      tpu.vector_store_idx %arg16[%iota3A, %add3A_441], %mul3A_443 : memref<16x128xf32, #tpu.memory_space<vmem>>[vector<16xi32>, vector<16xi32>], vector<16xf32>,
      %add3A_444 = arith.addi %add3A_441, %broadcast_in_dim3A_3 : vector<16xi32>
      %gather3A_445 = tpu.vector_load_idx %arg16[%iota3A, %add3A_444] : memref<16x128xf32, #tpu.memory_space<vmem>>[vector<16xi32>, vector<16xi32>], vector<16xf32>,
      %mul3A_446 = arith.mulf %gather3A_445, %div3A_381 : vector<16xf32>
      tpu.vector_store_idx %arg16[%iota3A, %add3A_444], %mul3A_446 : memref<16x128xf32, #tpu.memory_space<vmem>>[vector<16xi32>, vector<16xi32>], vector<16xf32>,
      %add3A_447 = arith.addi %add3A_444, %broadcast_in_dim3A_3 : vector<16xi32>
      %gather3A_448 = tpu.vector_load_idx %arg16[%iota3A, %add3A_447] : memref<16x128xf32, #tpu.memory_space<vmem>>[vector<16xi32>, vector<16xi32>], vector<16xf32>,
      %mul3A_449 = arith.mulf %gather3A_448, %div3A_381 : vector<16xf32>
      tpu.vector_store_idx %arg16[%iota3A, %add3A_447], %mul3A_449 : memref<16x128xf32, #tpu.memory_space<vmem>>[vector<16xi32>, vector<16xi32>], vector<16xf32>,
      %add3A_450 = arith.addi %add3A_447, %broadcast_in_dim3A_3 : vector<16xi32>
      %gather3A_451 = tpu.vector_load_idx %arg16[%iota3A, %add3A_450] : memref<16x128xf32, #tpu.memory_space<vmem>>[vector<16xi32>, vector<16xi32>], vector<16xf32>,
      %mul3A_452 = arith.mulf %gather3A_451, %div3A_381 : vector<16xf32>
      tpu.vector_store_idx %arg16[%iota3A, %add3A_450], %mul3A_452 : memref<16x128xf32, #tpu.memory_space<vmem>>[vector<16xi32>, vector<16xi32>], vector<16xf32>,
      %add3A_453 = arith.addi %add3A_450, %broadcast_in_dim3A_3 : vector<16xi32>
      %gather3A_454 = tpu.vector_load_idx %arg16[%iota3A, %add3A_453] : memref<16x128xf32, #tpu.memory_space<vmem>>[vector<16xi32>, vector<16xi32>], vector<16xf32>,
      %mul3A_455 = arith.mulf %gather3A_454, %div3A_381 : vector<16xf32>
      tpu.vector_store_idx %arg16[%iota3A, %add3A_453], %mul3A_455 : memref<16x128xf32, #tpu.memory_space<vmem>>[vector<16xi32>, vector<16xi32>], vector<16xf32>,
      %add3A_456 = arith.addi %add3A_453, %broadcast_in_dim3A_3 : vector<16xi32>
      %gather3A_457 = tpu.vector_load_idx %arg16[%iota3A, %add3A_456] : memref<16x128xf32, #tpu.memory_space<vmem>>[vector<16xi32>, vector<16xi32>], vector<16xf32>,
      %mul3A_458 = arith.mulf %gather3A_457, %div3A_381 : vector<16xf32>
      tpu.vector_store_idx %arg16[%iota3A, %add3A_456], %mul3A_458 : memref<16x128xf32, #tpu.memory_space<vmem>>[vector<16xi32>, vector<16xi32>], vector<16xf32>,
      %add3A_459 = arith.addi %add3A_456, %broadcast_in_dim3A_3 : vector<16xi32>
      %gather3A_460 = tpu.vector_load_idx %arg16[%iota3A, %add3A_459] : memref<16x128xf32, #tpu.memory_space<vmem>>[vector<16xi32>, vector<16xi32>], vector<16xf32>,
      %mul3A_461 = arith.mulf %gather3A_460, %div3A_381 : vector<16xf32>
      tpu.vector_store_idx %arg16[%iota3A, %add3A_459], %mul3A_461 : memref<16x128xf32, #tpu.memory_space<vmem>>[vector<16xi32>, vector<16xi32>], vector<16xf32>,
      %add3A_462 = arith.addi %add3A_459, %broadcast_in_dim3A_3 : vector<16xi32>
      %gather3A_463 = tpu.vector_load_idx %arg16[%iota3A, %add3A_462] : memref<16x128xf32, #tpu.memory_space<vmem>>[vector<16xi32>, vector<16xi32>], vector<16xf32>,
      %mul3A_464 = arith.mulf %gather3A_463, %div3A_381 : vector<16xf32>
      tpu.vector_store_idx %arg16[%iota3A, %add3A_462], %mul3A_464 : memref<16x128xf32, #tpu.memory_space<vmem>>[vector<16xi32>, vector<16xi32>], vector<16xf32>,
      %add3A_465 = arith.addi %add3A_462, %broadcast_in_dim3A_3 : vector<16xi32>
      %gather3A_466 = tpu.vector_load_idx %arg16[%iota3A, %add3A_465] : memref<16x128xf32, #tpu.memory_space<vmem>>[vector<16xi32>, vector<16xi32>], vector<16xf32>,
      %mul3A_467 = arith.mulf %gather3A_466, %div3A_381 : vector<16xf32>
      tpu.vector_store_idx %arg16[%iota3A, %add3A_465], %mul3A_467 : memref<16x128xf32, #tpu.memory_space<vmem>>[vector<16xi32>, vector<16xi32>], vector<16xf32>,
      %add3A_468 = arith.addi %add3A_465, %broadcast_in_dim3A_3 : vector<16xi32>
      %gather3A_469 = tpu.vector_load_idx %arg16[%iota3A, %add3A_468] : memref<16x128xf32, #tpu.memory_space<vmem>>[vector<16xi32>, vector<16xi32>], vector<16xf32>,
      %mul3A_470 = arith.mulf %gather3A_469, %div3A_381 : vector<16xf32>
      tpu.vector_store_idx %arg16[%iota3A, %add3A_468], %mul3A_470 : memref<16x128xf32, #tpu.memory_space<vmem>>[vector<16xi32>, vector<16xi32>], vector<16xf32>,
      %add3A_471 = arith.addi %add3A_468, %broadcast_in_dim3A_3 : vector<16xi32>
      %gather3A_472 = tpu.vector_load_idx %arg16[%iota3A, %add3A_471] : memref<16x128xf32, #tpu.memory_space<vmem>>[vector<16xi32>, vector<16xi32>], vector<16xf32>,
      %mul3A_473 = arith.mulf %gather3A_472, %div3A_381 : vector<16xf32>
      tpu.vector_store_idx %arg16[%iota3A, %add3A_471], %mul3A_473 : memref<16x128xf32, #tpu.memory_space<vmem>>[vector<16xi32>, vector<16xi32>], vector<16xf32>,
      %add3A_474 = arith.addi %add3A_471, %broadcast_in_dim3A_3 : vector<16xi32>
      %gather3A_475 = tpu.vector_load_idx %arg16[%iota3A, %add3A_474] : memref<16x128xf32, #tpu.memory_space<vmem>>[vector<16xi32>, vector<16xi32>], vector<16xf32>,
      %mul3A_476 = arith.mulf %gather3A_475, %div3A_381 : vector<16xf32>
      tpu.vector_store_idx %arg16[%iota3A, %add3A_474], %mul3A_476 : memref<16x128xf32, #tpu.memory_space<vmem>>[vector<16xi32>, vector<16xi32>], vector<16xf32>,
      %add3A_477 = arith.addi %add3A_474, %broadcast_in_dim3A_3 : vector<16xi32>
      "tpu.region"() ({
        %run_scoped3A = tpu.sem_alloc : memref<!tpu.dma_semaphore, #tpu.memory_space<semaphore_mem>>
        %dma_start3A_478 = arith.constant 0 : i32
        %dma_start3A_479 = arith.constant 0 : i32
        %dma_start3A_480 = tpu.memref_slice %arg17[%dma_start3A_478, %dma_start3A_479] : memref<10112x128xf32, #tpu.memory_space<vmem_shared>> -> memref<10112x128xf32, #tpu.memory_space<vmem_shared>>
        tpu.enqueue_indirect_dma source(%arg16 : memref<16x128xf32, #tpu.memory_space<vmem>>) target(%dma_start3A_480 : memref<10112x128xf32, #tpu.memory_space<vmem_shared>>) offsets(%get3A_19 : vector<16xi32>) semaphore(%run_scoped3A : memref<!tpu.dma_semaphore, #tpu.memory_space<semaphore_mem>>) {add = true}
        %dma_wait3A_481 = arith.constant 0 : i32
        %dma_wait3A_482 = arith.constant 0 : i32
        %dma_wait3A_483 = tpu.memref_slice %arg17[%dma_wait3A_481, %dma_wait3A_482] : memref<10112x128xf32, #tpu.memory_space<vmem_shared>> -> memref<10112x128xf32, #tpu.memory_space<vmem_shared>>
        tpu.wait_indirect_dma semaphore(%run_scoped3A : memref<!tpu.dma_semaphore, #tpu.memory_space<semaphore_mem>>) src(%arg16 : memref<16x128xf32, #tpu.memory_space<vmem>>) dst(%dma_wait3A_483 : memref<10112x128xf32, #tpu.memory_space<vmem_shared>>)
        tpu.yield
      }) : () -> ()
    }
    %scan3A_8 = arith.constant 626 : i32
    %barrier3A_9 = arith.constant 0 : index
    tpu.barrier barrier_id(%barrier3A_9)
    %eq3A = arith.constant 0 : i32
    %eq3A_10 = arith.cmpi eq, %arg0, %eq3A : i32
    %convert_element_type3A = arith.extui %eq3A_10 : i1 to i32
    %cond3A = arith.constant 0 : i32
    %cond3A_11 = arith.cmpi ne, %convert_element_type3A, %cond3A : i32
    scf.if %cond3A_11 {
      %mul3A_16 = arith.constant 632 : i32
      %mul3A_17 = arith.muli %arg1, %mul3A_16 : i32
      %mul3A_18 = arith.constant 632 : i32
      %mul3A_19 = arith.muli %arg1, %mul3A_18 : i32
      "tpu.region"() ({
        %run_scoped3A = tpu.sem_alloc : memref<!tpu.dma_semaphore, #tpu.memory_space<semaphore_mem>>
        %dma_start3A = arith.constant 0 : i32
        %dma_start3A_20 = tpu.memref_slice %arg10[%mul3A_19, %dma_start3A] : memref<10112x128xf32, #tpu.memory_space<hbm>> -> memref<632x128xf32, #tpu.memory_space<hbm>>
        %dma_start3A_21 = arith.constant 0 : i32
        %dma_start3A_22 = tpu.memref_slice %arg17[%mul3A_17, %dma_start3A_21] : memref<10112x128xf32, #tpu.memory_space<vmem_shared>> -> memref<632x128xf32, #tpu.memory_space<vmem_shared>>
        tpu.enqueue_dma source(%dma_start3A_22 : memref<632x128xf32, #tpu.memory_space<vmem_shared>>) target(%dma_start3A_20 : memref<632x128xf32, #tpu.memory_space<hbm>>) target_semaphore(%run_scoped3A : memref<!tpu.dma_semaphore, #tpu.memory_space<semaphore_mem>>)
        %dma_wait3A = arith.constant 0 : i32
        %dma_wait3A_23 = tpu.memref_slice %arg10[%mul3A_19, %dma_wait3A] : memref<10112x128xf32, #tpu.memory_space<hbm>> -> memref<632x128xf32, #tpu.memory_space<hbm>>
        %dma_wait3A_24 = arith.constant 0 : i32
        %dma_wait3A_25 = tpu.memref_slice %arg17[%mul3A_17, %dma_wait3A_24] : memref<10112x128xf32, #tpu.memory_space<vmem_shared>> -> memref<632x128xf32, #tpu.memory_space<vmem_shared>>
        tpu.wait_dma2 semaphore(%run_scoped3A : memref<!tpu.dma_semaphore, #tpu.memory_space<semaphore_mem>>) src(%dma_wait3A_25 : memref<632x128xf32, #tpu.memory_space<vmem_shared>>) dst(%dma_wait3A_23 : memref<632x128xf32, #tpu.memory_space<hbm>>)
        tpu.yield
      }) : () -> ()
    } else {
    }
    %ne3A = arith.constant 0 : i32
    %ne3A_12 = arith.cmpi ne, %arg0, %ne3A : i32
    %convert_element_type3A_13 = arith.extui %ne3A_12 : i1 to i32
    %cond3A_14 = arith.constant 0 : i32
    %cond3A_15 = arith.cmpi ne, %convert_element_type3A_13, %cond3A_14 : i32
    scf.if %cond3A_15 {
      %mul3A_16 = arith.constant 632 : i32
      %mul3A_17 = arith.muli %arg1, %mul3A_16 : i32
      %mul3A_18 = arith.constant 632 : i32
      %mul3A_19 = arith.muli %arg1, %mul3A_18 : i32
      "tpu.region"() ({
        %run_scoped3A = tpu.sem_alloc : memref<!tpu.dma_semaphore, #tpu.memory_space<semaphore_mem>>
        %dma_start3A = arith.constant 0 : i32
        %dma_start3A_20 = tpu.memref_slice %arg11[%mul3A_19, %dma_start3A] : memref<10112x128xf32, #tpu.memory_space<hbm>> -> memref<632x128xf32, #tpu.memory_space<hbm>>
        %dma_start3A_21 = arith.constant 0 : i32
        %dma_start3A_22 = tpu.memref_slice %arg17[%mul3A_17, %dma_start3A_21] : memref<10112x128xf32, #tpu.memory_space<vmem_shared>> -> memref<632x128xf32, #tpu.memory_space<vmem_shared>>
        tpu.enqueue_dma source(%dma_start3A_22 : memref<632x128xf32, #tpu.memory_space<vmem_shared>>) target(%dma_start3A_20 : memref<632x128xf32, #tpu.memory_space<hbm>>) target_semaphore(%run_scoped3A : memref<!tpu.dma_semaphore, #tpu.memory_space<semaphore_mem>>)
        %dma_wait3A = arith.constant 0 : i32
        %dma_wait3A_23 = tpu.memref_slice %arg11[%mul3A_19, %dma_wait3A] : memref<10112x128xf32, #tpu.memory_space<hbm>> -> memref<632x128xf32, #tpu.memory_space<hbm>>
        %dma_wait3A_24 = arith.constant 0 : i32
        %dma_wait3A_25 = tpu.memref_slice %arg17[%mul3A_17, %dma_wait3A_24] : memref<10112x128xf32, #tpu.memory_space<vmem_shared>> -> memref<632x128xf32, #tpu.memory_space<vmem_shared>>
        tpu.wait_dma2 semaphore(%run_scoped3A : memref<!tpu.dma_semaphore, #tpu.memory_space<semaphore_mem>>) src(%dma_wait3A_25 : memref<632x128xf32, #tpu.memory_space<vmem_shared>>) dst(%dma_wait3A_23 : memref<632x128xf32, #tpu.memory_space<hbm>>)
        tpu.yield
      }) : () -> ()
    } else {
    }
    return
  }
}

module attributes {stable_mosaic.version = 14 : i64} {
  func.func @_qkv_body(%arg0: i32, %arg1: memref<1000x256xf32, #tpu.memory_space<vmem>>, %arg2: memref<256x256xf32, #tpu.memory_space<vmem>>, %arg3: memref<256x256xf32, #tpu.memory_space<vmem>>, %arg4: memref<256x256xf32, #tpu.memory_space<vmem>>, %arg5: memref<1x256xf32, #tpu.memory_space<vmem>>, %arg6: memref<1x256xf32, #tpu.memory_space<vmem>>, %arg7: memref<1x256xf32, #tpu.memory_space<vmem>>, %arg8: memref<1000x256xf32, #tpu.memory_space<vmem>>, %arg9: memref<1000x256xf32, #tpu.memory_space<vmem>>, %arg10: memref<1000x128xf32, #tpu.memory_space<vmem>>, %arg11: memref<1000x128xf32, #tpu.memory_space<vmem>>) attributes {dimension_semantics = [#tpu.dimension_semantics<arbitrary>], iteration_bounds = array<i64: 10>, scalar_prefetch = 0 : i64, scratch_operands = 0 : i64, tpu.core_type = #tpu.core_type<tc>, window_params = [{transform_indices = @transform_0, window_bounds = array<i64: 1000, 256>}, {pipeline_mode = #tpu.pipeline_mode<synchronous>, transform_indices = @transform_1, window_bounds = array<i64: 256, 256>}, {pipeline_mode = #tpu.pipeline_mode<synchronous>, transform_indices = @transform_2, window_bounds = array<i64: 256, 256>}, {pipeline_mode = #tpu.pipeline_mode<synchronous>, transform_indices = @transform_3, window_bounds = array<i64: 256, 256>}, {pipeline_mode = #tpu.pipeline_mode<synchronous>, transform_indices = @transform_4, window_bounds = array<i64: 1, 256>}, {pipeline_mode = #tpu.pipeline_mode<synchronous>, transform_indices = @transform_5, window_bounds = array<i64: 1, 256>}, {pipeline_mode = #tpu.pipeline_mode<synchronous>, transform_indices = @transform_6, window_bounds = array<i64: 1, 256>}, {transform_indices = @transform_7, window_bounds = array<i64: 1000, 256>}, {transform_indices = @transform_8, window_bounds = array<i64: 1000, 256>}, {transform_indices = @transform_9, window_bounds = array<i64: 1000, 128>}, {transform_indices = @transform_10, window_bounds = array<i64: 1000, 128>}]} {
    %get3A = arith.constant 0 : index
    %get3A_0 = arith.constant 0 : index
    %get3A_1 = vector.load %arg1[%get3A, %get3A_0] : memref<1000x256xf32, #tpu.memory_space<vmem>>, vector<1000x256xf32>
    %get3A_2 = arith.constant 0 : index
    %get3A_3 = arith.constant 0 : index
    %get3A_4 = vector.load %arg2[%get3A_2, %get3A_3] : memref<256x256xf32, #tpu.memory_space<vmem>>, vector<256x256xf32>
    %dot_general3A = arith.constant dense<0.000000e+00> : vector<1000x256xf32>
    %dot_general3A_5 = tpu.matmul %get3A_1, %get3A_4, %dot_general3A {dimension_numbers = #tpu.dot_dimension_numbers<[1], [0], [0], [1], [0, 0, 1, 1], [], []>, transpose_lhs_hint = false} : vector<1000x256xf32>, vector<256x256xf32>, vector<1000x256xf32> -> vector<1000x256xf32>
    %get3A_6 = arith.constant 0 : index
    %get3A_7 = arith.constant 0 : index
    %get3A_8 = vector.load %arg5[%get3A_6, %get3A_7] : memref<1x256xf32, #tpu.memory_space<vmem>>, vector<1x256xf32>
    %add3A = vector.broadcast %get3A_8 : vector<1x256xf32> to vector<1000x256xf32>
    %add3A_9 = arith.addf %dot_general3A_5, %add3A : vector<1000x256xf32>
    %swap3A = arith.constant 0 : index
    %swap3A_10 = arith.constant 0 : index
    %swap3A_11 = vector.load %arg8[%swap3A, %swap3A_10] : memref<1000x256xf32, #tpu.memory_space<vmem>>, vector<1000x256xf32>
    tpu.vector_store %arg8[%swap3A, %swap3A_10], %add3A_9 {strides = array<i32>} : memref<1000x256xf32, #tpu.memory_space<vmem>>, vector<1000x256xf32>,
    %get3A_12 = arith.constant 0 : index
    %get3A_13 = arith.constant 0 : index
    %get3A_14 = vector.load %arg3[%get3A_12, %get3A_13] : memref<256x256xf32, #tpu.memory_space<vmem>>, vector<256x256xf32>
    %dot_general3A_15 = arith.constant dense<0.000000e+00> : vector<1000x256xf32>
    %dot_general3A_16 = tpu.matmul %get3A_1, %get3A_14, %dot_general3A_15 {dimension_numbers = #tpu.dot_dimension_numbers<[1], [0], [0], [1], [0, 0, 1, 1], [], []>, transpose_lhs_hint = false} : vector<1000x256xf32>, vector<256x256xf32>, vector<1000x256xf32> -> vector<1000x256xf32>
    %get3A_17 = arith.constant 0 : index
    %get3A_18 = arith.constant 0 : index
    %get3A_19 = vector.load %arg6[%get3A_17, %get3A_18] : memref<1x256xf32, #tpu.memory_space<vmem>>, vector<1x256xf32>
    %add3A_20 = vector.broadcast %get3A_19 : vector<1x256xf32> to vector<1000x256xf32>
    %add3A_21 = arith.addf %dot_general3A_16, %add3A_20 : vector<1000x256xf32>
    %swap3A_22 = arith.constant 0 : index
    %swap3A_23 = arith.constant 0 : index
    %swap3A_24 = vector.load %arg9[%swap3A_22, %swap3A_23] : memref<1000x256xf32, #tpu.memory_space<vmem>>, vector<1000x256xf32>
    tpu.vector_store %arg9[%swap3A_22, %swap3A_23], %add3A_21 {strides = array<i32>} : memref<1000x256xf32, #tpu.memory_space<vmem>>, vector<1000x256xf32>,
    %get3A_25 = arith.constant 0 : index
    %get3A_26 = arith.constant 0 : index
    %get3A_27 = vector.load %arg4[%get3A_25, %get3A_26] : memref<256x256xf32, #tpu.memory_space<vmem>>, vector<256x256xf32>
    %dot_general3A_28 = arith.constant dense<0.000000e+00> : vector<1000x256xf32>
    %dot_general3A_29 = tpu.matmul %get3A_1, %get3A_27, %dot_general3A_28 {dimension_numbers = #tpu.dot_dimension_numbers<[1], [0], [0], [1], [0, 0, 1, 1], [], []>, transpose_lhs_hint = false} : vector<1000x256xf32>, vector<256x256xf32>, vector<1000x256xf32> -> vector<1000x256xf32>
    %get3A_30 = arith.constant 0 : index
    %get3A_31 = arith.constant 0 : index
    %get3A_32 = vector.load %arg7[%get3A_30, %get3A_31] : memref<1x256xf32, #tpu.memory_space<vmem>>, vector<1x256xf32>
    %add3A_33 = vector.broadcast %get3A_32 : vector<1x256xf32> to vector<1000x256xf32>
    %add3A_34 = arith.addf %dot_general3A_29, %add3A_33 : vector<1000x256xf32>
    %slice3A = vector.extract_strided_slice %add3A_34 {offsets = [0, 0], sizes = [1000, 128], strides = [1, 1]} : vector<1000x256xf32> to vector<1000x128xf32>
    %swap3A_35 = arith.constant 0 : index
    %swap3A_36 = arith.constant 0 : index
    %swap3A_37 = vector.load %arg10[%swap3A_35, %swap3A_36] : memref<1000x128xf32, #tpu.memory_space<vmem>>, vector<1000x128xf32>
    tpu.vector_store %arg10[%swap3A_35, %swap3A_36], %slice3A {strides = array<i32>} : memref<1000x128xf32, #tpu.memory_space<vmem>>, vector<1000x128xf32>,
    %slice3A_38 = vector.extract_strided_slice %add3A_34 {offsets = [0, 128], sizes = [1000, 128], strides = [1, 1]} : vector<1000x256xf32> to vector<1000x128xf32>
    %swap3A_39 = arith.constant 0 : index
    %swap3A_40 = arith.constant 0 : index
    %swap3A_41 = vector.load %arg11[%swap3A_39, %swap3A_40] : memref<1000x128xf32, #tpu.memory_space<vmem>>, vector<1000x128xf32>
    tpu.vector_store %arg11[%swap3A_39, %swap3A_40], %slice3A_38 {strides = array<i32>} : memref<1000x128xf32, #tpu.memory_space<vmem>>, vector<1000x128xf32>,
    return
  }
  func.func @transform_0(%arg0: i32) -> (i32, i32) {
    %c0_i32 = arith.constant 0 : i32
    %c0_i32_0 = arith.constant 0 : i32
    return %arg0, %c0_i32 : i32, i32
  }
  func.func @transform_1(%arg0: i32) -> (i32, i32) {
    %c0_i32 = arith.constant 0 : i32
    %c0_i32_0 = arith.constant 0 : i32
    %c0_i32_1 = arith.constant 0 : i32
    return %c0_i32, %c0_i32_0 : i32, i32
  }
  func.func @transform_2(%arg0: i32) -> (i32, i32) {
    %c0_i32 = arith.constant 0 : i32
    %c0_i32_0 = arith.constant 0 : i32
    %c0_i32_1 = arith.constant 0 : i32
    return %c0_i32, %c0_i32_0 : i32, i32
  }
  func.func @transform_3(%arg0: i32) -> (i32, i32) {
    %c0_i32 = arith.constant 0 : i32
    %c0_i32_0 = arith.constant 0 : i32
    %c0_i32_1 = arith.constant 0 : i32
    return %c0_i32, %c0_i32_0 : i32, i32
  }
  func.func @transform_4(%arg0: i32) -> (i32, i32) {
    %c0_i32 = arith.constant 0 : i32
    %c0_i32_0 = arith.constant 0 : i32
    %c0_i32_1 = arith.constant 0 : i32
    return %c0_i32, %c0_i32_0 : i32, i32
  }
  func.func @transform_5(%arg0: i32) -> (i32, i32) {
    %c0_i32 = arith.constant 0 : i32
    %c0_i32_0 = arith.constant 0 : i32
    %c0_i32_1 = arith.constant 0 : i32
    return %c0_i32, %c0_i32_0 : i32, i32
  }
  func.func @transform_6(%arg0: i32) -> (i32, i32) {
    %c0_i32 = arith.constant 0 : i32
    %c0_i32_0 = arith.constant 0 : i32
    %c0_i32_1 = arith.constant 0 : i32
    return %c0_i32, %c0_i32_0 : i32, i32
  }
  func.func @transform_7(%arg0: i32) -> (i32, i32) {
    %c0_i32 = arith.constant 0 : i32
    %c0_i32_0 = arith.constant 0 : i32
    return %arg0, %c0_i32 : i32, i32
  }
  func.func @transform_8(%arg0: i32) -> (i32, i32) {
    %c0_i32 = arith.constant 0 : i32
    %c0_i32_0 = arith.constant 0 : i32
    return %arg0, %c0_i32 : i32, i32
  }
  func.func @transform_9(%arg0: i32) -> (i32, i32) {
    %c0_i32 = arith.constant 0 : i32
    %c0_i32_0 = arith.constant 0 : i32
    return %arg0, %c0_i32 : i32, i32
  }
  func.func @transform_10(%arg0: i32) -> (i32, i32) {
    %c0_i32 = arith.constant 0 : i32
    %c0_i32_0 = arith.constant 0 : i32
    return %arg0, %c0_i32 : i32, i32
  }
}

module attributes {stable_mosaic.version = 14 : i64} {
  func.func @_proj_body(%arg0: i32, %arg1: memref<1000x128xf32, #tpu.memory_space<vmem>>, %arg2: memref<1000x128xf32, #tpu.memory_space<vmem>>, %arg3: memref<256x256xf32, #tpu.memory_space<vmem>>, %arg4: memref<1x256xf32, #tpu.memory_space<vmem>>, %arg5: memref<1000x256xf32, #tpu.memory_space<vmem>>) attributes {dimension_semantics = [#tpu.dimension_semantics<arbitrary>], iteration_bounds = array<i64: 10>, scalar_prefetch = 0 : i64, scratch_operands = 0 : i64, tpu.core_type = #tpu.core_type<tc>, window_params = [{transform_indices = @transform_0, window_bounds = array<i64: 1000, 128>}, {transform_indices = @transform_1, window_bounds = array<i64: 1000, 128>}, {pipeline_mode = #tpu.pipeline_mode<synchronous>, transform_indices = @transform_2, window_bounds = array<i64: 256, 256>}, {pipeline_mode = #tpu.pipeline_mode<synchronous>, transform_indices = @transform_3, window_bounds = array<i64: 1, 256>}, {transform_indices = @transform_4, window_bounds = array<i64: 1000, 256>}]} {
    %get3A = arith.constant 0 : index
    %get3A_0 = arith.constant 0 : index
    %get3A_1 = vector.load %arg1[%get3A, %get3A_0] : memref<1000x128xf32, #tpu.memory_space<vmem>>, vector<1000x128xf32>
    %get3A_2 = arith.constant 0 : index
    %get3A_3 = arith.constant 0 : index
    %get3A_4 = vector.load %arg3[%get3A_2, %get3A_3] : memref<256x256xf32, #tpu.memory_space<vmem>>, vector<128x256xf32>
    %dot_general3A = arith.constant dense<0.000000e+00> : vector<1000x256xf32>
    %dot_general3A_5 = tpu.matmul %get3A_1, %get3A_4, %dot_general3A {dimension_numbers = #tpu.dot_dimension_numbers<[1], [0], [0], [1], [0, 0, 1, 1], [], []>, transpose_lhs_hint = false} : vector<1000x128xf32>, vector<128x256xf32>, vector<1000x256xf32> -> vector<1000x256xf32>
    %get3A_6 = arith.constant 0 : index
    %get3A_7 = arith.constant 0 : index
    %get3A_8 = vector.load %arg2[%get3A_6, %get3A_7] : memref<1000x128xf32, #tpu.memory_space<vmem>>, vector<1000x128xf32>
    %get3A_9 = arith.constant 128 : index
    %get3A_10 = arith.constant 0 : index
    %get3A_11 = vector.load %arg3[%get3A_9, %get3A_10] : memref<256x256xf32, #tpu.memory_space<vmem>>, vector<128x256xf32>
    %dot_general3A_12 = arith.constant dense<0.000000e+00> : vector<1000x256xf32>
    %dot_general3A_13 = tpu.matmul %get3A_8, %get3A_11, %dot_general3A_12 {dimension_numbers = #tpu.dot_dimension_numbers<[1], [0], [0], [1], [0, 0, 1, 1], [], []>, transpose_lhs_hint = false} : vector<1000x128xf32>, vector<128x256xf32>, vector<1000x256xf32> -> vector<1000x256xf32>
    %add3A = arith.addf %dot_general3A_5, %dot_general3A_13 : vector<1000x256xf32>
    %get3A_14 = arith.constant 0 : index
    %get3A_15 = arith.constant 0 : index
    %get3A_16 = vector.load %arg4[%get3A_14, %get3A_15] : memref<1x256xf32, #tpu.memory_space<vmem>>, vector<1x256xf32>
    %add3A_17 = vector.broadcast %get3A_16 : vector<1x256xf32> to vector<1000x256xf32>
    %add3A_18 = arith.addf %add3A, %add3A_17 : vector<1000x256xf32>
    %swap3A = arith.constant 0 : index
    %swap3A_19 = arith.constant 0 : index
    %swap3A_20 = vector.load %arg5[%swap3A, %swap3A_19] : memref<1000x256xf32, #tpu.memory_space<vmem>>, vector<1000x256xf32>
    tpu.vector_store %arg5[%swap3A, %swap3A_19], %add3A_18 {strides = array<i32>} : memref<1000x256xf32, #tpu.memory_space<vmem>>, vector<1000x256xf32>,
    return
  }
  func.func @transform_0(%arg0: i32) -> (i32, i32) {
    %c0_i32 = arith.constant 0 : i32
    %c0_i32_0 = arith.constant 0 : i32
    return %arg0, %c0_i32 : i32, i32
  }
  func.func @transform_1(%arg0: i32) -> (i32, i32) {
    %c0_i32 = arith.constant 0 : i32
    %c0_i32_0 = arith.constant 0 : i32
    return %arg0, %c0_i32 : i32, i32
  }
  func.func @transform_2(%arg0: i32) -> (i32, i32) {
    %c0_i32 = arith.constant 0 : i32
    %c0_i32_0 = arith.constant 0 : i32
    %c0_i32_1 = arith.constant 0 : i32
    return %c0_i32, %c0_i32_0 : i32, i32
  }
  func.func @transform_3(%arg0: i32) -> (i32, i32) {
    %c0_i32 = arith.constant 0 : i32
    %c0_i32_0 = arith.constant 0 : i32
    %c0_i32_1 = arith.constant 0 : i32
    return %c0_i32, %c0_i32_0 : i32, i32
  }
  func.func @transform_4(%arg0: i32) -> (i32, i32) {
    %c0_i32 = arith.constant 0 : i32
    %c0_i32_0 = arith.constant 0 : i32
    return %arg0, %c0_i32 : i32, i32
  }
}

</mosaic_0001>

<sc_bundles>
// kernel: kernel.6.cloned.1.call-start
scs
__scs_entry_jumppad:
0x0: {  	(pc) =	sbr.rel $0x88, $3  }
0x1: {  	(tag) =	ssettag $0x0;
	lr =	simm.s32 $0x1  }
0x2: {  	[smem:$0x3F97] =	sst lr;
	_ =	strace $0xD0000000  }
0x3: {  	_ = 	snop  }
0x4: {  	_ = 	snop  }
0x5: {  	_ = 	snop  }
0x6: {  	_ = 	snop  }
0x7: {  	_ = 	snop  }
__scs_overlays_trampoline_lowered:
0x8: {  	[smem:$0x3FA6] =	sst s0  }
0x9: {  	[smem:$0x3FA7] =	sst s1  }
0xa: {  	[smem:$0x3FA8] =	sst s2  }
0xb: {  	[smem:$0x3FA9] =	sst s3  }
0xc: {  	[smem:$0x3FAA] =	sst s4  }
0xd: {  	[smem:$0x3FAB] =	sst s5  }
0xe: {  	[smem:$0x3FAC] =	sst s6  }
0xf: {  	[smem:$0x3FAD] =	sst s7  }
0x10: {  	[smem:$0x3FAE] =	sst s8  }
0x11: {  	[smem:$0x3FAF] =	sst s9;
	s0 =	simm.s32 @!p0 $0x0  }
0x12: {  	s1 =	sld [smem:$0x3F95];
	s0 =	simm.s32 @p0 $0x1  }
0x13: {  	[smem:$0x3FB0] =	sst s0;
	s0 =	simm.s32 @!p1 $0x0  }
0x14: {  	s2 =	sld [smem:$0x3F94];
	s0 =	simm.s32 @p1 $0x1  }
0x15: {  	[smem:$0x3FB1] =	sst s0;
	s0 =	simm.s32 @!p2 $0x0  }
0x16: {  	s3 =	sld [smem:$0x3FDB];
	s0 =	simm.s32 @p2 $0x1  }
0x17: {  	s4 =	simm.s32 $0x1BF5;
	[smem:$0x3FB3] =	sst s0  }
0x18: {  	s0 =	sld [smem:$0x3F96];
	_ =	swait.ge [sflag:s4], $0x0  }
0x19: {  	s7 =	sld [smem:$0x3F97]  }
0x1a: {  	s8 =	sadd.s32 $0xFFFFE003, lr  }
0x1b: {  	s9 =	sadd.s32 $0xFFFFFEF7, lr;
	s5 =	simm.s32 $0xFFFFFFFF;
	p2 =	slt.u32 s8, $0xFFFFF086  }
0x1c: {  	p1 =	slt.u32 s9, $0xF7A;
	s5 =	simm.s32 @!p2 $0x0  }
0x1d: {  	s5 =	simm.s32 @p1 $0x1;
	p0 =	seq.s32 s7, s2  }
0x1e: {  	s7 =	smul.u32 @!p0 $0xF7A, s2;
	p2 =	seq.s32 @!p0 s5, $0x0  }
0x1f: {  	s9 =	smul.u32 $0xF7A, s1;
	s8 =	simm.s32 @!p0 $0x1BF5;
	p2 =	por !p2, p0  }
0x20: {  	[sflag:s8] =	ssyncset.s32 @!p0 $0xFFFFF086;
	s6 =	sadd.s32 @!p0 s3, s7;
	s7 =	simm.s32 @!p0 $0x108  }
0x21: {  	s3 =	sadd.s32 s3, s9;
	s6 =	sadd.s32 @!p0 $0x88, s6;
	s7 =	simm.s32 @p2 $0x1082  }
0x22: {  	[simem:s7], [sflag:s8] =	dma.local @!p0 [hbm:s6], $0xF7A  }
0x23: {  	s9 =	sor.u32 $0xD0000000, s2;
	s6 =	simm.s32 $0x108;
	_ =	swait.ge @!p0 [sflag:s8], $0x0  }
0x24: {  	s3 =	sadd.s32 $0x88, s3;
	s6 =	simm.s32 @!p1 $0x1082;
	[sflag:s4] =	ssyncset.s32 $0xFFFFF086  }
0x25: {  	[simem:s6], [sflag:s4] =	dma.local [hbm:s3], $0xF7A  }
0x26: {  	[smem:$0x3F97] =	sst s1;
	(tag) =	ssettag s2;
	_ =	strace s9  }
0x27: {  	s1 =	sld [smem:$0x3FA7]  }
0x28: {  	s2 =	sld [smem:$0x3FA8]  }
0x29: {  	s4 =	sld [smem:$0x3FAA]  }
0x2a: {  	p0 =	seq.s32 s5, $0x0;
	s5 =	sld [smem:$0x3FAB]  }
0x2b: {  	s6 =	sld [smem:$0x3FAC]  }
0x2c: {  	s7 =	sld [smem:$0x3FAD]  }
0x2d: {  	s3 =	simm.s32 $0x108;
	s8 =	sld [smem:$0x3FAE]  }
0x2e: {  	s3 =	simm.s32 @!p0 $0x1082;
	s9 =	sld [smem:$0x3FAF]  }
0x2f: {  	lr =	sadd.s32 s0, s3;
	s0 =	sld [smem:$0x3FA6]  }
0x30: {  	s3 =	sld [smem:$0x3FA9]  }
0x31: {  	[smem:$0x3FB2] =	sst s10  }
0x32: {  	s10 =	sld [smem:$0x3FB0];
	_ =	sdelay $0x3  }
0x33: {  	p0 =	seq.s32 s10, $0x1;
	s10 =	sld [smem:$0x3FB2];
	_ =	sdelay $0x3  }
0x34: {  	[smem:$0x3FB2] =	sst s10  }
0x35: {  	s10 =	sld [smem:$0x3FB1];
	_ =	sdelay $0x3  }
0x36: {  	p1 =	seq.s32 s10, $0x1;
	s10 =	sld [smem:$0x3FB2];
	_ =	sdelay $0x3  }
0x37: {  	[smem:$0x3FB2] =	sst s10  }
0x38: {  	s10 =	sld [smem:$0x3FB3]  }
0x39: {  	_ = 	snop;
	(pc) =	sbr.ind lr, $3  }
0x3a: {  	_ = 	snop  }
0x3b: {  	_ = 	snop  }
0x3c: {  	p2 =	seq.s32 s10, $0x1;
	s10 =	sld [smem:$0x3FB2]  }
0x3d: {  	_ =	shalt  }
0x3e: {  	_ =	shalt  }
0x3f: {  	_ =	shalt  }
0x40: {  	_ =	shalt  }
0x41: {  	_ =	shalt  }
0x42: {  	_ =	shalt  }
0x43: {  	_ =	shalt  }
0x44: {  	_ =	shalt  }
0x45: {  	_ =	shalt  }
0x46: {  	_ =	shalt  }
0x47: {  	_ =	shalt  }
0x48: {  	_ =	shalt  }
0x49: {  	_ =	shalt  }
0x4a: {  	_ =	shalt  }
0x4b: {  	_ =	shalt  }
0x4c: {  	_ =	shalt  }
0x4d: {  	_ =	shalt  }
0x4e: {  	_ =	shalt  }
0x4f: {  	_ =	shalt  }
0x50: {  	_ =	shalt  }
0x51: {  	_ =	shalt  }
0x52: {  	_ =	shalt  }
0x53: {  	_ =	shalt  }
0x54: {  	_ =	shalt  }
0x55: {  	_ =	shalt  }
0x56: {  	_ =	shalt  }
0x57: {  	_ =	shalt  }
0x58: {  	_ =	shalt  }
0x59: {  	_ =	shalt  }
0x5a: {  	_ =	shalt  }
0x5b: {  	_ =	shalt  }
0x5c: {  	_ =	shalt  }
0x5d: {  	_ =	shalt  }
0x5e: {  	_ =	shalt  }
0x5f: {  	_ =	shalt  }
0x60: {  	_ =	shalt  }
0x61: {  	_ =	shalt  }
0x62: {  	_ =	shalt  }
0x63: {  	_ =	shalt  }
0x64: {  	_ =	shalt  }
0x65: {  	_ =	shalt  }
0x66: {  	_ =	shalt  }
0x67: {  	_ =	shalt  }
0x68: {  	_ =	shalt  }
0x69: {  	_ =	shalt  }
0x6a: {  	_ =	shalt  }
0x6b: {  	_ =	shalt  }
0x6c: {  	_ =	shalt  }
0x6d: {  	_ =	shalt  }
0x6e: {  	_ =	shalt  }
0x6f: {  	_ =	shalt  }
0x70: {  	_ =	shalt  }
0x71: {  	_ =	shalt  }
0x72: {  	_ =	shalt  }
0x73: {  	_ =	shalt  }
0x74: {  	_ =	shalt  }
0x75: {  	_ =	shalt  }
0x76: {  	_ =	shalt  }
0x77: {  	_ =	shalt  }
0x78: {  	_ =	shalt  }
0x79: {  	_ =	shalt  }
0x7a: {  	_ =	shalt  }
0x7b: {  	_ =	shalt  }
0x7c: {  	_ =	shalt  }
0x7d: {  	_ =	shalt  }
0x7e: {  	_ =	shalt  }
0x7f: {  	_ =	shalt  }
0x80: {  	_ =	shalt  }
0x81: {  	_ =	shalt  }
0x82: {  	_ =	shalt  }
0x83: {  	_ =	shalt  }
0x84: {  	_ =	shalt  }
0x85: {  	_ =	shalt  }
0x86: {  	_ =	shalt  }
0x87: {  	_ =	shalt  }
.Lfunc_end0:
.L_simem_size_0:
called_computation_lowered:
.L_overlay_start_0:
0x88: {  	s2 =	sld [smem:$0x3FD9]  }
0x89: {  	s3 =	sld [smem:$0x3FFE];
	_ =	sdelay $0x1  }
0x8a: {  	s1 =	srdreg.scid  }
0x8b: {  	s0 =	sand.u32 $0x1, s1  }
0x8c: {  	s14 =	sshll.u32 s0, $0xA;
	s2 =	sadd.s32 s3, s2  }
0x8d: {  	s2 =	sadd.s32 s2, s14  }
0x8e: {  	[smem:$0x3FBE] =	sst s2  }
0x8f: {  	_ = 	snop  }
0x90: {  	s2 =	sld [smem:$0x3FD0];
	_ =	sdelay $0x2  }
0x91: {  	s15 =	simm.s32 $0xA;
	s4 =	simm.s32 $0x10  }
0x92: {  	[smem:s4], [sflag:s15] =	dma.local [hbm:s2], $0x1  }
0x93: {  	_ =	swait.eq [sflag:s15], $0x1  }
0x94: {  	[sflag:s15] =	ssyncset.done $0x0  }
0x95: {  	s16 =	sld [smem:$0x10];
	[sflag:s15] =	ssyncadd.s32 $0xFFFFFFFF  }
0x96: {  	s17 =	sld [smem:$0x11];
	(tm) =	ssettm $0x1  }
0x97: {  	s18 =	sld [smem:$0x3FFB];
	_ =	sdelay $0x3  }
0x98: {  	_ =	strace s18  }
0x99: {  	s4 =	sld [smem:$0x3FFC];
	_ =	sdelay $0x3  }
0x9a: {  	_ =	strace s4  }
0x9b: {  	s4 =	sld [smem:$0x3FFD];
	_ =	sdelay $0x3  }
0x9c: {  	_ =	strace s4  }
0x9d: {  	_ =	strace $0x8FFFFFFF  }
0x9e: {  	s19 =	sld [smem:$0x3FDB];
	_ =	sdelay $0x1  }
0x9f: {  	s5 =	simm.s32 $_scs_section_size  }
0xa0: {  	s6 =	simm.s32 $_size__tile_overlayer_lowered;
	s7 =	simm.s32 $_tile_overlayer_lowered  }
0xa1: {  	s22 =	simm.s32 $0x1BFF;
	s21 =	sshll.u32 s7, $0x1;
	s4 =	sadd.s32 s5, s19  }
0xa2: {  	s8 =	simm.s32 $0x0;
	s20 =	sshll.u32 s6, $0x1;
	s6 =	sadd.s32 s21, s4  }
0xa3: {  	[timem:s8], [sflag:s22] =	dma.local [hbm:s6], s20  }
0xa4: {  	_ =	swait.ge [sflag:s22], s20  }
0xa5: {  	s5 =	ssub.s32 $0x0, s20;
	[sflag:s22] =	ssyncset.done $0x0  }
0xa6: {  	[sflag:s22] =	ssyncadd.s32 s5;
	_ =	sdelay $0x1  }
0xa7: {  	s23 =	simm.s32 $0x1B8B  }
0xa8: {  	_ =	swait.ge [sflag:s23], $0x1  }
0xa9: {  	[sflag:s23] =	ssyncset.done $0x0  }
0xaa: {  	s25 =	simm.s32 $0x1B8E;
	s24 =	sld [smem:$0x3FFE];
	[sflag:s23] =	ssyncadd.s32 $0xFFFFFFFF  }
0xab: {  	s26 =	simm.s32 $execute0_lowered;
	[smem:$0x3FD2] =	sst s25  }
0xac: {  	s6 =	sshll.u32 s26, $0x1;
	_ =	strace $0x80000046;
	[dreg:$0x1] =	wrdreg $0xFFFFFFFF  }
0xad: {  	s28 =	simm.s32 $_size_execute0_lowered;
	s4 =	sadd.s32 s4, s6;
	[dreg:$0x0] =	wrdreg $0x0  }
0xae: {  	s6 =	sshll.u32 s28, $0x1;
	[dreg:$0x2] =	wrdreg s4  }
0xaf: {  	[dreg:$0x3] =	wrdreg s6  }
0xb0: {  	[dreg:$0x4] =	wrdreg $0xC0  }
0xb1: {  	_ =	task [dreg:s8], $0x5FFFF  }
0xb2: {  	[dreg:$0x1] =	wrdreg $0xFFFFFFFF  }
0xb3: {  	[dreg:$0x0] =	wrdreg $0x60  }
0xb4: {  	[dreg:$0x2] =	wrdreg s24  }
0xb5: {  	[dreg:$0x3] =	wrdreg s16  }
0xb6: {  	[dreg:$0x4] =	wrdreg s17  }
0xb7: {  	[dreg:$0x5] =	wrdreg $0x180200  }
0xb8: {  	[dreg:$0x6] =	wrdreg $0x9  }
0xb9: {  	_ =	task.clear_ibuf [dreg:s8], $0x7FFFF;
	_ =	strace $0x90000046  }
0xba: {  	s29 =	simm.s32 $0x9;
	_ =	strace $0x80000048  }
0xbb: {  	_ =	swait.ge [sflag:s29], $0x1  }
0xbc: {  	[sflag:s29] =	ssyncadd.s32 $0xFFFFFFFF  }
0xbd: {  	_ =	strace $0x90000048  }
0xbe: {  	_ =	sfence  }
0xbf: {  	s30 =	sld [smem:$0x0];
	_ =	sdelay $0x2  }
0xc0: {  	s31 =	sshll.u32 s1, $0xD;
	s1 =	sshrl.u32 s1, $0x2  }
0xc1: {  	s3 =	sand.u32 $0x4000, s31;
	s1 =	sadd.s32 s1, s30  }
0xc2: {  	s0 =	sor.u32 s3, s0;
	s1 =	sshll.u32 s1, $0x11  }
0xc3: {  	s0 =	sor.u32 s1, s0  }
0xc4: {  	s0 =	sadd.s32 $0x8F2B, s0  }
0xc5: {  	[sflag:s0] =	ssyncadd.remote.s32 $0x1  }
0xc6: {  	_ =	sfence.sel $0xFFFF  }
0xc7: {  	[dreg:$0x0] =	wrdreg $0xFFFFFFFF;
	(pc) =	sbr.abs _section_cstart, $3  }
0xc8: {  	[dreg:$0x1] =	wrdreg $0xFFFFFFFF  }
0xc9: {  	_ =	task.clear_ibuf [dreg:s8], $0x2FFFF;
	_ =	strace $0x9FFFFFFF  }
0xca: {  	(tm) =	ssettm $0x7FFFFFFF  }
0xcb: {  	_ =	shalt  }
tec
execute0_lowered:
.L_overlay_start_1:
0x0: {  	(tag) =	ssettag $0x1  }
0x1: {  	v32 =	vlaneseq.u32  }
0x2: {  	v0 =	vmul.u32 $0x100, v32;
	_ =	sdelay $0x1  }
0x3: {  	vm0 =	vmmov $0xffff;
	v44 =	vmul.u32 $0x8, v32;
	v12 =	vor.u32 $0x1, v0  }
0x4: {  	v13 =	vor.u32 $0x2, v0;
	v14 =	vor.u32 $0x3, v0;
	v8 =	vor.u32 $0x5, v0  }
0x5: {  	v10 =	vor.u32 $0x6, v0;
	v11 =	vor.u32 $0x7, v0;
	v18 =	vor.u32 $0x8, v0  }
0x6: {  	v20 =	vor.u32 $0x9, v0;
	v21 =	vor.u32 $0xA, v0;
	v22 =	vor.u32 $0xB, v0  }
0x7: {  	s7 =	rddreg [dreg:$0x0];
	v23 =	vor.u32 $0xC, v0;
	v24 =	vor.u32 $0xD, v0;
	v25 =	vor.u32 $0xE, v0  }
0x8: {  	s0 =	rddreg [dreg:$0x1];
	v26 =	vor.u32 $0xF, v0;
	v27 =	vor.u32 $0x10, v0;
	v28 =	vor.u32 $0x11, v0  }
0x9: {  	s1 =	srdreg.scid;
	s11 =	rddreg [dreg:$0x2];
	v29 =	vor.u32 $0x12, v0;
	v30 =	vor.u32 $0x13, v0;
	v31 =	vor.u32 $0x14, v0  }
0xa: {  	s3 =	rddreg [dreg:$0x3];
	s4 =	simm.s32 $0x0;
	s6 =	sand.u32 $0x1, s1;
	v33 =	vor.u32 $0x15, v0;
	v34 =	vor.u32 $0x16, v0;
	v35 =	vor.u32 $0x17, v0  }
0xb: {  	s1 =	stileid.u32;
	[smem:$0x7FF] =	sst s4;
	s2 =	sshll.u32 s6, $0x4;
	v36 =	vor.u32 $0x18, v0;
	v37 =	vor.u32 $0x19, v0;
	v1 =	vor.u32 $0x36, v0  }
0xc: {  	s5 =	sor.u32 s1, s2;
	v38 =	vor.u32 $0x1A, v0;
	s2 =	rddreg [dreg:$0x4];
	v39 =	vor.u32 $0x1B, v0;
	v40 =	vor.u32 $0x1C, v0;
	_ =	strace $0x80000047;
	[tilespmem:$0x1FF40] =	vst v1  }
0xd: {  	s16 =	simm.s32 $0x2720;
	v41 =	vor.u32 $0x1D, v0;
	v42 =	vor.u32 $0x1E, v0;
	v43 =	vor.u32 $0x1F, v0;
	[tilespmem:$0x1FFC0] =	vst v8  }
0xe: {  	s17 =	simm.s32 $0x3720;
	s18 =	simm.s32 $0x1;
	s20 =	simm.s32 $0x4720;
	v45 =	vor.u32 $0x20, v0;
	v46 =	vor.u32 $0x21, v0;
	v47 =	vor.u32 $0x22, v0;
	[tilespmem:$0x1FFD0] =	vst v10  }
0xf: {  	s19 =	simm.s32 $0x2;
	s21 =	simm.s32 $0xE3A0;
	s10 =	smul.u32 $0x13C0, s1;
	v48 =	vor.u32 $0x23, v0;
	v49 =	vor.u32 $0x24, v0;
	v50 =	vor.u32 $0x25, v0;
	[tilespmem:$0x1FFE0] =	vst v11  }
0x10: {  	s22 =	simm.s32 $0x0;
	s12 =	ssub.s32 $0x2, s6;
	s13 =	smul.u32 $0x13C00, s6;
	v51 =	vor.u32 $0x26, v0;
	v52 =	vor.u32 $0x27, v0;
	v1 =	vor.u32 $0x37, v0;
	[tilespmem:$0x1FFF0] =	vst v18  }
0x11: {  	s6 =	sadd.s32 $0xA9600, s7;
	s31 =	sshll.u32 s1, $0x6;
	v53 =	vor.u32 $0x28, v0;
	v54 =	vor.u32 $0x29, v0;
	s8 =	smul.u32 $0x272, s5;
	[tilespmem:$0x1FF50] =	vst v1;
	v1 =	vor.u32 $0x38, v0  }
0x12: {  	s29 =	sshrl.u32 s12, $0x1;
	v55 =	vor.u32 $0x2A, v0;
	v56 =	vor.u32 $0x2B, v0;
	s9 =	smul.u32 $0x1390, s5;
	s5 =	sadd.s32 $0x51400, s7;
	[tilespmem:$0x1FF60] =	vst v1;
	v1 =	vor.u32 $0x39, v0  }
0x13: {  	v57 =	vor.u32 $0x2C, v0;
	v58 =	vor.u32 $0x2D, v0;
	s12 =	ssub.s32 s12, s29;
	s30 =	sadd.s32 s10, s13;
	s15 =	sadd.s32 s10, s3;
	[tilespmem:$0x1FF70] =	vst v1;
	v1 =	vor.u32 $0x3A, v0  }
0x14: {  	v59 =	vor.u32 $0x2E, v0;
	v60 =	vor.u32 $0x2F, v0;
	s13 =	sshrl.u32 s30, $0x3;
	s12 =	smax.u32 s12, $0x1;
	s15 =	sshrl.u32 s15, $0x3;
	[tilespmem:$0x1FF80] =	vst v1;
	v1 =	vor.u32 $0x3B, v0  }
0x15: {  	v61 =	vor.u32 $0x30, v0;
	v62 =	vor.u32 $0x31, v0;
	s8 =	sadd.s32 s8, s7;
	s14 =	sadd.s32 s9, s7;
	s11 =	sadd.s32 s11, s13;
	[tilespmem:$0x1FF90] =	vst v1;
	v1 =	vor.u32 $0x3C, v0  }
0x16: {  	v16 =	vor.u32 $0x32, v0;
	v9 =	vor.u32 $0x33, v0;
	s13 =	simm.s32 $0x3;
	s7 =	sadd.s32 $0xA4600, s8;
	s8 =	sadd.s32 $0x9F600, s8;
	[tilespmem:$0x1FFA0] =	vst v1;
	v1 =	vor.u32 $0x3D, v0  }
0x17: {  	v15 =	vor.u32 $0x4, v0;
	v17 =	vor.u32 $0x34, v0;
	v19 =	vor.u32 $0x35, v0;
	s9 =	sadd.s32 $0xA9A00, s14;
	s10 =	sadd.s32 $0xD0C00, s14;
	s14 =	sor.u32 $0x1C03, s31;
	[tilespmem:$0x1FFB0] =	vst v1  }
.LBB2_1:
0x18: {  	[tilespmem:s4], [sflag:$0x3] =	stream.linear.gather [hbm4b:s7+s4], $0x1390, $0x38;
	[tilespmem:$0x193E0] =	vst v63  }
0x19: {  	_ =	swait.ge [sflag:s13], $0x1390  }
0x1a: {  	[sflag:s13] =	ssyncset.done $0x0  }
0x1b: {  	s23 =	simm.s32 $0x1390;
	[sflag:s13] =	ssyncadd.s32 $0xFFFFEC70  }
0x1c: {  	[tilespmem:s23], [sflag:$0x3] =	stream.linear.gather [hbm4b:s8+s4], $0x1390, $0x38;
	[tilespmem:$0x193E0] =	vst v63  }
0x1d: {  	_ =	swait.ge [sflag:s13], $0x1390  }
0x1e: {  	[sflag:s13] =	ssyncset.done $0x0  }
0x1f: {  	[sflag:s13] =	ssyncadd.s32 $0xFFFFEC70  }
0x20: {  	[spmem:s15], [sflag:s14] =	dma.local [hbm:s6], $0x278  }
0x21: {  	_ =	swait.ge [sflag:s13], $0x278  }
0x22: {  	[sflag:s13] =	ssyncset.done $0x0  }
0x23: {  	s24 =	simm.s32 $0x0;
	[sflag:s13] =	ssyncadd.s32 $0xFFFFFD88  }
0x24: {  	s25 =	simm.s32 $0xE3A0;
	s26 =	simm.s32 $0x0;
	[bflag:$0x0] =	sbarrier.arrive $0xFFFF  }
.LBB2_2:
0x25: {  	v63 =	vld [tilespmem:s24+$0x0];
	_ =	sdelay $0x1  }
0x26: {  	v32 =	vld [tilespmem:s23+$0x0];
	_ =	sdelay $0x5  }
0x27: {  	[tilespmem:s16], [sflag:$0x1] =	stream.indirect_vreg.gather [hbm4b:s5+s4], $0x100, v63, vm0, $0xb8;
	[tilespmem:$0x193E0] =	vst v63  }
0x28: {  	_ = 	snop  }
0x29: {  	[tilespmem:s17], [sflag:$0x2] =	stream.indirect_vreg.gather [hbm4b:s0+s4], $0x100, v32, vm0, $0xb8;
	[tilespmem:$0x193E0] =	vst v63  }
0x2a: {  	_ =	swait.ge [sflag:s18], $0x1000  }
0x2b: {  	[sflag:s18] =	ssyncset.done $0x0  }
0x2c: {  	[sflag:s18] =	ssyncadd.s32 $0xFFFFF000  }
0x2d: {  	_ =	swait.ge [sflag:s19], $0x1000  }
0x2e: {  	[sflag:s19] =	ssyncset.done $0x0  }
0x2f: {  	[sflag:s19] =	ssyncadd.s32 $0xFFFFF000  }
0x30: {  	v32 =	vld.idx.msk [tilespmem:v0+s16+$0x0], $0xffff  }
0x31: {  	v1 =	vld.idx.msk [tilespmem:v0+s17+$0x0], $0xffff  }
0x32: {  	v2 =	vld.idx.msk [tilespmem:v12+s16+$0x0], $0xffff  }
0x33: {  	v3 =	vld.idx.msk [tilespmem:v12+s17+$0x0], $0xffff  }
0x34: {  	v4 =	vld.idx.msk [tilespmem:v13+s16+$0x0], $0xffff  }
0x35: {  	v5 =	vld.idx.msk [tilespmem:v13+s17+$0x0], $0xffff  }
0x36: {  	v6 =	vld.idx.msk [tilespmem:v14+s17+$0x0], $0xffff;
	v1 =	vmul.f32 v1, v32  }
0x37: {  	v32 =	vld.idx.msk [tilespmem:v14+s16+$0x0], $0xffff  }
0x38: {  	v7 =	vld.idx.msk [tilespmem:v15+s17+$0x0], $0xffff;
	v2 =	vmul.f32 v3, v2;
	v1 =	vadd.f32 $0.0e+00, v1  }
0x39: {  	v3 =	vld.idx.msk [tilespmem:v15+s16+$0x0], $0xffff  }
0x3a: {  	v1 =	vadd.f32 v2, v1;
	v2 =	vmul.f32 v5, v4;
	v4 =	vld.idx.msk [tilespmem:v8+s16+$0x0], $0xffff  }
0x3b: {  	v5 =	vld.idx.msk [tilespmem:v8+s17+$0x0], $0xffff  }
0x3c: {  	v1 =	vadd.f32 v2, v1;
	v2 =	vmul.f32 v6, v32;
	v6 =	vld.idx.msk [tilespmem:v10+s16+$0x0], $0xffff  }
0x3d: {  	v32 =	vld.idx.msk [tilespmem:v10+s17+$0x0], $0xffff  }
0x3e: {  	v1 =	vadd.f32 v2, v1;
	v2 =	vmul.f32 v7, v3;
	v3 =	vld.idx.msk [tilespmem:v11+s16+$0x0], $0xffff  }
0x3f: {  	v7 =	vld.idx.msk [tilespmem:v11+s17+$0x0], $0xffff  }
0x40: {  	v1 =	vadd.f32 v2, v1;
	v2 =	vmul.f32 v5, v4;
	v4 =	vld.idx.msk [tilespmem:v18+s16+$0x0], $0xffff  }
0x41: {  	v5 =	vld.idx.msk [tilespmem:v18+s17+$0x0], $0xffff  }
0x42: {  	v1 =	vadd.f32 v2, v1;
	v2 =	vmul.f32 v32, v6;
	v6 =	vld.idx.msk [tilespmem:v20+s16+$0x0], $0xffff  }
0x43: {  	v32 =	vld.idx.msk [tilespmem:v20+s17+$0x0], $0xffff  }
0x44: {  	v1 =	vadd.f32 v2, v1;
	v2 =	vmul.f32 v7, v3;
	v3 =	vld.idx.msk [tilespmem:v21+s16+$0x0], $0xffff  }
0x45: {  	v7 =	vld.idx.msk [tilespmem:v21+s17+$0x0], $0xffff  }
0x46: {  	v1 =	vadd.f32 v2, v1;
	v2 =	vmul.f32 v5, v4;
	v4 =	vld.idx.msk [tilespmem:v22+s16+$0x0], $0xffff  }
0x47: {  	v5 =	vld.idx.msk [tilespmem:v22+s17+$0x0], $0xffff  }
0x48: {  	v1 =	vadd.f32 v2, v1;
	v2 =	vmul.f32 v32, v6;
	v6 =	vld.idx.msk [tilespmem:v23+s16+$0x0], $0xffff  }
0x49: {  	v32 =	vld.idx.msk [tilespmem:v23+s17+$0x0], $0xffff  }
0x4a: {  	v1 =	vadd.f32 v2, v1;
	v2 =	vmul.f32 v7, v3;
	v3 =	vld.idx.msk [tilespmem:v24+s16+$0x0], $0xffff  }
0x4b: {  	v7 =	vld.idx.msk [tilespmem:v24+s17+$0x0], $0xffff  }
0x4c: {  	v1 =	vadd.f32 v2, v1;
	v2 =	vmul.f32 v5, v4;
	v4 =	vld.idx.msk [tilespmem:v25+s16+$0x0], $0xffff  }
0x4d: {  	v5 =	vld.idx.msk [tilespmem:v25+s17+$0x0], $0xffff  }
0x4e: {  	v1 =	vadd.f32 v2, v1;
	v2 =	vmul.f32 v32, v6;
	v6 =	vld.idx.msk [tilespmem:v26+s16+$0x0], $0xffff  }
0x4f: {  	v32 =	vld.idx.msk [tilespmem:v26+s17+$0x0], $0xffff  }
0x50: {  	v1 =	vadd.f32 v2, v1;
	v2 =	vmul.f32 v7, v3;
	v3 =	vld.idx.msk [tilespmem:v27+s16+$0x0], $0xffff  }
0x51: {  	v7 =	vld.idx.msk [tilespmem:v27+s17+$0x0], $0xffff  }
0x52: {  	v1 =	vadd.f32 v2, v1;
	v2 =	vmul.f32 v5, v4;
	v4 =	vld.idx.msk [tilespmem:v28+s16+$0x0], $0xffff  }
0x53: {  	v5 =	vld.idx.msk [tilespmem:v28+s17+$0x0], $0xffff  }
0x54: {  	v1 =	vadd.f32 v2, v1;
	v2 =	vmul.f32 v32, v6;
	v6 =	vld.idx.msk [tilespmem:v29+s16+$0x0], $0xffff  }
0x55: {  	v32 =	vld.idx.msk [tilespmem:v29+s17+$0x0], $0xffff  }
0x56: {  	v1 =	vadd.f32 v2, v1;
	v2 =	vmul.f32 v7, v3;
	v3 =	vld.idx.msk [tilespmem:v30+s16+$0x0], $0xffff  }
0x57: {  	v7 =	vld.idx.msk [tilespmem:v30+s17+$0x0], $0xffff  }
0x58: {  	v1 =	vadd.f32 v2, v1;
	v2 =	vmul.f32 v5, v4;
	v4 =	vld.idx.msk [tilespmem:v31+s16+$0x0], $0xffff  }
0x59: {  	v5 =	vld.idx.msk [tilespmem:v31+s17+$0x0], $0xffff  }
0x5a: {  	v1 =	vadd.f32 v2, v1;
	v2 =	vmul.f32 v32, v6;
	v6 =	vld.idx.msk [tilespmem:v33+s16+$0x0], $0xffff  }
0x5b: {  	v32 =	vld.idx.msk [tilespmem:v33+s17+$0x0], $0xffff  }
0x5c: {  	v1 =	vadd.f32 v2, v1;
	v2 =	vmul.f32 v7, v3;
	v3 =	vld.idx.msk [tilespmem:v34+s16+$0x0], $0xffff  }
0x5d: {  	v7 =	vld.idx.msk [tilespmem:v34+s17+$0x0], $0xffff  }
0x5e: {  	v1 =	vadd.f32 v2, v1;
	v2 =	vmul.f32 v5, v4;
	v4 =	vld.idx.msk [tilespmem:v35+s16+$0x0], $0xffff  }
0x5f: {  	v5 =	vld.idx.msk [tilespmem:v35+s17+$0x0], $0xffff  }
0x60: {  	v1 =	vadd.f32 v2, v1;
	v2 =	vmul.f32 v32, v6;
	v6 =	vld.idx.msk [tilespmem:v36+s16+$0x0], $0xffff  }
0x61: {  	v32 =	vld.idx.msk [tilespmem:v36+s17+$0x0], $0xffff  }
0x62: {  	v1 =	vadd.f32 v2, v1;
	v2 =	vmul.f32 v7, v3;
	v3 =	vld.idx.msk [tilespmem:v37+s16+$0x0], $0xffff  }
0x63: {  	v7 =	vld.idx.msk [tilespmem:v37+s17+$0x0], $0xffff  }
0x64: {  	v1 =	vadd.f32 v2, v1;
	v2 =	vmul.f32 v5, v4;
	v4 =	vld.idx.msk [tilespmem:v38+s16+$0x0], $0xffff  }
0x65: {  	v5 =	vld.idx.msk [tilespmem:v38+s17+$0x0], $0xffff  }
0x66: {  	v1 =	vadd.f32 v2, v1;
	v2 =	vmul.f32 v32, v6;
	v6 =	vld.idx.msk [tilespmem:v39+s16+$0x0], $0xffff  }
0x67: {  	v32 =	vld.idx.msk [tilespmem:v39+s17+$0x0], $0xffff  }
0x68: {  	v1 =	vadd.f32 v2, v1;
	v2 =	vmul.f32 v7, v3;
	v3 =	vld.idx.msk [tilespmem:v40+s16+$0x0], $0xffff  }
0x69: {  	v7 =	vld.idx.msk [tilespmem:v40+s17+$0x0], $0xffff  }
0x6a: {  	v1 =	vadd.f32 v2, v1;
	v2 =	vmul.f32 v5, v4;
	v4 =	vld.idx.msk [tilespmem:v41+s16+$0x0], $0xffff  }
0x6b: {  	v5 =	vld.idx.msk [tilespmem:v41+s17+$0x0], $0xffff  }
0x6c: {  	v1 =	vadd.f32 v2, v1;
	v2 =	vmul.f32 v32, v6;
	v6 =	vld.idx.msk [tilespmem:v42+s16+$0x0], $0xffff  }
0x6d: {  	v32 =	vld.idx.msk [tilespmem:v42+s17+$0x0], $0xffff  }
0x6e: {  	v1 =	vadd.f32 v2, v1;
	v2 =	vmul.f32 v7, v3;
	v3 =	vld.idx.msk [tilespmem:v43+s16+$0x0], $0xffff  }
0x6f: {  	v7 =	vld.idx.msk [tilespmem:v43+s17+$0x0], $0xffff  }
0x70: {  	v1 =	vadd.f32 v2, v1;
	v2 =	vmul.f32 v5, v4;
	_ =	sdelay $0x1  }
0x71: {  	v1 =	vadd.f32 v2, v1;
	v2 =	vmul.f32 v32, v6;
	_ =	sdelay $0x1  }
0x72: {  	v1 =	vadd.f32 v2, v1;
	v2 =	vmul.f32 v7, v3;
	_ =	sdelay $0x1  }
0x73: {  	v1 =	vadd.f32 v2, v1;
	_ =	sdelay $0x1  }
0x74: {  	v1 =	vmul.f32 $1.767766920e-01, v1;
	_ =	sdelay $0x1  }
0x75: {  	v2 =	vmul.f32 $1.442695020e+00, v1;
	_ =	sdelay $0x1  }
0x76: {  	(erf) = vpow2.f32 v2;
	_ =	sdelay $0x1  }
0x77: {  	v2 =	vmov s26  }
0x78: {  	v2 =	vshll.u32 v2, $0x3  }
0x79: {  	v32 =	vor.u32 v44, v2;
	_ =	sdelay $0x4  }
0x7a: {  	[tilespmem:v32+s20+$0x0] =	vst.idx.msk $0xffff, v1;
	v2 =	vpop (erf)  }
0x7b: {  	[tilespmem:v32+s21+$0x0] =	vst.idx.msk $0xffff, v2  }
0x7c: {  	v1 =	vld.idx.msk [tilespmem:v45+s16+$0x0], $0xffff  }
0x7d: {  	v2 =	vld.idx.msk [tilespmem:v45+s17+$0x0], $0xffff  }
0x7e: {  	v3 =	vld.idx.msk [tilespmem:v46+s16+$0x0], $0xffff  }
0x7f: {  	v4 =	vld.idx.msk [tilespmem:v46+s17+$0x0], $0xffff  }
0x80: {  	v5 =	vld.idx.msk [tilespmem:v47+s16+$0x0], $0xffff  }
0x81: {  	v6 =	vld.idx.msk [tilespmem:v47+s17+$0x0], $0xffff  }
0x82: {  	v7 =	vld.idx.msk [tilespmem:v48+s17+$0x0], $0xffff;
	v1 =	vmul.f32 v2, v1  }
0x83: {  	v2 =	vld.idx.msk [tilespmem:v48+s16+$0x0], $0xffff  }
0x84: {  	v8 =	vld.idx.msk [tilespmem:v49+s17+$0x0], $0xffff;
	v3 =	vmul.f32 v4, v3;
	v1 =	vadd.f32 $0.0e+00, v1  }
0x85: {  	v4 =	vld.idx.msk [tilespmem:v49+s16+$0x0], $0xffff  }
0x86: {  	v1 =	vadd.f32 v3, v1;
	v3 =	vmul.f32 v6, v5;
	v5 =	vld.idx.msk [tilespmem:v50+s16+$0x0], $0xffff  }
0x87: {  	v6 =	vld.idx.msk [tilespmem:v50+s17+$0x0], $0xffff  }
0x88: {  	v2 =	vmul.f32 v7, v2;
	v7 =	vld.idx.msk [tilespmem:v51+s17+$0x0], $0xffff;
	v1 =	vadd.f32 v3, v1  }
0x89: {  	v3 =	vld.idx.msk [tilespmem:v51+s16+$0x0], $0xffff  }
0x8a: {  	v1 =	vadd.f32 v2, v1;
	v2 =	vmul.f32 v8, v4;
	v4 =	vld.idx.msk [tilespmem:v52+s16+$0x0], $0xffff  }
0x8b: {  	v8 =	vld.idx.msk [tilespmem:v52+s17+$0x0], $0xffff  }
0x8c: {  	v1 =	vadd.f32 v2, v1;
	v2 =	vmul.f32 v6, v5;
	v5 =	vld.idx.msk [tilespmem:v53+s16+$0x0], $0xffff  }
0x8d: {  	v6 =	vld.idx.msk [tilespmem:v53+s17+$0x0], $0xffff  }
0x8e: {  	v1 =	vadd.f32 v2, v1;
	v2 =	vmul.f32 v7, v3;
	v3 =	vld.idx.msk [tilespmem:v54+s16+$0x0], $0xffff  }
0x8f: {  	v7 =	vld.idx.msk [tilespmem:v54+s17+$0x0], $0xffff  }
0x90: {  	v1 =	vadd.f32 v2, v1;
	v2 =	vmul.f32 v8, v4;
	v4 =	vld.idx.msk [tilespmem:v55+s16+$0x0], $0xffff  }
0x91: {  	v8 =	vld.idx.msk [tilespmem:v55+s17+$0x0], $0xffff  }
0x92: {  	v1 =	vadd.f32 v2, v1;
	v2 =	vmul.f32 v6, v5;
	v5 =	vld.idx.msk [tilespmem:v56+s16+$0x0], $0xffff  }
0x93: {  	v6 =	vld.idx.msk [tilespmem:v56+s17+$0x0], $0xffff  }
0x94: {  	v1 =	vadd.f32 v2, v1;
	v2 =	vmul.f32 v7, v3;
	v3 =	vld.idx.msk [tilespmem:v57+s16+$0x0], $0xffff  }
0x95: {  	v7 =	vld.idx.msk [tilespmem:v57+s17+$0x0], $0xffff  }
0x96: {  	v1 =	vadd.f32 v2, v1;
	v2 =	vmul.f32 v8, v4;
	v4 =	vld.idx.msk [tilespmem:v58+s16+$0x0], $0xffff  }
0x97: {  	v8 =	vld.idx.msk [tilespmem:v58+s17+$0x0], $0xffff  }
0x98: {  	v1 =	vadd.f32 v2, v1;
	v2 =	vmul.f32 v6, v5;
	v5 =	vld.idx.msk [tilespmem:v59+s16+$0x0], $0xffff  }
0x99: {  	v6 =	vld.idx.msk [tilespmem:v59+s17+$0x0], $0xffff  }
0x9a: {  	v1 =	vadd.f32 v2, v1;
	v2 =	vmul.f32 v7, v3;
	v3 =	vld.idx.msk [tilespmem:v60+s16+$0x0], $0xffff  }
0x9b: {  	v7 =	vld.idx.msk [tilespmem:v60+s17+$0x0], $0xffff  }
0x9c: {  	v1 =	vadd.f32 v2, v1;
	v2 =	vmul.f32 v8, v4;
	v4 =	vld.idx.msk [tilespmem:v61+s16+$0x0], $0xffff  }
0x9d: {  	v8 =	vld.idx.msk [tilespmem:v61+s17+$0x0], $0xffff  }
0x9e: {  	v1 =	vadd.f32 v2, v1;
	v2 =	vmul.f32 v6, v5;
	v5 =	vld.idx.msk [tilespmem:v62+s16+$0x0], $0xffff  }
0x9f: {  	v6 =	vld.idx.msk [tilespmem:v62+s17+$0x0], $0xffff  }
0xa0: {  	v1 =	vadd.f32 v2, v1;
	v2 =	vmul.f32 v7, v3;
	v3 =	vld.idx.msk [tilespmem:v16+s16+$0x0], $0xffff  }
0xa1: {  	v7 =	vld.idx.msk [tilespmem:v16+s17+$0x0], $0xffff  }
0xa2: {  	v1 =	vadd.f32 v2, v1;
	v2 =	vmul.f32 v8, v4;
	v4 =	vld.idx.msk [tilespmem:v9+s16+$0x0], $0xffff  }
0xa3: {  	v8 =	vld.idx.msk [tilespmem:v9+s17+$0x0], $0xffff  }
0xa4: {  	v1 =	vadd.f32 v2, v1;
	v2 =	vmul.f32 v6, v5;
	v5 =	vld.idx.msk [tilespmem:v17+s16+$0x0], $0xffff  }
0xa5: {  	v6 =	vld.idx.msk [tilespmem:v17+s17+$0x0], $0xffff  }
0xa6: {  	v1 =	vadd.f32 v2, v1;
	v2 =	vmul.f32 v7, v3;
	_ =	sdelay $0x1  }
0xa7: {  	v1 =	vadd.f32 v2, v1;
	v2 =	vmul.f32 v8, v4;
	v8 =	vld [tilespmem:$0x1FF40];
	_ =	sdelay $0x1  }
0xa8: {  	v1 =	vadd.f32 v2, v1;
	v2 =	vmul.f32 v6, v5;
	v6 =	vld [tilespmem:$0x1FF50];
	_ =	sdelay $0x3  }
0xa9: {  	v3 =	vld.idx.msk [tilespmem:v19+s16+$0x0], $0xffff  }
0xaa: {  	v7 =	vld.idx.msk [tilespmem:v19+s17+$0x0], $0xffff  }
0xab: {  	v4 =	vld.idx.msk [tilespmem:v8+s16+$0x0], $0xffff  }
0xac: {  	v8 =	vld.idx.msk [tilespmem:v8+s17+$0x0], $0xffff  }
0xad: {  	v5 =	vld.idx.msk [tilespmem:v6+s16+$0x0], $0xffff  }
0xae: {  	v6 =	vld.idx.msk [tilespmem:v6+s17+$0x0], $0xffff  }
0xaf: {  	v1 =	vadd.f32 v2, v1;
	v2 =	vmul.f32 v7, v3;
	v7 =	vld [tilespmem:$0x1FF60];
	_ =	sdelay $0x1  }
0xb0: {  	v1 =	vadd.f32 v2, v1;
	v2 =	vmul.f32 v8, v4;
	v8 =	vld [tilespmem:$0x1FF70];
	_ =	sdelay $0x1  }
0xb1: {  	v1 =	vadd.f32 v2, v1;
	v2 =	vmul.f32 v6, v5;
	v6 =	vld [tilespmem:$0x1FF80];
	_ =	sdelay $0x3  }
0xb2: {  	v3 =	vld.idx.msk [tilespmem:v7+s16+$0x0], $0xffff  }
0xb3: {  	v7 =	vld.idx.msk [tilespmem:v7+s17+$0x0], $0xffff  }
0xb4: {  	v4 =	vld.idx.msk [tilespmem:v8+s16+$0x0], $0xffff  }
0xb5: {  	v8 =	vld.idx.msk [tilespmem:v8+s17+$0x0], $0xffff  }
0xb6: {  	v5 =	vld.idx.msk [tilespmem:v6+s16+$0x0], $0xffff  }
0xb7: {  	v6 =	vld.idx.msk [tilespmem:v6+s17+$0x0], $0xffff  }
0xb8: {  	v1 =	vadd.f32 v2, v1;
	v2 =	vmul.f32 v7, v3;
	v7 =	vld [tilespmem:$0x1FF90];
	_ =	sdelay $0x1  }
0xb9: {  	v1 =	vadd.f32 v2, v1;
	v2 =	vmul.f32 v8, v4;
	v8 =	vld [tilespmem:$0x1FFA0];
	_ =	sdelay $0x1  }
0xba: {  	v1 =	vadd.f32 v2, v1;
	v2 =	vmul.f32 v6, v5;
	v6 =	vld [tilespmem:$0x1FFB0];
	_ =	sdelay $0x3  }
0xbb: {  	v3 =	vld.idx.msk [tilespmem:v7+s16+$0x0], $0xffff  }
0xbc: {  	v18 =	vmov v16;
	v16 =	vmov v9;
	v9 =	vor.u32 $0x3E, v0;
	v7 =	vld.idx.msk [tilespmem:v7+s17+$0x0], $0xffff  }
0xbd: {  	v4 =	vld.idx.msk [tilespmem:v8+s16+$0x0], $0xffff  }
0xbe: {  	v10 =	vor.u32 $0x3F, v0;
	v8 =	vld.idx.msk [tilespmem:v8+s17+$0x0], $0xffff  }
0xbf: {  	v5 =	vld.idx.msk [tilespmem:v6+s16+$0x0], $0xffff  }
0xc0: {  	v6 =	vld.idx.msk [tilespmem:v6+s17+$0x0], $0xffff  }
0xc1: {  	v1 =	vadd.f32 v2, v1;
	v2 =	vmul.f32 v7, v3;
	v3 =	vld.idx.msk [tilespmem:v9+s16+$0x0], $0xffff  }
0xc2: {  	v7 =	vld.idx.msk [tilespmem:v9+s17+$0x0], $0xffff  }
0xc3: {  	v1 =	vadd.f32 v2, v1;
	v2 =	vmul.f32 v8, v4;
	v4 =	vld.idx.msk [tilespmem:v10+s16+$0x0], $0xffff  }
0xc4: {  	v8 =	vld.idx.msk [tilespmem:v10+s17+$0x0], $0xffff  }
0xc5: {  	v1 =	vadd.f32 v2, v1;
	v2 =	vmul.f32 v6, v5;
	_ =	sdelay $0x1  }
0xc6: {  	v1 =	vadd.f32 v2, v1;
	v2 =	vmul.f32 v7, v3;
	_ =	sdelay $0x1  }
0xc7: {  	v1 =	vadd.f32 v2, v1;
	v2 =	vmul.f32 v8, v4;
	_ =	sdelay $0x1  }
0xc8: {  	v1 =	vadd.f32 v2, v1;
	_ =	sdelay $0x1  }
0xc9: {  	v1 =	vmul.f32 $1.767766920e-01, v1;
	_ =	sdelay $0x1  }
0xca: {  	v2 =	vmul.f32 $1.442695020e+00, v1;
	_ =	sdelay $0x1  }
0xcb: {  	(erf) = vpow2.f32 v2;
	_ =	sdelay $0x3  }
0xcc: {  	v2 =	vor.u32 $0x1, v32;
	_ =	sdelay $0x1  }
0xcd: {  	v3 =	vor.u32 $0x40, v0;
	_ =	sdelay $0x1  }
0xce: {  	v4 =	vor.u32 $0x41, v0  }
0xcf: {  	[tilespmem:v2+s20+$0x0] =	vst.idx.msk $0xffff, v1;
	v5 =	vpop (erf)  }
0xd0: {  	v1 =	vor.u32 $0x42, v0;
	[tilespmem:v2+s21+$0x0] =	vst.idx.msk $0xffff, v5  }
0xd1: {  	v2 =	vld.idx.msk [tilespmem:v3+s16+$0x0], $0xffff  }
0xd2: {  	v5 =	vor.u32 $0x43, v0;
	v3 =	vld.idx.msk [tilespmem:v3+s17+$0x0], $0xffff  }
0xd3: {  	v6 =	vld.idx.msk [tilespmem:v4+s16+$0x0], $0xffff  }
0xd4: {  	v7 =	vor.u32 $0x44, v0;
	v4 =	vld.idx.msk [tilespmem:v4+s17+$0x0], $0xffff  }
0xd5: {  	v8 =	vld.idx.msk [tilespmem:v1+s16+$0x0], $0xffff  }
0xd6: {  	v9 =	vor.u32 $0x45, v0;
	v1 =	vld.idx.msk [tilespmem:v1+s17+$0x0], $0xffff  }
0xd7: {  	v2 =	vmul.f32 v3, v2;
	v3 =	vld.idx.msk [tilespmem:v5+s16+$0x0], $0xffff  }
0xd8: {  	v10 =	vor.u32 $0x46, v0;
	v5 =	vld.idx.msk [tilespmem:v5+s17+$0x0], $0xffff  }
0xd9: {  	v4 =	vmul.f32 v4, v6;
	v6 =	vld.idx.msk [tilespmem:v7+s16+$0x0], $0xffff;
	v2 =	vadd.f32 $0.0e+00, v2  }
0xda: {  	v11 =	vor.u32 $0x47, v0;
	v7 =	vld.idx.msk [tilespmem:v7+s17+$0x0], $0xffff  }
0xdb: {  	v1 =	vmul.f32 v1, v8;
	v8 =	vld.idx.msk [tilespmem:v9+s17+$0x0], $0xffff;
	v2 =	vadd.f32 v4, v2  }
0xdc: {  	v4 =	vld.idx.msk [tilespmem:v9+s16+$0x0], $0xffff;
	v9 =	vor.u32 $0x48, v0  }
0xdd: {  	v1 =	vadd.f32 v1, v2;
	v2 =	vmul.f32 v5, v3;
	v3 =	vld.idx.msk [tilespmem:v10+s16+$0x0], $0xffff  }
0xde: {  	v5 =	vld.idx.msk [tilespmem:v10+s17+$0x0], $0xffff;
	v10 =	vor.u32 $0x49, v0  }
0xdf: {  	v1 =	vadd.f32 v2, v1;
	v2 =	vmul.f32 v7, v6;
	v6 =	vld.idx.msk [tilespmem:v11+s16+$0x0], $0xffff  }
0xe0: {  	v7 =	vld.idx.msk [tilespmem:v11+s17+$0x0], $0xffff;
	v11 =	vor.u32 $0x4A, v0  }
0xe1: {  	v1 =	vadd.f32 v2, v1;
	v2 =	vmul.f32 v8, v4;
	v4 =	vld.idx.msk [tilespmem:v9+s16+$0x0], $0xffff  }
0xe2: {  	v8 =	vld.idx.msk [tilespmem:v9+s17+$0x0], $0xffff;
	v9 =	vor.u32 $0x4B, v0  }
0xe3: {  	v1 =	vadd.f32 v2, v1;
	v2 =	vmul.f32 v5, v3;
	v3 =	vld.idx.msk [tilespmem:v10+s16+$0x0], $0xffff  }
0xe4: {  	v5 =	vld.idx.msk [tilespmem:v10+s17+$0x0], $0xffff;
	v10 =	vor.u32 $0x4C, v0  }
0xe5: {  	v1 =	vadd.f32 v2, v1;
	v2 =	vmul.f32 v7, v6;
	v6 =	vld.idx.msk [tilespmem:v11+s16+$0x0], $0xffff  }
0xe6: {  	v7 =	vld.idx.msk [tilespmem:v11+s17+$0x0], $0xffff;
	v11 =	vor.u32 $0x4D, v0  }
0xe7: {  	v1 =	vadd.f32 v2, v1;
	v2 =	vmul.f32 v8, v4;
	v4 =	vld.idx.msk [tilespmem:v9+s16+$0x0], $0xffff  }
0xe8: {  	v8 =	vld.idx.msk [tilespmem:v9+s17+$0x0], $0xffff;
	v9 =	vor.u32 $0x4E, v0  }
0xe9: {  	v1 =	vadd.f32 v2, v1;
	v2 =	vmul.f32 v5, v3;
	v3 =	vld.idx.msk [tilespmem:v10+s16+$0x0], $0xffff  }
0xea: {  	v5 =	vld.idx.msk [tilespmem:v10+s17+$0x0], $0xffff;
	v10 =	vor.u32 $0x4F, v0  }
0xeb: {  	v1 =	vadd.f32 v2, v1;
	v2 =	vmul.f32 v7, v6;
	v6 =	vld.idx.msk [tilespmem:v11+s16+$0x0], $0xffff  }
0xec: {  	v7 =	vld.idx.msk [tilespmem:v11+s17+$0x0], $0xffff;
	v11 =	vor.u32 $0x50, v0  }
0xed: {  	v1 =	vadd.f32 v2, v1;
	v2 =	vmul.f32 v8, v4;
	v4 =	vld.idx.msk [tilespmem:v9+s16+$0x0], $0xffff  }
0xee: {  	v8 =	vld.idx.msk [tilespmem:v9+s17+$0x0], $0xffff;
	v9 =	vor.u32 $0x51, v0  }
0xef: {  	v1 =	vadd.f32 v2, v1;
	v2 =	vmul.f32 v5, v3;
	v3 =	vld.idx.msk [tilespmem:v10+s16+$0x0], $0xffff  }
0xf0: {  	v5 =	vld.idx.msk [tilespmem:v10+s17+$0x0], $0xffff;
	v10 =	vor.u32 $0x52, v0  }
0xf1: {  	v1 =	vadd.f32 v2, v1;
	v2 =	vmul.f32 v7, v6;
	v6 =	vld.idx.msk [tilespmem:v11+s16+$0x0], $0xffff  }
0xf2: {  	v7 =	vld.idx.msk [tilespmem:v11+s17+$0x0], $0xffff;
	v11 =	vor.u32 $0x53, v0  }
0xf3: {  	v1 =	vadd.f32 v2, v1;
	v2 =	vmul.f32 v8, v4;
	v4 =	vld.idx.msk [tilespmem:v9+s16+$0x0], $0xffff  }
0xf4: {  	v8 =	vld.idx.msk [tilespmem:v9+s17+$0x0], $0xffff;
	v9 =	vor.u32 $0x54, v0  }
0xf5: {  	v1 =	vadd.f32 v2, v1;
	v2 =	vmul.f32 v5, v3;
	v3 =	vld.idx.msk [tilespmem:v10+s16+$0x0], $0xffff  }
0xf6: {  	v5 =	vld.idx.msk [tilespmem:v10+s17+$0x0], $0xffff;
	v10 =	vor.u32 $0x55, v0  }
0xf7: {  	v1 =	vadd.f32 v2, v1;
	v2 =	vmul.f32 v7, v6;
	v6 =	vld.idx.msk [tilespmem:v11+s16+$0x0], $0xffff  }
0xf8: {  	v7 =	vld.idx.msk [tilespmem:v11+s17+$0x0], $0xffff;
	v11 =	vor.u32 $0x56, v0  }
0xf9: {  	v1 =	vadd.f32 v2, v1;
	v2 =	vmul.f32 v8, v4;
	v4 =	vld.idx.msk [tilespmem:v9+s16+$0x0], $0xffff  }
0xfa: {  	v8 =	vld.idx.msk [tilespmem:v9+s17+$0x0], $0xffff;
	v9 =	vor.u32 $0x57, v0  }
0xfb: {  	v1 =	vadd.f32 v2, v1;
	v2 =	vmul.f32 v5, v3;
	v3 =	vld.idx.msk [tilespmem:v10+s16+$0x0], $0xffff  }
0xfc: {  	v5 =	vld.idx.msk [tilespmem:v10+s17+$0x0], $0xffff;
	v10 =	vor.u32 $0x58, v0  }
0xfd: {  	v1 =	vadd.f32 v2, v1;
	v2 =	vmul.f32 v7, v6;
	v6 =	vld.idx.msk [tilespmem:v11+s16+$0x0], $0xffff  }
0xfe: {  	v7 =	vld.idx.msk [tilespmem:v11+s17+$0x0], $0xffff;
	v11 =	vor.u32 $0x59, v0  }
0xff: {  	v1 =	vadd.f32 v2, v1;
	v2 =	vmul.f32 v8, v4;
	v4 =	vld.idx.msk [tilespmem:v9+s16+$0x0], $0xffff  }
0x100: {  	v8 =	vld.idx.msk [tilespmem:v9+s17+$0x0], $0xffff;
	v9 =	vor.u32 $0x5A, v0  }
0x101: {  	v1 =	vadd.f32 v2, v1;
	v2 =	vmul.f32 v5, v3;
	v3 =	vld.idx.msk [tilespmem:v10+s16+$0x0], $0xffff  }
0x102: {  	v5 =	vld.idx.msk [tilespmem:v10+s17+$0x0], $0xffff;
	v10 =	vor.u32 $0x5B, v0  }
0x103: {  	v1 =	vadd.f32 v2, v1;
	v2 =	vmul.f32 v7, v6;
	v6 =	vld.idx.msk [tilespmem:v11+s16+$0x0], $0xffff  }
0x104: {  	v7 =	vld.idx.msk [tilespmem:v11+s17+$0x0], $0xffff;
	v11 =	vor.u32 $0x5C, v0  }
0x105: {  	v1 =	vadd.f32 v2, v1;
	v2 =	vmul.f32 v8, v4;
	v4 =	vld.idx.msk [tilespmem:v9+s16+$0x0], $0xffff  }
0x106: {  	v8 =	vld.idx.msk [tilespmem:v9+s17+$0x0], $0xffff;
	v9 =	vor.u32 $0x5D, v0  }
0x107: {  	v1 =	vadd.f32 v2, v1;
	v2 =	vmul.f32 v5, v3;
	v3 =	vld.idx.msk [tilespmem:v10+s16+$0x0], $0xffff  }
0x108: {  	v5 =	vld.idx.msk [tilespmem:v10+s17+$0x0], $0xffff;
	v10 =	vor.u32 $0x5E, v0  }
0x109: {  	v1 =	vadd.f32 v2, v1;
	v2 =	vmul.f32 v7, v6;
	v6 =	vld.idx.msk [tilespmem:v11+s16+$0x0], $0xffff  }
0x10a: {  	v7 =	vld.idx.msk [tilespmem:v11+s17+$0x0], $0xffff;
	v11 =	vor.u32 $0x5F, v0  }
0x10b: {  	v1 =	vadd.f32 v2, v1;
	v2 =	vmul.f32 v8, v4;
	v4 =	vld.idx.msk [tilespmem:v9+s16+$0x0], $0xffff  }
0x10c: {  	v8 =	vld.idx.msk [tilespmem:v9+s17+$0x0], $0xffff  }
0x10d: {  	v1 =	vadd.f32 v2, v1;
	v2 =	vmul.f32 v5, v3;
	v3 =	vld.idx.msk [tilespmem:v10+s16+$0x0], $0xffff  }
0x10e: {  	v5 =	vld.idx.msk [tilespmem:v10+s17+$0x0], $0xffff  }
0x10f: {  	v1 =	vadd.f32 v2, v1;
	v2 =	vmul.f32 v7, v6;
	v6 =	vld.idx.msk [tilespmem:v11+s16+$0x0], $0xffff  }
0x110: {  	v7 =	vld.idx.msk [tilespmem:v11+s17+$0x0], $0xffff  }
0x111: {  	v1 =	vadd.f32 v2, v1;
	v2 =	vmul.f32 v8, v4;
	_ =	sdelay $0x1  }
0x112: {  	v1 =	vadd.f32 v2, v1;
	v2 =	vmul.f32 v5, v3;
	_ =	sdelay $0x1  }
0x113: {  	v1 =	vadd.f32 v2, v1;
	v2 =	vmul.f32 v7, v6;
	_ =	sdelay $0x1  }
0x114: {  	v1 =	vadd.f32 v2, v1;
	_ =	sdelay $0x1  }
0x115: {  	v1 =	vmul.f32 $1.767766920e-01, v1;
	_ =	sdelay $0x1  }
0x116: {  	v2 =	vmul.f32 $1.442695020e+00, v1;
	_ =	sdelay $0x1  }
0x117: {  	(erf) = vpow2.f32 v2;
	_ =	sdelay $0x3  }
0x118: {  	v2 =	vor.u32 $0x2, v32;
	_ =	sdelay $0x1  }
0x119: {  	v3 =	vor.u32 $0x60, v0;
	_ =	sdelay $0x1  }
0x11a: {  	v4 =	vor.u32 $0x61, v0  }
0x11b: {  	[tilespmem:v2+s20+$0x0] =	vst.idx.msk $0xffff, v1;
	v5 =	vpop (erf)  }
0x11c: {  	v1 =	vor.u32 $0x62, v0;
	[tilespmem:v2+s21+$0x0] =	vst.idx.msk $0xffff, v5  }
0x11d: {  	v2 =	vld.idx.msk [tilespmem:v3+s16+$0x0], $0xffff  }
0x11e: {  	v5 =	vor.u32 $0x63, v0;
	v3 =	vld.idx.msk [tilespmem:v3+s17+$0x0], $0xffff  }
0x11f: {  	v6 =	vld.idx.msk [tilespmem:v4+s16+$0x0], $0xffff  }
0x120: {  	v7 =	vor.u32 $0x64, v0;
	v4 =	vld.idx.msk [tilespmem:v4+s17+$0x0], $0xffff  }
0x121: {  	v8 =	vld.idx.msk [tilespmem:v1+s16+$0x0], $0xffff  }
0x122: {  	v9 =	vor.u32 $0x65, v0;
	v1 =	vld.idx.msk [tilespmem:v1+s17+$0x0], $0xffff  }
0x123: {  	v2 =	vmul.f32 v3, v2;
	v3 =	vld.idx.msk [tilespmem:v5+s16+$0x0], $0xffff  }
0x124: {  	v10 =	vor.u32 $0x66, v0;
	v5 =	vld.idx.msk [tilespmem:v5+s17+$0x0], $0xffff  }
0x125: {  	v4 =	vmul.f32 v4, v6;
	v6 =	vld.idx.msk [tilespmem:v7+s16+$0x0], $0xffff;
	v2 =	vadd.f32 $0.0e+00, v2  }
0x126: {  	v11 =	vor.u32 $0x67, v0;
	v7 =	vld.idx.msk [tilespmem:v7+s17+$0x0], $0xffff  }
0x127: {  	v1 =	vmul.f32 v1, v8;
	v8 =	vld.idx.msk [tilespmem:v9+s17+$0x0], $0xffff;
	v2 =	vadd.f32 v4, v2  }
0x128: {  	v4 =	vld.idx.msk [tilespmem:v9+s16+$0x0], $0xffff;
	v9 =	vor.u32 $0x68, v0  }
0x129: {  	v1 =	vadd.f32 v1, v2;
	v2 =	vmul.f32 v5, v3;
	v3 =	vld.idx.msk [tilespmem:v10+s16+$0x0], $0xffff  }
0x12a: {  	v5 =	vld.idx.msk [tilespmem:v10+s17+$0x0], $0xffff;
	v10 =	vor.u32 $0x69, v0  }
0x12b: {  	v1 =	vadd.f32 v2, v1;
	v2 =	vmul.f32 v7, v6;
	v6 =	vld.idx.msk [tilespmem:v11+s16+$0x0], $0xffff  }
0x12c: {  	v7 =	vld.idx.msk [tilespmem:v11+s17+$0x0], $0xffff;
	v11 =	vor.u32 $0x6A, v0  }
0x12d: {  	v1 =	vadd.f32 v2, v1;
	v2 =	vmul.f32 v8, v4;
	v4 =	vld.idx.msk [tilespmem:v9+s16+$0x0], $0xffff  }
0x12e: {  	v8 =	vld.idx.msk [tilespmem:v9+s17+$0x0], $0xffff;
	v9 =	vor.u32 $0x6B, v0  }
0x12f: {  	v1 =	vadd.f32 v2, v1;
	v2 =	vmul.f32 v5, v3;
	v3 =	vld.idx.msk [tilespmem:v10+s16+$0x0], $0xffff  }
0x130: {  	v5 =	vld.idx.msk [tilespmem:v10+s17+$0x0], $0xffff;
	v10 =	vor.u32 $0x6C, v0  }
0x131: {  	v1 =	vadd.f32 v2, v1;
	v2 =	vmul.f32 v7, v6;
	v6 =	vld.idx.msk [tilespmem:v11+s16+$0x0], $0xffff  }
0x132: {  	v7 =	vld.idx.msk [tilespmem:v11+s17+$0x0], $0xffff;
	v11 =	vor.u32 $0x6D, v0  }
0x133: {  	v1 =	vadd.f32 v2, v1;
	v2 =	vmul.f32 v8, v4;
	v4 =	vld.idx.msk [tilespmem:v9+s16+$0x0], $0xffff  }
0x134: {  	v8 =	vld.idx.msk [tilespmem:v9+s17+$0x0], $0xffff;
	v9 =	vor.u32 $0x6E, v0  }
0x135: {  	v1 =	vadd.f32 v2, v1;
	v2 =	vmul.f32 v5, v3;
	v3 =	vld.idx.msk [tilespmem:v10+s16+$0x0], $0xffff  }
0x136: {  	v5 =	vld.idx.msk [tilespmem:v10+s17+$0x0], $0xffff;
	v10 =	vor.u32 $0x6F, v0  }
0x137: {  	v1 =	vadd.f32 v2, v1;
	v2 =	vmul.f32 v7, v6;
	v6 =	vld.idx.msk [tilespmem:v11+s16+$0x0], $0xffff  }
0x138: {  	v7 =	vld.idx.msk [tilespmem:v11+s17+$0x0], $0xffff;
	v11 =	vor.u32 $0x70, v0  }
0x139: {  	v1 =	vadd.f32 v2, v1;
	v2 =	vmul.f32 v8, v4;
	v4 =	vld.idx.msk [tilespmem:v9+s16+$0x0], $0xffff  }
0x13a: {  	v8 =	vld.idx.msk [tilespmem:v9+s17+$0x0], $0xffff;
	v9 =	vor.u32 $0x71, v0  }
0x13b: {  	v1 =	vadd.f32 v2, v1;
	v2 =	vmul.f32 v5, v3;
	v3 =	vld.idx.msk [tilespmem:v10+s16+$0x0], $0xffff  }
0x13c: {  	v5 =	vld.idx.msk [tilespmem:v10+s17+$0x0], $0xffff;
	v10 =	vor.u32 $0x72, v0  }
0x13d: {  	v1 =	vadd.f32 v2, v1;
	v2 =	vmul.f32 v7, v6;
	v6 =	vld.idx.msk [tilespmem:v11+s16+$0x0], $0xffff  }
0x13e: {  	v7 =	vld.idx.msk [tilespmem:v11+s17+$0x0], $0xffff;
	v11 =	vor.u32 $0x73, v0  }
0x13f: {  	v1 =	vadd.f32 v2, v1;
	v2 =	vmul.f32 v8, v4;
	v4 =	vld.idx.msk [tilespmem:v9+s16+$0x0], $0xffff  }
0x140: {  	v8 =	vld.idx.msk [tilespmem:v9+s17+$0x0], $0xffff;
	v9 =	vor.u32 $0x74, v0  }
0x141: {  	v1 =	vadd.f32 v2, v1;
	v2 =	vmul.f32 v5, v3;
	v3 =	vld.idx.msk [tilespmem:v10+s16+$0x0], $0xffff  }
0x142: {  	v5 =	vld.idx.msk [tilespmem:v10+s17+$0x0], $0xffff;
	v10 =	vor.u32 $0x75, v0  }
0x143: {  	v1 =	vadd.f32 v2, v1;
	v2 =	vmul.f32 v7, v6;
	v6 =	vld.idx.msk [tilespmem:v11+s16+$0x0], $0xffff  }
0x144: {  	v7 =	vld.idx.msk [tilespmem:v11+s17+$0x0], $0xffff;
	v11 =	vor.u32 $0x76, v0  }
0x145: {  	v1 =	vadd.f32 v2, v1;
	v2 =	vmul.f32 v8, v4;
	v4 =	vld.idx.msk [tilespmem:v9+s16+$0x0], $0xffff  }
0x146: {  	v8 =	vld.idx.msk [tilespmem:v9+s17+$0x0], $0xffff;
	v9 =	vor.u32 $0x77, v0  }
0x147: {  	v1 =	vadd.f32 v2, v1;
	v2 =	vmul.f32 v5, v3;
	v3 =	vld.idx.msk [tilespmem:v10+s16+$0x0], $0xffff  }
0x148: {  	v5 =	vld.idx.msk [tilespmem:v10+s17+$0x0], $0xffff;
	v10 =	vor.u32 $0x78, v0  }
0x149: {  	v1 =	vadd.f32 v2, v1;
	v2 =	vmul.f32 v7, v6;
	v6 =	vld.idx.msk [tilespmem:v11+s16+$0x0], $0xffff  }
0x14a: {  	v7 =	vld.idx.msk [tilespmem:v11+s17+$0x0], $0xffff;
	v11 =	vor.u32 $0x79, v0  }
0x14b: {  	v1 =	vadd.f32 v2, v1;
	v2 =	vmul.f32 v8, v4;
	v4 =	vld.idx.msk [tilespmem:v9+s16+$0x0], $0xffff  }
0x14c: {  	v8 =	vld.idx.msk [tilespmem:v9+s17+$0x0], $0xffff;
	v9 =	vor.u32 $0x7A, v0  }
0x14d: {  	v1 =	vadd.f32 v2, v1;
	v2 =	vmul.f32 v5, v3;
	v3 =	vld.idx.msk [tilespmem:v10+s16+$0x0], $0xffff  }
0x14e: {  	v5 =	vld.idx.msk [tilespmem:v10+s17+$0x0], $0xffff;
	v10 =	vor.u32 $0x7B, v0  }
0x14f: {  	v1 =	vadd.f32 v2, v1;
	v2 =	vmul.f32 v7, v6;
	v6 =	vld.idx.msk [tilespmem:v11+s16+$0x0], $0xffff  }
0x150: {  	v7 =	vld.idx.msk [tilespmem:v11+s17+$0x0], $0xffff;
	v11 =	vor.u32 $0x7C, v0  }
0x151: {  	v1 =	vadd.f32 v2, v1;
	v2 =	vmul.f32 v8, v4;
	v4 =	vld.idx.msk [tilespmem:v9+s16+$0x0], $0xffff  }
0x152: {  	v8 =	vld.idx.msk [tilespmem:v9+s17+$0x0], $0xffff;
	v9 =	vor.u32 $0x7D, v0  }
0x153: {  	v1 =	vadd.f32 v2, v1;
	v2 =	vmul.f32 v5, v3;
	v3 =	vld.idx.msk [tilespmem:v10+s16+$0x0], $0xffff  }
0x154: {  	v5 =	vld.idx.msk [tilespmem:v10+s17+$0x0], $0xffff;
	v10 =	vor.u32 $0x7E, v0  }
0x155: {  	v1 =	vadd.f32 v2, v1;
	v2 =	vmul.f32 v7, v6;
	v6 =	vld.idx.msk [tilespmem:v11+s16+$0x0], $0xffff  }
0x156: {  	v7 =	vld.idx.msk [tilespmem:v11+s17+$0x0], $0xffff;
	v11 =	vor.u32 $0x7F, v0  }
0x157: {  	v1 =	vadd.f32 v2, v1;
	v2 =	vmul.f32 v8, v4;
	v4 =	vld.idx.msk [tilespmem:v9+s16+$0x0], $0xffff  }
0x158: {  	v8 =	vld.idx.msk [tilespmem:v9+s17+$0x0], $0xffff  }
0x159: {  	v1 =	vadd.f32 v2, v1;
	v2 =	vmul.f32 v5, v3;
	v3 =	vld.idx.msk [tilespmem:v10+s16+$0x0], $0xffff  }
0x15a: {  	v5 =	vld.idx.msk [tilespmem:v10+s17+$0x0], $0xffff  }
0x15b: {  	v1 =	vadd.f32 v2, v1;
	v2 =	vmul.f32 v7, v6;
	v6 =	vld.idx.msk [tilespmem:v11+s16+$0x0], $0xffff  }
0x15c: {  	v7 =	vld.idx.msk [tilespmem:v11+s17+$0x0], $0xffff  }
0x15d: {  	v1 =	vadd.f32 v2, v1;
	v2 =	vmul.f32 v8, v4;
	_ =	sdelay $0x1  }
0x15e: {  	v1 =	vadd.f32 v2, v1;
	v2 =	vmul.f32 v5, v3;
	_ =	sdelay $0x1  }
0x15f: {  	v1 =	vadd.f32 v2, v1;
	v2 =	vmul.f32 v7, v6;
	_ =	sdelay $0x1  }
0x160: {  	v1 =	vadd.f32 v2, v1;
	_ =	sdelay $0x1  }
0x161: {  	v1 =	vmul.f32 $1.767766920e-01, v1;
	_ =	sdelay $0x1  }
0x162: {  	v2 =	vmul.f32 $1.442695020e+00, v1;
	_ =	sdelay $0x1  }
0x163: {  	(erf) = vpow2.f32 v2;
	_ =	sdelay $0x3  }
0x164: {  	v2 =	vor.u32 $0x3, v32;
	_ =	sdelay $0x1  }
0x165: {  	v3 =	vor.u32 $0x80, v0;
	_ =	sdelay $0x1  }
0x166: {  	v4 =	vor.u32 $0x81, v0  }
0x167: {  	[tilespmem:v2+s20+$0x0] =	vst.idx.msk $0xffff, v1;
	v5 =	vpop (erf)  }
0x168: {  	v1 =	vor.u32 $0x82, v0;
	[tilespmem:v2+s21+$0x0] =	vst.idx.msk $0xffff, v5  }
0x169: {  	v2 =	vld.idx.msk [tilespmem:v3+s16+$0x0], $0xffff  }
0x16a: {  	v5 =	vor.u32 $0x83, v0;
	v3 =	vld.idx.msk [tilespmem:v3+s17+$0x0], $0xffff  }
0x16b: {  	v6 =	vld.idx.msk [tilespmem:v4+s16+$0x0], $0xffff  }
0x16c: {  	v7 =	vor.u32 $0x84, v0;
	v4 =	vld.idx.msk [tilespmem:v4+s17+$0x0], $0xffff  }
0x16d: {  	v8 =	vld.idx.msk [tilespmem:v1+s16+$0x0], $0xffff  }
0x16e: {  	v9 =	vor.u32 $0x85, v0;
	v1 =	vld.idx.msk [tilespmem:v1+s17+$0x0], $0xffff  }
0x16f: {  	v2 =	vmul.f32 v3, v2;
	v3 =	vld.idx.msk [tilespmem:v5+s16+$0x0], $0xffff  }
0x170: {  	v10 =	vor.u32 $0x86, v0;
	v5 =	vld.idx.msk [tilespmem:v5+s17+$0x0], $0xffff  }
0x171: {  	v4 =	vmul.f32 v4, v6;
	v6 =	vld.idx.msk [tilespmem:v7+s16+$0x0], $0xffff;
	v2 =	vadd.f32 $0.0e+00, v2  }
0x172: {  	v11 =	vor.u32 $0x87, v0;
	v7 =	vld.idx.msk [tilespmem:v7+s17+$0x0], $0xffff  }
0x173: {  	v1 =	vmul.f32 v1, v8;
	v8 =	vld.idx.msk [tilespmem:v9+s17+$0x0], $0xffff;
	v2 =	vadd.f32 v4, v2  }
0x174: {  	v4 =	vld.idx.msk [tilespmem:v9+s16+$0x0], $0xffff;
	v9 =	vor.u32 $0x88, v0  }
0x175: {  	v1 =	vadd.f32 v1, v2;
	v2 =	vmul.f32 v5, v3;
	v3 =	vld.idx.msk [tilespmem:v10+s16+$0x0], $0xffff  }
0x176: {  	v5 =	vld.idx.msk [tilespmem:v10+s17+$0x0], $0xffff;
	v10 =	vor.u32 $0x89, v0  }
0x177: {  	v1 =	vadd.f32 v2, v1;
	v2 =	vmul.f32 v7, v6;
	v6 =	vld.idx.msk [tilespmem:v11+s16+$0x0], $0xffff  }
0x178: {  	v7 =	vld.idx.msk [tilespmem:v11+s17+$0x0], $0xffff;
	v11 =	vor.u32 $0x8A, v0  }
0x179: {  	v1 =	vadd.f32 v2, v1;
	v2 =	vmul.f32 v8, v4;
	v4 =	vld.idx.msk [tilespmem:v9+s16+$0x0], $0xffff  }
0x17a: {  	v8 =	vld.idx.msk [tilespmem:v9+s17+$0x0], $0xffff;
	v9 =	vor.u32 $0x8B, v0  }
0x17b: {  	v1 =	vadd.f32 v2, v1;
	v2 =	vmul.f32 v5, v3;
	v3 =	vld.idx.msk [tilespmem:v10+s16+$0x0], $0xffff  }
0x17c: {  	v5 =	vld.idx.msk [tilespmem:v10+s17+$0x0], $0xffff;
	v10 =	vor.u32 $0x8C, v0  }
0x17d: {  	v1 =	vadd.f32 v2, v1;
	v2 =	vmul.f32 v7, v6;
	v6 =	vld.idx.msk [tilespmem:v11+s16+$0x0], $0xffff  }
0x17e: {  	v7 =	vld.idx.msk [tilespmem:v11+s17+$0x0], $0xffff;
	v11 =	vor.u32 $0x8D, v0  }
0x17f: {  	v1 =	vadd.f32 v2, v1;
	v2 =	vmul.f32 v8, v4;
	v4 =	vld.idx.msk [tilespmem:v9+s16+$0x0], $0xffff  }
0x180: {  	v8 =	vld.idx.msk [tilespmem:v9+s17+$0x0], $0xffff;
	v9 =	vor.u32 $0x8E, v0  }
0x181: {  	v1 =	vadd.f32 v2, v1;
	v2 =	vmul.f32 v5, v3;
	v3 =	vld.idx.msk [tilespmem:v10+s16+$0x0], $0xffff  }
0x182: {  	v5 =	vld.idx.msk [tilespmem:v10+s17+$0x0], $0xffff;
	v10 =	vor.u32 $0x8F, v0  }
0x183: {  	v1 =	vadd.f32 v2, v1;
	v2 =	vmul.f32 v7, v6;
	v6 =	vld.idx.msk [tilespmem:v11+s16+$0x0], $0xffff  }
0x184: {  	v7 =	vld.idx.msk [tilespmem:v11+s17+$0x0], $0xffff;
	v11 =	vor.u32 $0x90, v0  }
0x185: {  	v1 =	vadd.f32 v2, v1;
	v2 =	vmul.f32 v8, v4;
	v4 =	vld.idx.msk [tilespmem:v9+s16+$0x0], $0xffff  }
0x186: {  	v8 =	vld.idx.msk [tilespmem:v9+s17+$0x0], $0xffff;
	v9 =	vor.u32 $0x91, v0  }
0x187: {  	v1 =	vadd.f32 v2, v1;
	v2 =	vmul.f32 v5, v3;
	v3 =	vld.idx.msk [tilespmem:v10+s16+$0x0], $0xffff  }
0x188: {  	v5 =	vld.idx.msk [tilespmem:v10+s17+$0x0], $0xffff;
	v10 =	vor.u32 $0x92, v0  }
0x189: {  	v1 =	vadd.f32 v2, v1;
	v2 =	vmul.f32 v7, v6;
	v6 =	vld.idx.msk [tilespmem:v11+s16+$0x0], $0xffff  }
0x18a: {  	v7 =	vld.idx.msk [tilespmem:v11+s17+$0x0], $0xffff;
	v11 =	vor.u32 $0x93, v0  }
0x18b: {  	v1 =	vadd.f32 v2, v1;
	v2 =	vmul.f32 v8, v4;
	v4 =	vld.idx.msk [tilespmem:v9+s16+$0x0], $0xffff  }
0x18c: {  	v8 =	vld.idx.msk [tilespmem:v9+s17+$0x0], $0xffff;
	v9 =	vor.u32 $0x94, v0  }
0x18d: {  	v1 =	vadd.f32 v2, v1;
	v2 =	vmul.f32 v5, v3;
	v3 =	vld.idx.msk [tilespmem:v10+s16+$0x0], $0xffff  }
0x18e: {  	v5 =	vld.idx.msk [tilespmem:v10+s17+$0x0], $0xffff;
	v10 =	vor.u32 $0x95, v0  }
0x18f: {  	v1 =	vadd.f32 v2, v1;
	v2 =	vmul.f32 v7, v6;
	v6 =	vld.idx.msk [tilespmem:v11+s16+$0x0], $0xffff  }
0x190: {  	v7 =	vld.idx.msk [tilespmem:v11+s17+$0x0], $0xffff;
	v11 =	vor.u32 $0x96, v0  }
0x191: {  	v1 =	vadd.f32 v2, v1;
	v2 =	vmul.f32 v8, v4;
	v4 =	vld.idx.msk [tilespmem:v9+s16+$0x0], $0xffff  }
0x192: {  	v8 =	vld.idx.msk [tilespmem:v9+s17+$0x0], $0xffff;
	v9 =	vor.u32 $0x97, v0  }
0x193: {  	v1 =	vadd.f32 v2, v1;
	v2 =	vmul.f32 v5, v3;
	v3 =	vld.idx.msk [tilespmem:v10+s16+$0x0], $0xffff  }
0x194: {  	v5 =	vld.idx.msk [tilespmem:v10+s17+$0x0], $0xffff;
	v10 =	vor.u32 $0x98, v0  }
0x195: {  	v1 =	vadd.f32 v2, v1;
	v2 =	vmul.f32 v7, v6;
	v6 =	vld.idx.msk [tilespmem:v11+s16+$0x0], $0xffff  }
0x196: {  	v7 =	vld.idx.msk [tilespmem:v11+s17+$0x0], $0xffff;
	v11 =	vor.u32 $0x99, v0  }
0x197: {  	v1 =	vadd.f32 v2, v1;
	v2 =	vmul.f32 v8, v4;
	v4 =	vld.idx.msk [tilespmem:v9+s16+$0x0], $0xffff  }
0x198: {  	v8 =	vld.idx.msk [tilespmem:v9+s17+$0x0], $0xffff;
	v9 =	vor.u32 $0x9A, v0  }
0x199: {  	v1 =	vadd.f32 v2, v1;
	v2 =	vmul.f32 v5, v3;
	v3 =	vld.idx.msk [tilespmem:v10+s16+$0x0], $0xffff  }
0x19a: {  	v5 =	vld.idx.msk [tilespmem:v10+s17+$0x0], $0xffff;
	v10 =	vor.u32 $0x9B, v0  }
0x19b: {  	v1 =	vadd.f32 v2, v1;
	v2 =	vmul.f32 v7, v6;
	v6 =	vld.idx.msk [tilespmem:v11+s16+$0x0], $0xffff  }
0x19c: {  	v7 =	vld.idx.msk [tilespmem:v11+s17+$0x0], $0xffff;
	v11 =	vor.u32 $0x9C, v0  }
0x19d: {  	v1 =	vadd.f32 v2, v1;
	v2 =	vmul.f32 v8, v4;
	v4 =	vld.idx.msk [tilespmem:v9+s16+$0x0], $0xffff  }
0x19e: {  	v8 =	vld.idx.msk [tilespmem:v9+s17+$0x0], $0xffff;
	v9 =	vor.u32 $0x9D, v0  }
0x19f: {  	v1 =	vadd.f32 v2, v1;
	v2 =	vmul.f32 v5, v3;
	v3 =	vld.idx.msk [tilespmem:v10+s16+$0x0], $0xffff  }
0x1a0: {  	v5 =	vld.idx.msk [tilespmem:v10+s17+$0x0], $0xffff;
	v10 =	vor.u32 $0x9E, v0  }
0x1a1: {  	v1 =	vadd.f32 v2, v1;
	v2 =	vmul.f32 v7, v6;
	v6 =	vld.idx.msk [tilespmem:v11+s16+$0x0], $0xffff  }
0x1a2: {  	v7 =	vld.idx.msk [tilespmem:v11+s17+$0x0], $0xffff;
	v11 =	vor.u32 $0x9F, v0  }
0x1a3: {  	v1 =	vadd.f32 v2, v1;
	v2 =	vmul.f32 v8, v4;
	v4 =	vld.idx.msk [tilespmem:v9+s16+$0x0], $0xffff  }
0x1a4: {  	v8 =	vld.idx.msk [tilespmem:v9+s17+$0x0], $0xffff  }
0x1a5: {  	v1 =	vadd.f32 v2, v1;
	v2 =	vmul.f32 v5, v3;
	v3 =	vld.idx.msk [tilespmem:v10+s16+$0x0], $0xffff  }
0x1a6: {  	v5 =	vld.idx.msk [tilespmem:v10+s17+$0x0], $0xffff  }
0x1a7: {  	v1 =	vadd.f32 v2, v1;
	v2 =	vmul.f32 v7, v6;
	v6 =	vld.idx.msk [tilespmem:v11+s16+$0x0], $0xffff  }
0x1a8: {  	v7 =	vld.idx.msk [tilespmem:v11+s17+$0x0], $0xffff  }
0x1a9: {  	v1 =	vadd.f32 v2, v1;
	v2 =	vmul.f32 v8, v4;
	_ =	sdelay $0x1  }
0x1aa: {  	v1 =	vadd.f32 v2, v1;
	v2 =	vmul.f32 v5, v3;
	_ =	sdelay $0x1  }
0x1ab: {  	v1 =	vadd.f32 v2, v1;
	v2 =	vmul.f32 v7, v6;
	_ =	sdelay $0x1  }
0x1ac: {  	v1 =	vadd.f32 v2, v1;
	_ =	sdelay $0x1  }
0x1ad: {  	v1 =	vmul.f32 $1.767766920e-01, v1;
	_ =	sdelay $0x1  }
0x1ae: {  	v2 =	vmul.f32 $1.442695020e+00, v1;
	_ =	sdelay $0x1  }
0x1af: {  	(erf) = vpow2.f32 v2;
	_ =	sdelay $0x3  }
0x1b0: {  	v2 =	vor.u32 $0x4, v32;
	_ =	sdelay $0x1  }
0x1b1: {  	v3 =	vor.u32 $0xA0, v0;
	_ =	sdelay $0x1  }
0x1b2: {  	v4 =	vor.u32 $0xA1, v0  }
0x1b3: {  	[tilespmem:v2+s20+$0x0] =	vst.idx.msk $0xffff, v1;
	v5 =	vpop (erf)  }
0x1b4: {  	v1 =	vor.u32 $0xA2, v0;
	[tilespmem:v2+s21+$0x0] =	vst.idx.msk $0xffff, v5  }
0x1b5: {  	v2 =	vld.idx.msk [tilespmem:v3+s16+$0x0], $0xffff  }
0x1b6: {  	v5 =	vor.u32 $0xA3, v0;
	v3 =	vld.idx.msk [tilespmem:v3+s17+$0x0], $0xffff  }
0x1b7: {  	v6 =	vld.idx.msk [tilespmem:v4+s16+$0x0], $0xffff  }
0x1b8: {  	v7 =	vor.u32 $0xA4, v0;
	v4 =	vld.idx.msk [tilespmem:v4+s17+$0x0], $0xffff  }
0x1b9: {  	v8 =	vld.idx.msk [tilespmem:v1+s16+$0x0], $0xffff  }
0x1ba: {  	v9 =	vor.u32 $0xA5, v0;
	v1 =	vld.idx.msk [tilespmem:v1+s17+$0x0], $0xffff  }
0x1bb: {  	v2 =	vmul.f32 v3, v2;
	v3 =	vld.idx.msk [tilespmem:v5+s16+$0x0], $0xffff  }
0x1bc: {  	v10 =	vor.u32 $0xA6, v0;
	v5 =	vld.idx.msk [tilespmem:v5+s17+$0x0], $0xffff  }
0x1bd: {  	v4 =	vmul.f32 v4, v6;
	v6 =	vld.idx.msk [tilespmem:v7+s16+$0x0], $0xffff;
	v2 =	vadd.f32 $0.0e+00, v2  }
0x1be: {  	v11 =	vor.u32 $0xA7, v0;
	v7 =	vld.idx.msk [tilespmem:v7+s17+$0x0], $0xffff  }
0x1bf: {  	v1 =	vmul.f32 v1, v8;
	v8 =	vld.idx.msk [tilespmem:v9+s17+$0x0], $0xffff;
	v2 =	vadd.f32 v4, v2  }
0x1c0: {  	v4 =	vld.idx.msk [tilespmem:v9+s16+$0x0], $0xffff;
	v9 =	vor.u32 $0xA8, v0  }
0x1c1: {  	v1 =	vadd.f32 v1, v2;
	v2 =	vmul.f32 v5, v3;
	v3 =	vld.idx.msk [tilespmem:v10+s16+$0x0], $0xffff  }
0x1c2: {  	v5 =	vld.idx.msk [tilespmem:v10+s17+$0x0], $0xffff;
	v10 =	vor.u32 $0xA9, v0  }
0x1c3: {  	v1 =	vadd.f32 v2, v1;
	v2 =	vmul.f32 v7, v6;
	v6 =	vld.idx.msk [tilespmem:v11+s16+$0x0], $0xffff  }
0x1c4: {  	v7 =	vld.idx.msk [tilespmem:v11+s17+$0x0], $0xffff;
	v11 =	vor.u32 $0xAA, v0  }
0x1c5: {  	v1 =	vadd.f32 v2, v1;
	v2 =	vmul.f32 v8, v4;
	v4 =	vld.idx.msk [tilespmem:v9+s16+$0x0], $0xffff  }
0x1c6: {  	v8 =	vld.idx.msk [tilespmem:v9+s17+$0x0], $0xffff;
	v9 =	vor.u32 $0xAB, v0  }
0x1c7: {  	v1 =	vadd.f32 v2, v1;
	v2 =	vmul.f32 v5, v3;
	v3 =	vld.idx.msk [tilespmem:v10+s16+$0x0], $0xffff  }
0x1c8: {  	v5 =	vld.idx.msk [tilespmem:v10+s17+$0x0], $0xffff;
	v10 =	vor.u32 $0xAC, v0  }
0x1c9: {  	v1 =	vadd.f32 v2, v1;
	v2 =	vmul.f32 v7, v6;
	v6 =	vld.idx.msk [tilespmem:v11+s16+$0x0], $0xffff  }
0x1ca: {  	v7 =	vld.idx.msk [tilespmem:v11+s17+$0x0], $0xffff;
	v11 =	vor.u32 $0xAD, v0  }
0x1cb: {  	v1 =	vadd.f32 v2, v1;
	v2 =	vmul.f32 v8, v4;
	v4 =	vld.idx.msk [tilespmem:v9+s16+$0x0], $0xffff  }
0x1cc: {  	v8 =	vld.idx.msk [tilespmem:v9+s17+$0x0], $0xffff;
	v9 =	vor.u32 $0xAE, v0  }
0x1cd: {  	v1 =	vadd.f32 v2, v1;
	v2 =	vmul.f32 v5, v3;
	v3 =	vld.idx.msk [tilespmem:v10+s16+$0x0], $0xffff  }
0x1ce: {  	v5 =	vld.idx.msk [tilespmem:v10+s17+$0x0], $0xffff;
	v10 =	vor.u32 $0xAF, v0  }
0x1cf: {  	v1 =	vadd.f32 v2, v1;
	v2 =	vmul.f32 v7, v6;
	v6 =	vld.idx.msk [tilespmem:v11+s16+$0x0], $0xffff  }
0x1d0: {  	v7 =	vld.idx.msk [tilespmem:v11+s17+$0x0], $0xffff;
	v11 =	vor.u32 $0xB0, v0  }
0x1d1: {  	v1 =	vadd.f32 v2, v1;
	v2 =	vmul.f32 v8, v4;
	v4 =	vld.idx.msk [tilespmem:v9+s16+$0x0], $0xffff  }
0x1d2: {  	v8 =	vld.idx.msk [tilespmem:v9+s17+$0x0], $0xffff;
	v9 =	vor.u32 $0xB1, v0  }
0x1d3: {  	v1 =	vadd.f32 v2, v1;
	v2 =	vmul.f32 v5, v3;
	v3 =	vld.idx.msk [tilespmem:v10+s16+$0x0], $0xffff  }
0x1d4: {  	v5 =	vld.idx.msk [tilespmem:v10+s17+$0x0], $0xffff;
	v10 =	vor.u32 $0xB2, v0  }
0x1d5: {  	v1 =	vadd.f32 v2, v1;
	v2 =	vmul.f32 v7, v6;
	v6 =	vld.idx.msk [tilespmem:v11+s16+$0x0], $0xffff  }
0x1d6: {  	v7 =	vld.idx.msk [tilespmem:v11+s17+$0x0], $0xffff;
	v11 =	vor.u32 $0xB3, v0  }
0x1d7: {  	v1 =	vadd.f32 v2, v1;
	v2 =	vmul.f32 v8, v4;
	v4 =	vld.idx.msk [tilespmem:v9+s16+$0x0], $0xffff  }
0x1d8: {  	v8 =	vld.idx.msk [tilespmem:v9+s17+$0x0], $0xffff;
	v9 =	vor.u32 $0xB4, v0  }
0x1d9: {  	v1 =	vadd.f32 v2, v1;
	v2 =	vmul.f32 v5, v3;
	v3 =	vld.idx.msk [tilespmem:v10+s16+$0x0], $0xffff  }
0x1da: {  	v5 =	vld.idx.msk [tilespmem:v10+s17+$0x0], $0xffff;
	v10 =	vor.u32 $0xB5, v0  }
0x1db: {  	v1 =	vadd.f32 v2, v1;
	v2 =	vmul.f32 v7, v6;
	v6 =	vld.idx.msk [tilespmem:v11+s16+$0x0], $0xffff  }
0x1dc: {  	v7 =	vld.idx.msk [tilespmem:v11+s17+$0x0], $0xffff;
	v11 =	vor.u32 $0xB6, v0  }
0x1dd: {  	v1 =	vadd.f32 v2, v1;
	v2 =	vmul.f32 v8, v4;
	v4 =	vld.idx.msk [tilespmem:v9+s16+$0x0], $0xffff  }
0x1de: {  	v8 =	vld.idx.msk [tilespmem:v9+s17+$0x0], $0xffff;
	v9 =	vor.u32 $0xB7, v0  }
0x1df: {  	v1 =	vadd.f32 v2, v1;
	v2 =	vmul.f32 v5, v3;
	v3 =	vld.idx.msk [tilespmem:v10+s16+$0x0], $0xffff  }
0x1e0: {  	v5 =	vld.idx.msk [tilespmem:v10+s17+$0x0], $0xffff;
	v10 =	vor.u32 $0xB8, v0  }
0x1e1: {  	v1 =	vadd.f32 v2, v1;
	v2 =	vmul.f32 v7, v6;
	v6 =	vld.idx.msk [tilespmem:v11+s16+$0x0], $0xffff  }
0x1e2: {  	v7 =	vld.idx.msk [tilespmem:v11+s17+$0x0], $0xffff;
	v11 =	vor.u32 $0xB9, v0  }
0x1e3: {  	v1 =	vadd.f32 v2, v1;
	v2 =	vmul.f32 v8, v4;
	v4 =	vld.idx.msk [tilespmem:v9+s16+$0x0], $0xffff  }
0x1e4: {  	v8 =	vld.idx.msk [tilespmem:v9+s17+$0x0], $0xffff;
	v9 =	vor.u32 $0xBA, v0  }
0x1e5: {  	v1 =	vadd.f32 v2, v1;
	v2 =	vmul.f32 v5, v3;
	v3 =	vld.idx.msk [tilespmem:v10+s16+$0x0], $0xffff  }
0x1e6: {  	v5 =	vld.idx.msk [tilespmem:v10+s17+$0x0], $0xffff;
	v10 =	vor.u32 $0xBB, v0  }
0x1e7: {  	v1 =	vadd.f32 v2, v1;
	v2 =	vmul.f32 v7, v6;
	v6 =	vld.idx.msk [tilespmem:v11+s16+$0x0], $0xffff  }
0x1e8: {  	v7 =	vld.idx.msk [tilespmem:v11+s17+$0x0], $0xffff;
	v11 =	vor.u32 $0xBC, v0  }
0x1e9: {  	v1 =	vadd.f32 v2, v1;
	v2 =	vmul.f32 v8, v4;
	v4 =	vld.idx.msk [tilespmem:v9+s16+$0x0], $0xffff  }
0x1ea: {  	v8 =	vld.idx.msk [tilespmem:v9+s17+$0x0], $0xffff;
	v9 =	vor.u32 $0xBD, v0  }
0x1eb: {  	v1 =	vadd.f32 v2, v1;
	v2 =	vmul.f32 v5, v3;
	v3 =	vld.idx.msk [tilespmem:v10+s16+$0x0], $0xffff  }
0x1ec: {  	v5 =	vld.idx.msk [tilespmem:v10+s17+$0x0], $0xffff;
	v10 =	vor.u32 $0xBE, v0  }
0x1ed: {  	v1 =	vadd.f32 v2, v1;
	v2 =	vmul.f32 v7, v6;
	v6 =	vld.idx.msk [tilespmem:v11+s16+$0x0], $0xffff  }
0x1ee: {  	v7 =	vld.idx.msk [tilespmem:v11+s17+$0x0], $0xffff;
	v11 =	vor.u32 $0xBF, v0  }
0x1ef: {  	v1 =	vadd.f32 v2, v1;
	v2 =	vmul.f32 v8, v4;
	v4 =	vld.idx.msk [tilespmem:v9+s16+$0x0], $0xffff  }
0x1f0: {  	v8 =	vld.idx.msk [tilespmem:v9+s17+$0x0], $0xffff  }
0x1f1: {  	v1 =	vadd.f32 v2, v1;
	v2 =	vmul.f32 v5, v3;
	v3 =	vld.idx.msk [tilespmem:v10+s16+$0x0], $0xffff  }
0x1f2: {  	v5 =	vld.idx.msk [tilespmem:v10+s17+$0x0], $0xffff  }
0x1f3: {  	v1 =	vadd.f32 v2, v1;
	v2 =	vmul.f32 v7, v6;
	v6 =	vld.idx.msk [tilespmem:v11+s16+$0x0], $0xffff  }
0x1f4: {  	v7 =	vld.idx.msk [tilespmem:v11+s17+$0x0], $0xffff  }
0x1f5: {  	v1 =	vadd.f32 v2, v1;
	v2 =	vmul.f32 v8, v4;
	_ =	sdelay $0x1  }
0x1f6: {  	v1 =	vadd.f32 v2, v1;
	v2 =	vmul.f32 v5, v3;
	_ =	sdelay $0x1  }
0x1f7: {  	v1 =	vadd.f32 v2, v1;
	v2 =	vmul.f32 v7, v6;
	_ =	sdelay $0x1  }
0x1f8: {  	v1 =	vadd.f32 v2, v1;
	_ =	sdelay $0x1  }
0x1f9: {  	v1 =	vmul.f32 $1.767766920e-01, v1;
	_ =	sdelay $0x1  }
0x1fa: {  	v2 =	vmul.f32 $1.442695020e+00, v1;
	_ =	sdelay $0x1  }
0x1fb: {  	(erf) = vpow2.f32 v2;
	_ =	sdelay $0x3  }
0x1fc: {  	v2 =	vor.u32 $0x5, v32;
	_ =	sdelay $0x1  }
0x1fd: {  	v3 =	vor.u32 $0xC0, v0;
	_ =	sdelay $0x1  }
0x1fe: {  	v4 =	vor.u32 $0xC1, v0  }
0x1ff: {  	[tilespmem:v2+s20+$0x0] =	vst.idx.msk $0xffff, v1;
	v5 =	vpop (erf)  }
0x200: {  	v1 =	vor.u32 $0xC2, v0;
	[tilespmem:v2+s21+$0x0] =	vst.idx.msk $0xffff, v5  }
0x201: {  	v2 =	vld.idx.msk [tilespmem:v3+s16+$0x0], $0xffff  }
0x202: {  	v5 =	vor.u32 $0xC3, v0;
	v3 =	vld.idx.msk [tilespmem:v3+s17+$0x0], $0xffff  }
0x203: {  	v6 =	vld.idx.msk [tilespmem:v4+s16+$0x0], $0xffff  }
0x204: {  	v7 =	vor.u32 $0xC4, v0;
	v4 =	vld.idx.msk [tilespmem:v4+s17+$0x0], $0xffff  }
0x205: {  	v8 =	vld.idx.msk [tilespmem:v1+s16+$0x0], $0xffff  }
0x206: {  	v9 =	vor.u32 $0xC5, v0;
	v1 =	vld.idx.msk [tilespmem:v1+s17+$0x0], $0xffff  }
0x207: {  	v2 =	vmul.f32 v3, v2;
	v3 =	vld.idx.msk [tilespmem:v5+s16+$0x0], $0xffff  }
0x208: {  	v10 =	vor.u32 $0xC6, v0;
	v5 =	vld.idx.msk [tilespmem:v5+s17+$0x0], $0xffff  }
0x209: {  	v4 =	vmul.f32 v4, v6;
	v6 =	vld.idx.msk [tilespmem:v7+s16+$0x0], $0xffff;
	v2 =	vadd.f32 $0.0e+00, v2  }
0x20a: {  	v11 =	vor.u32 $0xC7, v0;
	v7 =	vld.idx.msk [tilespmem:v7+s17+$0x0], $0xffff  }
0x20b: {  	v1 =	vmul.f32 v1, v8;
	v8 =	vld.idx.msk [tilespmem:v9+s17+$0x0], $0xffff;
	v2 =	vadd.f32 v4, v2  }
0x20c: {  	v4 =	vld.idx.msk [tilespmem:v9+s16+$0x0], $0xffff;
	v9 =	vor.u32 $0xC8, v0  }
0x20d: {  	v1 =	vadd.f32 v1, v2;
	v2 =	vmul.f32 v5, v3;
	v3 =	vld.idx.msk [tilespmem:v10+s16+$0x0], $0xffff  }
0x20e: {  	v5 =	vld.idx.msk [tilespmem:v10+s17+$0x0], $0xffff;
	v10 =	vor.u32 $0xC9, v0  }
0x20f: {  	v1 =	vadd.f32 v2, v1;
	v2 =	vmul.f32 v7, v6;
	v6 =	vld.idx.msk [tilespmem:v11+s16+$0x0], $0xffff  }
0x210: {  	v7 =	vld.idx.msk [tilespmem:v11+s17+$0x0], $0xffff;
	v11 =	vor.u32 $0xCA, v0  }
0x211: {  	v1 =	vadd.f32 v2, v1;
	v2 =	vmul.f32 v8, v4;
	v4 =	vld.idx.msk [tilespmem:v9+s16+$0x0], $0xffff  }
0x212: {  	v8 =	vld.idx.msk [tilespmem:v9+s17+$0x0], $0xffff;
	v9 =	vor.u32 $0xCB, v0  }
0x213: {  	v1 =	vadd.f32 v2, v1;
	v2 =	vmul.f32 v5, v3;
	v3 =	vld.idx.msk [tilespmem:v10+s16+$0x0], $0xffff  }
0x214: {  	v5 =	vld.idx.msk [tilespmem:v10+s17+$0x0], $0xffff;
	v10 =	vor.u32 $0xCC, v0  }
0x215: {  	v1 =	vadd.f32 v2, v1;
	v2 =	vmul.f32 v7, v6;
	v6 =	vld.idx.msk [tilespmem:v11+s16+$0x0], $0xffff  }
0x216: {  	v7 =	vld.idx.msk [tilespmem:v11+s17+$0x0], $0xffff;
	v11 =	vor.u32 $0xCD, v0  }
0x217: {  	v1 =	vadd.f32 v2, v1;
	v2 =	vmul.f32 v8, v4;
	v4 =	vld.idx.msk [tilespmem:v9+s16+$0x0], $0xffff  }
0x218: {  	v8 =	vld.idx.msk [tilespmem:v9+s17+$0x0], $0xffff;
	v9 =	vor.u32 $0xCE, v0  }
0x219: {  	v1 =	vadd.f32 v2, v1;
	v2 =	vmul.f32 v5, v3;
	v3 =	vld.idx.msk [tilespmem:v10+s16+$0x0], $0xffff  }
0x21a: {  	v5 =	vld.idx.msk [tilespmem:v10+s17+$0x0], $0xffff;
	v10 =	vor.u32 $0xCF, v0  }
0x21b: {  	v1 =	vadd.f32 v2, v1;
	v2 =	vmul.f32 v7, v6;
	v6 =	vld.idx.msk [tilespmem:v11+s16+$0x0], $0xffff  }
0x21c: {  	v7 =	vld.idx.msk [tilespmem:v11+s17+$0x0], $0xffff;
	v11 =	vor.u32 $0xD0, v0  }
0x21d: {  	v1 =	vadd.f32 v2, v1;
	v2 =	vmul.f32 v8, v4;
	v4 =	vld.idx.msk [tilespmem:v9+s16+$0x0], $0xffff  }
0x21e: {  	v8 =	vld.idx.msk [tilespmem:v9+s17+$0x0], $0xffff;
	v9 =	vor.u32 $0xD1, v0  }
0x21f: {  	v1 =	vadd.f32 v2, v1;
	v2 =	vmul.f32 v5, v3;
	v3 =	vld.idx.msk [tilespmem:v10+s16+$0x0], $0xffff  }
0x220: {  	v5 =	vld.idx.msk [tilespmem:v10+s17+$0x0], $0xffff;
	v10 =	vor.u32 $0xD2, v0  }
0x221: {  	v1 =	vadd.f32 v2, v1;
	v2 =	vmul.f32 v7, v6;
	v6 =	vld.idx.msk [tilespmem:v11+s16+$0x0], $0xffff  }
0x222: {  	v7 =	vld.idx.msk [tilespmem:v11+s17+$0x0], $0xffff;
	v11 =	vor.u32 $0xD3, v0  }
0x223: {  	v1 =	vadd.f32 v2, v1;
	v2 =	vmul.f32 v8, v4;
	v4 =	vld.idx.msk [tilespmem:v9+s16+$0x0], $0xffff  }
0x224: {  	v8 =	vld.idx.msk [tilespmem:v9+s17+$0x0], $0xffff;
	v9 =	vor.u32 $0xD4, v0  }
0x225: {  	v1 =	vadd.f32 v2, v1;
	v2 =	vmul.f32 v5, v3;
	v3 =	vld.idx.msk [tilespmem:v10+s16+$0x0], $0xffff  }
0x226: {  	v5 =	vld.idx.msk [tilespmem:v10+s17+$0x0], $0xffff;
	v10 =	vor.u32 $0xD5, v0  }
0x227: {  	v1 =	vadd.f32 v2, v1;
	v2 =	vmul.f32 v7, v6;
	v6 =	vld.idx.msk [tilespmem:v11+s16+$0x0], $0xffff  }
0x228: {  	v7 =	vld.idx.msk [tilespmem:v11+s17+$0x0], $0xffff;
	v11 =	vor.u32 $0xD6, v0  }
0x229: {  	v1 =	vadd.f32 v2, v1;
	v2 =	vmul.f32 v8, v4;
	v4 =	vld.idx.msk [tilespmem:v9+s16+$0x0], $0xffff  }
0x22a: {  	v8 =	vld.idx.msk [tilespmem:v9+s17+$0x0], $0xffff;
	v9 =	vor.u32 $0xD7, v0  }
0x22b: {  	v1 =	vadd.f32 v2, v1;
	v2 =	vmul.f32 v5, v3;
	v3 =	vld.idx.msk [tilespmem:v10+s16+$0x0], $0xffff  }
0x22c: {  	v5 =	vld.idx.msk [tilespmem:v10+s17+$0x0], $0xffff;
	v10 =	vor.u32 $0xD8, v0  }
0x22d: {  	v1 =	vadd.f32 v2, v1;
	v2 =	vmul.f32 v7, v6;
	v6 =	vld.idx.msk [tilespmem:v11+s16+$0x0], $0xffff  }
0x22e: {  	v7 =	vld.idx.msk [tilespmem:v11+s17+$0x0], $0xffff;
	v11 =	vor.u32 $0xD9, v0  }
0x22f: {  	v1 =	vadd.f32 v2, v1;
	v2 =	vmul.f32 v8, v4;
	v4 =	vld.idx.msk [tilespmem:v9+s16+$0x0], $0xffff  }
0x230: {  	v8 =	vld.idx.msk [tilespmem:v9+s17+$0x0], $0xffff;
	v9 =	vor.u32 $0xDA, v0  }
0x231: {  	v1 =	vadd.f32 v2, v1;
	v2 =	vmul.f32 v5, v3;
	v3 =	vld.idx.msk [tilespmem:v10+s16+$0x0], $0xffff  }
0x232: {  	v5 =	vld.idx.msk [tilespmem:v10+s17+$0x0], $0xffff;
	v10 =	vor.u32 $0xDB, v0  }
0x233: {  	v1 =	vadd.f32 v2, v1;
	v2 =	vmul.f32 v7, v6;
	v6 =	vld.idx.msk [tilespmem:v11+s16+$0x0], $0xffff  }
0x234: {  	v7 =	vld.idx.msk [tilespmem:v11+s17+$0x0], $0xffff;
	v11 =	vor.u32 $0xDC, v0  }
0x235: {  	v1 =	vadd.f32 v2, v1;
	v2 =	vmul.f32 v8, v4;
	v4 =	vld.idx.msk [tilespmem:v9+s16+$0x0], $0xffff  }
0x236: {  	v8 =	vld.idx.msk [tilespmem:v9+s17+$0x0], $0xffff;
	v9 =	vor.u32 $0xDD, v0  }
0x237: {  	v1 =	vadd.f32 v2, v1;
	v2 =	vmul.f32 v5, v3;
	v3 =	vld.idx.msk [tilespmem:v10+s16+$0x0], $0xffff  }
0x238: {  	v5 =	vld.idx.msk [tilespmem:v10+s17+$0x0], $0xffff;
	v10 =	vor.u32 $0xDE, v0  }
0x239: {  	v1 =	vadd.f32 v2, v1;
	v2 =	vmul.f32 v7, v6;
	v6 =	vld.idx.msk [tilespmem:v11+s16+$0x0], $0xffff  }
0x23a: {  	v7 =	vld.idx.msk [tilespmem:v11+s17+$0x0], $0xffff;
	v11 =	vor.u32 $0xDF, v0  }
0x23b: {  	v1 =	vadd.f32 v2, v1;
	v2 =	vmul.f32 v8, v4;
	v4 =	vld.idx.msk [tilespmem:v9+s16+$0x0], $0xffff  }
0x23c: {  	v8 =	vld.idx.msk [tilespmem:v9+s17+$0x0], $0xffff  }
0x23d: {  	v1 =	vadd.f32 v2, v1;
	v2 =	vmul.f32 v5, v3;
	v3 =	vld.idx.msk [tilespmem:v10+s16+$0x0], $0xffff  }
0x23e: {  	v5 =	vld.idx.msk [tilespmem:v10+s17+$0x0], $0xffff  }
0x23f: {  	v1 =	vadd.f32 v2, v1;
	v2 =	vmul.f32 v7, v6;
	v6 =	vld.idx.msk [tilespmem:v11+s16+$0x0], $0xffff  }
0x240: {  	v7 =	vld.idx.msk [tilespmem:v11+s17+$0x0], $0xffff  }
0x241: {  	v1 =	vadd.f32 v2, v1;
	v2 =	vmul.f32 v8, v4;
	_ =	sdelay $0x1  }
0x242: {  	v1 =	vadd.f32 v2, v1;
	v2 =	vmul.f32 v5, v3;
	_ =	sdelay $0x1  }
0x243: {  	v1 =	vadd.f32 v2, v1;
	v2 =	vmul.f32 v7, v6;
	_ =	sdelay $0x1  }
0x244: {  	v1 =	vadd.f32 v2, v1;
	_ =	sdelay $0x1  }
0x245: {  	v1 =	vmul.f32 $1.767766920e-01, v1;
	_ =	sdelay $0x1  }
0x246: {  	v2 =	vmul.f32 $1.442695020e+00, v1;
	_ =	sdelay $0x1  }
0x247: {  	(erf) = vpow2.f32 v2;
	_ =	sdelay $0x3  }
0x248: {  	v2 =	vor.u32 $0x6, v32;
	_ =	sdelay $0x1  }
0x249: {  	v3 =	vor.u32 $0xE0, v0;
	_ =	sdelay $0x1  }
0x24a: {  	v4 =	vor.u32 $0xE1, v0  }
0x24b: {  	[tilespmem:v2+s20+$0x0] =	vst.idx.msk $0xffff, v1;
	v5 =	vpop (erf)  }
0x24c: {  	v1 =	vor.u32 $0xE2, v0;
	[tilespmem:v2+s21+$0x0] =	vst.idx.msk $0xffff, v5  }
0x24d: {  	v2 =	vld.idx.msk [tilespmem:v3+s16+$0x0], $0xffff  }
0x24e: {  	v5 =	vor.u32 $0xE3, v0;
	v3 =	vld.idx.msk [tilespmem:v3+s17+$0x0], $0xffff  }
0x24f: {  	v6 =	vld.idx.msk [tilespmem:v4+s16+$0x0], $0xffff  }
0x250: {  	v7 =	vor.u32 $0xE4, v0;
	v4 =	vld.idx.msk [tilespmem:v4+s17+$0x0], $0xffff  }
0x251: {  	v8 =	vld.idx.msk [tilespmem:v1+s16+$0x0], $0xffff  }
0x252: {  	v9 =	vor.u32 $0xE5, v0;
	v1 =	vld.idx.msk [tilespmem:v1+s17+$0x0], $0xffff  }
0x253: {  	v2 =	vmul.f32 v3, v2;
	v3 =	vld.idx.msk [tilespmem:v5+s16+$0x0], $0xffff  }
0x254: {  	v10 =	vor.u32 $0xE6, v0;
	v5 =	vld.idx.msk [tilespmem:v5+s17+$0x0], $0xffff  }
0x255: {  	v4 =	vmul.f32 v4, v6;
	v6 =	vld.idx.msk [tilespmem:v7+s16+$0x0], $0xffff;
	v2 =	vadd.f32 $0.0e+00, v2  }
0x256: {  	v11 =	vor.u32 $0xE7, v0;
	v7 =	vld.idx.msk [tilespmem:v7+s17+$0x0], $0xffff  }
0x257: {  	v1 =	vmul.f32 v1, v8;
	v8 =	vld.idx.msk [tilespmem:v9+s17+$0x0], $0xffff;
	v2 =	vadd.f32 v4, v2  }
0x258: {  	v4 =	vld.idx.msk [tilespmem:v9+s16+$0x0], $0xffff;
	v9 =	vor.u32 $0xE8, v0  }
0x259: {  	v1 =	vadd.f32 v1, v2;
	v2 =	vmul.f32 v5, v3;
	v3 =	vld.idx.msk [tilespmem:v10+s16+$0x0], $0xffff  }
0x25a: {  	v5 =	vld.idx.msk [tilespmem:v10+s17+$0x0], $0xffff;
	v10 =	vor.u32 $0xE9, v0  }
0x25b: {  	v1 =	vadd.f32 v2, v1;
	v2 =	vmul.f32 v7, v6;
	v6 =	vld.idx.msk [tilespmem:v11+s16+$0x0], $0xffff  }
0x25c: {  	v7 =	vld.idx.msk [tilespmem:v11+s17+$0x0], $0xffff;
	v11 =	vor.u32 $0xEA, v0  }
0x25d: {  	v1 =	vadd.f32 v2, v1;
	v2 =	vmul.f32 v8, v4;
	v4 =	vld.idx.msk [tilespmem:v9+s16+$0x0], $0xffff  }
0x25e: {  	v8 =	vld.idx.msk [tilespmem:v9+s17+$0x0], $0xffff;
	v9 =	vor.u32 $0xEB, v0  }
0x25f: {  	v1 =	vadd.f32 v2, v1;
	v2 =	vmul.f32 v5, v3;
	v3 =	vld.idx.msk [tilespmem:v10+s16+$0x0], $0xffff  }
0x260: {  	v5 =	vld.idx.msk [tilespmem:v10+s17+$0x0], $0xffff;
	v10 =	vor.u32 $0xEC, v0  }
0x261: {  	v1 =	vadd.f32 v2, v1;
	v2 =	vmul.f32 v7, v6;
	v6 =	vld.idx.msk [tilespmem:v11+s16+$0x0], $0xffff  }
0x262: {  	v7 =	vld.idx.msk [tilespmem:v11+s17+$0x0], $0xffff;
	v11 =	vor.u32 $0xED, v0  }
0x263: {  	v1 =	vadd.f32 v2, v1;
	v2 =	vmul.f32 v8, v4;
	v4 =	vld.idx.msk [tilespmem:v9+s16+$0x0], $0xffff  }
0x264: {  	v8 =	vld.idx.msk [tilespmem:v9+s17+$0x0], $0xffff;
	v9 =	vor.u32 $0xEE, v0  }
0x265: {  	v1 =	vadd.f32 v2, v1;
	v2 =	vmul.f32 v5, v3;
	v3 =	vld.idx.msk [tilespmem:v10+s16+$0x0], $0xffff  }
0x266: {  	v5 =	vld.idx.msk [tilespmem:v10+s17+$0x0], $0xffff;
	v10 =	vor.u32 $0xEF, v0  }
0x267: {  	v1 =	vadd.f32 v2, v1;
	v2 =	vmul.f32 v7, v6;
	v6 =	vld.idx.msk [tilespmem:v11+s16+$0x0], $0xffff  }
0x268: {  	v7 =	vld.idx.msk [tilespmem:v11+s17+$0x0], $0xffff;
	v11 =	vor.u32 $0xF0, v0  }
0x269: {  	v1 =	vadd.f32 v2, v1;
	v2 =	vmul.f32 v8, v4;
	v4 =	vld.idx.msk [tilespmem:v9+s16+$0x0], $0xffff  }
0x26a: {  	v8 =	vld.idx.msk [tilespmem:v9+s17+$0x0], $0xffff;
	v9 =	vor.u32 $0xF1, v0  }
0x26b: {  	v1 =	vadd.f32 v2, v1;
	v2 =	vmul.f32 v5, v3;
	v3 =	vld.idx.msk [tilespmem:v10+s16+$0x0], $0xffff  }
0x26c: {  	v5 =	vld.idx.msk [tilespmem:v10+s17+$0x0], $0xffff;
	v10 =	vor.u32 $0xF2, v0  }
0x26d: {  	v1 =	vadd.f32 v2, v1;
	v2 =	vmul.f32 v7, v6;
	v6 =	vld.idx.msk [tilespmem:v11+s16+$0x0], $0xffff  }
0x26e: {  	v7 =	vld.idx.msk [tilespmem:v11+s17+$0x0], $0xffff;
	v11 =	vor.u32 $0xF3, v0  }
0x26f: {  	v1 =	vadd.f32 v2, v1;
	v2 =	vmul.f32 v8, v4;
	v4 =	vld.idx.msk [tilespmem:v9+s16+$0x0], $0xffff  }
0x270: {  	v8 =	vld.idx.msk [tilespmem:v9+s17+$0x0], $0xffff;
	v9 =	vor.u32 $0xF4, v0  }
0x271: {  	v1 =	vadd.f32 v2, v1;
	v2 =	vmul.f32 v5, v3;
	v3 =	vld.idx.msk [tilespmem:v10+s16+$0x0], $0xffff  }
0x272: {  	v5 =	vld.idx.msk [tilespmem:v10+s17+$0x0], $0xffff;
	v10 =	vor.u32 $0xF5, v0  }
0x273: {  	v1 =	vadd.f32 v2, v1;
	v2 =	vmul.f32 v7, v6;
	v6 =	vld.idx.msk [tilespmem:v11+s16+$0x0], $0xffff  }
0x274: {  	v7 =	vld.idx.msk [tilespmem:v11+s17+$0x0], $0xffff;
	v11 =	vor.u32 $0xF6, v0  }
0x275: {  	v1 =	vadd.f32 v2, v1;
	v2 =	vmul.f32 v8, v4;
	v4 =	vld.idx.msk [tilespmem:v9+s16+$0x0], $0xffff  }
0x276: {  	v8 =	vld.idx.msk [tilespmem:v9+s17+$0x0], $0xffff;
	v9 =	vor.u32 $0xF7, v0  }
0x277: {  	v1 =	vadd.f32 v2, v1;
	v2 =	vmul.f32 v5, v3;
	v3 =	vld.idx.msk [tilespmem:v10+s16+$0x0], $0xffff  }
0x278: {  	v5 =	vld.idx.msk [tilespmem:v10+s17+$0x0], $0xffff;
	v10 =	vor.u32 $0xF8, v0  }
0x279: {  	v1 =	vadd.f32 v2, v1;
	v2 =	vmul.f32 v7, v6;
	v6 =	vld.idx.msk [tilespmem:v11+s16+$0x0], $0xffff  }
0x27a: {  	v7 =	vld.idx.msk [tilespmem:v11+s17+$0x0], $0xffff;
	v11 =	vor.u32 $0xF9, v0  }
0x27b: {  	v1 =	vadd.f32 v2, v1;
	v2 =	vmul.f32 v8, v4;
	v4 =	vld.idx.msk [tilespmem:v9+s16+$0x0], $0xffff  }
0x27c: {  	v8 =	vld.idx.msk [tilespmem:v9+s17+$0x0], $0xffff;
	v9 =	vor.u32 $0xFA, v0  }
0x27d: {  	v1 =	vadd.f32 v2, v1;
	v2 =	vmul.f32 v5, v3;
	v3 =	vld.idx.msk [tilespmem:v10+s16+$0x0], $0xffff  }
0x27e: {  	v5 =	vld.idx.msk [tilespmem:v10+s17+$0x0], $0xffff;
	v10 =	vor.u32 $0xFB, v0  }
0x27f: {  	v1 =	vadd.f32 v2, v1;
	v2 =	vmul.f32 v7, v6;
	v6 =	vld.idx.msk [tilespmem:v11+s16+$0x0], $0xffff  }
0x280: {  	v7 =	vld.idx.msk [tilespmem:v11+s17+$0x0], $0xffff;
	v11 =	vor.u32 $0xFC, v0  }
0x281: {  	v1 =	vadd.f32 v2, v1;
	v2 =	vmul.f32 v8, v4;
	v4 =	vld.idx.msk [tilespmem:v9+s16+$0x0], $0xffff  }
0x282: {  	v8 =	vld.idx.msk [tilespmem:v9+s17+$0x0], $0xffff;
	v9 =	vor.u32 $0xFD, v0  }
0x283: {  	v1 =	vadd.f32 v2, v1;
	v2 =	vmul.f32 v5, v3;
	v3 =	vld.idx.msk [tilespmem:v10+s16+$0x0], $0xffff  }
0x284: {  	v5 =	vld.idx.msk [tilespmem:v10+s17+$0x0], $0xffff;
	v10 =	vor.u32 $0xFE, v0  }
0x285: {  	v1 =	vadd.f32 v2, v1;
	v2 =	vmul.f32 v7, v6;
	v6 =	vld.idx.msk [tilespmem:v11+s16+$0x0], $0xffff  }
0x286: {  	v7 =	vld.idx.msk [tilespmem:v11+s17+$0x0], $0xffff;
	v11 =	vor.u32 $0xFF, v0  }
0x287: {  	v1 =	vadd.f32 v2, v1;
	v2 =	vmul.f32 v8, v4;
	v4 =	vld.idx.msk [tilespmem:v9+s16+$0x0], $0xffff  }
0x288: {  	v8 =	vld.idx.msk [tilespmem:v9+s17+$0x0], $0xffff  }
0x289: {  	v1 =	vadd.f32 v2, v1;
	v2 =	vmul.f32 v5, v3;
	v3 =	vld.idx.msk [tilespmem:v10+s16+$0x0], $0xffff  }
0x28a: {  	v5 =	vld.idx.msk [tilespmem:v10+s17+$0x0], $0xffff  }
0x28b: {  	v1 =	vadd.f32 v2, v1;
	v2 =	vmul.f32 v7, v6;
	v6 =	vld.idx.msk [tilespmem:v11+s16+$0x0], $0xffff  }
0x28c: {  	v7 =	vld.idx.msk [tilespmem:v11+s17+$0x0], $0xffff  }
0x28d: {  	v1 =	vadd.f32 v2, v1;
	v2 =	vmul.f32 v8, v4;
	_ =	sdelay $0x1  }
0x28e: {  	v1 =	vadd.f32 v2, v1;
	v2 =	vmul.f32 v5, v3;
	_ =	sdelay $0x1  }
0x28f: {  	v1 =	vadd.f32 v2, v1;
	v2 =	vmul.f32 v7, v6;
	_ =	sdelay $0x1  }
0x290: {  	v1 =	vadd.f32 v2, v1;
	_ =	sdelay $0x1  }
0x291: {  	v1 =	vmul.f32 $1.767766920e-01, v1;
	_ =	sdelay $0x1  }
0x292: {  	v2 =	vmul.f32 $1.442695020e+00, v1;
	_ =	sdelay $0x1  }
0x293: {  	(erf) = vpow2.f32 v2;
	_ =	sdelay $0x3  }
0x294: {  	v2 =	vor.u32 $0x7, v32;
	_ =	sdelay $0x4  }
0x295: {  	p0 =	sne.s32 s26, $0x1380;
	v9 =	vmov v16;
	v16 =	vmov v18;
	v18 =	vld [tilespmem:$0x1FFF0];
	[tilespmem:v2+s20+$0x0] =	vst.idx.msk $0xffff, v1;
	v1 =	vpop (erf)  }
.Ltmp0:
0x296: {  	v10 =	vld [tilespmem:$0x1FFD0];
	[tilespmem:v2+s21+$0x0] =	vst.idx.msk $0xffff, v1;
	(pc) =	sbr.rel @p0 .LBB2_2-.Ltmp0, $4  }
0x297: {  	v11 =	vld [tilespmem:$0x1FFE0];
	[spmem:s3] =	stream.indirect_vreg.scatter.add.f32 [tilespmem:s25], [sflag:$0x3], $0x8, v63, vm0, $0xb8  }
0x298: {  	v8 =	vld [tilespmem:$0x1FFC0];
	_ =	swait.ge [sflag:s13], $0x80  }
0x299: {  	s24 =	sadd.s32 $0x10, s24;
	s23 =	sadd.s32 $0x10, s23;
	[sflag:s13] =	ssyncset.done $0x0  }
0x29a: {  	s26 =	sadd.s32 $0x10, s26;
	s25 =	sadd.s32 $0x80, s25;
	[sflag:s13] =	ssyncadd.s32 $0xFFFFFF80  }
0x29b: {  	[hbm4b:s9+s4] =	stream.linear.scatter [tilespmem:s20], [sflag:$0x3], $0x9C80, $0x38;
	[tilespmem:$0x193E0] =	vst v63  }
0x29c: {  	_ =	swait.ge [sflag:s13], $0x9C80  }
0x29d: {  	[sflag:s13] =	ssyncset.done $0x0  }
0x29e: {  	[sflag:s13] =	ssyncadd.s32 $0xFFFF6380  }
0x29f: {  	[hbm4b:s10+s4] =	stream.linear.scatter [tilespmem:s21], [sflag:$0x3], $0x9C80, $0x38;
	[tilespmem:$0x193E0] =	vst v63  }
0x2a0: {  	_ =	swait.ge [sflag:s13], $0x9C80  }
0x2a1: {  	s22 =	sadd.s32 $0x1, s22;
	[sflag:s13] =	ssyncset.done $0x0  }
0x2a2: {  	p0 =	sne.s32 s22, s12;
	[sflag:s13] =	ssyncadd.s32 $0xFFFF6380  }
.Ltmp1:
0x2a3: {  	[bflag:$0x0] =	sbarrier.arrive $0xFFFF;
	(pc) =	sbr.rel @p0 .LBB2_1-.Ltmp1, $4  }
0x2a4: {  	[hbm:s11], [sflag:s14] =	dma.local [spmem:s15], $0x278  }
0x2a5: {  	_ =	swait.ge [sflag:s13], $0x278  }
0x2a6: {  	[sflag:s13] =	ssyncset.done $0x0  }
0x2a7: {  	[sflag:s13] =	ssyncadd.s32 $0xFFFFFD88  }
0x2a8: {  	_ =	sfence.sel $0x180000  }
0x2a9: {  	[bflag:$0x0] =	sbarrier.arrive $0xFFFF  }
0x2aa: {  	p0 =	sne.s32 s1, $0x0;
	_ =	strace $0x90000047  }
0x2ab: {  	s0 =	sadd.s32 @!p0 $0x100000, s2;
	[bflag:$0x2] =	sbarrier.arrive $0xFFFF  }
0x2ac: {  	[sflag:s0] =	ssyncadd.tile.s32 @!p0 $0x1;
	_ =	shalt  }
.Lfunc_end2:
_tile_overlayer_lowered:
.L_overlay_start_2:
0x2ad: {  	(tag) =	ssettag $0x2  }
0x2ae: {  	s0 =	rddreg [dreg:$0x0];
	s2 =	stileid.u32  }
0x2af: {  	s1 =	rddreg [dreg:$0x1];
	p0 =	sne.s32 s2, $0x0  }
0x2b0: {  	s3 =	rddreg [dreg:$0x2];
	[bflag:$0x3] =	sbarrier.arrive $0xFFFF;
	s2 =	simm.s32 @!p0 $0x1C03  }
0x2b1: {  	[timem:s3], [sflag:s2] =	dma.local @!p0 [hbm:s0], s1  }
0x2b2: {  	s0 =	simm.s32 @!p0 $0x3  }
0x2b3: {  	_ =	swait.ge @!p0 [sflag:s0], s1  }
0x2b4: {  	s1 =	ssub.s32 @!p0 $0x0, s1;
	[sflag:s0] =	ssyncset.done @!p0 $0x0  }
0x2b5: {  	[sflag:s0] =	ssyncadd.s32 @!p0 s1  }
0x2b6: {  	[bflag:$0x3] =	sbarrier.arrive $0xFFFF  }
0x2b7: {  	_ =	shalt  }

// kernel: kernel.9.cloned.1.call-start
scs
__scs_entry_jumppad:
0x0: {  	(pc) =	sbr.rel $0x88, $3  }
0x1: {  	(tag) =	ssettag $0x0;
	lr =	simm.s32 $0x1  }
0x2: {  	[smem:$0x3F97] =	sst lr;
	_ =	strace $0xD0000000  }
0x3: {  	_ = 	snop  }
0x4: {  	_ = 	snop  }
0x5: {  	_ = 	snop  }
0x6: {  	_ = 	snop  }
0x7: {  	_ = 	snop  }
__scs_overlays_trampoline_lowered:
0x8: {  	[smem:$0x3FA6] =	sst s0  }
0x9: {  	[smem:$0x3FA7] =	sst s1  }
0xa: {  	[smem:$0x3FA8] =	sst s2  }
0xb: {  	[smem:$0x3FA9] =	sst s3  }
0xc: {  	[smem:$0x3FAA] =	sst s4  }
0xd: {  	[smem:$0x3FAB] =	sst s5  }
0xe: {  	[smem:$0x3FAC] =	sst s6  }
0xf: {  	[smem:$0x3FAD] =	sst s7  }
0x10: {  	[smem:$0x3FAE] =	sst s8  }
0x11: {  	[smem:$0x3FAF] =	sst s9;
	s0 =	simm.s32 @!p0 $0x0  }
0x12: {  	s1 =	sld [smem:$0x3F95];
	s0 =	simm.s32 @p0 $0x1  }
0x13: {  	[smem:$0x3FB0] =	sst s0;
	s0 =	simm.s32 @!p1 $0x0  }
0x14: {  	s2 =	sld [smem:$0x3F94];
	s0 =	simm.s32 @p1 $0x1  }
0x15: {  	[smem:$0x3FB1] =	sst s0;
	s0 =	simm.s32 @!p2 $0x0  }
0x16: {  	s3 =	sld [smem:$0x3FDB];
	s0 =	simm.s32 @p2 $0x1  }
0x17: {  	s4 =	simm.s32 $0x1BF5;
	[smem:$0x3FB3] =	sst s0  }
0x18: {  	s0 =	sld [smem:$0x3F96];
	_ =	swait.ge [sflag:s4], $0x0  }
0x19: {  	s7 =	sld [smem:$0x3F97]  }
0x1a: {  	s8 =	sadd.s32 $0xFFFFE003, lr  }
0x1b: {  	s9 =	sadd.s32 $0xFFFFFEF7, lr;
	s5 =	simm.s32 $0xFFFFFFFF;
	p2 =	slt.u32 s8, $0xFFFFF086  }
0x1c: {  	p1 =	slt.u32 s9, $0xF7A;
	s5 =	simm.s32 @!p2 $0x0  }
0x1d: {  	s5 =	simm.s32 @p1 $0x1;
	p0 =	seq.s32 s7, s2  }
0x1e: {  	s7 =	smul.u32 @!p0 $0xF7A, s2;
	p2 =	seq.s32 @!p0 s5, $0x0  }
0x1f: {  	s9 =	smul.u32 $0xF7A, s1;
	s8 =	simm.s32 @!p0 $0x1BF5;
	p2 =	por !p2, p0  }
0x20: {  	[sflag:s8] =	ssyncset.s32 @!p0 $0xFFFFF086;
	s6 =	sadd.s32 @!p0 s3, s7;
	s7 =	simm.s32 @!p0 $0x108  }
0x21: {  	s3 =	sadd.s32 s3, s9;
	s6 =	sadd.s32 @!p0 $0x88, s6;
	s7 =	simm.s32 @p2 $0x1082  }
0x22: {  	[simem:s7], [sflag:s8] =	dma.local @!p0 [hbm:s6], $0xF7A  }
0x23: {  	s9 =	sor.u32 $0xD0000000, s2;
	s6 =	simm.s32 $0x108;
	_ =	swait.ge @!p0 [sflag:s8], $0x0  }
0x24: {  	s3 =	sadd.s32 $0x88, s3;
	s6 =	simm.s32 @!p1 $0x1082;
	[sflag:s4] =	ssyncset.s32 $0xFFFFF086  }
0x25: {  	[simem:s6], [sflag:s4] =	dma.local [hbm:s3], $0xF7A  }
0x26: {  	[smem:$0x3F97] =	sst s1;
	(tag) =	ssettag s2;
	_ =	strace s9  }
0x27: {  	s1 =	sld [smem:$0x3FA7]  }
0x28: {  	s2 =	sld [smem:$0x3FA8]  }
0x29: {  	s4 =	sld [smem:$0x3FAA]  }
0x2a: {  	p0 =	seq.s32 s5, $0x0;
	s5 =	sld [smem:$0x3FAB]  }
0x2b: {  	s6 =	sld [smem:$0x3FAC]  }
0x2c: {  	s7 =	sld [smem:$0x3FAD]  }
0x2d: {  	s3 =	simm.s32 $0x108;
	s8 =	sld [smem:$0x3FAE]  }
0x2e: {  	s3 =	simm.s32 @!p0 $0x1082;
	s9 =	sld [smem:$0x3FAF]  }
0x2f: {  	lr =	sadd.s32 s0, s3;
	s0 =	sld [smem:$0x3FA6]  }
0x30: {  	s3 =	sld [smem:$0x3FA9]  }
0x31: {  	[smem:$0x3FB2] =	sst s10  }
0x32: {  	s10 =	sld [smem:$0x3FB0];
	_ =	sdelay $0x3  }
0x33: {  	p0 =	seq.s32 s10, $0x1;
	s10 =	sld [smem:$0x3FB2];
	_ =	sdelay $0x3  }
0x34: {  	[smem:$0x3FB2] =	sst s10  }
0x35: {  	s10 =	sld [smem:$0x3FB1];
	_ =	sdelay $0x3  }
0x36: {  	p1 =	seq.s32 s10, $0x1;
	s10 =	sld [smem:$0x3FB2];
	_ =	sdelay $0x3  }
0x37: {  	[smem:$0x3FB2] =	sst s10  }
0x38: {  	s10 =	sld [smem:$0x3FB3]  }
0x39: {  	_ = 	snop;
	(pc) =	sbr.ind lr, $3  }
0x3a: {  	_ = 	snop  }
0x3b: {  	_ = 	snop  }
0x3c: {  	p2 =	seq.s32 s10, $0x1;
	s10 =	sld [smem:$0x3FB2]  }
0x3d: {  	_ =	shalt  }
0x3e: {  	_ =	shalt  }
0x3f: {  	_ =	shalt  }
0x40: {  	_ =	shalt  }
0x41: {  	_ =	shalt  }
0x42: {  	_ =	shalt  }
0x43: {  	_ =	shalt  }
0x44: {  	_ =	shalt  }
0x45: {  	_ =	shalt  }
0x46: {  	_ =	shalt  }
0x47: {  	_ =	shalt  }
0x48: {  	_ =	shalt  }
0x49: {  	_ =	shalt  }
0x4a: {  	_ =	shalt  }
0x4b: {  	_ =	shalt  }
0x4c: {  	_ =	shalt  }
0x4d: {  	_ =	shalt  }
0x4e: {  	_ =	shalt  }
0x4f: {  	_ =	shalt  }
0x50: {  	_ =	shalt  }
0x51: {  	_ =	shalt  }
0x52: {  	_ =	shalt  }
0x53: {  	_ =	shalt  }
0x54: {  	_ =	shalt  }
0x55: {  	_ =	shalt  }
0x56: {  	_ =	shalt  }
0x57: {  	_ =	shalt  }
0x58: {  	_ =	shalt  }
0x59: {  	_ =	shalt  }
0x5a: {  	_ =	shalt  }
0x5b: {  	_ =	shalt  }
0x5c: {  	_ =	shalt  }
0x5d: {  	_ =	shalt  }
0x5e: {  	_ =	shalt  }
0x5f: {  	_ =	shalt  }
0x60: {  	_ =	shalt  }
0x61: {  	_ =	shalt  }
0x62: {  	_ =	shalt  }
0x63: {  	_ =	shalt  }
0x64: {  	_ =	shalt  }
0x65: {  	_ =	shalt  }
0x66: {  	_ =	shalt  }
0x67: {  	_ =	shalt  }
0x68: {  	_ =	shalt  }
0x69: {  	_ =	shalt  }
0x6a: {  	_ =	shalt  }
0x6b: {  	_ =	shalt  }
0x6c: {  	_ =	shalt  }
0x6d: {  	_ =	shalt  }
0x6e: {  	_ =	shalt  }
0x6f: {  	_ =	shalt  }
0x70: {  	_ =	shalt  }
0x71: {  	_ =	shalt  }
0x72: {  	_ =	shalt  }
0x73: {  	_ =	shalt  }
0x74: {  	_ =	shalt  }
0x75: {  	_ =	shalt  }
0x76: {  	_ =	shalt  }
0x77: {  	_ =	shalt  }
0x78: {  	_ =	shalt  }
0x79: {  	_ =	shalt  }
0x7a: {  	_ =	shalt  }
0x7b: {  	_ =	shalt  }
0x7c: {  	_ =	shalt  }
0x7d: {  	_ =	shalt  }
0x7e: {  	_ =	shalt  }
0x7f: {  	_ =	shalt  }
0x80: {  	_ =	shalt  }
0x81: {  	_ =	shalt  }
0x82: {  	_ =	shalt  }
0x83: {  	_ =	shalt  }
0x84: {  	_ =	shalt  }
0x85: {  	_ =	shalt  }
0x86: {  	_ =	shalt  }
0x87: {  	_ =	shalt  }
.Lfunc_end0:
.L_simem_size_0:
called_computation.1_lowered:
.L_overlay_start_0:
0x88: {  	s2 =	sld [smem:$0x3FD9]  }
0x89: {  	s3 =	sld [smem:$0x3FFE];
	_ =	sdelay $0x1  }
0x8a: {  	s1 =	srdreg.scid  }
0x8b: {  	s0 =	sand.u32 $0x1, s1  }
0x8c: {  	s14 =	sshll.u32 s0, $0xA;
	s2 =	sadd.s32 s3, s2  }
0x8d: {  	s2 =	sadd.s32 s2, s14  }
0x8e: {  	[smem:$0x3FBE] =	sst s2  }
0x8f: {  	_ = 	snop  }
0x90: {  	s2 =	sld [smem:$0x3FD0];
	_ =	sdelay $0x2  }
0x91: {  	s15 =	simm.s32 $0xA;
	s4 =	simm.s32 $0x10  }
0x92: {  	[smem:s4], [sflag:s15] =	dma.local [hbm:s2], $0x1  }
0x93: {  	_ =	swait.eq [sflag:s15], $0x1  }
0x94: {  	[sflag:s15] =	ssyncset.done $0x0  }
0x95: {  	[sflag:s15] =	ssyncadd.s32 $0xFFFFFFFF  }
0x96: {  	s16 =	sld [smem:$0x10];
	(tm) =	ssettm $0x1  }
0x97: {  	s17 =	sld [smem:$0x3FFB];
	_ =	sdelay $0x3  }
0x98: {  	_ =	strace s17  }
0x99: {  	s3 =	sld [smem:$0x3FFC];
	_ =	sdelay $0x3  }
0x9a: {  	_ =	strace s3  }
0x9b: {  	s3 =	sld [smem:$0x3FFD];
	_ =	sdelay $0x3  }
0x9c: {  	_ =	strace s3  }
0x9d: {  	_ =	strace $0x8FFFFFFF  }
0x9e: {  	s18 =	sld [smem:$0x3FDB];
	_ =	sdelay $0x1  }
0x9f: {  	s19 =	simm.s32 $_scs_section_size  }
0xa0: {  	s5 =	simm.s32 $_size__tile_overlayer_lowered;
	s6 =	simm.s32 $_tile_overlayer_lowered  }
0xa1: {  	s22 =	simm.s32 $0x1BFF;
	s21 =	sshll.u32 s6, $0x1;
	s3 =	sadd.s32 s19, s18  }
0xa2: {  	s7 =	simm.s32 $0x0;
	s20 =	sshll.u32 s5, $0x1;
	s5 =	sadd.s32 s21, s3  }
0xa3: {  	[timem:s7], [sflag:s22] =	dma.local [hbm:s5], s20  }
0xa4: {  	_ =	swait.ge [sflag:s22], s20  }
0xa5: {  	s4 =	ssub.s32 $0x0, s20;
	[sflag:s22] =	ssyncset.done $0x0  }
0xa6: {  	[sflag:s22] =	ssyncadd.s32 s4;
	_ =	sdelay $0x1  }
0xa7: {  	s23 =	simm.s32 $0x1B8B  }
0xa8: {  	_ =	swait.ge [sflag:s23], $0x1  }
0xa9: {  	[sflag:s23] =	ssyncset.done $0x0  }
0xaa: {  	s25 =	simm.s32 $0x1B8E;
	s24 =	sld [smem:$0x3FFE];
	[sflag:s23] =	ssyncadd.s32 $0xFFFFFFFF  }
0xab: {  	s26 =	simm.s32 $execute0_lowered;
	[smem:$0x3FD2] =	sst s25  }
0xac: {  	s5 =	sshll.u32 s26, $0x1;
	_ =	strace $0x80000049;
	[dreg:$0x1] =	wrdreg $0xFFFFFFFF  }
0xad: {  	s28 =	simm.s32 $_size_execute0_lowered;
	s3 =	sadd.s32 s3, s5;
	[dreg:$0x0] =	wrdreg $0x0  }
0xae: {  	s5 =	sshll.u32 s28, $0x1;
	[dreg:$0x2] =	wrdreg s3  }
0xaf: {  	[dreg:$0x3] =	wrdreg s5  }
0xb0: {  	[dreg:$0x4] =	wrdreg $0xC0  }
0xb1: {  	_ =	task [dreg:s7], $0x5FFFF  }
0xb2: {  	[dreg:$0x1] =	wrdreg $0xFFFFFFFF  }
0xb3: {  	[dreg:$0x0] =	wrdreg $0x60  }
0xb4: {  	[dreg:$0x2] =	wrdreg s24  }
0xb5: {  	[dreg:$0x3] =	wrdreg s16  }
0xb6: {  	[dreg:$0x4] =	wrdreg $0x57400  }
0xb7: {  	[dreg:$0x5] =	wrdreg $0x9  }
0xb8: {  	_ =	task.clear_ibuf [dreg:s7], $0x6FFFF;
	_ =	strace $0x90000049  }
0xb9: {  	s29 =	simm.s32 $0x9;
	_ =	strace $0x8000004B  }
0xba: {  	_ =	swait.ge [sflag:s29], $0x1  }
0xbb: {  	[sflag:s29] =	ssyncadd.s32 $0xFFFFFFFF  }
0xbc: {  	_ =	strace $0x9000004B  }
0xbd: {  	_ =	sfence  }
0xbe: {  	s30 =	sld [smem:$0x0];
	_ =	sdelay $0x2  }
0xbf: {  	s31 =	sshll.u32 s1, $0xD;
	s1 =	sshrl.u32 s1, $0x2  }
0xc0: {  	s3 =	sand.u32 $0x4000, s31;
	s1 =	sadd.s32 s1, s30  }
0xc1: {  	s0 =	sor.u32 s3, s0;
	s1 =	sshll.u32 s1, $0x11  }
0xc2: {  	s0 =	sor.u32 s1, s0  }
0xc3: {  	s0 =	sadd.s32 $0x8F2B, s0  }
0xc4: {  	[sflag:s0] =	ssyncadd.remote.s32 $0x1  }
0xc5: {  	_ =	sfence.sel $0xFFFF  }
0xc6: {  	[dreg:$0x0] =	wrdreg $0xFFFFFFFF;
	(pc) =	sbr.abs _section_cstart, $3  }
0xc7: {  	[dreg:$0x1] =	wrdreg $0xFFFFFFFF  }
0xc8: {  	_ =	task.clear_ibuf [dreg:s7], $0x2FFFF;
	_ =	strace $0x9FFFFFFF  }
0xc9: {  	(tm) =	ssettm $0x7FFFFFFF  }
tec
execute0_lowered:
.L_overlay_start_1:
0x0: {  	(tag) =	ssettag $0x1  }
0x1: {  	s0 =	srdreg.scid;
	v1 =	vlaneseq.u32  }
0x2: {  	s9 =	sand.u32 $0x1, s0;
	v4 =	vmul.u32 $0x8, v1;
	v1 =	vmul.u32 $0x80, v1  }
0x3: {  	s0 =	sshll.u32 s9, $0x2  }
0x4: {  	vm0 =	vmmov $0xffff;
	v6 =	vor.u32 s0, v4;
	v7 =	vor.u32 $0x1, v1  }
0x5: {  	v8 =	vor.u32 $0x2, v1;
	v9 =	vor.u32 $0x3, v1;
	v10 =	vor.u32 $0x4, v1  }
0x6: {  	v11 =	vor.u32 $0x5, v1;
	v12 =	vor.u32 $0x6, v1;
	v13 =	vor.u32 $0x7, v1  }
0x7: {  	v14 =	vor.u32 $0x8, v1;
	v15 =	vor.u32 $0x9, v1;
	v16 =	vor.u32 $0xA, v1  }
0x8: {  	s7 =	rddreg [dreg:$0x0];
	v17 =	vor.u32 $0xB, v1;
	v18 =	vor.u32 $0xC, v1;
	v19 =	vor.u32 $0xD, v1  }
0x9: {  	s10 =	rddreg [dreg:$0x1];
	v20 =	vor.u32 $0xE, v1;
	v21 =	vor.u32 $0xF, v1;
	v22 =	vor.u32 $0x10, v1  }
0xa: {  	s3 =	simm.s32 $0x0;
	s18 =	simm.s32 $0x4E40;
	s19 =	simm.s32 $0x4EC0;
	v23 =	vor.u32 $0x11, v1;
	v24 =	vor.u32 $0x12, v1;
	v25 =	vor.u32 $0x13, v1  }
0xb: {  	s20 =	simm.s32 $0x2;
	s21 =	simm.s32 $0x0;
	[smem:$0x7FF] =	sst s3;
	v26 =	vor.u32 $0x14, v1;
	v27 =	vor.u32 $0x15, v1;
	v28 =	vor.u32 $0x16, v1  }
0xc: {  	s11 =	sadd.s32 $0x3000, s7;
	s12 =	sadd.s32 $0x53C00, s7;
	s5 =	sadd.s32 $0x51400, s7;
	v29 =	vor.u32 $0x17, v1;
	v31 =	vor.u32 $0x18, v1;
	v32 =	vor.u32 $0x19, v1  }
0xd: {  	s17 =	sadd.s32 $0x58C00, s7;
	s29 =	sshllo.u32 s9, $0x2;
	s14 =	ssub.s32 $0x2, s9;
	v33 =	vor.u32 $0x1A, v1;
	v34 =	vor.u32 $0x1B, v1;
	v35 =	vor.u32 $0x1C, v1  }
0xe: {  	p0 =	seq.s32 s9, $0x0;
	s1 =	sor.u32 $0x1, s0;
	s2 =	sor.u32 $0x2, s0;
	v36 =	vor.u32 $0x1D, v1;
	v38 =	vor.u32 $0x1E, v1;
	v39 =	vor.u32 $0x1F, v1  }
0xf: {  	s0 =	stileid.u32;
	s15 =	sshrl.u32 s14, $0x1;
	v42 =	vor.u32 $0x1, v4;
	v40 =	vor.u32 $0x20, v1;
	v41 =	vor.u32 $0x21, v1;
	s17 =	smov.u32 @p0 s10  }
0x10: {  	v43 =	vor.u32 $0x22, v1;
	v44 =	vor.u32 $0x23, v1;
	s5 =	smov.u32 @p0 s12;
	s12 =	simm.s32 $0x3;
	v2 =	vor.u32 s2, v4;
	s2 =	rddreg [dreg:$0x2]  }
0x11: {  	v45 =	vor.u32 $0x24, v1;
	v46 =	vor.u32 $0x25, v1;
	v37 =	vor.u32 s1, v4;
	s6 =	smul.u32 $0x2720, s0;
	s1 =	rddreg [dreg:$0x3];
	s14 =	ssub.s32 s14, s15  }
0x12: {  	v47 =	vor.u32 $0x26, v1;
	v48 =	vor.u32 $0x27, v1;
	v49 =	vor.u32 $0x28, v1;
	s16 =	smul.u32 $0x13C00, s0;
	s31 =	sshll.u32 s0, $0x6;
	s9 =	smax.u32 s14, $0x1  }
0x13: {  	v50 =	vor.u32 $0x29, v1;
	v51 =	vor.u32 $0x2A, v1;
	[tilespmem:$0x1FFC0] =	vst v2;
	v2 =	vor.u32 s29, v4;
	s14 =	sor.u32 $0x1C03, s31;
	s4 =	sshrl.u32 s6, $0x3;
	s13 =	sadd.s32 s6, s7  }
0x14: {  	v52 =	vor.u32 $0x2B, v1;
	v53 =	vor.u32 $0x2C, v1;
	v54 =	vor.u32 $0x2D, v1;
	[tilespmem:$0x1FFD0] =	vst v2;
	s6 =	sadd.s32 $0x56400, s7;
	s30 =	sadd.s32 s16, s2;
	s16 =	sshrl.u32 s16, $0x3  }
0x15: {  	v55 =	vor.u32 $0x2E, v1;
	v56 =	vor.u32 $0x2F, v1;
	v57 =	vor.u32 $0x30, v1;
	_ =	strace $0x8000004A;
	s8 =	sadd.s32 s4, s7;
	s4 =	sadd.s32 $0x2A200, s7  }
0x16: {  	v58 =	vor.u32 $0x31, v1;
	v59 =	vor.u32 $0x32, v1;
	v2 =	vor.u32 $0x39, v1;
	s10 =	sadd.s32 s17, s16;
	s15 =	sshrl.u32 s30, $0x3;
	s16 =	simm.s32 $0x4F40  }
0x17: {  	v60 =	vor.u32 $0x33, v1;
	v61 =	vor.u32 $0x34, v1;
	v62 =	vor.u32 $0x35, v1;
	s17 =	simm.s32 $0x1;
	[tilespmem:$0x1FFE0] =	vst v2;
	s7 =	sadd.s32 $0xA4600, s8;
	s8 =	sadd.s32 $0x9F600, s8  }
0x18: {  	v63 =	vor.u32 $0x36, v1;
	v0 =	vor.u32 $0x37, v1;
	v30 =	vor.u32 $0x38, v1;
	[tilespmem:$0x1FFF0] =	vst v29;
	s4 =	smov.u32 @p0 s11;
	s11 =	sadd.s32 $0xD0C00, s13;
	s13 =	simm.s32 $0x2720  }
.LBB2_1:
0x19: {  	[tilespmem:s3], [sflag:$0x3] =	stream.linear.gather [hbm4b:s7+s3], $0x2720, $0x38;
	[tilespmem:$0x19340] =	vst v63  }
0x1a: {  	_ =	swait.ge [sflag:s12], $0x2720  }
0x1b: {  	[sflag:s12] =	ssyncset.done $0x0  }
0x1c: {  	[sflag:s12] =	ssyncadd.s32 $0xFFFFD8E0  }
0x1d: {  	[tilespmem:s13], [sflag:$0x3] =	stream.linear.gather [hbm4b:s8+s3], $0x2720, $0x38;
	[tilespmem:$0x19340] =	vst v63  }
0x1e: {  	_ =	swait.ge [sflag:s12], $0x2720  }
0x1f: {  	[sflag:s12] =	ssyncset.done $0x0  }
0x20: {  	[sflag:s12] =	ssyncadd.s32 $0xFFFFD8E0  }
0x21: {  	[spmem:s15], [sflag:s14] =	dma.local [hbm:s6], $0x2780  }
0x22: {  	_ =	swait.ge [sflag:s12], $0x2780  }
0x23: {  	[sflag:s12] =	ssyncset.done $0x0  }
0x24: {  	[sflag:s12] =	ssyncadd.s32 $0xFFFFD880  }
0x25: {  	s22 =	smov.u32 s11;
	s23 =	simm.s32 $0x0;
	[bflag:$0x0] =	sbarrier.arrive $0xFFFF  }
.LBB2_2:
0x26: {  	s24 =	sshra.s32 s23, $0x2  }
0x27: {  	v3 =	vld [tilespmem:s24+$0x2720];
	_ =	sdelay $0x1  }
0x28: {  	v2 =	vld [tilespmem:s24+$0x0];
	_ =	sdelay $0x4  }
0x29: {  	[tilespmem:$0x1FFB0] =	vst v2  }
0x2a: {  	[tilespmem:s16], [sflag:$0x1] =	stream.indirect_vreg.gather [hbm4b:s4+s3], $0x80, v3, vm0, $0xb8;
	[tilespmem:$0x19340] =	vst v63  }
0x2b: {  	_ =	swait.ge [sflag:s17], $0x800  }
0x2c: {  	[sflag:s17] =	ssyncset.done $0x0  }
0x2d: {  	[sflag:s17] =	ssyncadd.s32 $0xFFFFF800  }
0x2e: {  	[tilespmem:s18], [sflag:$0x1] =	stream.indirect_vreg.gather [hbm4b:s5+s3], $0x4, v2, vm0, $0xb8;
	[tilespmem:$0x19340] =	vst v63  }
0x2f: {  	_ =	swait.ge [sflag:s17], $0x40  }
0x30: {  	[sflag:s17] =	ssyncset.done $0x0  }
0x31: {  	[sflag:s17] =	ssyncadd.s32 $0xFFFFFFC0  }
0x32: {  	[tilespmem:s19], [sflag:$0x2] =	stream.linear.gather [hbm4b:s22+s3], $0x80, $0x38;
	[tilespmem:$0x19340] =	vst v63  }
0x33: {  	_ =	swait.ge [sflag:s20], $0x80  }
0x34: {  	[sflag:s20] =	ssyncset.done $0x0  }
0x35: {  	[sflag:s20] =	ssyncadd.s32 $0xFFFFFF80  }
0x36: {  	v3 =	vld.idx.msk [tilespmem:v4+s18+$0x0], $0xffff;
	_ =	sdelay $0x4  }
0x37: {  	(erf) = vrcp.f32 v3;
	_ =	sdelay $0x4  }
0x38: {  	v3 =	vld.idx.msk [tilespmem:v6+s19+$0x0], $0xffff;
	_ =	sdelay $0x1  }
0x39: {  	v2 =	vmov v4;
	v4 =	vld.idx.msk [tilespmem:v1+s16+$0x0], $0xffff;
	_ =	sdelay $0x1  }
0x3a: {  	v5 =	vpop (erf)  }
0x3b: {  	v3 =	vmul.f32 v5, v3;
	_ =	sdelay $0x1  }
0x3c: {  	v4 =	vmul.f32 v3, v4;
	_ =	sdelay $0x1  }
0x3d: {  	[tilespmem:v1+s16+$0x0] =	vst.idx.msk $0xffff, v4  }
0x3e: {  	v4 =	vld.idx.msk [tilespmem:v7+s16+$0x0], $0xffff;
	_ =	sdelay $0x4  }
0x3f: {  	v4 =	vmul.f32 v4, v3;
	_ =	sdelay $0x1  }
0x40: {  	[tilespmem:v7+s16+$0x0] =	vst.idx.msk $0xffff, v4  }
0x41: {  	v4 =	vld.idx.msk [tilespmem:v8+s16+$0x0], $0xffff;
	_ =	sdelay $0x4  }
0x42: {  	v4 =	vmul.f32 v4, v3;
	_ =	sdelay $0x1  }
0x43: {  	[tilespmem:v8+s16+$0x0] =	vst.idx.msk $0xffff, v4  }
0x44: {  	v4 =	vld.idx.msk [tilespmem:v9+s16+$0x0], $0xffff;
	_ =	sdelay $0x4  }
0x45: {  	v4 =	vmul.f32 v4, v3;
	_ =	sdelay $0x1  }
0x46: {  	[tilespmem:v9+s16+$0x0] =	vst.idx.msk $0xffff, v4  }
0x47: {  	v4 =	vld.idx.msk [tilespmem:v10+s16+$0x0], $0xffff;
	_ =	sdelay $0x4  }
0x48: {  	v4 =	vmul.f32 v4, v3;
	_ =	sdelay $0x1  }
0x49: {  	[tilespmem:v10+s16+$0x0] =	vst.idx.msk $0xffff, v4  }
0x4a: {  	v4 =	vld.idx.msk [tilespmem:v11+s16+$0x0], $0xffff;
	_ =	sdelay $0x4  }
0x4b: {  	v4 =	vmul.f32 v4, v3;
	_ =	sdelay $0x1  }
0x4c: {  	[tilespmem:v11+s16+$0x0] =	vst.idx.msk $0xffff, v4  }
0x4d: {  	v4 =	vld.idx.msk [tilespmem:v12+s16+$0x0], $0xffff;
	_ =	sdelay $0x4  }
0x4e: {  	v4 =	vmul.f32 v4, v3;
	_ =	sdelay $0x1  }
0x4f: {  	[tilespmem:v12+s16+$0x0] =	vst.idx.msk $0xffff, v4  }
0x50: {  	v4 =	vld.idx.msk [tilespmem:v13+s16+$0x0], $0xffff;
	_ =	sdelay $0x4  }
0x51: {  	v4 =	vmul.f32 v4, v3;
	_ =	sdelay $0x1  }
0x52: {  	[tilespmem:v13+s16+$0x0] =	vst.idx.msk $0xffff, v4  }
0x53: {  	v4 =	vld.idx.msk [tilespmem:v14+s16+$0x0], $0xffff;
	_ =	sdelay $0x4  }
0x54: {  	v4 =	vmul.f32 v4, v3;
	_ =	sdelay $0x1  }
0x55: {  	[tilespmem:v14+s16+$0x0] =	vst.idx.msk $0xffff, v4  }
0x56: {  	v4 =	vld.idx.msk [tilespmem:v15+s16+$0x0], $0xffff;
	_ =	sdelay $0x4  }
0x57: {  	v4 =	vmul.f32 v4, v3;
	_ =	sdelay $0x1  }
0x58: {  	[tilespmem:v15+s16+$0x0] =	vst.idx.msk $0xffff, v4  }
0x59: {  	v4 =	vld.idx.msk [tilespmem:v16+s16+$0x0], $0xffff;
	_ =	sdelay $0x4  }
0x5a: {  	v4 =	vmul.f32 v4, v3;
	_ =	sdelay $0x1  }
0x5b: {  	[tilespmem:v16+s16+$0x0] =	vst.idx.msk $0xffff, v4  }
0x5c: {  	v4 =	vld.idx.msk [tilespmem:v17+s16+$0x0], $0xffff;
	_ =	sdelay $0x4  }
0x5d: {  	v4 =	vmul.f32 v4, v3;
	_ =	sdelay $0x1  }
0x5e: {  	[tilespmem:v17+s16+$0x0] =	vst.idx.msk $0xffff, v4  }
0x5f: {  	v4 =	vld.idx.msk [tilespmem:v18+s16+$0x0], $0xffff;
	_ =	sdelay $0x4  }
0x60: {  	v4 =	vmul.f32 v4, v3;
	_ =	sdelay $0x1  }
0x61: {  	[tilespmem:v18+s16+$0x0] =	vst.idx.msk $0xffff, v4  }
0x62: {  	v4 =	vld.idx.msk [tilespmem:v19+s16+$0x0], $0xffff;
	_ =	sdelay $0x4  }
0x63: {  	v4 =	vmul.f32 v4, v3;
	_ =	sdelay $0x1  }
0x64: {  	[tilespmem:v19+s16+$0x0] =	vst.idx.msk $0xffff, v4  }
0x65: {  	v4 =	vld.idx.msk [tilespmem:v20+s16+$0x0], $0xffff;
	_ =	sdelay $0x4  }
0x66: {  	v4 =	vmul.f32 v4, v3;
	_ =	sdelay $0x1  }
0x67: {  	[tilespmem:v20+s16+$0x0] =	vst.idx.msk $0xffff, v4  }
0x68: {  	v4 =	vld.idx.msk [tilespmem:v21+s16+$0x0], $0xffff;
	_ =	sdelay $0x4  }
0x69: {  	v4 =	vmul.f32 v4, v3;
	_ =	sdelay $0x1  }
0x6a: {  	[tilespmem:v21+s16+$0x0] =	vst.idx.msk $0xffff, v4  }
0x6b: {  	v4 =	vld.idx.msk [tilespmem:v22+s16+$0x0], $0xffff;
	_ =	sdelay $0x4  }
0x6c: {  	v4 =	vmul.f32 v4, v3;
	_ =	sdelay $0x1  }
0x6d: {  	[tilespmem:v22+s16+$0x0] =	vst.idx.msk $0xffff, v4  }
0x6e: {  	v4 =	vld.idx.msk [tilespmem:v23+s16+$0x0], $0xffff;
	_ =	sdelay $0x4  }
0x6f: {  	v4 =	vmul.f32 v4, v3;
	_ =	sdelay $0x1  }
0x70: {  	[tilespmem:v23+s16+$0x0] =	vst.idx.msk $0xffff, v4  }
0x71: {  	v4 =	vld.idx.msk [tilespmem:v24+s16+$0x0], $0xffff;
	_ =	sdelay $0x4  }
0x72: {  	v4 =	vmul.f32 v4, v3;
	_ =	sdelay $0x1  }
0x73: {  	[tilespmem:v24+s16+$0x0] =	vst.idx.msk $0xffff, v4  }
0x74: {  	v4 =	vld.idx.msk [tilespmem:v25+s16+$0x0], $0xffff;
	_ =	sdelay $0x4  }
0x75: {  	v4 =	vmul.f32 v4, v3;
	_ =	sdelay $0x1  }
0x76: {  	[tilespmem:v25+s16+$0x0] =	vst.idx.msk $0xffff, v4  }
0x77: {  	v4 =	vld.idx.msk [tilespmem:v26+s16+$0x0], $0xffff;
	_ =	sdelay $0x4  }
0x78: {  	v4 =	vmul.f32 v4, v3;
	_ =	sdelay $0x1  }
0x79: {  	[tilespmem:v26+s16+$0x0] =	vst.idx.msk $0xffff, v4  }
0x7a: {  	v4 =	vld.idx.msk [tilespmem:v27+s16+$0x0], $0xffff;
	_ =	sdelay $0x4  }
0x7b: {  	v4 =	vmul.f32 v4, v3;
	_ =	sdelay $0x1  }
0x7c: {  	[tilespmem:v27+s16+$0x0] =	vst.idx.msk $0xffff, v4  }
0x7d: {  	v4 =	vld.idx.msk [tilespmem:v28+s16+$0x0], $0xffff;
	_ =	sdelay $0x4  }
0x7e: {  	v4 =	vmul.f32 v4, v3;
	_ =	sdelay $0x1  }
0x7f: {  	[tilespmem:v28+s16+$0x0] =	vst.idx.msk $0xffff, v4  }
0x80: {  	v4 =	vld.idx.msk [tilespmem:v29+s16+$0x0], $0xffff;
	_ =	sdelay $0x4  }
0x81: {  	v4 =	vmul.f32 v4, v3;
	_ =	sdelay $0x1  }
0x82: {  	[tilespmem:v29+s16+$0x0] =	vst.idx.msk $0xffff, v4  }
0x83: {  	v4 =	vld.idx.msk [tilespmem:v31+s16+$0x0], $0xffff;
	_ =	sdelay $0x4  }
0x84: {  	v4 =	vmul.f32 v4, v3;
	_ =	sdelay $0x1  }
0x85: {  	[tilespmem:v31+s16+$0x0] =	vst.idx.msk $0xffff, v4  }
0x86: {  	v4 =	vld.idx.msk [tilespmem:v32+s16+$0x0], $0xffff;
	_ =	sdelay $0x4  }
0x87: {  	v4 =	vmul.f32 v4, v3;
	_ =	sdelay $0x1  }
0x88: {  	[tilespmem:v32+s16+$0x0] =	vst.idx.msk $0xffff, v4  }
0x89: {  	v4 =	vld.idx.msk [tilespmem:v33+s16+$0x0], $0xffff;
	_ =	sdelay $0x4  }
0x8a: {  	v4 =	vmul.f32 v4, v3;
	_ =	sdelay $0x1  }
0x8b: {  	[tilespmem:v33+s16+$0x0] =	vst.idx.msk $0xffff, v4  }
0x8c: {  	v4 =	vld.idx.msk [tilespmem:v34+s16+$0x0], $0xffff;
	_ =	sdelay $0x4  }
0x8d: {  	v4 =	vmul.f32 v4, v3;
	_ =	sdelay $0x1  }
0x8e: {  	[tilespmem:v34+s16+$0x0] =	vst.idx.msk $0xffff, v4  }
0x8f: {  	v4 =	vld.idx.msk [tilespmem:v35+s16+$0x0], $0xffff;
	_ =	sdelay $0x4  }
0x90: {  	v4 =	vmul.f32 v4, v3;
	_ =	sdelay $0x1  }
0x91: {  	[tilespmem:v35+s16+$0x0] =	vst.idx.msk $0xffff, v4  }
0x92: {  	v4 =	vld.idx.msk [tilespmem:v36+s16+$0x0], $0xffff;
	_ =	sdelay $0x4  }
0x93: {  	v4 =	vmul.f32 v4, v3;
	_ =	sdelay $0x1  }
0x94: {  	[tilespmem:v36+s16+$0x0] =	vst.idx.msk $0xffff, v4  }
0x95: {  	v4 =	vld.idx.msk [tilespmem:v38+s16+$0x0], $0xffff;
	_ =	sdelay $0x4  }
0x96: {  	v4 =	vmul.f32 v4, v3;
	_ =	sdelay $0x1  }
0x97: {  	[tilespmem:v38+s16+$0x0] =	vst.idx.msk $0xffff, v4  }
0x98: {  	v4 =	vld.idx.msk [tilespmem:v39+s16+$0x0], $0xffff;
	_ =	sdelay $0x4  }
0x99: {  	v3 =	vmul.f32 v4, v3;
	_ =	sdelay $0x1  }
0x9a: {  	[tilespmem:v39+s16+$0x0] =	vst.idx.msk $0xffff, v3  }
0x9b: {  	v3 =	vld.idx.msk [tilespmem:v42+s18+$0x0], $0xffff;
	_ =	sdelay $0x4  }
0x9c: {  	(erf) = vrcp.f32 v3;
	_ =	sdelay $0x4  }
0x9d: {  	v3 =	vld.idx.msk [tilespmem:v37+s19+$0x0], $0xffff;
	_ =	sdelay $0x1  }
0x9e: {  	v4 =	vld.idx.msk [tilespmem:v40+s16+$0x0], $0xffff;
	_ =	sdelay $0x1  }
0x9f: {  	v5 =	vpop (erf)  }
0xa0: {  	v3 =	vmul.f32 v5, v3;
	_ =	sdelay $0x1  }
0xa1: {  	v4 =	vmul.f32 v3, v4;
	_ =	sdelay $0x1  }
0xa2: {  	[tilespmem:v40+s16+$0x0] =	vst.idx.msk $0xffff, v4  }
0xa3: {  	v4 =	vld.idx.msk [tilespmem:v41+s16+$0x0], $0xffff;
	_ =	sdelay $0x4  }
0xa4: {  	v4 =	vmul.f32 v4, v3;
	_ =	sdelay $0x1  }
0xa5: {  	[tilespmem:v41+s16+$0x0] =	vst.idx.msk $0xffff, v4  }
0xa6: {  	v4 =	vld.idx.msk [tilespmem:v43+s16+$0x0], $0xffff;
	_ =	sdelay $0x4  }
0xa7: {  	v4 =	vmul.f32 v4, v3;
	_ =	sdelay $0x1  }
0xa8: {  	[tilespmem:v43+s16+$0x0] =	vst.idx.msk $0xffff, v4  }
0xa9: {  	v4 =	vld.idx.msk [tilespmem:v44+s16+$0x0], $0xffff;
	_ =	sdelay $0x4  }
0xaa: {  	v4 =	vmul.f32 v4, v3;
	_ =	sdelay $0x1  }
0xab: {  	[tilespmem:v44+s16+$0x0] =	vst.idx.msk $0xffff, v4  }
0xac: {  	v4 =	vld.idx.msk [tilespmem:v45+s16+$0x0], $0xffff;
	_ =	sdelay $0x4  }
0xad: {  	v4 =	vmul.f32 v4, v3;
	_ =	sdelay $0x1  }
0xae: {  	[tilespmem:v45+s16+$0x0] =	vst.idx.msk $0xffff, v4  }
0xaf: {  	v4 =	vld.idx.msk [tilespmem:v46+s16+$0x0], $0xffff;
	_ =	sdelay $0x4  }
0xb0: {  	v4 =	vmul.f32 v4, v3;
	_ =	sdelay $0x1  }
0xb1: {  	[tilespmem:v46+s16+$0x0] =	vst.idx.msk $0xffff, v4  }
0xb2: {  	v4 =	vld.idx.msk [tilespmem:v47+s16+$0x0], $0xffff;
	_ =	sdelay $0x4  }
0xb3: {  	v4 =	vmul.f32 v4, v3;
	_ =	sdelay $0x1  }
0xb4: {  	[tilespmem:v47+s16+$0x0] =	vst.idx.msk $0xffff, v4  }
0xb5: {  	v4 =	vld.idx.msk [tilespmem:v48+s16+$0x0], $0xffff;
	_ =	sdelay $0x4  }
0xb6: {  	v4 =	vmul.f32 v4, v3;
	_ =	sdelay $0x1  }
0xb7: {  	[tilespmem:v48+s16+$0x0] =	vst.idx.msk $0xffff, v4  }
0xb8: {  	v4 =	vld.idx.msk [tilespmem:v49+s16+$0x0], $0xffff;
	_ =	sdelay $0x4  }
0xb9: {  	v4 =	vmul.f32 v4, v3;
	_ =	sdelay $0x1  }
0xba: {  	[tilespmem:v49+s16+$0x0] =	vst.idx.msk $0xffff, v4  }
0xbb: {  	v4 =	vld.idx.msk [tilespmem:v50+s16+$0x0], $0xffff;
	_ =	sdelay $0x4  }
0xbc: {  	v4 =	vmul.f32 v4, v3;
	_ =	sdelay $0x1  }
0xbd: {  	[tilespmem:v50+s16+$0x0] =	vst.idx.msk $0xffff, v4  }
0xbe: {  	v4 =	vld.idx.msk [tilespmem:v51+s16+$0x0], $0xffff;
	_ =	sdelay $0x4  }
0xbf: {  	v4 =	vmul.f32 v4, v3;
	_ =	sdelay $0x1  }
0xc0: {  	[tilespmem:v51+s16+$0x0] =	vst.idx.msk $0xffff, v4  }
0xc1: {  	v4 =	vld.idx.msk [tilespmem:v52+s16+$0x0], $0xffff;
	_ =	sdelay $0x4  }
0xc2: {  	v4 =	vmul.f32 v4, v3;
	_ =	sdelay $0x1  }
0xc3: {  	[tilespmem:v52+s16+$0x0] =	vst.idx.msk $0xffff, v4  }
0xc4: {  	v4 =	vld.idx.msk [tilespmem:v53+s16+$0x0], $0xffff;
	_ =	sdelay $0x4  }
0xc5: {  	v4 =	vmul.f32 v4, v3;
	_ =	sdelay $0x1  }
0xc6: {  	[tilespmem:v53+s16+$0x0] =	vst.idx.msk $0xffff, v4  }
0xc7: {  	v4 =	vld.idx.msk [tilespmem:v54+s16+$0x0], $0xffff;
	_ =	sdelay $0x4  }
0xc8: {  	v4 =	vmul.f32 v4, v3;
	_ =	sdelay $0x1  }
0xc9: {  	[tilespmem:v54+s16+$0x0] =	vst.idx.msk $0xffff, v4  }
0xca: {  	v4 =	vld.idx.msk [tilespmem:v55+s16+$0x0], $0xffff;
	_ =	sdelay $0x4  }
0xcb: {  	v4 =	vmul.f32 v4, v3;
	_ =	sdelay $0x1  }
0xcc: {  	[tilespmem:v55+s16+$0x0] =	vst.idx.msk $0xffff, v4  }
0xcd: {  	v4 =	vld.idx.msk [tilespmem:v56+s16+$0x0], $0xffff;
	_ =	sdelay $0x4  }
0xce: {  	v4 =	vmul.f32 v4, v3;
	_ =	sdelay $0x1  }
0xcf: {  	[tilespmem:v56+s16+$0x0] =	vst.idx.msk $0xffff, v4  }
0xd0: {  	v4 =	vld.idx.msk [tilespmem:v57+s16+$0x0], $0xffff;
	_ =	sdelay $0x4  }
0xd1: {  	v4 =	vmul.f32 v4, v3;
	_ =	sdelay $0x1  }
0xd2: {  	[tilespmem:v57+s16+$0x0] =	vst.idx.msk $0xffff, v4  }
0xd3: {  	v4 =	vld.idx.msk [tilespmem:v58+s16+$0x0], $0xffff;
	_ =	sdelay $0x4  }
0xd4: {  	v4 =	vmul.f32 v4, v3;
	_ =	sdelay $0x1  }
0xd5: {  	[tilespmem:v58+s16+$0x0] =	vst.idx.msk $0xffff, v4  }
0xd6: {  	v4 =	vld.idx.msk [tilespmem:v59+s16+$0x0], $0xffff;
	_ =	sdelay $0x4  }
0xd7: {  	v4 =	vmul.f32 v4, v3;
	_ =	sdelay $0x1  }
0xd8: {  	[tilespmem:v59+s16+$0x0] =	vst.idx.msk $0xffff, v4  }
0xd9: {  	v4 =	vld.idx.msk [tilespmem:v60+s16+$0x0], $0xffff;
	_ =	sdelay $0x4  }
0xda: {  	v4 =	vmul.f32 v4, v3;
	_ =	sdelay $0x1  }
0xdb: {  	[tilespmem:v60+s16+$0x0] =	vst.idx.msk $0xffff, v4  }
0xdc: {  	v4 =	vld.idx.msk [tilespmem:v61+s16+$0x0], $0xffff;
	_ =	sdelay $0x4  }
0xdd: {  	v4 =	vmul.f32 v4, v3;
	_ =	sdelay $0x1  }
0xde: {  	[tilespmem:v61+s16+$0x0] =	vst.idx.msk $0xffff, v4  }
0xdf: {  	v4 =	vld.idx.msk [tilespmem:v62+s16+$0x0], $0xffff;
	_ =	sdelay $0x4  }
0xe0: {  	v4 =	vmul.f32 v4, v3;
	_ =	sdelay $0x1  }
0xe1: {  	[tilespmem:v62+s16+$0x0] =	vst.idx.msk $0xffff, v4  }
0xe2: {  	v4 =	vld.idx.msk [tilespmem:v63+s16+$0x0], $0xffff;
	_ =	sdelay $0x4  }
0xe3: {  	v4 =	vmul.f32 v4, v3;
	_ =	sdelay $0x1  }
0xe4: {  	[tilespmem:v63+s16+$0x0] =	vst.idx.msk $0xffff, v4  }
0xe5: {  	v4 =	vld.idx.msk [tilespmem:v0+s16+$0x0], $0xffff;
	_ =	sdelay $0x4  }
0xe6: {  	v4 =	vmul.f32 v4, v3;
	_ =	sdelay $0x1  }
0xe7: {  	v29 =	vld [tilespmem:$0x1FFE0];
	[tilespmem:v0+s16+$0x0] =	vst.idx.msk $0xffff, v4  }
0xe8: {  	v4 =	vld.idx.msk [tilespmem:v30+s16+$0x0], $0xffff;
	_ =	sdelay $0x4  }
0xe9: {  	v4 =	vmul.f32 v4, v3;
	_ =	sdelay $0x1  }
0xea: {  	[tilespmem:v30+s16+$0x0] =	vst.idx.msk $0xffff, v4  }
0xeb: {  	v4 =	vld.idx.msk [tilespmem:v29+s16+$0x0], $0xffff;
	_ =	sdelay $0x3  }
0xec: {  	v5 =	vor.u32 $0x3A, v1  }
0xed: {  	v4 =	vmul.f32 v4, v3;
	_ =	sdelay $0x1  }
0xee: {  	[tilespmem:v29+s16+$0x0] =	vst.idx.msk $0xffff, v4;
	v29 =	vmov v0  }
0xef: {  	v0 =	vmovc v30;
	v30 =	vmovc v28;
	v28 =	vmov v27;
	v27 =	vmov v26;
	v26 =	vmov v25  }
0xf0: {  	v25 =	vmovc v24;
	v24 =	vmovc v23;
	v23 =	vmov v22;
	v22 =	vmov v21;
	v21 =	vmov v20;
	v4 =	vld.idx.msk [tilespmem:v5+s16+$0x0], $0xffff  }
0xf1: {  	v20 =	vmovc v19;
	v19 =	vmovc v18;
	v18 =	vmov v17;
	v17 =	vmov v16;
	v16 =	vmov v15  }
0xf2: {  	v15 =	vmovc v14;
	v14 =	vmovc v13;
	v13 =	vmov v12;
	v12 =	vmov v11;
	v11 =	vmov v10  }
0xf3: {  	v10 =	vmovc v9;
	v9 =	vmovc v8;
	v8 =	vmov v7;
	v7 =	vmov v37;
	v37 =	vor.u32 $0x3B, v1;
	_ =	sdelay $0x1  }
0xf4: {  	v4 =	vmul.f32 v4, v3;
	_ =	sdelay $0x1  }
0xf5: {  	[tilespmem:v5+s16+$0x0] =	vst.idx.msk $0xffff, v4  }
0xf6: {  	v4 =	vld.idx.msk [tilespmem:v37+s16+$0x0], $0xffff;
	_ =	sdelay $0x2  }
0xf7: {  	v5 =	vor.u32 $0x3C, v1;
	_ =	sdelay $0x1  }
0xf8: {  	v4 =	vmul.f32 v4, v3;
	_ =	sdelay $0x1  }
0xf9: {  	[tilespmem:v37+s16+$0x0] =	vst.idx.msk $0xffff, v4  }
0xfa: {  	v4 =	vld.idx.msk [tilespmem:v5+s16+$0x0], $0xffff;
	_ =	sdelay $0x2  }
0xfb: {  	v37 =	vor.u32 $0x3D, v1;
	_ =	sdelay $0x1  }
0xfc: {  	v4 =	vmul.f32 v4, v3;
	_ =	sdelay $0x1  }
0xfd: {  	[tilespmem:v5+s16+$0x0] =	vst.idx.msk $0xffff, v4  }
0xfe: {  	v4 =	vld.idx.msk [tilespmem:v37+s16+$0x0], $0xffff;
	_ =	sdelay $0x2  }
0xff: {  	v5 =	vor.u32 $0x3E, v1;
	_ =	sdelay $0x1  }
0x100: {  	v4 =	vmul.f32 v4, v3;
	_ =	sdelay $0x1  }
0x101: {  	[tilespmem:v37+s16+$0x0] =	vst.idx.msk $0xffff, v4  }
0x102: {  	v4 =	vld.idx.msk [tilespmem:v5+s16+$0x0], $0xffff;
	_ =	sdelay $0x2  }
0x103: {  	v37 =	vor.u32 $0x3F, v1;
	_ =	sdelay $0x1  }
0x104: {  	v4 =	vmul.f32 v4, v3;
	_ =	sdelay $0x1  }
0x105: {  	[tilespmem:v5+s16+$0x0] =	vst.idx.msk $0xffff, v4  }
0x106: {  	v4 =	vld.idx.msk [tilespmem:v37+s16+$0x0], $0xffff;
	_ =	sdelay $0x2  }
0x107: {  	v5 =	vor.u32 $0x2, v2;
	_ =	sdelay $0x1  }
0x108: {  	v3 =	vmul.f32 v4, v3;
	_ =	sdelay $0x1  }
0x109: {  	[tilespmem:v37+s16+$0x0] =	vst.idx.msk $0xffff, v3  }
0x10a: {  	v3 =	vld.idx.msk [tilespmem:v5+s18+$0x0], $0xffff;
	_ =	sdelay $0x1  }
0x10b: {  	v4 =	vld [tilespmem:$0x1FFC0];
	_ =	sdelay $0x2  }
0x10c: {  	(erf) = vrcp.f32 v3;
	_ =	sdelay $0x1  }
0x10d: {  	v3 =	vor.u32 $0x40, v1;
	_ =	sdelay $0x2  }
0x10e: {  	v4 =	vld.idx.msk [tilespmem:v4+s19+$0x0], $0xffff;
	_ =	sdelay $0x1  }
0x10f: {  	v5 =	vld.idx.msk [tilespmem:v3+s16+$0x0], $0xffff;
	_ =	sdelay $0x1  }
0x110: {  	v37 =	vpop (erf)  }
0x111: {  	v4 =	vmul.f32 v37, v4;
	v37 =	vor.u32 $0x41, v1;
	_ =	sdelay $0x1  }
0x112: {  	v5 =	vmul.f32 v4, v5;
	_ =	sdelay $0x1  }
0x113: {  	[tilespmem:v3+s16+$0x0] =	vst.idx.msk $0xffff, v5  }
0x114: {  	v3 =	vld.idx.msk [tilespmem:v37+s16+$0x0], $0xffff;
	_ =	sdelay $0x2  }
0x115: {  	v5 =	vor.u32 $0x42, v1;
	_ =	sdelay $0x1  }
0x116: {  	v3 =	vmul.f32 v3, v4;
	_ =	sdelay $0x1  }
0x117: {  	[tilespmem:v37+s16+$0x0] =	vst.idx.msk $0xffff, v3  }
0x118: {  	v3 =	vld.idx.msk [tilespmem:v5+s16+$0x0], $0xffff;
	_ =	sdelay $0x2  }
0x119: {  	v37 =	vor.u32 $0x43, v1;
	_ =	sdelay $0x1  }
0x11a: {  	v3 =	vmul.f32 v3, v4;
	_ =	sdelay $0x1  }
0x11b: {  	[tilespmem:v5+s16+$0x0] =	vst.idx.msk $0xffff, v3  }
0x11c: {  	v3 =	vld.idx.msk [tilespmem:v37+s16+$0x0], $0xffff;
	_ =	sdelay $0x2  }
0x11d: {  	v5 =	vor.u32 $0x44, v1;
	_ =	sdelay $0x1  }
0x11e: {  	v3 =	vmul.f32 v3, v4;
	_ =	sdelay $0x1  }
0x11f: {  	[tilespmem:v37+s16+$0x0] =	vst.idx.msk $0xffff, v3  }
0x120: {  	v3 =	vld.idx.msk [tilespmem:v5+s16+$0x0], $0xffff;
	_ =	sdelay $0x2  }
0x121: {  	v37 =	vor.u32 $0x45, v1;
	_ =	sdelay $0x1  }
0x122: {  	v3 =	vmul.f32 v3, v4;
	_ =	sdelay $0x1  }
0x123: {  	[tilespmem:v5+s16+$0x0] =	vst.idx.msk $0xffff, v3  }
0x124: {  	v3 =	vld.idx.msk [tilespmem:v37+s16+$0x0], $0xffff;
	_ =	sdelay $0x2  }
0x125: {  	v5 =	vor.u32 $0x46, v1;
	_ =	sdelay $0x1  }
0x126: {  	v3 =	vmul.f32 v3, v4;
	_ =	sdelay $0x1  }
0x127: {  	[tilespmem:v37+s16+$0x0] =	vst.idx.msk $0xffff, v3  }
0x128: {  	v3 =	vld.idx.msk [tilespmem:v5+s16+$0x0], $0xffff;
	_ =	sdelay $0x2  }
0x129: {  	v37 =	vor.u32 $0x47, v1;
	_ =	sdelay $0x1  }
0x12a: {  	v3 =	vmul.f32 v3, v4;
	_ =	sdelay $0x1  }
0x12b: {  	[tilespmem:v5+s16+$0x0] =	vst.idx.msk $0xffff, v3  }
0x12c: {  	v3 =	vld.idx.msk [tilespmem:v37+s16+$0x0], $0xffff;
	_ =	sdelay $0x2  }
0x12d: {  	v5 =	vor.u32 $0x48, v1;
	_ =	sdelay $0x1  }
0x12e: {  	v3 =	vmul.f32 v3, v4;
	_ =	sdelay $0x1  }
0x12f: {  	[tilespmem:v37+s16+$0x0] =	vst.idx.msk $0xffff, v3  }
0x130: {  	v3 =	vld.idx.msk [tilespmem:v5+s16+$0x0], $0xffff;
	_ =	sdelay $0x2  }
0x131: {  	v37 =	vor.u32 $0x49, v1;
	_ =	sdelay $0x1  }
0x132: {  	v3 =	vmul.f32 v3, v4;
	_ =	sdelay $0x1  }
0x133: {  	[tilespmem:v5+s16+$0x0] =	vst.idx.msk $0xffff, v3  }
0x134: {  	v3 =	vld.idx.msk [tilespmem:v37+s16+$0x0], $0xffff;
	_ =	sdelay $0x2  }
0x135: {  	v5 =	vor.u32 $0x4A, v1;
	_ =	sdelay $0x1  }
0x136: {  	v3 =	vmul.f32 v3, v4;
	_ =	sdelay $0x1  }
0x137: {  	[tilespmem:v37+s16+$0x0] =	vst.idx.msk $0xffff, v3  }
0x138: {  	v3 =	vld.idx.msk [tilespmem:v5+s16+$0x0], $0xffff;
	_ =	sdelay $0x2  }
0x139: {  	v37 =	vor.u32 $0x4B, v1;
	_ =	sdelay $0x1  }
0x13a: {  	v3 =	vmul.f32 v3, v4;
	_ =	sdelay $0x1  }
0x13b: {  	[tilespmem:v5+s16+$0x0] =	vst.idx.msk $0xffff, v3  }
0x13c: {  	v3 =	vld.idx.msk [tilespmem:v37+s16+$0x0], $0xffff;
	_ =	sdelay $0x2  }
0x13d: {  	v5 =	vor.u32 $0x4C, v1;
	_ =	sdelay $0x1  }
0x13e: {  	v3 =	vmul.f32 v3, v4;
	_ =	sdelay $0x1  }
0x13f: {  	[tilespmem:v37+s16+$0x0] =	vst.idx.msk $0xffff, v3  }
0x140: {  	v3 =	vld.idx.msk [tilespmem:v5+s16+$0x0], $0xffff;
	_ =	sdelay $0x2  }
0x141: {  	v37 =	vor.u32 $0x4D, v1;
	_ =	sdelay $0x1  }
0x142: {  	v3 =	vmul.f32 v3, v4;
	_ =	sdelay $0x1  }
0x143: {  	[tilespmem:v5+s16+$0x0] =	vst.idx.msk $0xffff, v3  }
0x144: {  	v3 =	vld.idx.msk [tilespmem:v37+s16+$0x0], $0xffff;
	_ =	sdelay $0x2  }
0x145: {  	v5 =	vor.u32 $0x4E, v1;
	_ =	sdelay $0x1  }
0x146: {  	v3 =	vmul.f32 v3, v4;
	_ =	sdelay $0x1  }
0x147: {  	[tilespmem:v37+s16+$0x0] =	vst.idx.msk $0xffff, v3  }
0x148: {  	v3 =	vld.idx.msk [tilespmem:v5+s16+$0x0], $0xffff;
	_ =	sdelay $0x2  }
0x149: {  	v37 =	vor.u32 $0x4F, v1;
	_ =	sdelay $0x1  }
0x14a: {  	v3 =	vmul.f32 v3, v4;
	_ =	sdelay $0x1  }
0x14b: {  	[tilespmem:v5+s16+$0x0] =	vst.idx.msk $0xffff, v3  }
0x14c: {  	v3 =	vld.idx.msk [tilespmem:v37+s16+$0x0], $0xffff;
	_ =	sdelay $0x2  }
0x14d: {  	v5 =	vor.u32 $0x50, v1;
	_ =	sdelay $0x1  }
0x14e: {  	v3 =	vmul.f32 v3, v4;
	_ =	sdelay $0x1  }
0x14f: {  	[tilespmem:v37+s16+$0x0] =	vst.idx.msk $0xffff, v3  }
0x150: {  	v3 =	vld.idx.msk [tilespmem:v5+s16+$0x0], $0xffff;
	_ =	sdelay $0x2  }
0x151: {  	v37 =	vor.u32 $0x51, v1;
	_ =	sdelay $0x1  }
0x152: {  	v3 =	vmul.f32 v3, v4;
	_ =	sdelay $0x1  }
0x153: {  	[tilespmem:v5+s16+$0x0] =	vst.idx.msk $0xffff, v3  }
0x154: {  	v3 =	vld.idx.msk [tilespmem:v37+s16+$0x0], $0xffff;
	_ =	sdelay $0x2  }
0x155: {  	v5 =	vor.u32 $0x52, v1;
	_ =	sdelay $0x1  }
0x156: {  	v3 =	vmul.f32 v3, v4;
	_ =	sdelay $0x1  }
0x157: {  	[tilespmem:v37+s16+$0x0] =	vst.idx.msk $0xffff, v3  }
0x158: {  	v3 =	vld.idx.msk [tilespmem:v5+s16+$0x0], $0xffff;
	_ =	sdelay $0x2  }
0x159: {  	v37 =	vor.u32 $0x53, v1;
	_ =	sdelay $0x1  }
0x15a: {  	v3 =	vmul.f32 v3, v4;
	_ =	sdelay $0x1  }
0x15b: {  	[tilespmem:v5+s16+$0x0] =	vst.idx.msk $0xffff, v3  }
0x15c: {  	v3 =	vld.idx.msk [tilespmem:v37+s16+$0x0], $0xffff;
	_ =	sdelay $0x2  }
0x15d: {  	v5 =	vor.u32 $0x54, v1;
	_ =	sdelay $0x1  }
0x15e: {  	v3 =	vmul.f32 v3, v4;
	_ =	sdelay $0x1  }
0x15f: {  	[tilespmem:v37+s16+$0x0] =	vst.idx.msk $0xffff, v3  }
0x160: {  	v3 =	vld.idx.msk [tilespmem:v5+s16+$0x0], $0xffff;
	_ =	sdelay $0x2  }
0x161: {  	v37 =	vor.u32 $0x55, v1;
	_ =	sdelay $0x1  }
0x162: {  	v3 =	vmul.f32 v3, v4;
	_ =	sdelay $0x1  }
0x163: {  	[tilespmem:v5+s16+$0x0] =	vst.idx.msk $0xffff, v3  }
0x164: {  	v3 =	vld.idx.msk [tilespmem:v37+s16+$0x0], $0xffff;
	_ =	sdelay $0x2  }
0x165: {  	v5 =	vor.u32 $0x56, v1;
	_ =	sdelay $0x1  }
0x166: {  	v3 =	vmul.f32 v3, v4;
	_ =	sdelay $0x1  }
0x167: {  	[tilespmem:v37+s16+$0x0] =	vst.idx.msk $0xffff, v3  }
0x168: {  	v3 =	vld.idx.msk [tilespmem:v5+s16+$0x0], $0xffff;
	_ =	sdelay $0x2  }
0x169: {  	v37 =	vor.u32 $0x57, v1;
	_ =	sdelay $0x1  }
0x16a: {  	v3 =	vmul.f32 v3, v4;
	_ =	sdelay $0x1  }
0x16b: {  	[tilespmem:v5+s16+$0x0] =	vst.idx.msk $0xffff, v3  }
0x16c: {  	v3 =	vld.idx.msk [tilespmem:v37+s16+$0x0], $0xffff;
	_ =	sdelay $0x2  }
0x16d: {  	v5 =	vor.u32 $0x58, v1;
	_ =	sdelay $0x1  }
0x16e: {  	v3 =	vmul.f32 v3, v4;
	_ =	sdelay $0x1  }
0x16f: {  	[tilespmem:v37+s16+$0x0] =	vst.idx.msk $0xffff, v3  }
0x170: {  	v3 =	vld.idx.msk [tilespmem:v5+s16+$0x0], $0xffff;
	_ =	sdelay $0x2  }
0x171: {  	v37 =	vor.u32 $0x59, v1;
	_ =	sdelay $0x1  }
0x172: {  	v3 =	vmul.f32 v3, v4;
	_ =	sdelay $0x1  }
0x173: {  	[tilespmem:v5+s16+$0x0] =	vst.idx.msk $0xffff, v3  }
0x174: {  	v3 =	vld.idx.msk [tilespmem:v37+s16+$0x0], $0xffff;
	_ =	sdelay $0x2  }
0x175: {  	v5 =	vor.u32 $0x5A, v1;
	_ =	sdelay $0x1  }
0x176: {  	v3 =	vmul.f32 v3, v4;
	_ =	sdelay $0x1  }
0x177: {  	[tilespmem:v37+s16+$0x0] =	vst.idx.msk $0xffff, v3  }
0x178: {  	v3 =	vld.idx.msk [tilespmem:v5+s16+$0x0], $0xffff;
	_ =	sdelay $0x2  }
0x179: {  	v37 =	vor.u32 $0x5B, v1;
	_ =	sdelay $0x1  }
0x17a: {  	v3 =	vmul.f32 v3, v4;
	_ =	sdelay $0x1  }
0x17b: {  	[tilespmem:v5+s16+$0x0] =	vst.idx.msk $0xffff, v3  }
0x17c: {  	v3 =	vld.idx.msk [tilespmem:v37+s16+$0x0], $0xffff;
	_ =	sdelay $0x2  }
0x17d: {  	v5 =	vor.u32 $0x5C, v1;
	_ =	sdelay $0x1  }
0x17e: {  	v3 =	vmul.f32 v3, v4;
	_ =	sdelay $0x1  }
0x17f: {  	[tilespmem:v37+s16+$0x0] =	vst.idx.msk $0xffff, v3  }
0x180: {  	v3 =	vld.idx.msk [tilespmem:v5+s16+$0x0], $0xffff;
	_ =	sdelay $0x2  }
0x181: {  	v37 =	vor.u32 $0x5D, v1;
	_ =	sdelay $0x1  }
0x182: {  	v3 =	vmul.f32 v3, v4;
	_ =	sdelay $0x1  }
0x183: {  	[tilespmem:v5+s16+$0x0] =	vst.idx.msk $0xffff, v3  }
0x184: {  	v3 =	vld.idx.msk [tilespmem:v37+s16+$0x0], $0xffff;
	_ =	sdelay $0x2  }
0x185: {  	v5 =	vor.u32 $0x5E, v1;
	_ =	sdelay $0x1  }
0x186: {  	v3 =	vmul.f32 v3, v4;
	_ =	sdelay $0x1  }
0x187: {  	[tilespmem:v37+s16+$0x0] =	vst.idx.msk $0xffff, v3  }
0x188: {  	v3 =	vld.idx.msk [tilespmem:v5+s16+$0x0], $0xffff;
	_ =	sdelay $0x2  }
0x189: {  	v37 =	vor.u32 $0x5F, v1;
	_ =	sdelay $0x1  }
0x18a: {  	v3 =	vmul.f32 v3, v4;
	_ =	sdelay $0x1  }
0x18b: {  	[tilespmem:v5+s16+$0x0] =	vst.idx.msk $0xffff, v3  }
0x18c: {  	v3 =	vld.idx.msk [tilespmem:v37+s16+$0x0], $0xffff;
	_ =	sdelay $0x2  }
0x18d: {  	v5 =	vor.u32 $0x3, v2;
	_ =	sdelay $0x1  }
0x18e: {  	v3 =	vmul.f32 v3, v4;
	_ =	sdelay $0x1  }
0x18f: {  	[tilespmem:v37+s16+$0x0] =	vst.idx.msk $0xffff, v3  }
0x190: {  	v3 =	vld.idx.msk [tilespmem:v5+s18+$0x0], $0xffff;
	_ =	sdelay $0x1  }
0x191: {  	v4 =	vld [tilespmem:$0x1FFD0];
	_ =	sdelay $0x2  }
0x192: {  	(erf) = vrcp.f32 v3;
	_ =	sdelay $0x1  }
0x193: {  	v3 =	vor.u32 $0x60, v1;
	_ =	sdelay $0x2  }
0x194: {  	v4 =	vld.idx.msk [tilespmem:v4+s19+$0x0], $0xffff;
	_ =	sdelay $0x1  }
0x195: {  	v5 =	vld.idx.msk [tilespmem:v3+s16+$0x0], $0xffff;
	_ =	sdelay $0x1  }
0x196: {  	v37 =	vpop (erf)  }
0x197: {  	v4 =	vmul.f32 v37, v4;
	v37 =	vor.u32 $0x61, v1;
	_ =	sdelay $0x1  }
0x198: {  	v5 =	vmul.f32 v4, v5;
	_ =	sdelay $0x1  }
0x199: {  	[tilespmem:v3+s16+$0x0] =	vst.idx.msk $0xffff, v5  }
0x19a: {  	v3 =	vld.idx.msk [tilespmem:v37+s16+$0x0], $0xffff;
	_ =	sdelay $0x2  }
0x19b: {  	v5 =	vor.u32 $0x62, v1;
	_ =	sdelay $0x1  }
0x19c: {  	v3 =	vmul.f32 v3, v4;
	_ =	sdelay $0x1  }
0x19d: {  	[tilespmem:v37+s16+$0x0] =	vst.idx.msk $0xffff, v3  }
0x19e: {  	v3 =	vld.idx.msk [tilespmem:v5+s16+$0x0], $0xffff;
	_ =	sdelay $0x2  }
0x19f: {  	v37 =	vor.u32 $0x63, v1;
	_ =	sdelay $0x1  }
0x1a0: {  	v3 =	vmul.f32 v3, v4;
	_ =	sdelay $0x1  }
0x1a1: {  	[tilespmem:v5+s16+$0x0] =	vst.idx.msk $0xffff, v3  }
0x1a2: {  	v3 =	vld.idx.msk [tilespmem:v37+s16+$0x0], $0xffff;
	_ =	sdelay $0x2  }
0x1a3: {  	v5 =	vor.u32 $0x64, v1;
	_ =	sdelay $0x1  }
0x1a4: {  	v3 =	vmul.f32 v3, v4;
	_ =	sdelay $0x1  }
0x1a5: {  	[tilespmem:v37+s16+$0x0] =	vst.idx.msk $0xffff, v3  }
0x1a6: {  	v3 =	vld.idx.msk [tilespmem:v5+s16+$0x0], $0xffff;
	_ =	sdelay $0x2  }
0x1a7: {  	v37 =	vor.u32 $0x65, v1;
	_ =	sdelay $0x1  }
0x1a8: {  	v3 =	vmul.f32 v3, v4;
	_ =	sdelay $0x1  }
0x1a9: {  	[tilespmem:v5+s16+$0x0] =	vst.idx.msk $0xffff, v3  }
0x1aa: {  	v3 =	vld.idx.msk [tilespmem:v37+s16+$0x0], $0xffff;
	_ =	sdelay $0x2  }
0x1ab: {  	v5 =	vor.u32 $0x66, v1;
	_ =	sdelay $0x1  }
0x1ac: {  	v3 =	vmul.f32 v3, v4;
	_ =	sdelay $0x1  }
0x1ad: {  	[tilespmem:v37+s16+$0x0] =	vst.idx.msk $0xffff, v3  }
0x1ae: {  	v3 =	vld.idx.msk [tilespmem:v5+s16+$0x0], $0xffff;
	_ =	sdelay $0x2  }
0x1af: {  	v37 =	vor.u32 $0x67, v1;
	_ =	sdelay $0x1  }
0x1b0: {  	v3 =	vmul.f32 v3, v4;
	_ =	sdelay $0x1  }
0x1b1: {  	[tilespmem:v5+s16+$0x0] =	vst.idx.msk $0xffff, v3  }
0x1b2: {  	v3 =	vld.idx.msk [tilespmem:v37+s16+$0x0], $0xffff;
	_ =	sdelay $0x2  }
0x1b3: {  	v5 =	vor.u32 $0x68, v1;
	_ =	sdelay $0x1  }
0x1b4: {  	v3 =	vmul.f32 v3, v4;
	_ =	sdelay $0x1  }
0x1b5: {  	[tilespmem:v37+s16+$0x0] =	vst.idx.msk $0xffff, v3  }
0x1b6: {  	v3 =	vld.idx.msk [tilespmem:v5+s16+$0x0], $0xffff;
	_ =	sdelay $0x2  }
0x1b7: {  	v37 =	vor.u32 $0x69, v1;
	_ =	sdelay $0x1  }
0x1b8: {  	v3 =	vmul.f32 v3, v4;
	_ =	sdelay $0x1  }
0x1b9: {  	[tilespmem:v5+s16+$0x0] =	vst.idx.msk $0xffff, v3  }
0x1ba: {  	v3 =	vld.idx.msk [tilespmem:v37+s16+$0x0], $0xffff;
	_ =	sdelay $0x2  }
0x1bb: {  	v5 =	vor.u32 $0x6A, v1;
	_ =	sdelay $0x1  }
0x1bc: {  	v3 =	vmul.f32 v3, v4;
	_ =	sdelay $0x1  }
0x1bd: {  	[tilespmem:v37+s16+$0x0] =	vst.idx.msk $0xffff, v3  }
0x1be: {  	v3 =	vld.idx.msk [tilespmem:v5+s16+$0x0], $0xffff;
	_ =	sdelay $0x2  }
0x1bf: {  	v37 =	vor.u32 $0x6B, v1;
	_ =	sdelay $0x1  }
0x1c0: {  	v3 =	vmul.f32 v3, v4;
	_ =	sdelay $0x1  }
0x1c1: {  	[tilespmem:v5+s16+$0x0] =	vst.idx.msk $0xffff, v3  }
0x1c2: {  	v3 =	vld.idx.msk [tilespmem:v37+s16+$0x0], $0xffff;
	_ =	sdelay $0x2  }
0x1c3: {  	v5 =	vor.u32 $0x6C, v1;
	_ =	sdelay $0x1  }
0x1c4: {  	v3 =	vmul.f32 v3, v4;
	_ =	sdelay $0x1  }
0x1c5: {  	[tilespmem:v37+s16+$0x0] =	vst.idx.msk $0xffff, v3  }
0x1c6: {  	v3 =	vld.idx.msk [tilespmem:v5+s16+$0x0], $0xffff;
	_ =	sdelay $0x2  }
0x1c7: {  	v37 =	vor.u32 $0x6D, v1;
	_ =	sdelay $0x1  }
0x1c8: {  	v3 =	vmul.f32 v3, v4;
	_ =	sdelay $0x1  }
0x1c9: {  	[tilespmem:v5+s16+$0x0] =	vst.idx.msk $0xffff, v3  }
0x1ca: {  	v3 =	vld.idx.msk [tilespmem:v37+s16+$0x0], $0xffff;
	_ =	sdelay $0x2  }
0x1cb: {  	v5 =	vor.u32 $0x6E, v1;
	_ =	sdelay $0x1  }
0x1cc: {  	v3 =	vmul.f32 v3, v4;
	_ =	sdelay $0x1  }
0x1cd: {  	[tilespmem:v37+s16+$0x0] =	vst.idx.msk $0xffff, v3  }
0x1ce: {  	v3 =	vld.idx.msk [tilespmem:v5+s16+$0x0], $0xffff;
	_ =	sdelay $0x2  }
0x1cf: {  	v37 =	vor.u32 $0x6F, v1;
	_ =	sdelay $0x1  }
0x1d0: {  	v3 =	vmul.f32 v3, v4;
	_ =	sdelay $0x1  }
0x1d1: {  	[tilespmem:v5+s16+$0x0] =	vst.idx.msk $0xffff, v3  }
0x1d2: {  	v3 =	vld.idx.msk [tilespmem:v37+s16+$0x0], $0xffff;
	_ =	sdelay $0x2  }
0x1d3: {  	v5 =	vor.u32 $0x70, v1;
	_ =	sdelay $0x1  }
0x1d4: {  	v3 =	vmul.f32 v3, v4;
	_ =	sdelay $0x1  }
0x1d5: {  	[tilespmem:v37+s16+$0x0] =	vst.idx.msk $0xffff, v3  }
0x1d6: {  	v3 =	vld.idx.msk [tilespmem:v5+s16+$0x0], $0xffff;
	_ =	sdelay $0x2  }
0x1d7: {  	v37 =	vor.u32 $0x71, v1;
	_ =	sdelay $0x1  }
0x1d8: {  	v3 =	vmul.f32 v3, v4;
	_ =	sdelay $0x1  }
0x1d9: {  	[tilespmem:v5+s16+$0x0] =	vst.idx.msk $0xffff, v3  }
0x1da: {  	v3 =	vld.idx.msk [tilespmem:v37+s16+$0x0], $0xffff;
	_ =	sdelay $0x2  }
0x1db: {  	v5 =	vor.u32 $0x72, v1;
	_ =	sdelay $0x1  }
0x1dc: {  	v3 =	vmul.f32 v3, v4;
	_ =	sdelay $0x1  }
0x1dd: {  	[tilespmem:v37+s16+$0x0] =	vst.idx.msk $0xffff, v3  }
0x1de: {  	v3 =	vld.idx.msk [tilespmem:v5+s16+$0x0], $0xffff;
	_ =	sdelay $0x2  }
0x1df: {  	v37 =	vor.u32 $0x73, v1;
	_ =	sdelay $0x1  }
0x1e0: {  	v3 =	vmul.f32 v3, v4;
	_ =	sdelay $0x1  }
0x1e1: {  	[tilespmem:v5+s16+$0x0] =	vst.idx.msk $0xffff, v3  }
0x1e2: {  	v3 =	vld.idx.msk [tilespmem:v37+s16+$0x0], $0xffff;
	_ =	sdelay $0x2  }
0x1e3: {  	v5 =	vor.u32 $0x74, v1;
	_ =	sdelay $0x1  }
0x1e4: {  	v3 =	vmul.f32 v3, v4;
	_ =	sdelay $0x1  }
0x1e5: {  	[tilespmem:v37+s16+$0x0] =	vst.idx.msk $0xffff, v3  }
0x1e6: {  	v3 =	vld.idx.msk [tilespmem:v5+s16+$0x0], $0xffff;
	_ =	sdelay $0x2  }
0x1e7: {  	v37 =	vor.u32 $0x75, v1;
	_ =	sdelay $0x1  }
0x1e8: {  	v3 =	vmul.f32 v3, v4;
	_ =	sdelay $0x1  }
0x1e9: {  	[tilespmem:v5+s16+$0x0] =	vst.idx.msk $0xffff, v3  }
0x1ea: {  	v3 =	vld.idx.msk [tilespmem:v37+s16+$0x0], $0xffff;
	_ =	sdelay $0x2  }
0x1eb: {  	v5 =	vor.u32 $0x76, v1;
	_ =	sdelay $0x1  }
0x1ec: {  	v3 =	vmul.f32 v3, v4;
	_ =	sdelay $0x1  }
0x1ed: {  	[tilespmem:v37+s16+$0x0] =	vst.idx.msk $0xffff, v3  }
0x1ee: {  	v3 =	vld.idx.msk [tilespmem:v5+s16+$0x0], $0xffff;
	_ =	sdelay $0x2  }
0x1ef: {  	v37 =	vor.u32 $0x77, v1;
	_ =	sdelay $0x1  }
0x1f0: {  	v3 =	vmul.f32 v3, v4;
	_ =	sdelay $0x1  }
0x1f1: {  	[tilespmem:v5+s16+$0x0] =	vst.idx.msk $0xffff, v3  }
0x1f2: {  	v3 =	vld.idx.msk [tilespmem:v37+s16+$0x0], $0xffff;
	_ =	sdelay $0x2  }
0x1f3: {  	v5 =	vor.u32 $0x78, v1;
	_ =	sdelay $0x1  }
0x1f4: {  	v3 =	vmul.f32 v3, v4;
	_ =	sdelay $0x1  }
0x1f5: {  	[tilespmem:v37+s16+$0x0] =	vst.idx.msk $0xffff, v3  }
0x1f6: {  	v3 =	vld.idx.msk [tilespmem:v5+s16+$0x0], $0xffff;
	_ =	sdelay $0x2  }
0x1f7: {  	v37 =	vor.u32 $0x79, v1;
	_ =	sdelay $0x1  }
0x1f8: {  	v3 =	vmul.f32 v3, v4;
	_ =	sdelay $0x1  }
0x1f9: {  	[tilespmem:v5+s16+$0x0] =	vst.idx.msk $0xffff, v3  }
0x1fa: {  	v3 =	vld.idx.msk [tilespmem:v37+s16+$0x0], $0xffff;
	_ =	sdelay $0x2  }
0x1fb: {  	v5 =	vor.u32 $0x7A, v1;
	_ =	sdelay $0x1  }
0x1fc: {  	v3 =	vmul.f32 v3, v4;
	_ =	sdelay $0x1  }
0x1fd: {  	[tilespmem:v37+s16+$0x0] =	vst.idx.msk $0xffff, v3  }
0x1fe: {  	v3 =	vld.idx.msk [tilespmem:v5+s16+$0x0], $0xffff;
	_ =	sdelay $0x2  }
0x1ff: {  	v37 =	vor.u32 $0x7B, v1;
	_ =	sdelay $0x1  }
0x200: {  	v3 =	vmul.f32 v3, v4;
	_ =	sdelay $0x1  }
0x201: {  	[tilespmem:v5+s16+$0x0] =	vst.idx.msk $0xffff, v3  }
0x202: {  	v3 =	vld.idx.msk [tilespmem:v37+s16+$0x0], $0xffff;
	_ =	sdelay $0x2  }
0x203: {  	v5 =	vor.u32 $0x7C, v1;
	_ =	sdelay $0x1  }
0x204: {  	v3 =	vmul.f32 v3, v4;
	_ =	sdelay $0x1  }
0x205: {  	[tilespmem:v37+s16+$0x0] =	vst.idx.msk $0xffff, v3  }
0x206: {  	v3 =	vld.idx.msk [tilespmem:v5+s16+$0x0], $0xffff;
	_ =	sdelay $0x2  }
0x207: {  	v37 =	vor.u32 $0x7D, v1;
	_ =	sdelay $0x1  }
0x208: {  	v3 =	vmul.f32 v3, v4;
	_ =	sdelay $0x1  }
0x209: {  	[tilespmem:v5+s16+$0x0] =	vst.idx.msk $0xffff, v3  }
0x20a: {  	v3 =	vld.idx.msk [tilespmem:v37+s16+$0x0], $0xffff;
	_ =	sdelay $0x2  }
0x20b: {  	v5 =	vor.u32 $0x7E, v1;
	_ =	sdelay $0x1  }
0x20c: {  	v3 =	vmul.f32 v3, v4;
	_ =	sdelay $0x1  }
0x20d: {  	[tilespmem:v37+s16+$0x0] =	vst.idx.msk $0xffff, v3  }
0x20e: {  	v3 =	vld.idx.msk [tilespmem:v5+s16+$0x0], $0xffff;
	_ =	sdelay $0x2  }
0x20f: {  	v37 =	vor.u32 $0x7F, v1;
	_ =	sdelay $0x1  }
0x210: {  	v3 =	vmul.f32 v3, v4;
	_ =	sdelay $0x1  }
0x211: {  	[tilespmem:v5+s16+$0x0] =	vst.idx.msk $0xffff, v3  }
0x212: {  	v3 =	vld.idx.msk [tilespmem:v37+s16+$0x0], $0xffff;
	_ =	sdelay $0x4  }
0x213: {  	v3 =	vmul.f32 v3, v4;
	v4 =	vmov v2;
	v2 =	vld [tilespmem:$0x1FFB0];
	_ =	sdelay $0x4  }
0x214: {  	[tilespmem:v37+s16+$0x0] =	vst.idx.msk $0xffff, v3;
	v37 =	vmovc v7;
	v7 =	vmovc v8;
	v8 =	vmov v9;
	v9 =	vmov v10;
	v10 =	vmov v11  }
0x215: {  	p0 =	sne.s32 s23, $0x9C40;
	v11 =	vmovc v12;
	v12 =	vmovc v13;
	v13 =	vmov v14;
	v14 =	vmov v15;
	v15 =	vmov v16  }
.Ltmp0:
0x216: {  	v16 =	vmovc v17;
	v17 =	vmovc v18;
	v18 =	vmov v19;
	v19 =	vmov v20;
	v20 =	vmov v21;
	(pc) =	sbr.rel @p0 .LBB2_2-.Ltmp0, $4  }
0x217: {  	v21 =	vmovc v22;
	v22 =	vmovc v23;
	v23 =	vmov v24;
	v24 =	vmov v25;
	v25 =	vmov v26;
	[spmem:s2] =	stream.indirect_vreg.scatter.add.f32 [tilespmem:s16], [sflag:$0x3], $0x80, v2, vm0, $0xb8;
	[tilespmem:$0x19340] =	vst v63  }
0x218: {  	v26 =	vmovc v27;
	v27 =	vmovc v28;
	v28 =	vmov v30;
	v30 =	vmov v0;
	v0 =	vmov v29;
	v29 =	vld [tilespmem:$0x1FFF0];
	_ =	swait.ge [sflag:s12], $0x800  }
0x219: {  	[sflag:s12] =	ssyncset.done $0x0  }
0x21a: {  	s23 =	sadd.s32 $0x40, s23;
	s22 =	sadd.s32 $0x10, s22;
	[sflag:s12] =	ssyncadd.s32 $0xFFFFF800  }
0x21b: {  	s21 =	sadd.s32 $0x1, s21  }
0x21c: {  	p0 =	sne.s32 s21, s9  }
.Ltmp1:
0x21d: {  	[bflag:$0x0] =	sbarrier.arrive $0xFFFF;
	(pc) =	sbr.rel @p0 .LBB2_1-.Ltmp1, $4  }
0x21e: {  	[hbm:s10], [sflag:s14] =	dma.local [spmem:s15], $0x2780  }
0x21f: {  	_ =	swait.ge [sflag:s12], $0x2780  }
0x220: {  	[sflag:s12] =	ssyncset.done $0x0  }
0x221: {  	[sflag:s12] =	ssyncadd.s32 $0xFFFFD880  }
0x222: {  	_ =	sfence.sel $0x180000  }
0x223: {  	[bflag:$0x0] =	sbarrier.arrive $0xFFFF  }
0x224: {  	p0 =	sne.s32 s0, $0x0;
	_ =	strace $0x9000004A  }
0x225: {  	s0 =	sadd.s32 @!p0 $0x100000, s1;
	[bflag:$0x2] =	sbarrier.arrive $0xFFFF  }
0x226: {  	[sflag:s0] =	ssyncadd.tile.s32 @!p0 $0x1;
	_ =	shalt  }
.Lfunc_end2:
_tile_overlayer_lowered:
.L_overlay_start_2:
0x227: {  	(tag) =	ssettag $0x2  }
0x228: {  	s0 =	rddreg [dreg:$0x0];
	s2 =	stileid.u32  }
0x229: {  	s1 =	rddreg [dreg:$0x1];
	p0 =	sne.s32 s2, $0x0  }
0x22a: {  	s3 =	rddreg [dreg:$0x2];
	[bflag:$0x3] =	sbarrier.arrive $0xFFFF;
	s2 =	simm.s32 @!p0 $0x1C03  }
0x22b: {  	[timem:s3], [sflag:s2] =	dma.local @!p0 [hbm:s0], s1  }
0x22c: {  	s0 =	simm.s32 @!p0 $0x3  }
0x22d: {  	_ =	swait.ge @!p0 [sflag:s0], s1  }
0x22e: {  	s1 =	ssub.s32 @!p0 $0x0, s1;
	[sflag:s0] =	ssyncset.done @!p0 $0x0  }
0x22f: {  	[sflag:s0] =	ssyncadd.s32 @!p0 s1  }
0x230: {  	[bflag:$0x3] =	sbarrier.arrive $0xFFFF  }
0x231: {  	_ =	shalt  }

</sc_bundles>
